<compile_context>
chip_gen: v7x
topology: tpu7x:2x2x1
jax: 0.10.2.dev20260603
libtpu: 0.0.44.dev20260713+nightly
codegen_flags: <defaults>
</compile_context>

<pallas_src>
import functools

import jax
import jax.numpy as jnp
from jax import lax
from jax.experimental import pallas as pl
from jax.experimental.pallas import tpu as pltpu
from jax.experimental.pallas import tpu_sc as plsc

NV = 5023
NVP = 5024
NF = 9976
NF3 = NF * 3
UV = 256
NPIX = UV * UV
IMG = 224
NPIMG = IMG * IMG
NPIMGP = NPIMG + 32

NC = 2
NS = 16
NW = NC * NS
PIX_PER_W = NPIX // NW
CHUNK = 128
NCHUNK = PIX_PER_W // CHUNK
GROUPS = CHUNK // 16
VERT_ITERS = NVP // 16
ROWS_PER_SUB = NPIMG // NS
ROW_ITERS = ROWS_PER_SUB // 16

_mesh = plsc.VectorSubcoreMesh(core_axis_name="c", subcore_axis_name="s")


@functools.partial(
    pl.kernel,
    mesh=_mesh,
    compiler_params=pltpu.CompilerParams(
        needs_layout_passes=False, use_tc_tiling_on_sc=False),
    out_type=jax.ShapeDtypeStruct((NPIX // CHUNK, 3, CHUNK), jnp.float32),
    scratch_types=[
        pltpu.VMEM((3, 16), jnp.float32),
        pltpu.VMEM((NVP,), jnp.float32),
        pltpu.VMEM((NVP,), jnp.float32),
        pltpu.VMEM((NF3,), jnp.int32),
        pltpu.VMEM((3, ROWS_PER_SUB + 16), jnp.float32),
        pltpu.VMEM((ROWS_PER_SUB, 8), jnp.float32),
        pltpu.VMEM((PIX_PER_W,), jnp.int32),
        pltpu.VMEM((3 * PIX_PER_W,), jnp.float32),
        pltpu.VMEM((PIX_PER_W,), jnp.float32),
        pltpu.VMEM((CHUNK,), jnp.int32),
        pltpu.VMEM((CHUNK,), jnp.int32),
        pltpu.VMEM((CHUNK,), jnp.float32),
        pltpu.VMEM((CHUNK,), jnp.float32),
        pltpu.VMEM((CHUNK,), jnp.float32),
        pltpu.VMEM((CHUNK,), jnp.float32),
        pltpu.VMEM((CHUNK,), jnp.float32),
        pltpu.VMEM((CHUNK, 8), jnp.float32),
        pltpu.VMEM((CHUNK, 8), jnp.float32),
        pltpu.VMEM((3, CHUNK), jnp.float32),
        pltpu.VMEM_SHARED((NPIMG, 8), jnp.float32),
        pltpu.SemaphoreType.DMA,
    ],
)
def _sc_headpost(cam_hbm, vxy_hbm, faces_hbm, img_hbm, p2f_hbm, bary_hbm,
                 msk_hbm, out_hbm,
                 cam_v, vx_v, vy_v, faces_v, plane_v, pair_v,
                 p2f_t, bary_t, msk_t,
                 iA_v, iB_v, w00_v, w01_v, w10_v, w11_v, sel_v,
                 cA_v, cB_v, o_v, sp_img, sem):
    cid = lax.axis_index("c")
    sid = lax.axis_index("s")
    wid = sid * NC + cid
    wbase = wid * PIX_PER_W
    lanes = jnp.arange(16, dtype=jnp.int32)

    pltpu.sync_copy(cam_hbm, cam_v)
    pltpu.sync_copy(vxy_hbm.at[0], vx_v)
    pltpu.sync_copy(vxy_hbm.at[1], vy_v)
    pltpu.sync_copy(faces_hbm, faces_v)
    pltpu.sync_copy(p2f_hbm.at[pl.ds(wbase, PIX_PER_W)], p2f_t)
    pltpu.sync_copy(bary_hbm.at[pl.ds(wbase * 3, 3 * PIX_PER_W)], bary_t)
    pltpu.sync_copy(msk_hbm.at[pl.ds(wbase, PIX_PER_W)], msk_t)

    row0 = sid * ROWS_PER_SUB
    for c in range(3):
        pltpu.sync_copy(img_hbm.at[c, pl.ds(row0, ROWS_PER_SUB + 16)],
                        plane_v.at[c])

    def pair_body(j, _):
        off = j * 16
        loc = lanes + off
        pix = loc + row0
        xrem = lax.rem(pix, IMG)
        inc = jnp.where(xrem == IMG - 1, 0, 1)
        rows = loc
        for c in range(3):
            cc = jnp.full((16,), c, jnp.int32)
            v0 = plane_v[c, pl.ds(off, 16)]
            v1 = plsc.load_gather(plane_v, [cc, loc + inc])
            plsc.store_scatter(pair_v, [rows, cc], v0)
            plsc.store_scatter(pair_v, [rows, cc + 3], v1)
        return 0

    lax.fori_loop(0, ROW_ITERS, pair_body, 0)
    pltpu.sync_copy(pair_v, sp_img.at[pl.ds(row0, ROWS_PER_SUB)])

    cam0 = cam_v[0, :]
    cam1 = cam_v[1, :]
    cam2 = cam_v[2, :]

    def vert_body(j, _):
        s = pl.ds(j * 16, 16)
        vx_v[s] = cam0 * (vx_v[s] + cam1)
        vy_v[s] = -cam0 * (vy_v[s] + cam2)
        return 0

    lax.fori_loop(0, VERT_ITERS, vert_body, 0)

    plsc.subcore_barrier()

    lanes3 = lanes * 3

    def chunk_body(i, _):
        coff = i * CHUNK

        for g in range(GROUPS):
            s = pl.ds(g * 16, 16)
            sa = pl.ds(coff + g * 16, 16)
            f = p2f_t[sa]
            mf = jnp.where(f >= 0, 1.0, 0.0)
            fc = jnp.maximum(f, 0)
            i0 = plsc.load_gather(faces_v, [fc * 3])
            i1 = plsc.load_gather(faces_v, [fc * 3 + 1])
            i2 = plsc.load_gather(faces_v, [fc * 3 + 2])
            x0 = plsc.load_gather(vx_v, [i0])
            x1 = plsc.load_gather(vx_v, [i1])
            x2 = plsc.load_gather(vx_v, [i2])
            y0 = plsc.load_gather(vy_v, [i0])
            y1 = plsc.load_gather(vy_v, [i1])
            y2 = plsc.load_gather(vy_v, [i2])
            bbase = (coff + g * 16) * 3
            b0 = plsc.load_gather(bary_t, [lanes3 + bbase])
            b1 = plsc.load_gather(bary_t, [lanes3 + (bbase + 1)])
            b2 = plsc.load_gather(bary_t, [lanes3 + (bbase + 2)])
            gx = (b0 * x0 + b1 * x1 + b2 * x2) * mf
            gy = (b0 * y0 + b1 * y1 + b2 * y2) * mf
            ix = jnp.clip(((gx + 1.0) * IMG - 1.0) * 0.5, -8.0, 232.0)
            iy = jnp.clip(((gy + 1.0) * IMG - 1.0) * 0.5, -8.0, 232.0)
            txi = ix.astype(jnp.int32)
            txf = txi.astype(jnp.float32)
            bx = jnp.where(txf > ix, txi - 1, txi)
            tyi = iy.astype(jnp.int32)
            tyf = tyi.astype(jnp.float32)
            by = jnp.where(tyf > iy, tyi - 1, tyi)
            wx1 = ix - bx.astype(jnp.float32)
            wx0 = 1.0 - wx1
            wy1 = iy - by.astype(jnp.float32)
            wy0 = 1.0 - wy1
            vx0 = (bx >= 0) & (bx <= IMG - 1)
            vx1 = (bx >= -1) & (bx <= IMG - 2)
            vy0 = (by >= 0) & (by <= IMG - 1)
            vy1 = (by >= -1) & (by <= IMG - 2)
            cx0 = jnp.clip(bx, 0, IMG - 1)
            cy0 = jnp.clip(by, 0, IMG - 1) * IMG
            cy1 = jnp.clip(by + 1, 0, IMG - 1) * IMG
            iA_v[s] = cy0 + cx0
            iB_v[s] = cy1 + cx0
            sel_v[s] = jnp.where(bx == -1, 1.0, 0.0)
            w00_v[s] = wy0 * wx0 * jnp.where(vy0 & vx0, 1.0, 0.0)
            w01_v[s] = wy0 * wx1 * jnp.where(vy0 & vx1, 1.0, 0.0)
            w10_v[s] = wy1 * wx0 * jnp.where(vy1 & vx0, 1.0, 0.0)
            w11_v[s] = wy1 * wx1 * jnp.where(vy1 & vx1, 1.0, 0.0)

        hA = pltpu.async_copy(sp_img.at[iA_v], cA_v, sem)
        hB = pltpu.async_copy(sp_img.at[iB_v], cB_v, sem)
        hA.wait()
        hB.wait()

        for g in range(GROUPS):
            s = pl.ds(g * 16, 16)
            sa = pl.ds(coff + g * 16, 16)
            rows = lanes + g * 16
            w00 = w00_v[s]
            w01 = w01_v[s]
            w10 = w10_v[s]
            w11 = w11_v[s]
            ledge = sel_v[s] > 0.5
            m = msk_t[sa]
            offc = 0.7 * (1.0 - m)
            for c in range(3):
                col = jnp.full((16,), c, jnp.int32)
                e0 = plsc.load_gather(cA_v, [rows, col])
                e1 = plsc.load_gather(cA_v, [rows, col + 3])
                f0 = plsc.load_gather(cB_v, [rows, col])
                f1 = plsc.load_gather(cB_v, [rows, col + 3])
                c01 = jnp.where(ledge, e0, e1)
                c11 = jnp.where(ledge, f0, f1)
                val = w00 * e0 + w01 * c01 + w10 * f0 + w11 * c11
                res = val * m + offc
                res = jnp.clip(res * 255.0, 0.0, 255.0)
                o_v[c, s] = res

        pltpu.sync_copy(o_v, out_hbm.at[wid * NCHUNK + i])
        return 0

    lax.fori_loop(0, NCHUNK, chunk_body, 0)


def kernel(image, cam, verts, faces_expand, pix_to_face, bary_coords,
           uv_face_eye_mask):
    cam_pad = jnp.broadcast_to(cam[0].reshape(3, 1), (3, 16)).astype(jnp.float32)
    vxy = jnp.zeros((2, NVP), jnp.float32).at[:, :NV].set(verts[0, :, :2].T)
    faces = faces_expand[0].reshape(-1).astype(jnp.int32)
    img = jnp.pad(image[0].reshape(3, NPIMG), ((0, 0), (0, NPIMGP - NPIMG)))
    p2f = pix_to_face.reshape(-1).astype(jnp.int32)
    bary = bary_coords[0, :, :, 0, :].reshape(-1)
    msk = uv_face_eye_mask.reshape(-1)
    out = _sc_headpost(cam_pad, vxy, faces, img, p2f, bary, msk)
    tex = out.transpose(1, 0, 2).reshape(3, UV, UV).transpose(1, 2, 0)
    return tex.astype(jnp.uint8)

# --- scband reference (transcript-rebuilt; emitter-appended) ---
"""Pipeline reference for scband-headpost-80711025426638 (READ-ONLY COPY).

The authoritative reference and input builder live on the scoring server;
editing this copy changes nothing except your own understanding.
"""

import jax, jax.numpy as jnp
import numpy as np

BZ = 1
NV = 5023
NF = 9976
UV = 256
IMG = 224


def setup_inputs(seed: int = 0):
    key = jax.random.key(seed)
    ks = jax.random.split(key, 7)
    image = jax.random.normal(ks[0], (BZ, 3, IMG, IMG), dtype=jnp.float32)
    cam = jax.random.normal(ks[1], (BZ, 3), dtype=jnp.float32)
    verts = jax.random.normal(ks[2], (BZ, NV, 3), dtype=jnp.float32)
    faces_expand = jax.random.randint(ks[3], (BZ, NF, 3), 0, NV)
    pix_to_face = jax.random.randint(ks[4], (BZ, UV, UV, 1), -1, BZ * NF)
    bary_coords = jax.random.uniform(ks[5], (BZ, UV, UV, 1, 3), dtype=jnp.float32)
    bary_coords = bary_coords / jnp.sum(bary_coords, axis=-1, keepdims=True)
    uv_face_eye_mask = (jax.random.uniform(ks[6], (BZ, 1, UV, UV)) > 0.3).astype(jnp.float32)
    return {"image": image, "cam": cam, "verts": verts,
            "faces_expand": faces_expand, "pix_to_face": pix_to_face,
            "bary_coords": bary_coords, "uv_face_eye_mask": uv_face_eye_mask}


def batch_orth_proj(X, camera):
    camera = camera.reshape(-1, 1, 3)
    X_trans = X[:, :, :2] + camera[:, :, 1:]
    X_trans = jnp.concatenate([X_trans, X[:, :, 2:]], axis=2)
    return camera[:, :, 0:1] * X_trans


def face_vertices(vertices, faces):
    bs, nv = vertices.shape[:2]
    faces = faces + (jnp.arange(bs, dtype=faces.dtype) * nv)[:, None, None]
    vertices = vertices.reshape(bs * nv, 3)
    return vertices[faces]


def world2uv(vertices, pix_to_face, bary_coords, faces_expand):
    attributes = face_vertices(vertices, faces_expand)  # [bz, nf, 3, 3]
    vismask = (pix_to_face > -1).astype(jnp.float32)
    D = attributes.shape[-1]
    attributes = attributes.reshape(attributes.shape[0] * attributes.shape[1], 3, D)
    N, H, W, K, _ = bary_coords.shape
    mask = pix_to_face == -1
    p2f = jnp.where(mask, 0, pix_to_face)
    idx = p2f.reshape(N * H * W * K)
    pixel_face_vals = attributes[idx].reshape(N, H, W, K, 3, D)
    pixel_vals = (bary_coords[..., None] * pixel_face_vals).sum(axis=-2)  # [N,H,W,K,D]
    pixel_vals = jnp.where(mask[..., None], 0.0, pixel_vals)
    pixel_vals = pixel_vals[:, :, :, 0].transpose(0, 3, 1, 2)  # [N,D,H,W]
    pixel_vals = jnp.concatenate([pixel_vals, vismask[:, :, :, 0][:, None, :, :]], axis=1)
    return pixel_vals[:, :3]


def grid_sample_bilinear(image, grid):
    # torch.nn.functional.grid_sample, mode='bilinear', padding_mode='zeros', align_corners=False
    N, C, Hin, Win = image.shape
    Hout, Wout = grid.shape[1], grid.shape[2]
    x = grid[..., 0]
    y = grid[..., 1]
    ix = ((x + 1.0) * Win - 1.0) / 2.0
    iy = ((y + 1.0) * Hin - 1.0) / 2.0
    ix0 = jnp.floor(ix)
    iy0 = jnp.floor(iy)
    ix1 = ix0 + 1.0
    iy1 = iy0 + 1.0
    wx1 = ix - ix0
    wx0 = 1.0 - wx1
    wy1 = iy - iy0
    wy0 = 1.0 - wy1
    img_flat = image.reshape(N, C, Hin * Win)

    def g(iy_, ix_):
        valid = (ix_ >= 0) & (ix_ <= Win - 1) & (iy_ >= 0) & (iy_ <= Hin - 1)
        ixc = jnp.clip(ix_, 0, Win - 1).astype(jnp.int32)
        iyc = jnp.clip(iy_, 0, Hin - 1).astype(jnp.int32)
        lin = (iyc * Win + ixc).reshape(N, 1, -1)
        vals = jnp.take_along_axis(img_flat, lin, axis=2)
        return vals * valid.astype(image.dtype).reshape(N, 1, -1)

    out = (g(iy0, ix0) * (wy0 * wx0).reshape(N, 1, -1)
           + g(iy0, ix1) * (wy0 * wx1).reshape(N, 1, -1)
           + g(iy1, ix0) * (wy1 * wx0).reshape(N, 1, -1)
           + g(iy1, ix1) * (wy1 * wx1).reshape(N, 1, -1))
    return out.reshape(N, C, Hout, Wout)


def reference(image, cam, verts, faces_expand, pix_to_face, bary_coords, uv_face_eye_mask):
    trans_verts = batch_orth_proj(verts, cam)
    trans_verts = jnp.concatenate([trans_verts[:, :, :1], -trans_verts[:, :, 1:]], axis=2)
    uv_pverts = world2uv(trans_verts, pix_to_face, bary_coords, faces_expand)
    grid = uv_pverts.transpose(0, 2, 3, 1)[:, :, :, :2]
    uv_gt = grid_sample_bilinear(image, grid)
    uv_texture_gt = uv_gt[:, :3, :, :] * uv_face_eye_mask + jnp.ones_like(uv_gt[:, :3, :, :]) * (1.0 - uv_face_eye_mask) * 0.7
    image_texture = uv_texture_gt[0]  # squeeze(0), batch == 1
    image_texture = jnp.clip(image_texture * 255.0, 0.0, 255.0)
    image_texture = image_texture.transpose(1, 2, 0)
    return image_texture.astype(jnp.uint8)


if False:  # reference __main__ guard neutralized (emitter)
    out = reference(**setup_inputs())
    print(out.shape, out.dtype)

if __name__ == "__main__":
    import jax
    _d = setup_inputs()
    print(jax.jit(kernel)(*tuple(_d.values())))

</pallas_src>

<mosaic_0001>
#map = affine_map<(d0, d1) -> (0, 0)>
#map1 = affine_map<(d0, d1) -> (0)>
#map2 = affine_map<(d0, d1) -> (0, 0, 0)>
module attributes {stable_mosaic.version = 14 : i64} {
  func.func @_sc_headpost(%arg0: i32, %arg1: i32, %arg2: memref<3x16xf32, #tpu.memory_space<hbm>>, %arg3: memref<2x5024xf32, #tpu.memory_space<hbm>>, %arg4: memref<29928xi32, #tpu.memory_space<hbm>>, %arg5: memref<3x50208xf32, #tpu.memory_space<hbm>>, %arg6: memref<65536xi32, #tpu.memory_space<hbm>>, %arg7: memref<196608xf32, #tpu.memory_space<hbm>>, %arg8: memref<65536xf32, #tpu.memory_space<hbm>>, %arg9: memref<512x3x128xf32, #tpu.memory_space<hbm>>, %arg10: memref<3x16xf32, #tpu.memory_space<vmem>>, %arg11: memref<5024xf32, #tpu.memory_space<vmem>>, %arg12: memref<5024xf32, #tpu.memory_space<vmem>>, %arg13: memref<29928xi32, #tpu.memory_space<vmem>>, %arg14: memref<3x3152xf32, #tpu.memory_space<vmem>>, %arg15: memref<3136x8xf32, #tpu.memory_space<vmem>>, %arg16: memref<2048xi32, #tpu.memory_space<vmem>>, %arg17: memref<6144xf32, #tpu.memory_space<vmem>>, %arg18: memref<2048xf32, #tpu.memory_space<vmem>>, %arg19: memref<128xi32, #tpu.memory_space<vmem>>, %arg20: memref<128xi32, #tpu.memory_space<vmem>>, %arg21: memref<128xf32, #tpu.memory_space<vmem>>, %arg22: memref<128xf32, #tpu.memory_space<vmem>>, %arg23: memref<128xf32, #tpu.memory_space<vmem>>, %arg24: memref<128xf32, #tpu.memory_space<vmem>>, %arg25: memref<128xf32, #tpu.memory_space<vmem>>, %arg26: memref<128x8xf32, #tpu.memory_space<vmem>>, %arg27: memref<128x8xf32, #tpu.memory_space<vmem>>, %arg28: memref<3x128xf32, #tpu.memory_space<vmem>>, %arg29: memref<50176x8xf32, #tpu.memory_space<vmem_shared>>, %arg30: memref<!tpu.dma_semaphore, #tpu.memory_space<semaphore_mem>>) attributes {dimension_semantics = [#tpu.dimension_semantics<core_parallel>, #tpu.dimension_semantics<subcore_parallel>], iteration_bounds = array<i64: 2, 16>, scalar_prefetch = 0 : i64, scratch_operands = 21 : i64, tpu.core_type = #tpu.core_type<sc_vector_subcore>, window_params = [{transform_indices = #map}, {transform_indices = #map}, {transform_indices = #map1}, {transform_indices = #map}, {transform_indices = #map1}, {transform_indices = #map1}, {transform_indices = #map1}, {transform_indices = #map2}]} {
    %mul3A = arith.constant 2 : i32
    %mul3A_0 = arith.muli %arg1, %mul3A : i32
    %add3A = arith.addi %mul3A_0, %arg0 : i32
    %mul3A_1 = arith.constant 2048 : i32
    %mul3A_2 = arith.muli %add3A, %mul3A_1 : i32
    %iota3A = tpu.iota {dimensions = array<i32: 0>} : vector<16xi32>
    "tpu.region"() ({
      %run_scoped3A_48 = tpu.sem_alloc : memref<!tpu.dma_semaphore, #tpu.memory_space<semaphore_mem>>
      tpu.enqueue_dma source(%arg2 : memref<3x16xf32, #tpu.memory_space<hbm>>) target(%arg10 : memref<3x16xf32, #tpu.memory_space<vmem>>) target_semaphore(%run_scoped3A_48 : memref<!tpu.dma_semaphore, #tpu.memory_space<semaphore_mem>>)
      tpu.wait_dma2 semaphore(%run_scoped3A_48 : memref<!tpu.dma_semaphore, #tpu.memory_space<semaphore_mem>>) src(%arg2 : memref<3x16xf32, #tpu.memory_space<hbm>>) dst(%arg10 : memref<3x16xf32, #tpu.memory_space<vmem>>)
      tpu.yield
    }) : () -> ()
    %run_scoped3A = arith.constant 0 : i32
    "tpu.region"() ({
      %run_scoped3A_48 = tpu.sem_alloc : memref<!tpu.dma_semaphore, #tpu.memory_space<semaphore_mem>>
      %dma_start3A = arith.constant 0 : i32
      %dma_start3A_49 = tpu.memref_slice %arg3[%run_scoped3A, %dma_start3A] : memref<2x5024xf32, #tpu.memory_space<hbm>> -> memref<1x5024xf32, #tpu.memory_space<hbm>>
      %dma_start3A_50 = tpu.memref_squeeze %dma_start3A_49 : memref<1x5024xf32, #tpu.memory_space<hbm>> -> memref<5024xf32, #tpu.memory_space<hbm>>
      %dma_start3A_51 = arith.constant 0 : i32
      %dma_start3A_52 = tpu.memref_slice %arg3[%run_scoped3A, %dma_start3A_51] : memref<2x5024xf32, #tpu.memory_space<hbm>> -> memref<1x5024xf32, #tpu.memory_space<hbm>>
      %dma_start3A_53 = tpu.memref_squeeze %dma_start3A_52 : memref<1x5024xf32, #tpu.memory_space<hbm>> -> memref<5024xf32, #tpu.memory_space<hbm>>
      tpu.enqueue_dma source(%dma_start3A_53 : memref<5024xf32, #tpu.memory_space<hbm>>) target(%arg11 : memref<5024xf32, #tpu.memory_space<vmem>>) target_semaphore(%run_scoped3A_48 : memref<!tpu.dma_semaphore, #tpu.memory_space<semaphore_mem>>)
      %dma_wait3A = arith.constant 0 : i32
      %dma_wait3A_54 = tpu.memref_slice %arg3[%run_scoped3A, %dma_wait3A] : memref<2x5024xf32, #tpu.memory_space<hbm>> -> memref<1x5024xf32, #tpu.memory_space<hbm>>
      %dma_wait3A_55 = tpu.memref_squeeze %dma_wait3A_54 : memref<1x5024xf32, #tpu.memory_space<hbm>> -> memref<5024xf32, #tpu.memory_space<hbm>>
      %dma_wait3A_56 = arith.constant 0 : i32
      %dma_wait3A_57 = tpu.memref_slice %arg3[%run_scoped3A, %dma_wait3A_56] : memref<2x5024xf32, #tpu.memory_space<hbm>> -> memref<1x5024xf32, #tpu.memory_space<hbm>>
      %dma_wait3A_58 = tpu.memref_squeeze %dma_wait3A_57 : memref<1x5024xf32, #tpu.memory_space<hbm>> -> memref<5024xf32, #tpu.memory_space<hbm>>
      tpu.wait_dma2 semaphore(%run_scoped3A_48 : memref<!tpu.dma_semaphore, #tpu.memory_space<semaphore_mem>>) src(%dma_wait3A_58 : memref<5024xf32, #tpu.memory_space<hbm>>) dst(%arg11 : memref<5024xf32, #tpu.memory_space<vmem>>)
      tpu.yield
    }) : () -> ()
    %run_scoped3A_3 = arith.constant 1 : i32
    "tpu.region"() ({
      %run_scoped3A_48 = tpu.sem_alloc : memref<!tpu.dma_semaphore, #tpu.memory_space<semaphore_mem>>
      %dma_start3A = arith.constant 0 : i32
      %dma_start3A_49 = tpu.memref_slice %arg3[%run_scoped3A_3, %dma_start3A] : memref<2x5024xf32, #tpu.memory_space<hbm>> -> memref<1x5024xf32, #tpu.memory_space<hbm>>
      %dma_start3A_50 = tpu.memref_squeeze %dma_start3A_49 : memref<1x5024xf32, #tpu.memory_space<hbm>> -> memref<5024xf32, #tpu.memory_space<hbm>>
      %dma_start3A_51 = arith.constant 0 : i32
      %dma_start3A_52 = tpu.memref_slice %arg3[%run_scoped3A_3, %dma_start3A_51] : memref<2x5024xf32, #tpu.memory_space<hbm>> -> memref<1x5024xf32, #tpu.memory_space<hbm>>
      %dma_start3A_53 = tpu.memref_squeeze %dma_start3A_52 : memref<1x5024xf32, #tpu.memory_space<hbm>> -> memref<5024xf32, #tpu.memory_space<hbm>>
      tpu.enqueue_dma source(%dma_start3A_53 : memref<5024xf32, #tpu.memory_space<hbm>>) target(%arg12 : memref<5024xf32, #tpu.memory_space<vmem>>) target_semaphore(%run_scoped3A_48 : memref<!tpu.dma_semaphore, #tpu.memory_space<semaphore_mem>>)
      %dma_wait3A = arith.constant 0 : i32
      %dma_wait3A_54 = tpu.memref_slice %arg3[%run_scoped3A_3, %dma_wait3A] : memref<2x5024xf32, #tpu.memory_space<hbm>> -> memref<1x5024xf32, #tpu.memory_space<hbm>>
      %dma_wait3A_55 = tpu.memref_squeeze %dma_wait3A_54 : memref<1x5024xf32, #tpu.memory_space<hbm>> -> memref<5024xf32, #tpu.memory_space<hbm>>
      %dma_wait3A_56 = arith.constant 0 : i32
      %dma_wait3A_57 = tpu.memref_slice %arg3[%run_scoped3A_3, %dma_wait3A_56] : memref<2x5024xf32, #tpu.memory_space<hbm>> -> memref<1x5024xf32, #tpu.memory_space<hbm>>
      %dma_wait3A_58 = tpu.memref_squeeze %dma_wait3A_57 : memref<1x5024xf32, #tpu.memory_space<hbm>> -> memref<5024xf32, #tpu.memory_space<hbm>>
      tpu.wait_dma2 semaphore(%run_scoped3A_48 : memref<!tpu.dma_semaphore, #tpu.memory_space<semaphore_mem>>) src(%dma_wait3A_58 : memref<5024xf32, #tpu.memory_space<hbm>>) dst(%arg12 : memref<5024xf32, #tpu.memory_space<vmem>>)
      tpu.yield
    }) : () -> ()
    "tpu.region"() ({
      %run_scoped3A_48 = tpu.sem_alloc : memref<!tpu.dma_semaphore, #tpu.memory_space<semaphore_mem>>
      tpu.enqueue_dma source(%arg4 : memref<29928xi32, #tpu.memory_space<hbm>>) target(%arg13 : memref<29928xi32, #tpu.memory_space<vmem>>) target_semaphore(%run_scoped3A_48 : memref<!tpu.dma_semaphore, #tpu.memory_space<semaphore_mem>>)
      tpu.wait_dma2 semaphore(%run_scoped3A_48 : memref<!tpu.dma_semaphore, #tpu.memory_space<semaphore_mem>>) src(%arg4 : memref<29928xi32, #tpu.memory_space<hbm>>) dst(%arg13 : memref<29928xi32, #tpu.memory_space<vmem>>)
      tpu.yield
    }) : () -> ()
    "tpu.region"() ({
      %run_scoped3A_48 = tpu.sem_alloc : memref<!tpu.dma_semaphore, #tpu.memory_space<semaphore_mem>>
      %dma_start3A = tpu.memref_slice %arg6[%mul3A_2] : memref<65536xi32, #tpu.memory_space<hbm>> -> memref<2048xi32, #tpu.memory_space<hbm>>
      %dma_start3A_49 = tpu.memref_slice %arg6[%mul3A_2] : memref<65536xi32, #tpu.memory_space<hbm>> -> memref<2048xi32, #tpu.memory_space<hbm>>
      tpu.enqueue_dma source(%dma_start3A_49 : memref<2048xi32, #tpu.memory_space<hbm>>) target(%arg16 : memref<2048xi32, #tpu.memory_space<vmem>>) target_semaphore(%run_scoped3A_48 : memref<!tpu.dma_semaphore, #tpu.memory_space<semaphore_mem>>)
      %dma_wait3A = tpu.memref_slice %arg6[%mul3A_2] : memref<65536xi32, #tpu.memory_space<hbm>> -> memref<2048xi32, #tpu.memory_space<hbm>>
      %dma_wait3A_50 = tpu.memref_slice %arg6[%mul3A_2] : memref<65536xi32, #tpu.memory_space<hbm>> -> memref<2048xi32, #tpu.memory_space<hbm>>
      tpu.wait_dma2 semaphore(%run_scoped3A_48 : memref<!tpu.dma_semaphore, #tpu.memory_space<semaphore_mem>>) src(%dma_wait3A_50 : memref<2048xi32, #tpu.memory_space<hbm>>) dst(%arg16 : memref<2048xi32, #tpu.memory_space<vmem>>)
      tpu.yield
    }) : () -> ()
    %mul3A_4 = arith.constant 3 : i32
    %mul3A_5 = arith.muli %mul3A_2, %mul3A_4 : i32
    "tpu.region"() ({
      %run_scoped3A_48 = tpu.sem_alloc : memref<!tpu.dma_semaphore, #tpu.memory_space<semaphore_mem>>
      %dma_start3A = tpu.memref_slice %arg7[%mul3A_5] : memref<196608xf32, #tpu.memory_space<hbm>> -> memref<6144xf32, #tpu.memory_space<hbm>>
      %dma_start3A_49 = tpu.memref_slice %arg7[%mul3A_5] : memref<196608xf32, #tpu.memory_space<hbm>> -> memref<6144xf32, #tpu.memory_space<hbm>>
      tpu.enqueue_dma source(%dma_start3A_49 : memref<6144xf32, #tpu.memory_space<hbm>>) target(%arg17 : memref<6144xf32, #tpu.memory_space<vmem>>) target_semaphore(%run_scoped3A_48 : memref<!tpu.dma_semaphore, #tpu.memory_space<semaphore_mem>>)
      %dma_wait3A = tpu.memref_slice %arg7[%mul3A_5] : memref<196608xf32, #tpu.memory_space<hbm>> -> memref<6144xf32, #tpu.memory_space<hbm>>
      %dma_wait3A_50 = tpu.memref_slice %arg7[%mul3A_5] : memref<196608xf32, #tpu.memory_space<hbm>> -> memref<6144xf32, #tpu.memory_space<hbm>>
      tpu.wait_dma2 semaphore(%run_scoped3A_48 : memref<!tpu.dma_semaphore, #tpu.memory_space<semaphore_mem>>) src(%dma_wait3A_50 : memref<6144xf32, #tpu.memory_space<hbm>>) dst(%arg17 : memref<6144xf32, #tpu.memory_space<vmem>>)
      tpu.yield
    }) : () -> ()
    "tpu.region"() ({
      %run_scoped3A_48 = tpu.sem_alloc : memref<!tpu.dma_semaphore, #tpu.memory_space<semaphore_mem>>
      %dma_start3A = tpu.memref_slice %arg8[%mul3A_2] : memref<65536xf32, #tpu.memory_space<hbm>> -> memref<2048xf32, #tpu.memory_space<hbm>>
      %dma_start3A_49 = tpu.memref_slice %arg8[%mul3A_2] : memref<65536xf32, #tpu.memory_space<hbm>> -> memref<2048xf32, #tpu.memory_space<hbm>>
      tpu.enqueue_dma source(%dma_start3A_49 : memref<2048xf32, #tpu.memory_space<hbm>>) target(%arg18 : memref<2048xf32, #tpu.memory_space<vmem>>) target_semaphore(%run_scoped3A_48 : memref<!tpu.dma_semaphore, #tpu.memory_space<semaphore_mem>>)
      %dma_wait3A = tpu.memref_slice %arg8[%mul3A_2] : memref<65536xf32, #tpu.memory_space<hbm>> -> memref<2048xf32, #tpu.memory_space<hbm>>
      %dma_wait3A_50 = tpu.memref_slice %arg8[%mul3A_2] : memref<65536xf32, #tpu.memory_space<hbm>> -> memref<2048xf32, #tpu.memory_space<hbm>>
      tpu.wait_dma2 semaphore(%run_scoped3A_48 : memref<!tpu.dma_semaphore, #tpu.memory_space<semaphore_mem>>) src(%dma_wait3A_50 : memref<2048xf32, #tpu.memory_space<hbm>>) dst(%arg18 : memref<2048xf32, #tpu.memory_space<vmem>>)
      tpu.yield
    }) : () -> ()
    %mul3A_6 = arith.constant 3136 : i32
    %mul3A_7 = arith.muli %arg1, %mul3A_6 : i32
    %run_scoped3A_8 = arith.constant 0 : i32
    %run_scoped3A_9 = arith.constant 0 : i32
    "tpu.region"() ({
      %run_scoped3A_48 = tpu.sem_alloc : memref<!tpu.dma_semaphore, #tpu.memory_space<semaphore_mem>>
      %dma_start3A = arith.constant 0 : i32
      %dma_start3A_49 = tpu.memref_slice %arg14[%run_scoped3A_9, %dma_start3A] : memref<3x3152xf32, #tpu.memory_space<vmem>> -> memref<1x3152xf32, #tpu.memory_space<vmem>>
      %dma_start3A_50 = tpu.memref_squeeze %dma_start3A_49 : memref<1x3152xf32, #tpu.memory_space<vmem>> -> memref<3152xf32, #tpu.memory_space<vmem>>
      %dma_start3A_51 = tpu.memref_slice %arg5[%run_scoped3A_8, %mul3A_7] : memref<3x50208xf32, #tpu.memory_space<hbm>> -> memref<1x3152xf32, #tpu.memory_space<hbm>>
      %dma_start3A_52 = tpu.memref_squeeze %dma_start3A_51 : memref<1x3152xf32, #tpu.memory_space<hbm>> -> memref<3152xf32, #tpu.memory_space<hbm>>
      %dma_start3A_53 = arith.constant 0 : i32
      %dma_start3A_54 = tpu.memref_slice %arg14[%run_scoped3A_9, %dma_start3A_53] : memref<3x3152xf32, #tpu.memory_space<vmem>> -> memref<1x3152xf32, #tpu.memory_space<vmem>>
      %dma_start3A_55 = tpu.memref_squeeze %dma_start3A_54 : memref<1x3152xf32, #tpu.memory_space<vmem>> -> memref<3152xf32, #tpu.memory_space<vmem>>
      %dma_start3A_56 = tpu.memref_slice %arg5[%run_scoped3A_8, %mul3A_7] : memref<3x50208xf32, #tpu.memory_space<hbm>> -> memref<1x3152xf32, #tpu.memory_space<hbm>>
      %dma_start3A_57 = tpu.memref_squeeze %dma_start3A_56 : memref<1x3152xf32, #tpu.memory_space<hbm>> -> memref<3152xf32, #tpu.memory_space<hbm>>
      tpu.enqueue_dma source(%dma_start3A_57 : memref<3152xf32, #tpu.memory_space<hbm>>) target(%dma_start3A_55 : memref<3152xf32, #tpu.memory_space<vmem>>) target_semaphore(%run_scoped3A_48 : memref<!tpu.dma_semaphore, #tpu.memory_space<semaphore_mem>>)
      %dma_wait3A = arith.constant 0 : i32
      %dma_wait3A_58 = tpu.memref_slice %arg14[%run_scoped3A_9, %dma_wait3A] : memref<3x3152xf32, #tpu.memory_space<vmem>> -> memref<1x3152xf32, #tpu.memory_space<vmem>>
      %dma_wait3A_59 = tpu.memref_squeeze %dma_wait3A_58 : memref<1x3152xf32, #tpu.memory_space<vmem>> -> memref<3152xf32, #tpu.memory_space<vmem>>
      %dma_wait3A_60 = tpu.memref_slice %arg5[%run_scoped3A_8, %mul3A_7] : memref<3x50208xf32, #tpu.memory_space<hbm>> -> memref<1x3152xf32, #tpu.memory_space<hbm>>
      %dma_wait3A_61 = tpu.memref_squeeze %dma_wait3A_60 : memref<1x3152xf32, #tpu.memory_space<hbm>> -> memref<3152xf32, #tpu.memory_space<hbm>>
      %dma_wait3A_62 = arith.constant 0 : i32
      %dma_wait3A_63 = tpu.memref_slice %arg14[%run_scoped3A_9, %dma_wait3A_62] : memref<3x3152xf32, #tpu.memory_space<vmem>> -> memref<1x3152xf32, #tpu.memory_space<vmem>>
      %dma_wait3A_64 = tpu.memref_squeeze %dma_wait3A_63 : memref<1x3152xf32, #tpu.memory_space<vmem>> -> memref<3152xf32, #tpu.memory_space<vmem>>
      %dma_wait3A_65 = tpu.memref_slice %arg5[%run_scoped3A_8, %mul3A_7] : memref<3x50208xf32, #tpu.memory_space<hbm>> -> memref<1x3152xf32, #tpu.memory_space<hbm>>
      %dma_wait3A_66 = tpu.memref_squeeze %dma_wait3A_65 : memref<1x3152xf32, #tpu.memory_space<hbm>> -> memref<3152xf32, #tpu.memory_space<hbm>>
      tpu.wait_dma2 semaphore(%run_scoped3A_48 : memref<!tpu.dma_semaphore, #tpu.memory_space<semaphore_mem>>) src(%dma_wait3A_66 : memref<3152xf32, #tpu.memory_space<hbm>>) dst(%dma_wait3A_64 : memref<3152xf32, #tpu.memory_space<vmem>>)
      tpu.yield
    }) : () -> ()
    %run_scoped3A_10 = arith.constant 1 : i32
    %run_scoped3A_11 = arith.constant 1 : i32
    "tpu.region"() ({
      %run_scoped3A_48 = tpu.sem_alloc : memref<!tpu.dma_semaphore, #tpu.memory_space<semaphore_mem>>
      %dma_start3A = arith.constant 0 : i32
      %dma_start3A_49 = tpu.memref_slice %arg14[%run_scoped3A_11, %dma_start3A] : memref<3x3152xf32, #tpu.memory_space<vmem>> -> memref<1x3152xf32, #tpu.memory_space<vmem>>
      %dma_start3A_50 = tpu.memref_squeeze %dma_start3A_49 : memref<1x3152xf32, #tpu.memory_space<vmem>> -> memref<3152xf32, #tpu.memory_space<vmem>>
      %dma_start3A_51 = tpu.memref_slice %arg5[%run_scoped3A_10, %mul3A_7] : memref<3x50208xf32, #tpu.memory_space<hbm>> -> memref<1x3152xf32, #tpu.memory_space<hbm>>
      %dma_start3A_52 = tpu.memref_squeeze %dma_start3A_51 : memref<1x3152xf32, #tpu.memory_space<hbm>> -> memref<3152xf32, #tpu.memory_space<hbm>>
      %dma_start3A_53 = arith.constant 0 : i32
      %dma_start3A_54 = tpu.memref_slice %arg14[%run_scoped3A_11, %dma_start3A_53] : memref<3x3152xf32, #tpu.memory_space<vmem>> -> memref<1x3152xf32, #tpu.memory_space<vmem>>
      %dma_start3A_55 = tpu.memref_squeeze %dma_start3A_54 : memref<1x3152xf32, #tpu.memory_space<vmem>> -> memref<3152xf32, #tpu.memory_space<vmem>>
      %dma_start3A_56 = tpu.memref_slice %arg5[%run_scoped3A_10, %mul3A_7] : memref<3x50208xf32, #tpu.memory_space<hbm>> -> memref<1x3152xf32, #tpu.memory_space<hbm>>
      %dma_start3A_57 = tpu.memref_squeeze %dma_start3A_56 : memref<1x3152xf32, #tpu.memory_space<hbm>> -> memref<3152xf32, #tpu.memory_space<hbm>>
      tpu.enqueue_dma source(%dma_start3A_57 : memref<3152xf32, #tpu.memory_space<hbm>>) target(%dma_start3A_55 : memref<3152xf32, #tpu.memory_space<vmem>>) target_semaphore(%run_scoped3A_48 : memref<!tpu.dma_semaphore, #tpu.memory_space<semaphore_mem>>)
      %dma_wait3A = arith.constant 0 : i32
      %dma_wait3A_58 = tpu.memref_slice %arg14[%run_scoped3A_11, %dma_wait3A] : memref<3x3152xf32, #tpu.memory_space<vmem>> -> memref<1x3152xf32, #tpu.memory_space<vmem>>
      %dma_wait3A_59 = tpu.memref_squeeze %dma_wait3A_58 : memref<1x3152xf32, #tpu.memory_space<vmem>> -> memref<3152xf32, #tpu.memory_space<vmem>>
      %dma_wait3A_60 = tpu.memref_slice %arg5[%run_scoped3A_10, %mul3A_7] : memref<3x50208xf32, #tpu.memory_space<hbm>> -> memref<1x3152xf32, #tpu.memory_space<hbm>>
      %dma_wait3A_61 = tpu.memref_squeeze %dma_wait3A_60 : memref<1x3152xf32, #tpu.memory_space<hbm>> -> memref<3152xf32, #tpu.memory_space<hbm>>
      %dma_wait3A_62 = arith.constant 0 : i32
      %dma_wait3A_63 = tpu.memref_slice %arg14[%run_scoped3A_11, %dma_wait3A_62] : memref<3x3152xf32, #tpu.memory_space<vmem>> -> memref<1x3152xf32, #tpu.memory_space<vmem>>
      %dma_wait3A_64 = tpu.memref_squeeze %dma_wait3A_63 : memref<1x3152xf32, #tpu.memory_space<vmem>> -> memref<3152xf32, #tpu.memory_space<vmem>>
      %dma_wait3A_65 = tpu.memref_slice %arg5[%run_scoped3A_10, %mul3A_7] : memref<3x50208xf32, #tpu.memory_space<hbm>> -> memref<1x3152xf32, #tpu.memory_space<hbm>>
      %dma_wait3A_66 = tpu.memref_squeeze %dma_wait3A_65 : memref<1x3152xf32, #tpu.memory_space<hbm>> -> memref<3152xf32, #tpu.memory_space<hbm>>
      tpu.wait_dma2 semaphore(%run_scoped3A_48 : memref<!tpu.dma_semaphore, #tpu.memory_space<semaphore_mem>>) src(%dma_wait3A_66 : memref<3152xf32, #tpu.memory_space<hbm>>) dst(%dma_wait3A_64 : memref<3152xf32, #tpu.memory_space<vmem>>)
      tpu.yield
    }) : () -> ()
    %run_scoped3A_12 = arith.constant 2 : i32
    %run_scoped3A_13 = arith.constant 2 : i32
    "tpu.region"() ({
      %run_scoped3A_48 = tpu.sem_alloc : memref<!tpu.dma_semaphore, #tpu.memory_space<semaphore_mem>>
      %dma_start3A = arith.constant 0 : i32
      %dma_start3A_49 = tpu.memref_slice %arg14[%run_scoped3A_13, %dma_start3A] : memref<3x3152xf32, #tpu.memory_space<vmem>> -> memref<1x3152xf32, #tpu.memory_space<vmem>>
      %dma_start3A_50 = tpu.memref_squeeze %dma_start3A_49 : memref<1x3152xf32, #tpu.memory_space<vmem>> -> memref<3152xf32, #tpu.memory_space<vmem>>
      %dma_start3A_51 = tpu.memref_slice %arg5[%run_scoped3A_12, %mul3A_7] : memref<3x50208xf32, #tpu.memory_space<hbm>> -> memref<1x3152xf32, #tpu.memory_space<hbm>>
      %dma_start3A_52 = tpu.memref_squeeze %dma_start3A_51 : memref<1x3152xf32, #tpu.memory_space<hbm>> -> memref<3152xf32, #tpu.memory_space<hbm>>
      %dma_start3A_53 = arith.constant 0 : i32
      %dma_start3A_54 = tpu.memref_slice %arg14[%run_scoped3A_13, %dma_start3A_53] : memref<3x3152xf32, #tpu.memory_space<vmem>> -> memref<1x3152xf32, #tpu.memory_space<vmem>>
      %dma_start3A_55 = tpu.memref_squeeze %dma_start3A_54 : memref<1x3152xf32, #tpu.memory_space<vmem>> -> memref<3152xf32, #tpu.memory_space<vmem>>
      %dma_start3A_56 = tpu.memref_slice %arg5[%run_scoped3A_12, %mul3A_7] : memref<3x50208xf32, #tpu.memory_space<hbm>> -> memref<1x3152xf32, #tpu.memory_space<hbm>>
      %dma_start3A_57 = tpu.memref_squeeze %dma_start3A_56 : memref<1x3152xf32, #tpu.memory_space<hbm>> -> memref<3152xf32, #tpu.memory_space<hbm>>
      tpu.enqueue_dma source(%dma_start3A_57 : memref<3152xf32, #tpu.memory_space<hbm>>) target(%dma_start3A_55 : memref<3152xf32, #tpu.memory_space<vmem>>) target_semaphore(%run_scoped3A_48 : memref<!tpu.dma_semaphore, #tpu.memory_space<semaphore_mem>>)
      %dma_wait3A = arith.constant 0 : i32
      %dma_wait3A_58 = tpu.memref_slice %arg14[%run_scoped3A_13, %dma_wait3A] : memref<3x3152xf32, #tpu.memory_space<vmem>> -> memref<1x3152xf32, #tpu.memory_space<vmem>>
      %dma_wait3A_59 = tpu.memref_squeeze %dma_wait3A_58 : memref<1x3152xf32, #tpu.memory_space<vmem>> -> memref<3152xf32, #tpu.memory_space<vmem>>
      %dma_wait3A_60 = tpu.memref_slice %arg5[%run_scoped3A_12, %mul3A_7] : memref<3x50208xf32, #tpu.memory_space<hbm>> -> memref<1x3152xf32, #tpu.memory_space<hbm>>
      %dma_wait3A_61 = tpu.memref_squeeze %dma_wait3A_60 : memref<1x3152xf32, #tpu.memory_space<hbm>> -> memref<3152xf32, #tpu.memory_space<hbm>>
      %dma_wait3A_62 = arith.constant 0 : i32
      %dma_wait3A_63 = tpu.memref_slice %arg14[%run_scoped3A_13, %dma_wait3A_62] : memref<3x3152xf32, #tpu.memory_space<vmem>> -> memref<1x3152xf32, #tpu.memory_space<vmem>>
      %dma_wait3A_64 = tpu.memref_squeeze %dma_wait3A_63 : memref<1x3152xf32, #tpu.memory_space<vmem>> -> memref<3152xf32, #tpu.memory_space<vmem>>
      %dma_wait3A_65 = tpu.memref_slice %arg5[%run_scoped3A_12, %mul3A_7] : memref<3x50208xf32, #tpu.memory_space<hbm>> -> memref<1x3152xf32, #tpu.memory_space<hbm>>
      %dma_wait3A_66 = tpu.memref_squeeze %dma_wait3A_65 : memref<1x3152xf32, #tpu.memory_space<hbm>> -> memref<3152xf32, #tpu.memory_space<hbm>>
      tpu.wait_dma2 semaphore(%run_scoped3A_48 : memref<!tpu.dma_semaphore, #tpu.memory_space<semaphore_mem>>) src(%dma_wait3A_66 : memref<3152xf32, #tpu.memory_space<hbm>>) dst(%dma_wait3A_64 : memref<3152xf32, #tpu.memory_space<vmem>>)
      tpu.yield
    }) : () -> ()
    %scan3A = arith.constant 0 : i32
    %scan3A_14 = arith.constant 0 : i32
    %scan3A_15 = arith.constant 196 : i32
    %scan3A_16 = arith.addi %scan3A_14, %scan3A_15 : i32
    %scan3A_17 = arith.constant 1 : i32
    %scan3A_18 = scf.for %scan3A_48 = %scan3A_14 to %scan3A_16 step %scan3A_17 iter_args(%scan3A_49 = %scan3A) -> (i32)  : i32 {
      %mul3A_50 = arith.constant 16 : i32
      %mul3A_51 = arith.muli %scan3A_48, %mul3A_50 : i32
      %add3A_52 = vector.broadcast %mul3A_51 : i32 to vector<16xi32>
      %add3A_53 = arith.addi %iota3A, %add3A_52 : vector<16xi32>
      %add3A_54 = vector.broadcast %mul3A_7 : i32 to vector<16xi32>
      %add3A_55 = arith.addi %add3A_53, %add3A_54 : vector<16xi32>
      %rem3A = arith.constant 224 : i32
      %rem3A_56 = vector.broadcast %rem3A : i32 to vector<16xi32>
      %rem3A_57 = arith.remsi %add3A_55, %rem3A_56 : vector<16xi32>
      %eq3A = arith.constant 223 : i32
      %eq3A_58 = vector.broadcast %eq3A : i32 to vector<16xi32>
      %eq3A_59 = arith.cmpi eq, %rem3A_57, %eq3A_58 : vector<16xi32>
      %jit3A = arith.constant 0 : i32
      %jit3A_60 = arith.constant 1 : i32
      %broadcast_in_dim3A = vector.broadcast %jit3A : i32 to vector<16xi32>
      %broadcast_in_dim3A_61 = vector.broadcast %jit3A_60 : i32 to vector<16xi32>
      %select_n3A = arith.select %eq3A_59, %broadcast_in_dim3A, %broadcast_in_dim3A_61 : vector<16xi1>, vector<16xi32>
      %broadcast_in_dim3A_62 = arith.constant 0 : i32
      %broadcast_in_dim3A_63 = vector.broadcast %broadcast_in_dim3A_62 : i32 to vector<16xi32>
      %get3A_64 = arith.constant 0 : i32
      %get3A_65 = arith.index_cast %get3A_64 : i32 to index
      %get3A_66 = arith.index_cast %mul3A_51 : i32 to index
      %get3A_67 = tpu.vector_load %arg14[%get3A_65, %get3A_66] {strides = array<i32>} : memref<3x3152xf32, #tpu.memory_space<vmem>>, vector<16xf32>,
      %add3A_68 = arith.addi %add3A_53, %select_n3A : vector<16xi32>
      %gather3A = tpu.vector_load_idx %arg14[%broadcast_in_dim3A_63, %add3A_68] : memref<3x3152xf32, #tpu.memory_space<vmem>>[vector<16xi32>, vector<16xi32>], vector<16xf32>,
      tpu.vector_store_idx %arg15[%add3A_53, %broadcast_in_dim3A_63], %get3A_67 : memref<3136x8xf32, #tpu.memory_space<vmem>>[vector<16xi32>, vector<16xi32>], vector<16xf32>,
      %add3A_69 = arith.constant 3 : i32
      %add3A_70 = vector.broadcast %add3A_69 : i32 to vector<16xi32>
      %add3A_71 = arith.addi %broadcast_in_dim3A_63, %add3A_70 : vector<16xi32>
      tpu.vector_store_idx %arg15[%add3A_53, %add3A_71], %gather3A : memref<3136x8xf32, #tpu.memory_space<vmem>>[vector<16xi32>, vector<16xi32>], vector<16xf32>,
      %broadcast_in_dim3A_72 = arith.constant 1 : i32
      %broadcast_in_dim3A_73 = vector.broadcast %broadcast_in_dim3A_72 : i32 to vector<16xi32>
      %get3A_74 = arith.constant 1 : i32
      %get3A_75 = arith.index_cast %get3A_74 : i32 to index
      %get3A_76 = arith.index_cast %mul3A_51 : i32 to index
      %get3A_77 = tpu.vector_load %arg14[%get3A_75, %get3A_76] {strides = array<i32>} : memref<3x3152xf32, #tpu.memory_space<vmem>>, vector<16xf32>,
      %add3A_78 = arith.addi %add3A_53, %select_n3A : vector<16xi32>
      %gather3A_79 = tpu.vector_load_idx %arg14[%broadcast_in_dim3A_73, %add3A_78] : memref<3x3152xf32, #tpu.memory_space<vmem>>[vector<16xi32>, vector<16xi32>], vector<16xf32>,
      tpu.vector_store_idx %arg15[%add3A_53, %broadcast_in_dim3A_73], %get3A_77 : memref<3136x8xf32, #tpu.memory_space<vmem>>[vector<16xi32>, vector<16xi32>], vector<16xf32>,
      %add3A_80 = arith.constant 3 : i32
      %add3A_81 = vector.broadcast %add3A_80 : i32 to vector<16xi32>
      %add3A_82 = arith.addi %broadcast_in_dim3A_73, %add3A_81 : vector<16xi32>
      tpu.vector_store_idx %arg15[%add3A_53, %add3A_82], %gather3A_79 : memref<3136x8xf32, #tpu.memory_space<vmem>>[vector<16xi32>, vector<16xi32>], vector<16xf32>,
      %broadcast_in_dim3A_83 = arith.constant 2 : i32
      %broadcast_in_dim3A_84 = vector.broadcast %broadcast_in_dim3A_83 : i32 to vector<16xi32>
      %get3A_85 = arith.constant 2 : i32
      %get3A_86 = arith.index_cast %get3A_85 : i32 to index
      %get3A_87 = arith.index_cast %mul3A_51 : i32 to index
      %get3A_88 = tpu.vector_load %arg14[%get3A_86, %get3A_87] {strides = array<i32>} : memref<3x3152xf32, #tpu.memory_space<vmem>>, vector<16xf32>,
      %add3A_89 = arith.addi %add3A_53, %select_n3A : vector<16xi32>
      %gather3A_90 = tpu.vector_load_idx %arg14[%broadcast_in_dim3A_84, %add3A_89] : memref<3x3152xf32, #tpu.memory_space<vmem>>[vector<16xi32>, vector<16xi32>], vector<16xf32>,
      tpu.vector_store_idx %arg15[%add3A_53, %broadcast_in_dim3A_84], %get3A_88 : memref<3136x8xf32, #tpu.memory_space<vmem>>[vector<16xi32>, vector<16xi32>], vector<16xf32>,
      %add3A_91 = arith.constant 3 : i32
      %add3A_92 = vector.broadcast %add3A_91 : i32 to vector<16xi32>
      %add3A_93 = arith.addi %broadcast_in_dim3A_84, %add3A_92 : vector<16xi32>
      tpu.vector_store_idx %arg15[%add3A_53, %add3A_93], %gather3A_90 : memref<3136x8xf32, #tpu.memory_space<vmem>>[vector<16xi32>, vector<16xi32>], vector<16xf32>,
      %scan3A_94 = arith.constant 0 : i32
      scf.yield %scan3A_94 : i32
    }
    %scan3A_19 = arith.constant 196 : i32
    "tpu.region"() ({
      %run_scoped3A_48 = tpu.sem_alloc : memref<!tpu.dma_semaphore, #tpu.memory_space<semaphore_mem>>
      %dma_start3A = arith.constant 0 : i32
      %dma_start3A_49 = tpu.memref_slice %arg29[%mul3A_7, %dma_start3A] : memref<50176x8xf32, #tpu.memory_space<vmem_shared>> -> memref<3136x8xf32, #tpu.memory_space<vmem_shared>>
      %dma_start3A_50 = arith.constant 0 : i32
      %dma_start3A_51 = tpu.memref_slice %arg29[%mul3A_7, %dma_start3A_50] : memref<50176x8xf32, #tpu.memory_space<vmem_shared>> -> memref<3136x8xf32, #tpu.memory_space<vmem_shared>>
      tpu.enqueue_dma source(%arg15 : memref<3136x8xf32, #tpu.memory_space<vmem>>) target(%dma_start3A_51 : memref<3136x8xf32, #tpu.memory_space<vmem_shared>>) target_semaphore(%run_scoped3A_48 : memref<!tpu.dma_semaphore, #tpu.memory_space<semaphore_mem>>)
      %dma_wait3A = arith.constant 0 : i32
      %dma_wait3A_52 = tpu.memref_slice %arg29[%mul3A_7, %dma_wait3A] : memref<50176x8xf32, #tpu.memory_space<vmem_shared>> -> memref<3136x8xf32, #tpu.memory_space<vmem_shared>>
      %dma_wait3A_53 = arith.constant 0 : i32
      %dma_wait3A_54 = tpu.memref_slice %arg29[%mul3A_7, %dma_wait3A_53] : memref<50176x8xf32, #tpu.memory_space<vmem_shared>> -> memref<3136x8xf32, #tpu.memory_space<vmem_shared>>
      tpu.wait_dma2 semaphore(%run_scoped3A_48 : memref<!tpu.dma_semaphore, #tpu.memory_space<semaphore_mem>>) src(%arg15 : memref<3136x8xf32, #tpu.memory_space<vmem>>) dst(%dma_wait3A_54 : memref<3136x8xf32, #tpu.memory_space<vmem_shared>>)
      tpu.yield
    }) : () -> ()
    %get3A = arith.constant 0 : i32
    %get3A_20 = arith.index_cast %get3A : i32 to index
    %get3A_21 = arith.constant 0 : index
    %get3A_22 = tpu.vector_load %arg10[%get3A_20, %get3A_21] {strides = array<i32>} : memref<3x16xf32, #tpu.memory_space<vmem>>, vector<16xf32>,
    %get3A_23 = arith.constant 1 : i32
    %get3A_24 = arith.index_cast %get3A_23 : i32 to index
    %get3A_25 = arith.constant 0 : index
    %get3A_26 = tpu.vector_load %arg10[%get3A_24, %get3A_25] {strides = array<i32>} : memref<3x16xf32, #tpu.memory_space<vmem>>, vector<16xf32>,
    %get3A_27 = arith.constant 2 : i32
    %get3A_28 = arith.index_cast %get3A_27 : i32 to index
    %get3A_29 = arith.constant 0 : index
    %get3A_30 = tpu.vector_load %arg10[%get3A_28, %get3A_29] {strides = array<i32>} : memref<3x16xf32, #tpu.memory_space<vmem>>, vector<16xf32>,
    %scan3A_31 = arith.constant 0 : i32
    %scan3A_32 = arith.constant 0 : i32
    %scan3A_33 = arith.constant 314 : i32
    %scan3A_34 = arith.addi %scan3A_32, %scan3A_33 : i32
    %scan3A_35 = arith.constant 1 : i32
    %scan3A_36 = scf.for %scan3A_48 = %scan3A_32 to %scan3A_34 step %scan3A_35 iter_args(%scan3A_49 = %scan3A_31) -> (i32)  : i32 {
      %mul3A_50 = arith.constant 16 : i32
      %mul3A_51 = arith.muli %scan3A_48, %mul3A_50 : i32
      %get3A_52 = arith.index_cast %mul3A_51 : i32 to index
      %get3A_53 = tpu.vector_load %arg11[%get3A_52] {strides = array<i32>} : memref<5024xf32, #tpu.memory_space<vmem>>, vector<16xf32>,
      %add3A_54 = arith.addf %get3A_53, %get3A_26 : vector<16xf32>
      %mul3A_55 = arith.mulf %get3A_22, %add3A_54 : vector<16xf32>
      %swap3A = arith.index_cast %mul3A_51 : i32 to index
      %swap3A_56 = tpu.vector_load %arg11[%swap3A] {strides = array<i32>} : memref<5024xf32, #tpu.memory_space<vmem>>, vector<16xf32>,
      tpu.vector_store %arg11[%swap3A], %mul3A_55 {strides = array<i32>} : memref<5024xf32, #tpu.memory_space<vmem>>, vector<16xf32>,
      %neg3A = arith.constant 0.000000e+00 : f32
      %neg3A_57 = vector.broadcast %neg3A : f32 to vector<16xf32>
      %neg3A_58 = arith.subf %neg3A_57, %get3A_22 : vector<16xf32>
      %get3A_59 = arith.index_cast %mul3A_51 : i32 to index
      %get3A_60 = tpu.vector_load %arg12[%get3A_59] {strides = array<i32>} : memref<5024xf32, #tpu.memory_space<vmem>>, vector<16xf32>,
      %add3A_61 = arith.addf %get3A_60, %get3A_30 : vector<16xf32>
      %mul3A_62 = arith.mulf %neg3A_58, %add3A_61 : vector<16xf32>
      %swap3A_63 = arith.index_cast %mul3A_51 : i32 to index
      %swap3A_64 = tpu.vector_load %arg12[%swap3A_63] {strides = array<i32>} : memref<5024xf32, #tpu.memory_space<vmem>>, vector<16xf32>,
      tpu.vector_store %arg12[%swap3A_63], %mul3A_62 {strides = array<i32>} : memref<5024xf32, #tpu.memory_space<vmem>>, vector<16xf32>,
      %scan3A_65 = arith.constant 0 : i32
      scf.yield %scan3A_65 : i32
    }
    %scan3A_37 = arith.constant 314 : i32
    %barrier3A = arith.constant 0 : index
    tpu.barrier barrier_id(%barrier3A)
    %mul3A_38 = arith.constant 3 : i32
    %mul3A_39 = vector.broadcast %mul3A_38 : i32 to vector<16xi32>
    %mul3A_40 = arith.muli %iota3A, %mul3A_39 : vector<16xi32>
    %scan3A_41 = arith.constant 0 : i32
    %scan3A_42 = arith.constant 0 : i32
    %scan3A_43 = arith.constant 16 : i32
    %scan3A_44 = arith.addi %scan3A_42, %scan3A_43 : i32
    %scan3A_45 = arith.constant 1 : i32
    %scan3A_46 = scf.for %scan3A_48 = %scan3A_42 to %scan3A_44 step %scan3A_45 iter_args(%scan3A_49 = %scan3A_41) -> (i32)  : i32 {
      %mul3A_50 = arith.constant 128 : i32
      %mul3A_51 = arith.muli %scan3A_48, %mul3A_50 : i32
      %add3A_52 = arith.constant 0 : i32
      %add3A_53 = arith.addi %mul3A_51, %add3A_52 : i32
      %get3A_54 = arith.index_cast %add3A_53 : i32 to index
      %get3A_55 = tpu.vector_load %arg16[%get3A_54] {strides = array<i32>} : memref<2048xi32, #tpu.memory_space<vmem>>, vector<16xi32>,
      %ge3A = arith.constant 0 : i32
      %ge3A_56 = vector.broadcast %ge3A : i32 to vector<16xi32>
      %ge3A_57 = arith.cmpi sge, %get3A_55, %ge3A_56 : vector<16xi32>
      %jit3A = arith.constant 1.000000e+00 : f32
      %jit3A_58 = arith.constant 0.000000e+00 : f32
      %broadcast_in_dim3A = vector.broadcast %jit3A : f32 to vector<16xf32>
      %broadcast_in_dim3A_59 = vector.broadcast %jit3A_58 : f32 to vector<16xf32>
      %select_n3A = arith.select %ge3A_57, %broadcast_in_dim3A, %broadcast_in_dim3A_59 : vector<16xi1>, vector<16xf32>
      %max3A = arith.constant 0 : i32
      %max3A_60 = vector.broadcast %max3A : i32 to vector<16xi32>
      %max3A_61 = arith.maxsi %get3A_55, %max3A_60 : vector<16xi32>
      %mul3A_62 = arith.constant 3 : i32
      %mul3A_63 = vector.broadcast %mul3A_62 : i32 to vector<16xi32>
      %mul3A_64 = arith.muli %max3A_61, %mul3A_63 : vector<16xi32>
      %gather3A = tpu.vector_load_idx %arg13[%mul3A_64] : memref<29928xi32, #tpu.memory_space<vmem>>[vector<16xi32>], vector<16xi32>,
      %mul3A_65 = arith.constant 3 : i32
      %mul3A_66 = vector.broadcast %mul3A_65 : i32 to vector<16xi32>
      %mul3A_67 = arith.muli %max3A_61, %mul3A_66 : vector<16xi32>
      %add3A_68 = arith.constant 1 : i32
      %add3A_69 = vector.broadcast %add3A_68 : i32 to vector<16xi32>
      %add3A_70 = arith.addi %mul3A_67, %add3A_69 : vector<16xi32>
      %gather3A_71 = tpu.vector_load_idx %arg13[%add3A_70] : memref<29928xi32, #tpu.memory_space<vmem>>[vector<16xi32>], vector<16xi32>,
      %mul3A_72 = arith.constant 3 : i32
      %mul3A_73 = vector.broadcast %mul3A_72 : i32 to vector<16xi32>
      %mul3A_74 = arith.muli %max3A_61, %mul3A_73 : vector<16xi32>
      %add3A_75 = arith.constant 2 : i32
      %add3A_76 = vector.broadcast %add3A_75 : i32 to vector<16xi32>
      %add3A_77 = arith.addi %mul3A_74, %add3A_76 : vector<16xi32>
      %gather3A_78 = tpu.vector_load_idx %arg13[%add3A_77] : memref<29928xi32, #tpu.memory_space<vmem>>[vector<16xi32>], vector<16xi32>,
      %gather3A_79 = tpu.vector_load_idx %arg11[%gather3A] : memref<5024xf32, #tpu.memory_space<vmem>>[vector<16xi32>], vector<16xf32>,
      %gather3A_80 = tpu.vector_load_idx %arg11[%gather3A_71] : memref<5024xf32, #tpu.memory_space<vmem>>[vector<16xi32>], vector<16xf32>,
      %gather3A_81 = tpu.vector_load_idx %arg11[%gather3A_78] : memref<5024xf32, #tpu.memory_space<vmem>>[vector<16xi32>], vector<16xf32>,
      %gather3A_82 = tpu.vector_load_idx %arg12[%gather3A] : memref<5024xf32, #tpu.memory_space<vmem>>[vector<16xi32>], vector<16xf32>,
      %gather3A_83 = tpu.vector_load_idx %arg12[%gather3A_71] : memref<5024xf32, #tpu.memory_space<vmem>>[vector<16xi32>], vector<16xf32>,
      %gather3A_84 = tpu.vector_load_idx %arg12[%gather3A_78] : memref<5024xf32, #tpu.memory_space<vmem>>[vector<16xi32>], vector<16xf32>,
      %add3A_85 = arith.constant 0 : i32
      %add3A_86 = arith.addi %mul3A_51, %add3A_85 : i32
      %mul3A_87 = arith.constant 3 : i32
      %mul3A_88 = arith.muli %add3A_86, %mul3A_87 : i32
      %add3A_89 = vector.broadcast %mul3A_88 : i32 to vector<16xi32>
      %add3A_90 = arith.addi %mul3A_40, %add3A_89 : vector<16xi32>
      %gather3A_91 = tpu.vector_load_idx %arg17[%add3A_90] : memref<6144xf32, #tpu.memory_space<vmem>>[vector<16xi32>], vector<16xf32>,
      %add3A_92 = arith.constant 1 : i32
      %add3A_93 = arith.addi %mul3A_88, %add3A_92 : i32
      %add3A_94 = vector.broadcast %add3A_93 : i32 to vector<16xi32>
      %add3A_95 = arith.addi %mul3A_40, %add3A_94 : vector<16xi32>
      %gather3A_96 = tpu.vector_load_idx %arg17[%add3A_95] : memref<6144xf32, #tpu.memory_space<vmem>>[vector<16xi32>], vector<16xf32>,
      %add3A_97 = arith.constant 2 : i32
      %add3A_98 = arith.addi %mul3A_88, %add3A_97 : i32
      %add3A_99 = vector.broadcast %add3A_98 : i32 to vector<16xi32>
      %add3A_100 = arith.addi %mul3A_40, %add3A_99 : vector<16xi32>
      %gather3A_101 = tpu.vector_load_idx %arg17[%add3A_100] : memref<6144xf32, #tpu.memory_space<vmem>>[vector<16xi32>], vector<16xf32>,
      %mul3A_102 = arith.mulf %gather3A_91, %gather3A_79 : vector<16xf32>
      %mul3A_103 = arith.mulf %gather3A_96, %gather3A_80 : vector<16xf32>
      %add3A_104 = arith.addf %mul3A_102, %mul3A_103 : vector<16xf32>
      %mul3A_105 = arith.mulf %gather3A_101, %gather3A_81 : vector<16xf32>
      %add3A_106 = arith.addf %add3A_104, %mul3A_105 : vector<16xf32>
      %mul3A_107 = arith.mulf %add3A_106, %select_n3A : vector<16xf32>
      %mul3A_108 = arith.mulf %gather3A_91, %gather3A_82 : vector<16xf32>
      %mul3A_109 = arith.mulf %gather3A_96, %gather3A_83 : vector<16xf32>
      %add3A_110 = arith.addf %mul3A_108, %mul3A_109 : vector<16xf32>
      %mul3A_111 = arith.mulf %gather3A_101, %gather3A_84 : vector<16xf32>
      %add3A_112 = arith.addf %add3A_110, %mul3A_111 : vector<16xf32>
      %mul3A_113 = arith.mulf %add3A_112, %select_n3A : vector<16xf32>
      %add3A_114 = arith.constant 1.000000e+00 : f32
      %add3A_115 = vector.broadcast %add3A_114 : f32 to vector<16xf32>
      %add3A_116 = arith.addf %mul3A_107, %add3A_115 : vector<16xf32>
      %mul3A_117 = arith.constant 2.240000e+02 : f32
      %mul3A_118 = vector.broadcast %mul3A_117 : f32 to vector<16xf32>
      %mul3A_119 = arith.mulf %add3A_116, %mul3A_118 : vector<16xf32>
      %sub3A = arith.constant 1.000000e+00 : f32
      %sub3A_120 = vector.broadcast %sub3A : f32 to vector<16xf32>
      %sub3A_121 = arith.subf %mul3A_119, %sub3A_120 : vector<16xf32>
      %mul3A_122 = arith.constant 5.000000e-01 : f32
      %mul3A_123 = vector.broadcast %mul3A_122 : f32 to vector<16xf32>
      %mul3A_124 = arith.mulf %sub3A_121, %mul3A_123 : vector<16xf32>
      %jit3A_125 = arith.constant -8.000000e+00 : f32
      %jit3A_126 = arith.constant 2.320000e+02 : f32
      %max3A_127 = vector.broadcast %jit3A_125 : f32 to vector<16xf32>
      %max3A_128 = arith.maximumf %max3A_127, %mul3A_124 : vector<16xf32>
      %min3A = vector.broadcast %jit3A_126 : f32 to vector<16xf32>
      %min3A_129 = arith.minimumf %min3A, %max3A_128 : vector<16xf32>
      %add3A_130 = arith.constant 1.000000e+00 : f32
      %add3A_131 = vector.broadcast %add3A_130 : f32 to vector<16xf32>
      %add3A_132 = arith.addf %mul3A_113, %add3A_131 : vector<16xf32>
      %mul3A_133 = arith.constant 2.240000e+02 : f32
      %mul3A_134 = vector.broadcast %mul3A_133 : f32 to vector<16xf32>
      %mul3A_135 = arith.mulf %add3A_132, %mul3A_134 : vector<16xf32>
      %sub3A_136 = arith.constant 1.000000e+00 : f32
      %sub3A_137 = vector.broadcast %sub3A_136 : f32 to vector<16xf32>
      %sub3A_138 = arith.subf %mul3A_135, %sub3A_137 : vector<16xf32>
      %mul3A_139 = arith.constant 5.000000e-01 : f32
      %mul3A_140 = vector.broadcast %mul3A_139 : f32 to vector<16xf32>
      %mul3A_141 = arith.mulf %sub3A_138, %mul3A_140 : vector<16xf32>
      %jit3A_142 = arith.constant -8.000000e+00 : f32
      %jit3A_143 = arith.constant 2.320000e+02 : f32
      %max3A_144 = vector.broadcast %jit3A_142 : f32 to vector<16xf32>
      %max3A_145 = arith.maximumf %max3A_144, %mul3A_141 : vector<16xf32>
      %min3A_146 = vector.broadcast %jit3A_143 : f32 to vector<16xf32>
      %min3A_147 = arith.minimumf %min3A_146, %max3A_145 : vector<16xf32>
      %convert_element_type3A = arith.fptosi %min3A_129 : vector<16xf32> to vector<16xi32>
      %convert_element_type3A_148 = arith.sitofp %convert_element_type3A : vector<16xi32> to vector<16xf32>
      %gt3A = arith.cmpf ogt, %convert_element_type3A_148, %min3A_129 : vector<16xf32>
      %sub3A_149 = arith.constant 1 : i32
      %sub3A_150 = vector.broadcast %sub3A_149 : i32 to vector<16xi32>
      %sub3A_151 = arith.subi %convert_element_type3A, %sub3A_150 : vector<16xi32>
      %select_n3A_152 = arith.select %gt3A, %sub3A_151, %convert_element_type3A : vector<16xi1>, vector<16xi32>
      %convert_element_type3A_153 = arith.fptosi %min3A_147 : vector<16xf32> to vector<16xi32>
      %convert_element_type3A_154 = arith.sitofp %convert_element_type3A_153 : vector<16xi32> to vector<16xf32>
      %gt3A_155 = arith.cmpf ogt, %convert_element_type3A_154, %min3A_147 : vector<16xf32>
      %sub3A_156 = arith.constant 1 : i32
      %sub3A_157 = vector.broadcast %sub3A_156 : i32 to vector<16xi32>
      %sub3A_158 = arith.subi %convert_element_type3A_153, %sub3A_157 : vector<16xi32>
      %select_n3A_159 = arith.select %gt3A_155, %sub3A_158, %convert_element_type3A_153 : vector<16xi1>, vector<16xi32>
      %convert_element_type3A_160 = arith.sitofp %select_n3A_152 : vector<16xi32> to vector<16xf32>
      %sub3A_161 = arith.subf %min3A_129, %convert_element_type3A_160 : vector<16xf32>
      %sub3A_162 = arith.constant 1.000000e+00 : f32
      %sub3A_163 = vector.broadcast %sub3A_162 : f32 to vector<16xf32>
      %sub3A_164 = arith.subf %sub3A_163, %sub3A_161 : vector<16xf32>
      %convert_element_type3A_165 = arith.sitofp %select_n3A_159 : vector<16xi32> to vector<16xf32>
      %sub3A_166 = arith.subf %min3A_147, %convert_element_type3A_165 : vector<16xf32>
      %sub3A_167 = arith.constant 1.000000e+00 : f32
      %sub3A_168 = vector.broadcast %sub3A_167 : f32 to vector<16xf32>
      %sub3A_169 = arith.subf %sub3A_168, %sub3A_166 : vector<16xf32>
      %ge3A_170 = arith.constant 0 : i32
      %ge3A_171 = vector.broadcast %ge3A_170 : i32 to vector<16xi32>
      %ge3A_172 = arith.cmpi sge, %select_n3A_152, %ge3A_171 : vector<16xi32>
      %le3A = arith.constant 223 : i32
      %le3A_173 = vector.broadcast %le3A : i32 to vector<16xi32>
      %le3A_174 = arith.cmpi sle, %select_n3A_152, %le3A_173 : vector<16xi32>
      %and3A = arith.andi %ge3A_172, %le3A_174 : vector<16xi1>
      %ge3A_175 = arith.constant -1 : i32
      %ge3A_176 = vector.broadcast %ge3A_175 : i32 to vector<16xi32>
      %ge3A_177 = arith.cmpi sge, %select_n3A_152, %ge3A_176 : vector<16xi32>
      %le3A_178 = arith.constant 222 : i32
      %le3A_179 = vector.broadcast %le3A_178 : i32 to vector<16xi32>
      %le3A_180 = arith.cmpi sle, %select_n3A_152, %le3A_179 : vector<16xi32>
      %and3A_181 = arith.andi %ge3A_177, %le3A_180 : vector<16xi1>
      %ge3A_182 = arith.constant 0 : i32
      %ge3A_183 = vector.broadcast %ge3A_182 : i32 to vector<16xi32>
      %ge3A_184 = arith.cmpi sge, %select_n3A_159, %ge3A_183 : vector<16xi32>
      %le3A_185 = arith.constant 223 : i32
      %le3A_186 = vector.broadcast %le3A_185 : i32 to vector<16xi32>
      %le3A_187 = arith.cmpi sle, %select_n3A_159, %le3A_186 : vector<16xi32>
      %and3A_188 = arith.andi %ge3A_184, %le3A_187 : vector<16xi1>
      %ge3A_189 = arith.constant -1 : i32
      %ge3A_190 = vector.broadcast %ge3A_189 : i32 to vector<16xi32>
      %ge3A_191 = arith.cmpi sge, %select_n3A_159, %ge3A_190 : vector<16xi32>
      %le3A_192 = arith.constant 222 : i32
      %le3A_193 = vector.broadcast %le3A_192 : i32 to vector<16xi32>
      %le3A_194 = arith.cmpi sle, %select_n3A_159, %le3A_193 : vector<16xi32>
      %and3A_195 = arith.andi %ge3A_191, %le3A_194 : vector<16xi1>
      %jit3A_196 = arith.constant 0 : i32
      %jit3A_197 = arith.constant 223 : i32
      %max3A_198 = vector.broadcast %jit3A_196 : i32 to vector<16xi32>
      %max3A_199 = arith.maxsi %max3A_198, %select_n3A_152 : vector<16xi32>
      %min3A_200 = vector.broadcast %jit3A_197 : i32 to vector<16xi32>
      %min3A_201 = arith.minsi %min3A_200, %max3A_199 : vector<16xi32>
      %jit3A_202 = arith.constant 0 : i32
      %jit3A_203 = arith.constant 223 : i32
      %max3A_204 = vector.broadcast %jit3A_202 : i32 to vector<16xi32>
      %max3A_205 = arith.maxsi %max3A_204, %select_n3A_159 : vector<16xi32>
      %min3A_206 = vector.broadcast %jit3A_203 : i32 to vector<16xi32>
      %min3A_207 = arith.minsi %min3A_206, %max3A_205 : vector<16xi32>
      %mul3A_208 = arith.constant 224 : i32
      %mul3A_209 = vector.broadcast %mul3A_208 : i32 to vector<16xi32>
      %mul3A_210 = arith.muli %min3A_207, %mul3A_209 : vector<16xi32>
      %add3A_211 = arith.constant 1 : i32
      %add3A_212 = vector.broadcast %add3A_211 : i32 to vector<16xi32>
      %add3A_213 = arith.addi %select_n3A_159, %add3A_212 : vector<16xi32>
      %jit3A_214 = arith.constant 0 : i32
      %jit3A_215 = arith.constant 223 : i32
      %max3A_216 = vector.broadcast %jit3A_214 : i32 to vector<16xi32>
      %max3A_217 = arith.maxsi %max3A_216, %add3A_213 : vector<16xi32>
      %min3A_218 = vector.broadcast %jit3A_215 : i32 to vector<16xi32>
      %min3A_219 = arith.minsi %min3A_218, %max3A_217 : vector<16xi32>
      %mul3A_220 = arith.constant 224 : i32
      %mul3A_221 = vector.broadcast %mul3A_220 : i32 to vector<16xi32>
      %mul3A_222 = arith.muli %min3A_219, %mul3A_221 : vector<16xi32>
      %add3A_223 = arith.addi %mul3A_210, %min3A_201 : vector<16xi32>
      %swap3A = arith.constant 0 : index
      %swap3A_224 = tpu.vector_load %arg19[%swap3A] {strides = array<i32>} : memref<128xi32, #tpu.memory_space<vmem>>, vector<16xi32>,
      tpu.vector_store %arg19[%swap3A], %add3A_223 {strides = array<i32>} : memref<128xi32, #tpu.memory_space<vmem>>, vector<16xi32>,
      %add3A_225 = arith.addi %mul3A_222, %min3A_201 : vector<16xi32>
      %swap3A_226 = arith.constant 0 : index
      %swap3A_227 = tpu.vector_load %arg20[%swap3A_226] {strides = array<i32>} : memref<128xi32, #tpu.memory_space<vmem>>, vector<16xi32>,
      tpu.vector_store %arg20[%swap3A_226], %add3A_225 {strides = array<i32>} : memref<128xi32, #tpu.memory_space<vmem>>, vector<16xi32>,
      %eq3A = arith.constant -1 : i32
      %eq3A_228 = vector.broadcast %eq3A : i32 to vector<16xi32>
      %eq3A_229 = arith.cmpi eq, %select_n3A_152, %eq3A_228 : vector<16xi32>
      %jit3A_230 = arith.constant 1.000000e+00 : f32
      %jit3A_231 = arith.constant 0.000000e+00 : f32
      %broadcast_in_dim3A_232 = vector.broadcast %jit3A_230 : f32 to vector<16xf32>
      %broadcast_in_dim3A_233 = vector.broadcast %jit3A_231 : f32 to vector<16xf32>
      %select_n3A_234 = arith.select %eq3A_229, %broadcast_in_dim3A_232, %broadcast_in_dim3A_233 : vector<16xi1>, vector<16xf32>
      %swap3A_235 = arith.constant 0 : index
      %swap3A_236 = tpu.vector_load %arg25[%swap3A_235] {strides = array<i32>} : memref<128xf32, #tpu.memory_space<vmem>>, vector<16xf32>,
      tpu.vector_store %arg25[%swap3A_235], %select_n3A_234 {strides = array<i32>} : memref<128xf32, #tpu.memory_space<vmem>>, vector<16xf32>,
      %mul3A_237 = arith.mulf %sub3A_169, %sub3A_164 : vector<16xf32>
      %and3A_238 = arith.andi %and3A_188, %and3A : vector<16xi1>
      %jit3A_239 = arith.constant 1.000000e+00 : f32
      %jit3A_240 = arith.constant 0.000000e+00 : f32
      %broadcast_in_dim3A_241 = vector.broadcast %jit3A_239 : f32 to vector<16xf32>
      %broadcast_in_dim3A_242 = vector.broadcast %jit3A_240 : f32 to vector<16xf32>
      %select_n3A_243 = arith.select %and3A_238, %broadcast_in_dim3A_241, %broadcast_in_dim3A_242 : vector<16xi1>, vector<16xf32>
      %mul3A_244 = arith.mulf %mul3A_237, %select_n3A_243 : vector<16xf32>
      %swap3A_245 = arith.constant 0 : index
      %swap3A_246 = tpu.vector_load %arg21[%swap3A_245] {strides = array<i32>} : memref<128xf32, #tpu.memory_space<vmem>>, vector<16xf32>,
      tpu.vector_store %arg21[%swap3A_245], %mul3A_244 {strides = array<i32>} : memref<128xf32, #tpu.memory_space<vmem>>, vector<16xf32>,
      %mul3A_247 = arith.mulf %sub3A_169, %sub3A_161 : vector<16xf32>
      %and3A_248 = arith.andi %and3A_188, %and3A_181 : vector<16xi1>
      %jit3A_249 = arith.constant 1.000000e+00 : f32
      %jit3A_250 = arith.constant 0.000000e+00 : f32
      %broadcast_in_dim3A_251 = vector.broadcast %jit3A_249 : f32 to vector<16xf32>
      %broadcast_in_dim3A_252 = vector.broadcast %jit3A_250 : f32 to vector<16xf32>
      %select_n3A_253 = arith.select %and3A_248, %broadcast_in_dim3A_251, %broadcast_in_dim3A_252 : vector<16xi1>, vector<16xf32>
      %mul3A_254 = arith.mulf %mul3A_247, %select_n3A_253 : vector<16xf32>
      %swap3A_255 = arith.constant 0 : index
      %swap3A_256 = tpu.vector_load %arg22[%swap3A_255] {strides = array<i32>} : memref<128xf32, #tpu.memory_space<vmem>>, vector<16xf32>,
      tpu.vector_store %arg22[%swap3A_255], %mul3A_254 {strides = array<i32>} : memref<128xf32, #tpu.memory_space<vmem>>, vector<16xf32>,
      %mul3A_257 = arith.mulf %sub3A_166, %sub3A_164 : vector<16xf32>
      %and3A_258 = arith.andi %and3A_195, %and3A : vector<16xi1>
      %jit3A_259 = arith.constant 1.000000e+00 : f32
      %jit3A_260 = arith.constant 0.000000e+00 : f32
      %broadcast_in_dim3A_261 = vector.broadcast %jit3A_259 : f32 to vector<16xf32>
      %broadcast_in_dim3A_262 = vector.broadcast %jit3A_260 : f32 to vector<16xf32>
      %select_n3A_263 = arith.select %and3A_258, %broadcast_in_dim3A_261, %broadcast_in_dim3A_262 : vector<16xi1>, vector<16xf32>
      %mul3A_264 = arith.mulf %mul3A_257, %select_n3A_263 : vector<16xf32>
      %swap3A_265 = arith.constant 0 : index
      %swap3A_266 = tpu.vector_load %arg23[%swap3A_265] {strides = array<i32>} : memref<128xf32, #tpu.memory_space<vmem>>, vector<16xf32>,
      tpu.vector_store %arg23[%swap3A_265], %mul3A_264 {strides = array<i32>} : memref<128xf32, #tpu.memory_space<vmem>>, vector<16xf32>,
      %mul3A_267 = arith.mulf %sub3A_166, %sub3A_161 : vector<16xf32>
      %and3A_268 = arith.andi %and3A_195, %and3A_181 : vector<16xi1>
      %jit3A_269 = arith.constant 1.000000e+00 : f32
      %jit3A_270 = arith.constant 0.000000e+00 : f32
      %broadcast_in_dim3A_271 = vector.broadcast %jit3A_269 : f32 to vector<16xf32>
      %broadcast_in_dim3A_272 = vector.broadcast %jit3A_270 : f32 to vector<16xf32>
      %select_n3A_273 = arith.select %and3A_268, %broadcast_in_dim3A_271, %broadcast_in_dim3A_272 : vector<16xi1>, vector<16xf32>
      %mul3A_274 = arith.mulf %mul3A_267, %select_n3A_273 : vector<16xf32>
      %swap3A_275 = arith.constant 0 : index
      %swap3A_276 = tpu.vector_load %arg24[%swap3A_275] {strides = array<i32>} : memref<128xf32, #tpu.memory_space<vmem>>, vector<16xf32>,
      tpu.vector_store %arg24[%swap3A_275], %mul3A_274 {strides = array<i32>} : memref<128xf32, #tpu.memory_space<vmem>>, vector<16xf32>,
      %add3A_277 = arith.constant 16 : i32
      %add3A_278 = arith.addi %mul3A_51, %add3A_277 : i32
      %get3A_279 = arith.index_cast %add3A_278 : i32 to index
      %get3A_280 = tpu.vector_load %arg16[%get3A_279] {strides = array<i32>} : memref<2048xi32, #tpu.memory_space<vmem>>, vector<16xi32>,
      %ge3A_281 = arith.constant 0 : i32
      %ge3A_282 = vector.broadcast %ge3A_281 : i32 to vector<16xi32>
      %ge3A_283 = arith.cmpi sge, %get3A_280, %ge3A_282 : vector<16xi32>
      %jit3A_284 = arith.constant 1.000000e+00 : f32
      %jit3A_285 = arith.constant 0.000000e+00 : f32
      %broadcast_in_dim3A_286 = vector.broadcast %jit3A_284 : f32 to vector<16xf32>
      %broadcast_in_dim3A_287 = vector.broadcast %jit3A_285 : f32 to vector<16xf32>
      %select_n3A_288 = arith.select %ge3A_283, %broadcast_in_dim3A_286, %broadcast_in_dim3A_287 : vector<16xi1>, vector<16xf32>
      %max3A_289 = arith.constant 0 : i32
      %max3A_290 = vector.broadcast %max3A_289 : i32 to vector<16xi32>
      %max3A_291 = arith.maxsi %get3A_280, %max3A_290 : vector<16xi32>
      %mul3A_292 = arith.constant 3 : i32
      %mul3A_293 = vector.broadcast %mul3A_292 : i32 to vector<16xi32>
      %mul3A_294 = arith.muli %max3A_291, %mul3A_293 : vector<16xi32>
      %gather3A_295 = tpu.vector_load_idx %arg13[%mul3A_294] : memref<29928xi32, #tpu.memory_space<vmem>>[vector<16xi32>], vector<16xi32>,
      %mul3A_296 = arith.constant 3 : i32
      %mul3A_297 = vector.broadcast %mul3A_296 : i32 to vector<16xi32>
      %mul3A_298 = arith.muli %max3A_291, %mul3A_297 : vector<16xi32>
      %add3A_299 = arith.constant 1 : i32
      %add3A_300 = vector.broadcast %add3A_299 : i32 to vector<16xi32>
      %add3A_301 = arith.addi %mul3A_298, %add3A_300 : vector<16xi32>
      %gather3A_302 = tpu.vector_load_idx %arg13[%add3A_301] : memref<29928xi32, #tpu.memory_space<vmem>>[vector<16xi32>], vector<16xi32>,
      %mul3A_303 = arith.constant 3 : i32
      %mul3A_304 = vector.broadcast %mul3A_303 : i32 to vector<16xi32>
      %mul3A_305 = arith.muli %max3A_291, %mul3A_304 : vector<16xi32>
      %add3A_306 = arith.constant 2 : i32
      %add3A_307 = vector.broadcast %add3A_306 : i32 to vector<16xi32>
      %add3A_308 = arith.addi %mul3A_305, %add3A_307 : vector<16xi32>
      %gather3A_309 = tpu.vector_load_idx %arg13[%add3A_308] : memref<29928xi32, #tpu.memory_space<vmem>>[vector<16xi32>], vector<16xi32>,
      %gather3A_310 = tpu.vector_load_idx %arg11[%gather3A_295] : memref<5024xf32, #tpu.memory_space<vmem>>[vector<16xi32>], vector<16xf32>,
      %gather3A_311 = tpu.vector_load_idx %arg11[%gather3A_302] : memref<5024xf32, #tpu.memory_space<vmem>>[vector<16xi32>], vector<16xf32>,
      %gather3A_312 = tpu.vector_load_idx %arg11[%gather3A_309] : memref<5024xf32, #tpu.memory_space<vmem>>[vector<16xi32>], vector<16xf32>,
      %gather3A_313 = tpu.vector_load_idx %arg12[%gather3A_295] : memref<5024xf32, #tpu.memory_space<vmem>>[vector<16xi32>], vector<16xf32>,
      %gather3A_314 = tpu.vector_load_idx %arg12[%gather3A_302] : memref<5024xf32, #tpu.memory_space<vmem>>[vector<16xi32>], vector<16xf32>,
      %gather3A_315 = tpu.vector_load_idx %arg12[%gather3A_309] : memref<5024xf32, #tpu.memory_space<vmem>>[vector<16xi32>], vector<16xf32>,
      %add3A_316 = arith.constant 16 : i32
      %add3A_317 = arith.addi %mul3A_51, %add3A_316 : i32
      %mul3A_318 = arith.constant 3 : i32
      %mul3A_319 = arith.muli %add3A_317, %mul3A_318 : i32
      %add3A_320 = vector.broadcast %mul3A_319 : i32 to vector<16xi32>
      %add3A_321 = arith.addi %mul3A_40, %add3A_320 : vector<16xi32>
      %gather3A_322 = tpu.vector_load_idx %arg17[%add3A_321] : memref<6144xf32, #tpu.memory_space<vmem>>[vector<16xi32>], vector<16xf32>,
      %add3A_323 = arith.constant 1 : i32
      %add3A_324 = arith.addi %mul3A_319, %add3A_323 : i32
      %add3A_325 = vector.broadcast %add3A_324 : i32 to vector<16xi32>
      %add3A_326 = arith.addi %mul3A_40, %add3A_325 : vector<16xi32>
      %gather3A_327 = tpu.vector_load_idx %arg17[%add3A_326] : memref<6144xf32, #tpu.memory_space<vmem>>[vector<16xi32>], vector<16xf32>,
      %add3A_328 = arith.constant 2 : i32
      %add3A_329 = arith.addi %mul3A_319, %add3A_328 : i32
      %add3A_330 = vector.broadcast %add3A_329 : i32 to vector<16xi32>
      %add3A_331 = arith.addi %mul3A_40, %add3A_330 : vector<16xi32>
      %gather3A_332 = tpu.vector_load_idx %arg17[%add3A_331] : memref<6144xf32, #tpu.memory_space<vmem>>[vector<16xi32>], vector<16xf32>,
      %mul3A_333 = arith.mulf %gather3A_322, %gather3A_310 : vector<16xf32>
      %mul3A_334 = arith.mulf %gather3A_327, %gather3A_311 : vector<16xf32>
      %add3A_335 = arith.addf %mul3A_333, %mul3A_334 : vector<16xf32>
      %mul3A_336 = arith.mulf %gather3A_332, %gather3A_312 : vector<16xf32>
      %add3A_337 = arith.addf %add3A_335, %mul3A_336 : vector<16xf32>
      %mul3A_338 = arith.mulf %add3A_337, %select_n3A_288 : vector<16xf32>
      %mul3A_339 = arith.mulf %gather3A_322, %gather3A_313 : vector<16xf32>
      %mul3A_340 = arith.mulf %gather3A_327, %gather3A_314 : vector<16xf32>
      %add3A_341 = arith.addf %mul3A_339, %mul3A_340 : vector<16xf32>
      %mul3A_342 = arith.mulf %gather3A_332, %gather3A_315 : vector<16xf32>
      %add3A_343 = arith.addf %add3A_341, %mul3A_342 : vector<16xf32>
      %mul3A_344 = arith.mulf %add3A_343, %select_n3A_288 : vector<16xf32>
      %add3A_345 = arith.constant 1.000000e+00 : f32
      %add3A_346 = vector.broadcast %add3A_345 : f32 to vector<16xf32>
      %add3A_347 = arith.addf %mul3A_338, %add3A_346 : vector<16xf32>
      %mul3A_348 = arith.constant 2.240000e+02 : f32
      %mul3A_349 = vector.broadcast %mul3A_348 : f32 to vector<16xf32>
      %mul3A_350 = arith.mulf %add3A_347, %mul3A_349 : vector<16xf32>
      %sub3A_351 = arith.constant 1.000000e+00 : f32
      %sub3A_352 = vector.broadcast %sub3A_351 : f32 to vector<16xf32>
      %sub3A_353 = arith.subf %mul3A_350, %sub3A_352 : vector<16xf32>
      %mul3A_354 = arith.constant 5.000000e-01 : f32
      %mul3A_355 = vector.broadcast %mul3A_354 : f32 to vector<16xf32>
      %mul3A_356 = arith.mulf %sub3A_353, %mul3A_355 : vector<16xf32>
      %jit3A_357 = arith.constant -8.000000e+00 : f32
      %jit3A_358 = arith.constant 2.320000e+02 : f32
      %max3A_359 = vector.broadcast %jit3A_357 : f32 to vector<16xf32>
      %max3A_360 = arith.maximumf %max3A_359, %mul3A_356 : vector<16xf32>
      %min3A_361 = vector.broadcast %jit3A_358 : f32 to vector<16xf32>
      %min3A_362 = arith.minimumf %min3A_361, %max3A_360 : vector<16xf32>
      %add3A_363 = arith.constant 1.000000e+00 : f32
      %add3A_364 = vector.broadcast %add3A_363 : f32 to vector<16xf32>
      %add3A_365 = arith.addf %mul3A_344, %add3A_364 : vector<16xf32>
      %mul3A_366 = arith.constant 2.240000e+02 : f32
      %mul3A_367 = vector.broadcast %mul3A_366 : f32 to vector<16xf32>
      %mul3A_368 = arith.mulf %add3A_365, %mul3A_367 : vector<16xf32>
      %sub3A_369 = arith.constant 1.000000e+00 : f32
      %sub3A_370 = vector.broadcast %sub3A_369 : f32 to vector<16xf32>
      %sub3A_371 = arith.subf %mul3A_368, %sub3A_370 : vector<16xf32>
      %mul3A_372 = arith.constant 5.000000e-01 : f32
      %mul3A_373 = vector.broadcast %mul3A_372 : f32 to vector<16xf32>
      %mul3A_374 = arith.mulf %sub3A_371, %mul3A_373 : vector<16xf32>
      %jit3A_375 = arith.constant -8.000000e+00 : f32
      %jit3A_376 = arith.constant 2.320000e+02 : f32
      %max3A_377 = vector.broadcast %jit3A_375 : f32 to vector<16xf32>
      %max3A_378 = arith.maximumf %max3A_377, %mul3A_374 : vector<16xf32>
      %min3A_379 = vector.broadcast %jit3A_376 : f32 to vector<16xf32>
      %min3A_380 = arith.minimumf %min3A_379, %max3A_378 : vector<16xf32>
      %convert_element_type3A_381 = arith.fptosi %min3A_362 : vector<16xf32> to vector<16xi32>
      %convert_element_type3A_382 = arith.sitofp %convert_element_type3A_381 : vector<16xi32> to vector<16xf32>
      %gt3A_383 = arith.cmpf ogt, %convert_element_type3A_382, %min3A_362 : vector<16xf32>
      %sub3A_384 = arith.constant 1 : i32
      %sub3A_385 = vector.broadcast %sub3A_384 : i32 to vector<16xi32>
      %sub3A_386 = arith.subi %convert_element_type3A_381, %sub3A_385 : vector<16xi32>
      %select_n3A_387 = arith.select %gt3A_383, %sub3A_386, %convert_element_type3A_381 : vector<16xi1>, vector<16xi32>
      %convert_element_type3A_388 = arith.fptosi %min3A_380 : vector<16xf32> to vector<16xi32>
      %convert_element_type3A_389 = arith.sitofp %convert_element_type3A_388 : vector<16xi32> to vector<16xf32>
      %gt3A_390 = arith.cmpf ogt, %convert_element_type3A_389, %min3A_380 : vector<16xf32>
      %sub3A_391 = arith.constant 1 : i32
      %sub3A_392 = vector.broadcast %sub3A_391 : i32 to vector<16xi32>
      %sub3A_393 = arith.subi %convert_element_type3A_388, %sub3A_392 : vector<16xi32>
      %select_n3A_394 = arith.select %gt3A_390, %sub3A_393, %convert_element_type3A_388 : vector<16xi1>, vector<16xi32>
      %convert_element_type3A_395 = arith.sitofp %select_n3A_387 : vector<16xi32> to vector<16xf32>
      %sub3A_396 = arith.subf %min3A_362, %convert_element_type3A_395 : vector<16xf32>
      %sub3A_397 = arith.constant 1.000000e+00 : f32
      %sub3A_398 = vector.broadcast %sub3A_397 : f32 to vector<16xf32>
      %sub3A_399 = arith.subf %sub3A_398, %sub3A_396 : vector<16xf32>
      %convert_element_type3A_400 = arith.sitofp %select_n3A_394 : vector<16xi32> to vector<16xf32>
      %sub3A_401 = arith.subf %min3A_380, %convert_element_type3A_400 : vector<16xf32>
      %sub3A_402 = arith.constant 1.000000e+00 : f32
      %sub3A_403 = vector.broadcast %sub3A_402 : f32 to vector<16xf32>
      %sub3A_404 = arith.subf %sub3A_403, %sub3A_401 : vector<16xf32>
      %ge3A_405 = arith.constant 0 : i32
      %ge3A_406 = vector.broadcast %ge3A_405 : i32 to vector<16xi32>
      %ge3A_407 = arith.cmpi sge, %select_n3A_387, %ge3A_406 : vector<16xi32>
      %le3A_408 = arith.constant 223 : i32
      %le3A_409 = vector.broadcast %le3A_408 : i32 to vector<16xi32>
      %le3A_410 = arith.cmpi sle, %select_n3A_387, %le3A_409 : vector<16xi32>
      %and3A_411 = arith.andi %ge3A_407, %le3A_410 : vector<16xi1>
      %ge3A_412 = arith.constant -1 : i32
      %ge3A_413 = vector.broadcast %ge3A_412 : i32 to vector<16xi32>
      %ge3A_414 = arith.cmpi sge, %select_n3A_387, %ge3A_413 : vector<16xi32>
      %le3A_415 = arith.constant 222 : i32
      %le3A_416 = vector.broadcast %le3A_415 : i32 to vector<16xi32>
      %le3A_417 = arith.cmpi sle, %select_n3A_387, %le3A_416 : vector<16xi32>
      %and3A_418 = arith.andi %ge3A_414, %le3A_417 : vector<16xi1>
      %ge3A_419 = arith.constant 0 : i32
      %ge3A_420 = vector.broadcast %ge3A_419 : i32 to vector<16xi32>
      %ge3A_421 = arith.cmpi sge, %select_n3A_394, %ge3A_420 : vector<16xi32>
      %le3A_422 = arith.constant 223 : i32
      %le3A_423 = vector.broadcast %le3A_422 : i32 to vector<16xi32>
      %le3A_424 = arith.cmpi sle, %select_n3A_394, %le3A_423 : vector<16xi32>
      %and3A_425 = arith.andi %ge3A_421, %le3A_424 : vector<16xi1>
      %ge3A_426 = arith.constant -1 : i32
      %ge3A_427 = vector.broadcast %ge3A_426 : i32 to vector<16xi32>
      %ge3A_428 = arith.cmpi sge, %select_n3A_394, %ge3A_427 : vector<16xi32>
      %le3A_429 = arith.constant 222 : i32
      %le3A_430 = vector.broadcast %le3A_429 : i32 to vector<16xi32>
      %le3A_431 = arith.cmpi sle, %select_n3A_394, %le3A_430 : vector<16xi32>
      %and3A_432 = arith.andi %ge3A_428, %le3A_431 : vector<16xi1>
      %jit3A_433 = arith.constant 0 : i32
      %jit3A_434 = arith.constant 223 : i32
      %max3A_435 = vector.broadcast %jit3A_433 : i32 to vector<16xi32>
      %max3A_436 = arith.maxsi %max3A_435, %select_n3A_387 : vector<16xi32>
      %min3A_437 = vector.broadcast %jit3A_434 : i32 to vector<16xi32>
      %min3A_438 = arith.minsi %min3A_437, %max3A_436 : vector<16xi32>
      %jit3A_439 = arith.constant 0 : i32
      %jit3A_440 = arith.constant 223 : i32
      %max3A_441 = vector.broadcast %jit3A_439 : i32 to vector<16xi32>
      %max3A_442 = arith.maxsi %max3A_441, %select_n3A_394 : vector<16xi32>
      %min3A_443 = vector.broadcast %jit3A_440 : i32 to vector<16xi32>
      %min3A_444 = arith.minsi %min3A_443, %max3A_442 : vector<16xi32>
      %mul3A_445 = arith.constant 224 : i32
      %mul3A_446 = vector.broadcast %mul3A_445 : i32 to vector<16xi32>
      %mul3A_447 = arith.muli %min3A_444, %mul3A_446 : vector<16xi32>
      %add3A_448 = arith.constant 1 : i32
      %add3A_449 = vector.broadcast %add3A_448 : i32 to vector<16xi32>
      %add3A_450 = arith.addi %select_n3A_394, %add3A_449 : vector<16xi32>
      %jit3A_451 = arith.constant 0 : i32
      %jit3A_452 = arith.constant 223 : i32
      %max3A_453 = vector.broadcast %jit3A_451 : i32 to vector<16xi32>
      %max3A_454 = arith.maxsi %max3A_453, %add3A_450 : vector<16xi32>
      %min3A_455 = vector.broadcast %jit3A_452 : i32 to vector<16xi32>
      %min3A_456 = arith.minsi %min3A_455, %max3A_454 : vector<16xi32>
      %mul3A_457 = arith.constant 224 : i32
      %mul3A_458 = vector.broadcast %mul3A_457 : i32 to vector<16xi32>
      %mul3A_459 = arith.muli %min3A_456, %mul3A_458 : vector<16xi32>
      %add3A_460 = arith.addi %mul3A_447, %min3A_438 : vector<16xi32>
      %swap3A_461 = arith.constant 16 : index
      %swap3A_462 = tpu.vector_load %arg19[%swap3A_461] {strides = array<i32>} : memref<128xi32, #tpu.memory_space<vmem>>, vector<16xi32>,
      tpu.vector_store %arg19[%swap3A_461], %add3A_460 {strides = array<i32>} : memref<128xi32, #tpu.memory_space<vmem>>, vector<16xi32>,
      %add3A_463 = arith.addi %mul3A_459, %min3A_438 : vector<16xi32>
      %swap3A_464 = arith.constant 16 : index
      %swap3A_465 = tpu.vector_load %arg20[%swap3A_464] {strides = array<i32>} : memref<128xi32, #tpu.memory_space<vmem>>, vector<16xi32>,
      tpu.vector_store %arg20[%swap3A_464], %add3A_463 {strides = array<i32>} : memref<128xi32, #tpu.memory_space<vmem>>, vector<16xi32>,
      %eq3A_466 = arith.constant -1 : i32
      %eq3A_467 = vector.broadcast %eq3A_466 : i32 to vector<16xi32>
      %eq3A_468 = arith.cmpi eq, %select_n3A_387, %eq3A_467 : vector<16xi32>
      %jit3A_469 = arith.constant 1.000000e+00 : f32
      %jit3A_470 = arith.constant 0.000000e+00 : f32
      %broadcast_in_dim3A_471 = vector.broadcast %jit3A_469 : f32 to vector<16xf32>
      %broadcast_in_dim3A_472 = vector.broadcast %jit3A_470 : f32 to vector<16xf32>
      %select_n3A_473 = arith.select %eq3A_468, %broadcast_in_dim3A_471, %broadcast_in_dim3A_472 : vector<16xi1>, vector<16xf32>
      %swap3A_474 = arith.constant 16 : index
      %swap3A_475 = tpu.vector_load %arg25[%swap3A_474] {strides = array<i32>} : memref<128xf32, #tpu.memory_space<vmem>>, vector<16xf32>,
      tpu.vector_store %arg25[%swap3A_474], %select_n3A_473 {strides = array<i32>} : memref<128xf32, #tpu.memory_space<vmem>>, vector<16xf32>,
      %mul3A_476 = arith.mulf %sub3A_404, %sub3A_399 : vector<16xf32>
      %and3A_477 = arith.andi %and3A_425, %and3A_411 : vector<16xi1>
      %jit3A_478 = arith.constant 1.000000e+00 : f32
      %jit3A_479 = arith.constant 0.000000e+00 : f32
      %broadcast_in_dim3A_480 = vector.broadcast %jit3A_478 : f32 to vector<16xf32>
      %broadcast_in_dim3A_481 = vector.broadcast %jit3A_479 : f32 to vector<16xf32>
      %select_n3A_482 = arith.select %and3A_477, %broadcast_in_dim3A_480, %broadcast_in_dim3A_481 : vector<16xi1>, vector<16xf32>
      %mul3A_483 = arith.mulf %mul3A_476, %select_n3A_482 : vector<16xf32>
      %swap3A_484 = arith.constant 16 : index
      %swap3A_485 = tpu.vector_load %arg21[%swap3A_484] {strides = array<i32>} : memref<128xf32, #tpu.memory_space<vmem>>, vector<16xf32>,
      tpu.vector_store %arg21[%swap3A_484], %mul3A_483 {strides = array<i32>} : memref<128xf32, #tpu.memory_space<vmem>>, vector<16xf32>,
      %mul3A_486 = arith.mulf %sub3A_404, %sub3A_396 : vector<16xf32>
      %and3A_487 = arith.andi %and3A_425, %and3A_418 : vector<16xi1>
      %jit3A_488 = arith.constant 1.000000e+00 : f32
      %jit3A_489 = arith.constant 0.000000e+00 : f32
      %broadcast_in_dim3A_490 = vector.broadcast %jit3A_488 : f32 to vector<16xf32>
      %broadcast_in_dim3A_491 = vector.broadcast %jit3A_489 : f32 to vector<16xf32>
      %select_n3A_492 = arith.select %and3A_487, %broadcast_in_dim3A_490, %broadcast_in_dim3A_491 : vector<16xi1>, vector<16xf32>
      %mul3A_493 = arith.mulf %mul3A_486, %select_n3A_492 : vector<16xf32>
      %swap3A_494 = arith.constant 16 : index
      %swap3A_495 = tpu.vector_load %arg22[%swap3A_494] {strides = array<i32>} : memref<128xf32, #tpu.memory_space<vmem>>, vector<16xf32>,
      tpu.vector_store %arg22[%swap3A_494], %mul3A_493 {strides = array<i32>} : memref<128xf32, #tpu.memory_space<vmem>>, vector<16xf32>,
      %mul3A_496 = arith.mulf %sub3A_401, %sub3A_399 : vector<16xf32>
      %and3A_497 = arith.andi %and3A_432, %and3A_411 : vector<16xi1>
      %jit3A_498 = arith.constant 1.000000e+00 : f32
      %jit3A_499 = arith.constant 0.000000e+00 : f32
      %broadcast_in_dim3A_500 = vector.broadcast %jit3A_498 : f32 to vector<16xf32>
      %broadcast_in_dim3A_501 = vector.broadcast %jit3A_499 : f32 to vector<16xf32>
      %select_n3A_502 = arith.select %and3A_497, %broadcast_in_dim3A_500, %broadcast_in_dim3A_501 : vector<16xi1>, vector<16xf32>
      %mul3A_503 = arith.mulf %mul3A_496, %select_n3A_502 : vector<16xf32>
      %swap3A_504 = arith.constant 16 : index
      %swap3A_505 = tpu.vector_load %arg23[%swap3A_504] {strides = array<i32>} : memref<128xf32, #tpu.memory_space<vmem>>, vector<16xf32>,
      tpu.vector_store %arg23[%swap3A_504], %mul3A_503 {strides = array<i32>} : memref<128xf32, #tpu.memory_space<vmem>>, vector<16xf32>,
      %mul3A_506 = arith.mulf %sub3A_401, %sub3A_396 : vector<16xf32>
      %and3A_507 = arith.andi %and3A_432, %and3A_418 : vector<16xi1>
      %jit3A_508 = arith.constant 1.000000e+00 : f32
      %jit3A_509 = arith.constant 0.000000e+00 : f32
      %broadcast_in_dim3A_510 = vector.broadcast %jit3A_508 : f32 to vector<16xf32>
      %broadcast_in_dim3A_511 = vector.broadcast %jit3A_509 : f32 to vector<16xf32>
      %select_n3A_512 = arith.select %and3A_507, %broadcast_in_dim3A_510, %broadcast_in_dim3A_511 : vector<16xi1>, vector<16xf32>
      %mul3A_513 = arith.mulf %mul3A_506, %select_n3A_512 : vector<16xf32>
      %swap3A_514 = arith.constant 16 : index
      %swap3A_515 = tpu.vector_load %arg24[%swap3A_514] {strides = array<i32>} : memref<128xf32, #tpu.memory_space<vmem>>, vector<16xf32>,
      tpu.vector_store %arg24[%swap3A_514], %mul3A_513 {strides = array<i32>} : memref<128xf32, #tpu.memory_space<vmem>>, vector<16xf32>,
      %add3A_516 = arith.constant 32 : i32
      %add3A_517 = arith.addi %mul3A_51, %add3A_516 : i32
      %get3A_518 = arith.index_cast %add3A_517 : i32 to index
      %get3A_519 = tpu.vector_load %arg16[%get3A_518] {strides = array<i32>} : memref<2048xi32, #tpu.memory_space<vmem>>, vector<16xi32>,
      %ge3A_520 = arith.constant 0 : i32
      %ge3A_521 = vector.broadcast %ge3A_520 : i32 to vector<16xi32>
      %ge3A_522 = arith.cmpi sge, %get3A_519, %ge3A_521 : vector<16xi32>
      %jit3A_523 = arith.constant 1.000000e+00 : f32
      %jit3A_524 = arith.constant 0.000000e+00 : f32
      %broadcast_in_dim3A_525 = vector.broadcast %jit3A_523 : f32 to vector<16xf32>
      %broadcast_in_dim3A_526 = vector.broadcast %jit3A_524 : f32 to vector<16xf32>
      %select_n3A_527 = arith.select %ge3A_522, %broadcast_in_dim3A_525, %broadcast_in_dim3A_526 : vector<16xi1>, vector<16xf32>
      %max3A_528 = arith.constant 0 : i32
      %max3A_529 = vector.broadcast %max3A_528 : i32 to vector<16xi32>
      %max3A_530 = arith.maxsi %get3A_519, %max3A_529 : vector<16xi32>
      %mul3A_531 = arith.constant 3 : i32
      %mul3A_532 = vector.broadcast %mul3A_531 : i32 to vector<16xi32>
      %mul3A_533 = arith.muli %max3A_530, %mul3A_532 : vector<16xi32>
      %gather3A_534 = tpu.vector_load_idx %arg13[%mul3A_533] : memref<29928xi32, #tpu.memory_space<vmem>>[vector<16xi32>], vector<16xi32>,
      %mul3A_535 = arith.constant 3 : i32
      %mul3A_536 = vector.broadcast %mul3A_535 : i32 to vector<16xi32>
      %mul3A_537 = arith.muli %max3A_530, %mul3A_536 : vector<16xi32>
      %add3A_538 = arith.constant 1 : i32
      %add3A_539 = vector.broadcast %add3A_538 : i32 to vector<16xi32>
      %add3A_540 = arith.addi %mul3A_537, %add3A_539 : vector<16xi32>
      %gather3A_541 = tpu.vector_load_idx %arg13[%add3A_540] : memref<29928xi32, #tpu.memory_space<vmem>>[vector<16xi32>], vector<16xi32>,
      %mul3A_542 = arith.constant 3 : i32
      %mul3A_543 = vector.broadcast %mul3A_542 : i32 to vector<16xi32>
      %mul3A_544 = arith.muli %max3A_530, %mul3A_543 : vector<16xi32>
      %add3A_545 = arith.constant 2 : i32
      %add3A_546 = vector.broadcast %add3A_545 : i32 to vector<16xi32>
      %add3A_547 = arith.addi %mul3A_544, %add3A_546 : vector<16xi32>
      %gather3A_548 = tpu.vector_load_idx %arg13[%add3A_547] : memref<29928xi32, #tpu.memory_space<vmem>>[vector<16xi32>], vector<16xi32>,
      %gather3A_549 = tpu.vector_load_idx %arg11[%gather3A_534] : memref<5024xf32, #tpu.memory_space<vmem>>[vector<16xi32>], vector<16xf32>,
      %gather3A_550 = tpu.vector_load_idx %arg11[%gather3A_541] : memref<5024xf32, #tpu.memory_space<vmem>>[vector<16xi32>], vector<16xf32>,
      %gather3A_551 = tpu.vector_load_idx %arg11[%gather3A_548] : memref<5024xf32, #tpu.memory_space<vmem>>[vector<16xi32>], vector<16xf32>,
      %gather3A_552 = tpu.vector_load_idx %arg12[%gather3A_534] : memref<5024xf32, #tpu.memory_space<vmem>>[vector<16xi32>], vector<16xf32>,
      %gather3A_553 = tpu.vector_load_idx %arg12[%gather3A_541] : memref<5024xf32, #tpu.memory_space<vmem>>[vector<16xi32>], vector<16xf32>,
      %gather3A_554 = tpu.vector_load_idx %arg12[%gather3A_548] : memref<5024xf32, #tpu.memory_space<vmem>>[vector<16xi32>], vector<16xf32>,
      %add3A_555 = arith.constant 32 : i32
      %add3A_556 = arith.addi %mul3A_51, %add3A_555 : i32
      %mul3A_557 = arith.constant 3 : i32
      %mul3A_558 = arith.muli %add3A_556, %mul3A_557 : i32
      %add3A_559 = vector.broadcast %mul3A_558 : i32 to vector<16xi32>
      %add3A_560 = arith.addi %mul3A_40, %add3A_559 : vector<16xi32>
      %gather3A_561 = tpu.vector_load_idx %arg17[%add3A_560] : memref<6144xf32, #tpu.memory_space<vmem>>[vector<16xi32>], vector<16xf32>,
      %add3A_562 = arith.constant 1 : i32
      %add3A_563 = arith.addi %mul3A_558, %add3A_562 : i32
      %add3A_564 = vector.broadcast %add3A_563 : i32 to vector<16xi32>
      %add3A_565 = arith.addi %mul3A_40, %add3A_564 : vector<16xi32>
      %gather3A_566 = tpu.vector_load_idx %arg17[%add3A_565] : memref<6144xf32, #tpu.memory_space<vmem>>[vector<16xi32>], vector<16xf32>,
      %add3A_567 = arith.constant 2 : i32
      %add3A_568 = arith.addi %mul3A_558, %add3A_567 : i32
      %add3A_569 = vector.broadcast %add3A_568 : i32 to vector<16xi32>
      %add3A_570 = arith.addi %mul3A_40, %add3A_569 : vector<16xi32>
      %gather3A_571 = tpu.vector_load_idx %arg17[%add3A_570] : memref<6144xf32, #tpu.memory_space<vmem>>[vector<16xi32>], vector<16xf32>,
      %mul3A_572 = arith.mulf %gather3A_561, %gather3A_549 : vector<16xf32>
      %mul3A_573 = arith.mulf %gather3A_566, %gather3A_550 : vector<16xf32>
      %add3A_574 = arith.addf %mul3A_572, %mul3A_573 : vector<16xf32>
      %mul3A_575 = arith.mulf %gather3A_571, %gather3A_551 : vector<16xf32>
      %add3A_576 = arith.addf %add3A_574, %mul3A_575 : vector<16xf32>
      %mul3A_577 = arith.mulf %add3A_576, %select_n3A_527 : vector<16xf32>
      %mul3A_578 = arith.mulf %gather3A_561, %gather3A_552 : vector<16xf32>
      %mul3A_579 = arith.mulf %gather3A_566, %gather3A_553 : vector<16xf32>
      %add3A_580 = arith.addf %mul3A_578, %mul3A_579 : vector<16xf32>
      %mul3A_581 = arith.mulf %gather3A_571, %gather3A_554 : vector<16xf32>
      %add3A_582 = arith.addf %add3A_580, %mul3A_581 : vector<16xf32>
      %mul3A_583 = arith.mulf %add3A_582, %select_n3A_527 : vector<16xf32>
      %add3A_584 = arith.constant 1.000000e+00 : f32
      %add3A_585 = vector.broadcast %add3A_584 : f32 to vector<16xf32>
      %add3A_586 = arith.addf %mul3A_577, %add3A_585 : vector<16xf32>
      %mul3A_587 = arith.constant 2.240000e+02 : f32
      %mul3A_588 = vector.broadcast %mul3A_587 : f32 to vector<16xf32>
      %mul3A_589 = arith.mulf %add3A_586, %mul3A_588 : vector<16xf32>
      %sub3A_590 = arith.constant 1.000000e+00 : f32
      %sub3A_591 = vector.broadcast %sub3A_590 : f32 to vector<16xf32>
      %sub3A_592 = arith.subf %mul3A_589, %sub3A_591 : vector<16xf32>
      %mul3A_593 = arith.constant 5.000000e-01 : f32
      %mul3A_594 = vector.broadcast %mul3A_593 : f32 to vector<16xf32>
      %mul3A_595 = arith.mulf %sub3A_592, %mul3A_594 : vector<16xf32>
      %jit3A_596 = arith.constant -8.000000e+00 : f32
      %jit3A_597 = arith.constant 2.320000e+02 : f32
      %max3A_598 = vector.broadcast %jit3A_596 : f32 to vector<16xf32>
      %max3A_599 = arith.maximumf %max3A_598, %mul3A_595 : vector<16xf32>
      %min3A_600 = vector.broadcast %jit3A_597 : f32 to vector<16xf32>
      %min3A_601 = arith.minimumf %min3A_600, %max3A_599 : vector<16xf32>
      %add3A_602 = arith.constant 1.000000e+00 : f32
      %add3A_603 = vector.broadcast %add3A_602 : f32 to vector<16xf32>
      %add3A_604 = arith.addf %mul3A_583, %add3A_603 : vector<16xf32>
      %mul3A_605 = arith.constant 2.240000e+02 : f32
      %mul3A_606 = vector.broadcast %mul3A_605 : f32 to vector<16xf32>
      %mul3A_607 = arith.mulf %add3A_604, %mul3A_606 : vector<16xf32>
      %sub3A_608 = arith.constant 1.000000e+00 : f32
      %sub3A_609 = vector.broadcast %sub3A_608 : f32 to vector<16xf32>
      %sub3A_610 = arith.subf %mul3A_607, %sub3A_609 : vector<16xf32>
      %mul3A_611 = arith.constant 5.000000e-01 : f32
      %mul3A_612 = vector.broadcast %mul3A_611 : f32 to vector<16xf32>
      %mul3A_613 = arith.mulf %sub3A_610, %mul3A_612 : vector<16xf32>
      %jit3A_614 = arith.constant -8.000000e+00 : f32
      %jit3A_615 = arith.constant 2.320000e+02 : f32
      %max3A_616 = vector.broadcast %jit3A_614 : f32 to vector<16xf32>
      %max3A_617 = arith.maximumf %max3A_616, %mul3A_613 : vector<16xf32>
      %min3A_618 = vector.broadcast %jit3A_615 : f32 to vector<16xf32>
      %min3A_619 = arith.minimumf %min3A_618, %max3A_617 : vector<16xf32>
      %convert_element_type3A_620 = arith.fptosi %min3A_601 : vector<16xf32> to vector<16xi32>
      %convert_element_type3A_621 = arith.sitofp %convert_element_type3A_620 : vector<16xi32> to vector<16xf32>
      %gt3A_622 = arith.cmpf ogt, %convert_element_type3A_621, %min3A_601 : vector<16xf32>
      %sub3A_623 = arith.constant 1 : i32
      %sub3A_624 = vector.broadcast %sub3A_623 : i32 to vector<16xi32>
      %sub3A_625 = arith.subi %convert_element_type3A_620, %sub3A_624 : vector<16xi32>
      %select_n3A_626 = arith.select %gt3A_622, %sub3A_625, %convert_element_type3A_620 : vector<16xi1>, vector<16xi32>
      %convert_element_type3A_627 = arith.fptosi %min3A_619 : vector<16xf32> to vector<16xi32>
      %convert_element_type3A_628 = arith.sitofp %convert_element_type3A_627 : vector<16xi32> to vector<16xf32>
      %gt3A_629 = arith.cmpf ogt, %convert_element_type3A_628, %min3A_619 : vector<16xf32>
      %sub3A_630 = arith.constant 1 : i32
      %sub3A_631 = vector.broadcast %sub3A_630 : i32 to vector<16xi32>
      %sub3A_632 = arith.subi %convert_element_type3A_627, %sub3A_631 : vector<16xi32>
      %select_n3A_633 = arith.select %gt3A_629, %sub3A_632, %convert_element_type3A_627 : vector<16xi1>, vector<16xi32>
      %convert_element_type3A_634 = arith.sitofp %select_n3A_626 : vector<16xi32> to vector<16xf32>
      %sub3A_635 = arith.subf %min3A_601, %convert_element_type3A_634 : vector<16xf32>
      %sub3A_636 = arith.constant 1.000000e+00 : f32
      %sub3A_637 = vector.broadcast %sub3A_636 : f32 to vector<16xf32>
      %sub3A_638 = arith.subf %sub3A_637, %sub3A_635 : vector<16xf32>
      %convert_element_type3A_639 = arith.sitofp %select_n3A_633 : vector<16xi32> to vector<16xf32>
      %sub3A_640 = arith.subf %min3A_619, %convert_element_type3A_639 : vector<16xf32>
      %sub3A_641 = arith.constant 1.000000e+00 : f32
      %sub3A_642 = vector.broadcast %sub3A_641 : f32 to vector<16xf32>
      %sub3A_643 = arith.subf %sub3A_642, %sub3A_640 : vector<16xf32>
      %ge3A_644 = arith.constant 0 : i32
      %ge3A_645 = vector.broadcast %ge3A_644 : i32 to vector<16xi32>
      %ge3A_646 = arith.cmpi sge, %select_n3A_626, %ge3A_645 : vector<16xi32>
      %le3A_647 = arith.constant 223 : i32
      %le3A_648 = vector.broadcast %le3A_647 : i32 to vector<16xi32>
      %le3A_649 = arith.cmpi sle, %select_n3A_626, %le3A_648 : vector<16xi32>
      %and3A_650 = arith.andi %ge3A_646, %le3A_649 : vector<16xi1>
      %ge3A_651 = arith.constant -1 : i32
      %ge3A_652 = vector.broadcast %ge3A_651 : i32 to vector<16xi32>
      %ge3A_653 = arith.cmpi sge, %select_n3A_626, %ge3A_652 : vector<16xi32>
      %le3A_654 = arith.constant 222 : i32
      %le3A_655 = vector.broadcast %le3A_654 : i32 to vector<16xi32>
      %le3A_656 = arith.cmpi sle, %select_n3A_626, %le3A_655 : vector<16xi32>
      %and3A_657 = arith.andi %ge3A_653, %le3A_656 : vector<16xi1>
      %ge3A_658 = arith.constant 0 : i32
      %ge3A_659 = vector.broadcast %ge3A_658 : i32 to vector<16xi32>
      %ge3A_660 = arith.cmpi sge, %select_n3A_633, %ge3A_659 : vector<16xi32>
      %le3A_661 = arith.constant 223 : i32
      %le3A_662 = vector.broadcast %le3A_661 : i32 to vector<16xi32>
      %le3A_663 = arith.cmpi sle, %select_n3A_633, %le3A_662 : vector<16xi32>
      %and3A_664 = arith.andi %ge3A_660, %le3A_663 : vector<16xi1>
      %ge3A_665 = arith.constant -1 : i32
      %ge3A_666 = vector.broadcast %ge3A_665 : i32 to vector<16xi32>
      %ge3A_667 = arith.cmpi sge, %select_n3A_633, %ge3A_666 : vector<16xi32>
      %le3A_668 = arith.constant 222 : i32
      %le3A_669 = vector.broadcast %le3A_668 : i32 to vector<16xi32>
      %le3A_670 = arith.cmpi sle, %select_n3A_633, %le3A_669 : vector<16xi32>
      %and3A_671 = arith.andi %ge3A_667, %le3A_670 : vector<16xi1>
      %jit3A_672 = arith.constant 0 : i32
      %jit3A_673 = arith.constant 223 : i32
      %max3A_674 = vector.broadcast %jit3A_672 : i32 to vector<16xi32>
      %max3A_675 = arith.maxsi %max3A_674, %select_n3A_626 : vector<16xi32>
      %min3A_676 = vector.broadcast %jit3A_673 : i32 to vector<16xi32>
      %min3A_677 = arith.minsi %min3A_676, %max3A_675 : vector<16xi32>
      %jit3A_678 = arith.constant 0 : i32
      %jit3A_679 = arith.constant 223 : i32
      %max3A_680 = vector.broadcast %jit3A_678 : i32 to vector<16xi32>
      %max3A_681 = arith.maxsi %max3A_680, %select_n3A_633 : vector<16xi32>
      %min3A_682 = vector.broadcast %jit3A_679 : i32 to vector<16xi32>
      %min3A_683 = arith.minsi %min3A_682, %max3A_681 : vector<16xi32>
      %mul3A_684 = arith.constant 224 : i32
      %mul3A_685 = vector.broadcast %mul3A_684 : i32 to vector<16xi32>
      %mul3A_686 = arith.muli %min3A_683, %mul3A_685 : vector<16xi32>
      %add3A_687 = arith.constant 1 : i32
      %add3A_688 = vector.broadcast %add3A_687 : i32 to vector<16xi32>
      %add3A_689 = arith.addi %select_n3A_633, %add3A_688 : vector<16xi32>
      %jit3A_690 = arith.constant 0 : i32
      %jit3A_691 = arith.constant 223 : i32
      %max3A_692 = vector.broadcast %jit3A_690 : i32 to vector<16xi32>
      %max3A_693 = arith.maxsi %max3A_692, %add3A_689 : vector<16xi32>
      %min3A_694 = vector.broadcast %jit3A_691 : i32 to vector<16xi32>
      %min3A_695 = arith.minsi %min3A_694, %max3A_693 : vector<16xi32>
      %mul3A_696 = arith.constant 224 : i32
      %mul3A_697 = vector.broadcast %mul3A_696 : i32 to vector<16xi32>
      %mul3A_698 = arith.muli %min3A_695, %mul3A_697 : vector<16xi32>
      %add3A_699 = arith.addi %mul3A_686, %min3A_677 : vector<16xi32>
      %swap3A_700 = arith.constant 32 : index
      %swap3A_701 = tpu.vector_load %arg19[%swap3A_700] {strides = array<i32>} : memref<128xi32, #tpu.memory_space<vmem>>, vector<16xi32>,
      tpu.vector_store %arg19[%swap3A_700], %add3A_699 {strides = array<i32>} : memref<128xi32, #tpu.memory_space<vmem>>, vector<16xi32>,
      %add3A_702 = arith.addi %mul3A_698, %min3A_677 : vector<16xi32>
      %swap3A_703 = arith.constant 32 : index
      %swap3A_704 = tpu.vector_load %arg20[%swap3A_703] {strides = array<i32>} : memref<128xi32, #tpu.memory_space<vmem>>, vector<16xi32>,
      tpu.vector_store %arg20[%swap3A_703], %add3A_702 {strides = array<i32>} : memref<128xi32, #tpu.memory_space<vmem>>, vector<16xi32>,
      %eq3A_705 = arith.constant -1 : i32
      %eq3A_706 = vector.broadcast %eq3A_705 : i32 to vector<16xi32>
      %eq3A_707 = arith.cmpi eq, %select_n3A_626, %eq3A_706 : vector<16xi32>
      %jit3A_708 = arith.constant 1.000000e+00 : f32
      %jit3A_709 = arith.constant 0.000000e+00 : f32
      %broadcast_in_dim3A_710 = vector.broadcast %jit3A_708 : f32 to vector<16xf32>
      %broadcast_in_dim3A_711 = vector.broadcast %jit3A_709 : f32 to vector<16xf32>
      %select_n3A_712 = arith.select %eq3A_707, %broadcast_in_dim3A_710, %broadcast_in_dim3A_711 : vector<16xi1>, vector<16xf32>
      %swap3A_713 = arith.constant 32 : index
      %swap3A_714 = tpu.vector_load %arg25[%swap3A_713] {strides = array<i32>} : memref<128xf32, #tpu.memory_space<vmem>>, vector<16xf32>,
      tpu.vector_store %arg25[%swap3A_713], %select_n3A_712 {strides = array<i32>} : memref<128xf32, #tpu.memory_space<vmem>>, vector<16xf32>,
      %mul3A_715 = arith.mulf %sub3A_643, %sub3A_638 : vector<16xf32>
      %and3A_716 = arith.andi %and3A_664, %and3A_650 : vector<16xi1>
      %jit3A_717 = arith.constant 1.000000e+00 : f32
      %jit3A_718 = arith.constant 0.000000e+00 : f32
      %broadcast_in_dim3A_719 = vector.broadcast %jit3A_717 : f32 to vector<16xf32>
      %broadcast_in_dim3A_720 = vector.broadcast %jit3A_718 : f32 to vector<16xf32>
      %select_n3A_721 = arith.select %and3A_716, %broadcast_in_dim3A_719, %broadcast_in_dim3A_720 : vector<16xi1>, vector<16xf32>
      %mul3A_722 = arith.mulf %mul3A_715, %select_n3A_721 : vector<16xf32>
      %swap3A_723 = arith.constant 32 : index
      %swap3A_724 = tpu.vector_load %arg21[%swap3A_723] {strides = array<i32>} : memref<128xf32, #tpu.memory_space<vmem>>, vector<16xf32>,
      tpu.vector_store %arg21[%swap3A_723], %mul3A_722 {strides = array<i32>} : memref<128xf32, #tpu.memory_space<vmem>>, vector<16xf32>,
      %mul3A_725 = arith.mulf %sub3A_643, %sub3A_635 : vector<16xf32>
      %and3A_726 = arith.andi %and3A_664, %and3A_657 : vector<16xi1>
      %jit3A_727 = arith.constant 1.000000e+00 : f32
      %jit3A_728 = arith.constant 0.000000e+00 : f32
      %broadcast_in_dim3A_729 = vector.broadcast %jit3A_727 : f32 to vector<16xf32>
      %broadcast_in_dim3A_730 = vector.broadcast %jit3A_728 : f32 to vector<16xf32>
      %select_n3A_731 = arith.select %and3A_726, %broadcast_in_dim3A_729, %broadcast_in_dim3A_730 : vector<16xi1>, vector<16xf32>
      %mul3A_732 = arith.mulf %mul3A_725, %select_n3A_731 : vector<16xf32>
      %swap3A_733 = arith.constant 32 : index
      %swap3A_734 = tpu.vector_load %arg22[%swap3A_733] {strides = array<i32>} : memref<128xf32, #tpu.memory_space<vmem>>, vector<16xf32>,
      tpu.vector_store %arg22[%swap3A_733], %mul3A_732 {strides = array<i32>} : memref<128xf32, #tpu.memory_space<vmem>>, vector<16xf32>,
      %mul3A_735 = arith.mulf %sub3A_640, %sub3A_638 : vector<16xf32>
      %and3A_736 = arith.andi %and3A_671, %and3A_650 : vector<16xi1>
      %jit3A_737 = arith.constant 1.000000e+00 : f32
      %jit3A_738 = arith.constant 0.000000e+00 : f32
      %broadcast_in_dim3A_739 = vector.broadcast %jit3A_737 : f32 to vector<16xf32>
      %broadcast_in_dim3A_740 = vector.broadcast %jit3A_738 : f32 to vector<16xf32>
      %select_n3A_741 = arith.select %and3A_736, %broadcast_in_dim3A_739, %broadcast_in_dim3A_740 : vector<16xi1>, vector<16xf32>
      %mul3A_742 = arith.mulf %mul3A_735, %select_n3A_741 : vector<16xf32>
      %swap3A_743 = arith.constant 32 : index
      %swap3A_744 = tpu.vector_load %arg23[%swap3A_743] {strides = array<i32>} : memref<128xf32, #tpu.memory_space<vmem>>, vector<16xf32>,
      tpu.vector_store %arg23[%swap3A_743], %mul3A_742 {strides = array<i32>} : memref<128xf32, #tpu.memory_space<vmem>>, vector<16xf32>,
      %mul3A_745 = arith.mulf %sub3A_640, %sub3A_635 : vector<16xf32>
      %and3A_746 = arith.andi %and3A_671, %and3A_657 : vector<16xi1>
      %jit3A_747 = arith.constant 1.000000e+00 : f32
      %jit3A_748 = arith.constant 0.000000e+00 : f32
      %broadcast_in_dim3A_749 = vector.broadcast %jit3A_747 : f32 to vector<16xf32>
      %broadcast_in_dim3A_750 = vector.broadcast %jit3A_748 : f32 to vector<16xf32>
      %select_n3A_751 = arith.select %and3A_746, %broadcast_in_dim3A_749, %broadcast_in_dim3A_750 : vector<16xi1>, vector<16xf32>
      %mul3A_752 = arith.mulf %mul3A_745, %select_n3A_751 : vector<16xf32>
      %swap3A_753 = arith.constant 32 : index
      %swap3A_754 = tpu.vector_load %arg24[%swap3A_753] {strides = array<i32>} : memref<128xf32, #tpu.memory_space<vmem>>, vector<16xf32>,
      tpu.vector_store %arg24[%swap3A_753], %mul3A_752 {strides = array<i32>} : memref<128xf32, #tpu.memory_space<vmem>>, vector<16xf32>,
      %add3A_755 = arith.constant 48 : i32
      %add3A_756 = arith.addi %mul3A_51, %add3A_755 : i32
      %get3A_757 = arith.index_cast %add3A_756 : i32 to index
      %get3A_758 = tpu.vector_load %arg16[%get3A_757] {strides = array<i32>} : memref<2048xi32, #tpu.memory_space<vmem>>, vector<16xi32>,
      %ge3A_759 = arith.constant 0 : i32
      %ge3A_760 = vector.broadcast %ge3A_759 : i32 to vector<16xi32>
      %ge3A_761 = arith.cmpi sge, %get3A_758, %ge3A_760 : vector<16xi32>
      %jit3A_762 = arith.constant 1.000000e+00 : f32
      %jit3A_763 = arith.constant 0.000000e+00 : f32
      %broadcast_in_dim3A_764 = vector.broadcast %jit3A_762 : f32 to vector<16xf32>
      %broadcast_in_dim3A_765 = vector.broadcast %jit3A_763 : f32 to vector<16xf32>
      %select_n3A_766 = arith.select %ge3A_761, %broadcast_in_dim3A_764, %broadcast_in_dim3A_765 : vector<16xi1>, vector<16xf32>
      %max3A_767 = arith.constant 0 : i32
      %max3A_768 = vector.broadcast %max3A_767 : i32 to vector<16xi32>
      %max3A_769 = arith.maxsi %get3A_758, %max3A_768 : vector<16xi32>
      %mul3A_770 = arith.constant 3 : i32
      %mul3A_771 = vector.broadcast %mul3A_770 : i32 to vector<16xi32>
      %mul3A_772 = arith.muli %max3A_769, %mul3A_771 : vector<16xi32>
      %gather3A_773 = tpu.vector_load_idx %arg13[%mul3A_772] : memref<29928xi32, #tpu.memory_space<vmem>>[vector<16xi32>], vector<16xi32>,
      %mul3A_774 = arith.constant 3 : i32
      %mul3A_775 = vector.broadcast %mul3A_774 : i32 to vector<16xi32>
      %mul3A_776 = arith.muli %max3A_769, %mul3A_775 : vector<16xi32>
      %add3A_777 = arith.constant 1 : i32
      %add3A_778 = vector.broadcast %add3A_777 : i32 to vector<16xi32>
      %add3A_779 = arith.addi %mul3A_776, %add3A_778 : vector<16xi32>
      %gather3A_780 = tpu.vector_load_idx %arg13[%add3A_779] : memref<29928xi32, #tpu.memory_space<vmem>>[vector<16xi32>], vector<16xi32>,
      %mul3A_781 = arith.constant 3 : i32
      %mul3A_782 = vector.broadcast %mul3A_781 : i32 to vector<16xi32>
      %mul3A_783 = arith.muli %max3A_769, %mul3A_782 : vector<16xi32>
      %add3A_784 = arith.constant 2 : i32
      %add3A_785 = vector.broadcast %add3A_784 : i32 to vector<16xi32>
      %add3A_786 = arith.addi %mul3A_783, %add3A_785 : vector<16xi32>
      %gather3A_787 = tpu.vector_load_idx %arg13[%add3A_786] : memref<29928xi32, #tpu.memory_space<vmem>>[vector<16xi32>], vector<16xi32>,
      %gather3A_788 = tpu.vector_load_idx %arg11[%gather3A_773] : memref<5024xf32, #tpu.memory_space<vmem>>[vector<16xi32>], vector<16xf32>,
      %gather3A_789 = tpu.vector_load_idx %arg11[%gather3A_780] : memref<5024xf32, #tpu.memory_space<vmem>>[vector<16xi32>], vector<16xf32>,
      %gather3A_790 = tpu.vector_load_idx %arg11[%gather3A_787] : memref<5024xf32, #tpu.memory_space<vmem>>[vector<16xi32>], vector<16xf32>,
      %gather3A_791 = tpu.vector_load_idx %arg12[%gather3A_773] : memref<5024xf32, #tpu.memory_space<vmem>>[vector<16xi32>], vector<16xf32>,
      %gather3A_792 = tpu.vector_load_idx %arg12[%gather3A_780] : memref<5024xf32, #tpu.memory_space<vmem>>[vector<16xi32>], vector<16xf32>,
      %gather3A_793 = tpu.vector_load_idx %arg12[%gather3A_787] : memref<5024xf32, #tpu.memory_space<vmem>>[vector<16xi32>], vector<16xf32>,
      %add3A_794 = arith.constant 48 : i32
      %add3A_795 = arith.addi %mul3A_51, %add3A_794 : i32
      %mul3A_796 = arith.constant 3 : i32
      %mul3A_797 = arith.muli %add3A_795, %mul3A_796 : i32
      %add3A_798 = vector.broadcast %mul3A_797 : i32 to vector<16xi32>
      %add3A_799 = arith.addi %mul3A_40, %add3A_798 : vector<16xi32>
      %gather3A_800 = tpu.vector_load_idx %arg17[%add3A_799] : memref<6144xf32, #tpu.memory_space<vmem>>[vector<16xi32>], vector<16xf32>,
      %add3A_801 = arith.constant 1 : i32
      %add3A_802 = arith.addi %mul3A_797, %add3A_801 : i32
      %add3A_803 = vector.broadcast %add3A_802 : i32 to vector<16xi32>
      %add3A_804 = arith.addi %mul3A_40, %add3A_803 : vector<16xi32>
      %gather3A_805 = tpu.vector_load_idx %arg17[%add3A_804] : memref<6144xf32, #tpu.memory_space<vmem>>[vector<16xi32>], vector<16xf32>,
      %add3A_806 = arith.constant 2 : i32
      %add3A_807 = arith.addi %mul3A_797, %add3A_806 : i32
      %add3A_808 = vector.broadcast %add3A_807 : i32 to vector<16xi32>
      %add3A_809 = arith.addi %mul3A_40, %add3A_808 : vector<16xi32>
      %gather3A_810 = tpu.vector_load_idx %arg17[%add3A_809] : memref<6144xf32, #tpu.memory_space<vmem>>[vector<16xi32>], vector<16xf32>,
      %mul3A_811 = arith.mulf %gather3A_800, %gather3A_788 : vector<16xf32>
      %mul3A_812 = arith.mulf %gather3A_805, %gather3A_789 : vector<16xf32>
      %add3A_813 = arith.addf %mul3A_811, %mul3A_812 : vector<16xf32>
      %mul3A_814 = arith.mulf %gather3A_810, %gather3A_790 : vector<16xf32>
      %add3A_815 = arith.addf %add3A_813, %mul3A_814 : vector<16xf32>
      %mul3A_816 = arith.mulf %add3A_815, %select_n3A_766 : vector<16xf32>
      %mul3A_817 = arith.mulf %gather3A_800, %gather3A_791 : vector<16xf32>
      %mul3A_818 = arith.mulf %gather3A_805, %gather3A_792 : vector<16xf32>
      %add3A_819 = arith.addf %mul3A_817, %mul3A_818 : vector<16xf32>
      %mul3A_820 = arith.mulf %gather3A_810, %gather3A_793 : vector<16xf32>
      %add3A_821 = arith.addf %add3A_819, %mul3A_820 : vector<16xf32>
      %mul3A_822 = arith.mulf %add3A_821, %select_n3A_766 : vector<16xf32>
      %add3A_823 = arith.constant 1.000000e+00 : f32
      %add3A_824 = vector.broadcast %add3A_823 : f32 to vector<16xf32>
      %add3A_825 = arith.addf %mul3A_816, %add3A_824 : vector<16xf32>
      %mul3A_826 = arith.constant 2.240000e+02 : f32
      %mul3A_827 = vector.broadcast %mul3A_826 : f32 to vector<16xf32>
      %mul3A_828 = arith.mulf %add3A_825, %mul3A_827 : vector<16xf32>
      %sub3A_829 = arith.constant 1.000000e+00 : f32
      %sub3A_830 = vector.broadcast %sub3A_829 : f32 to vector<16xf32>
      %sub3A_831 = arith.subf %mul3A_828, %sub3A_830 : vector<16xf32>
      %mul3A_832 = arith.constant 5.000000e-01 : f32
      %mul3A_833 = vector.broadcast %mul3A_832 : f32 to vector<16xf32>
      %mul3A_834 = arith.mulf %sub3A_831, %mul3A_833 : vector<16xf32>
      %jit3A_835 = arith.constant -8.000000e+00 : f32
      %jit3A_836 = arith.constant 2.320000e+02 : f32
      %max3A_837 = vector.broadcast %jit3A_835 : f32 to vector<16xf32>
      %max3A_838 = arith.maximumf %max3A_837, %mul3A_834 : vector<16xf32>
      %min3A_839 = vector.broadcast %jit3A_836 : f32 to vector<16xf32>
      %min3A_840 = arith.minimumf %min3A_839, %max3A_838 : vector<16xf32>
      %add3A_841 = arith.constant 1.000000e+00 : f32
      %add3A_842 = vector.broadcast %add3A_841 : f32 to vector<16xf32>
      %add3A_843 = arith.addf %mul3A_822, %add3A_842 : vector<16xf32>
      %mul3A_844 = arith.constant 2.240000e+02 : f32
      %mul3A_845 = vector.broadcast %mul3A_844 : f32 to vector<16xf32>
      %mul3A_846 = arith.mulf %add3A_843, %mul3A_845 : vector<16xf32>
      %sub3A_847 = arith.constant 1.000000e+00 : f32
      %sub3A_848 = vector.broadcast %sub3A_847 : f32 to vector<16xf32>
      %sub3A_849 = arith.subf %mul3A_846, %sub3A_848 : vector<16xf32>
      %mul3A_850 = arith.constant 5.000000e-01 : f32
      %mul3A_851 = vector.broadcast %mul3A_850 : f32 to vector<16xf32>
      %mul3A_852 = arith.mulf %sub3A_849, %mul3A_851 : vector<16xf32>
      %jit3A_853 = arith.constant -8.000000e+00 : f32
      %jit3A_854 = arith.constant 2.320000e+02 : f32
      %max3A_855 = vector.broadcast %jit3A_853 : f32 to vector<16xf32>
      %max3A_856 = arith.maximumf %max3A_855, %mul3A_852 : vector<16xf32>
      %min3A_857 = vector.broadcast %jit3A_854 : f32 to vector<16xf32>
      %min3A_858 = arith.minimumf %min3A_857, %max3A_856 : vector<16xf32>
      %convert_element_type3A_859 = arith.fptosi %min3A_840 : vector<16xf32> to vector<16xi32>
      %convert_element_type3A_860 = arith.sitofp %convert_element_type3A_859 : vector<16xi32> to vector<16xf32>
      %gt3A_861 = arith.cmpf ogt, %convert_element_type3A_860, %min3A_840 : vector<16xf32>
      %sub3A_862 = arith.constant 1 : i32
      %sub3A_863 = vector.broadcast %sub3A_862 : i32 to vector<16xi32>
      %sub3A_864 = arith.subi %convert_element_type3A_859, %sub3A_863 : vector<16xi32>
      %select_n3A_865 = arith.select %gt3A_861, %sub3A_864, %convert_element_type3A_859 : vector<16xi1>, vector<16xi32>
      %convert_element_type3A_866 = arith.fptosi %min3A_858 : vector<16xf32> to vector<16xi32>
      %convert_element_type3A_867 = arith.sitofp %convert_element_type3A_866 : vector<16xi32> to vector<16xf32>
      %gt3A_868 = arith.cmpf ogt, %convert_element_type3A_867, %min3A_858 : vector<16xf32>
      %sub3A_869 = arith.constant 1 : i32
      %sub3A_870 = vector.broadcast %sub3A_869 : i32 to vector<16xi32>
      %sub3A_871 = arith.subi %convert_element_type3A_866, %sub3A_870 : vector<16xi32>
      %select_n3A_872 = arith.select %gt3A_868, %sub3A_871, %convert_element_type3A_866 : vector<16xi1>, vector<16xi32>
      %convert_element_type3A_873 = arith.sitofp %select_n3A_865 : vector<16xi32> to vector<16xf32>
      %sub3A_874 = arith.subf %min3A_840, %convert_element_type3A_873 : vector<16xf32>
      %sub3A_875 = arith.constant 1.000000e+00 : f32
      %sub3A_876 = vector.broadcast %sub3A_875 : f32 to vector<16xf32>
      %sub3A_877 = arith.subf %sub3A_876, %sub3A_874 : vector<16xf32>
      %convert_element_type3A_878 = arith.sitofp %select_n3A_872 : vector<16xi32> to vector<16xf32>
      %sub3A_879 = arith.subf %min3A_858, %convert_element_type3A_878 : vector<16xf32>
      %sub3A_880 = arith.constant 1.000000e+00 : f32
      %sub3A_881 = vector.broadcast %sub3A_880 : f32 to vector<16xf32>
      %sub3A_882 = arith.subf %sub3A_881, %sub3A_879 : vector<16xf32>
      %ge3A_883 = arith.constant 0 : i32
      %ge3A_884 = vector.broadcast %ge3A_883 : i32 to vector<16xi32>
      %ge3A_885 = arith.cmpi sge, %select_n3A_865, %ge3A_884 : vector<16xi32>
      %le3A_886 = arith.constant 223 : i32
      %le3A_887 = vector.broadcast %le3A_886 : i32 to vector<16xi32>
      %le3A_888 = arith.cmpi sle, %select_n3A_865, %le3A_887 : vector<16xi32>
      %and3A_889 = arith.andi %ge3A_885, %le3A_888 : vector<16xi1>
      %ge3A_890 = arith.constant -1 : i32
      %ge3A_891 = vector.broadcast %ge3A_890 : i32 to vector<16xi32>
      %ge3A_892 = arith.cmpi sge, %select_n3A_865, %ge3A_891 : vector<16xi32>
      %le3A_893 = arith.constant 222 : i32
      %le3A_894 = vector.broadcast %le3A_893 : i32 to vector<16xi32>
      %le3A_895 = arith.cmpi sle, %select_n3A_865, %le3A_894 : vector<16xi32>
      %and3A_896 = arith.andi %ge3A_892, %le3A_895 : vector<16xi1>
      %ge3A_897 = arith.constant 0 : i32
      %ge3A_898 = vector.broadcast %ge3A_897 : i32 to vector<16xi32>
      %ge3A_899 = arith.cmpi sge, %select_n3A_872, %ge3A_898 : vector<16xi32>
      %le3A_900 = arith.constant 223 : i32
      %le3A_901 = vector.broadcast %le3A_900 : i32 to vector<16xi32>
      %le3A_902 = arith.cmpi sle, %select_n3A_872, %le3A_901 : vector<16xi32>
      %and3A_903 = arith.andi %ge3A_899, %le3A_902 : vector<16xi1>
      %ge3A_904 = arith.constant -1 : i32
      %ge3A_905 = vector.broadcast %ge3A_904 : i32 to vector<16xi32>
      %ge3A_906 = arith.cmpi sge, %select_n3A_872, %ge3A_905 : vector<16xi32>
      %le3A_907 = arith.constant 222 : i32
      %le3A_908 = vector.broadcast %le3A_907 : i32 to vector<16xi32>
      %le3A_909 = arith.cmpi sle, %select_n3A_872, %le3A_908 : vector<16xi32>
      %and3A_910 = arith.andi %ge3A_906, %le3A_909 : vector<16xi1>
      %jit3A_911 = arith.constant 0 : i32
      %jit3A_912 = arith.constant 223 : i32
      %max3A_913 = vector.broadcast %jit3A_911 : i32 to vector<16xi32>
      %max3A_914 = arith.maxsi %max3A_913, %select_n3A_865 : vector<16xi32>
      %min3A_915 = vector.broadcast %jit3A_912 : i32 to vector<16xi32>
      %min3A_916 = arith.minsi %min3A_915, %max3A_914 : vector<16xi32>
      %jit3A_917 = arith.constant 0 : i32
      %jit3A_918 = arith.constant 223 : i32
      %max3A_919 = vector.broadcast %jit3A_917 : i32 to vector<16xi32>
      %max3A_920 = arith.maxsi %max3A_919, %select_n3A_872 : vector<16xi32>
      %min3A_921 = vector.broadcast %jit3A_918 : i32 to vector<16xi32>
      %min3A_922 = arith.minsi %min3A_921, %max3A_920 : vector<16xi32>
      %mul3A_923 = arith.constant 224 : i32
      %mul3A_924 = vector.broadcast %mul3A_923 : i32 to vector<16xi32>
      %mul3A_925 = arith.muli %min3A_922, %mul3A_924 : vector<16xi32>
      %add3A_926 = arith.constant 1 : i32
      %add3A_927 = vector.broadcast %add3A_926 : i32 to vector<16xi32>
      %add3A_928 = arith.addi %select_n3A_872, %add3A_927 : vector<16xi32>
      %jit3A_929 = arith.constant 0 : i32
      %jit3A_930 = arith.constant 223 : i32
      %max3A_931 = vector.broadcast %jit3A_929 : i32 to vector<16xi32>
      %max3A_932 = arith.maxsi %max3A_931, %add3A_928 : vector<16xi32>
      %min3A_933 = vector.broadcast %jit3A_930 : i32 to vector<16xi32>
      %min3A_934 = arith.minsi %min3A_933, %max3A_932 : vector<16xi32>
      %mul3A_935 = arith.constant 224 : i32
      %mul3A_936 = vector.broadcast %mul3A_935 : i32 to vector<16xi32>
      %mul3A_937 = arith.muli %min3A_934, %mul3A_936 : vector<16xi32>
      %add3A_938 = arith.addi %mul3A_925, %min3A_916 : vector<16xi32>
      %swap3A_939 = arith.constant 48 : index
      %swap3A_940 = tpu.vector_load %arg19[%swap3A_939] {strides = array<i32>} : memref<128xi32, #tpu.memory_space<vmem>>, vector<16xi32>,
      tpu.vector_store %arg19[%swap3A_939], %add3A_938 {strides = array<i32>} : memref<128xi32, #tpu.memory_space<vmem>>, vector<16xi32>,
      %add3A_941 = arith.addi %mul3A_937, %min3A_916 : vector<16xi32>
      %swap3A_942 = arith.constant 48 : index
      %swap3A_943 = tpu.vector_load %arg20[%swap3A_942] {strides = array<i32>} : memref<128xi32, #tpu.memory_space<vmem>>, vector<16xi32>,
      tpu.vector_store %arg20[%swap3A_942], %add3A_941 {strides = array<i32>} : memref<128xi32, #tpu.memory_space<vmem>>, vector<16xi32>,
      %eq3A_944 = arith.constant -1 : i32
      %eq3A_945 = vector.broadcast %eq3A_944 : i32 to vector<16xi32>
      %eq3A_946 = arith.cmpi eq, %select_n3A_865, %eq3A_945 : vector<16xi32>
      %jit3A_947 = arith.constant 1.000000e+00 : f32
      %jit3A_948 = arith.constant 0.000000e+00 : f32
      %broadcast_in_dim3A_949 = vector.broadcast %jit3A_947 : f32 to vector<16xf32>
      %broadcast_in_dim3A_950 = vector.broadcast %jit3A_948 : f32 to vector<16xf32>
      %select_n3A_951 = arith.select %eq3A_946, %broadcast_in_dim3A_949, %broadcast_in_dim3A_950 : vector<16xi1>, vector<16xf32>
      %swap3A_952 = arith.constant 48 : index
      %swap3A_953 = tpu.vector_load %arg25[%swap3A_952] {strides = array<i32>} : memref<128xf32, #tpu.memory_space<vmem>>, vector<16xf32>,
      tpu.vector_store %arg25[%swap3A_952], %select_n3A_951 {strides = array<i32>} : memref<128xf32, #tpu.memory_space<vmem>>, vector<16xf32>,
      %mul3A_954 = arith.mulf %sub3A_882, %sub3A_877 : vector<16xf32>
      %and3A_955 = arith.andi %and3A_903, %and3A_889 : vector<16xi1>
      %jit3A_956 = arith.constant 1.000000e+00 : f32
      %jit3A_957 = arith.constant 0.000000e+00 : f32
      %broadcast_in_dim3A_958 = vector.broadcast %jit3A_956 : f32 to vector<16xf32>
      %broadcast_in_dim3A_959 = vector.broadcast %jit3A_957 : f32 to vector<16xf32>
      %select_n3A_960 = arith.select %and3A_955, %broadcast_in_dim3A_958, %broadcast_in_dim3A_959 : vector<16xi1>, vector<16xf32>
      %mul3A_961 = arith.mulf %mul3A_954, %select_n3A_960 : vector<16xf32>
      %swap3A_962 = arith.constant 48 : index
      %swap3A_963 = tpu.vector_load %arg21[%swap3A_962] {strides = array<i32>} : memref<128xf32, #tpu.memory_space<vmem>>, vector<16xf32>,
      tpu.vector_store %arg21[%swap3A_962], %mul3A_961 {strides = array<i32>} : memref<128xf32, #tpu.memory_space<vmem>>, vector<16xf32>,
      %mul3A_964 = arith.mulf %sub3A_882, %sub3A_874 : vector<16xf32>
      %and3A_965 = arith.andi %and3A_903, %and3A_896 : vector<16xi1>
      %jit3A_966 = arith.constant 1.000000e+00 : f32
      %jit3A_967 = arith.constant 0.000000e+00 : f32
      %broadcast_in_dim3A_968 = vector.broadcast %jit3A_966 : f32 to vector<16xf32>
      %broadcast_in_dim3A_969 = vector.broadcast %jit3A_967 : f32 to vector<16xf32>
      %select_n3A_970 = arith.select %and3A_965, %broadcast_in_dim3A_968, %broadcast_in_dim3A_969 : vector<16xi1>, vector<16xf32>
      %mul3A_971 = arith.mulf %mul3A_964, %select_n3A_970 : vector<16xf32>
      %swap3A_972 = arith.constant 48 : index
      %swap3A_973 = tpu.vector_load %arg22[%swap3A_972] {strides = array<i32>} : memref<128xf32, #tpu.memory_space<vmem>>, vector<16xf32>,
      tpu.vector_store %arg22[%swap3A_972], %mul3A_971 {strides = array<i32>} : memref<128xf32, #tpu.memory_space<vmem>>, vector<16xf32>,
      %mul3A_974 = arith.mulf %sub3A_879, %sub3A_877 : vector<16xf32>
      %and3A_975 = arith.andi %and3A_910, %and3A_889 : vector<16xi1>
      %jit3A_976 = arith.constant 1.000000e+00 : f32
      %jit3A_977 = arith.constant 0.000000e+00 : f32
      %broadcast_in_dim3A_978 = vector.broadcast %jit3A_976 : f32 to vector<16xf32>
      %broadcast_in_dim3A_979 = vector.broadcast %jit3A_977 : f32 to vector<16xf32>
      %select_n3A_980 = arith.select %and3A_975, %broadcast_in_dim3A_978, %broadcast_in_dim3A_979 : vector<16xi1>, vector<16xf32>
      %mul3A_981 = arith.mulf %mul3A_974, %select_n3A_980 : vector<16xf32>
      %swap3A_982 = arith.constant 48 : index
      %swap3A_983 = tpu.vector_load %arg23[%swap3A_982] {strides = array<i32>} : memref<128xf32, #tpu.memory_space<vmem>>, vector<16xf32>,
      tpu.vector_store %arg23[%swap3A_982], %mul3A_981 {strides = array<i32>} : memref<128xf32, #tpu.memory_space<vmem>>, vector<16xf32>,
      %mul3A_984 = arith.mulf %sub3A_879, %sub3A_874 : vector<16xf32>
      %and3A_985 = arith.andi %and3A_910, %and3A_896 : vector<16xi1>
      %jit3A_986 = arith.constant 1.000000e+00 : f32
      %jit3A_987 = arith.constant 0.000000e+00 : f32
      %broadcast_in_dim3A_988 = vector.broadcast %jit3A_986 : f32 to vector<16xf32>
      %broadcast_in_dim3A_989 = vector.broadcast %jit3A_987 : f32 to vector<16xf32>
      %select_n3A_990 = arith.select %and3A_985, %broadcast_in_dim3A_988, %broadcast_in_dim3A_989 : vector<16xi1>, vector<16xf32>
      %mul3A_991 = arith.mulf %mul3A_984, %select_n3A_990 : vector<16xf32>
      %swap3A_992 = arith.constant 48 : index
      %swap3A_993 = tpu.vector_load %arg24[%swap3A_992] {strides = array<i32>} : memref<128xf32, #tpu.memory_space<vmem>>, vector<16xf32>,
      tpu.vector_store %arg24[%swap3A_992], %mul3A_991 {strides = array<i32>} : memref<128xf32, #tpu.memory_space<vmem>>, vector<16xf32>,
      %add3A_994 = arith.constant 64 : i32
      %add3A_995 = arith.addi %mul3A_51, %add3A_994 : i32
      %get3A_996 = arith.index_cast %add3A_995 : i32 to index
      %get3A_997 = tpu.vector_load %arg16[%get3A_996] {strides = array<i32>} : memref<2048xi32, #tpu.memory_space<vmem>>, vector<16xi32>,
      %ge3A_998 = arith.constant 0 : i32
      %ge3A_999 = vector.broadcast %ge3A_998 : i32 to vector<16xi32>
      %ge3A_1000 = arith.cmpi sge, %get3A_997, %ge3A_999 : vector<16xi32>
      %jit3A_1001 = arith.constant 1.000000e+00 : f32
      %jit3A_1002 = arith.constant 0.000000e+00 : f32
      %broadcast_in_dim3A_1003 = vector.broadcast %jit3A_1001 : f32 to vector<16xf32>
      %broadcast_in_dim3A_1004 = vector.broadcast %jit3A_1002 : f32 to vector<16xf32>
      %select_n3A_1005 = arith.select %ge3A_1000, %broadcast_in_dim3A_1003, %broadcast_in_dim3A_1004 : vector<16xi1>, vector<16xf32>
      %max3A_1006 = arith.constant 0 : i32
      %max3A_1007 = vector.broadcast %max3A_1006 : i32 to vector<16xi32>
      %max3A_1008 = arith.maxsi %get3A_997, %max3A_1007 : vector<16xi32>
      %mul3A_1009 = arith.constant 3 : i32
      %mul3A_1010 = vector.broadcast %mul3A_1009 : i32 to vector<16xi32>
      %mul3A_1011 = arith.muli %max3A_1008, %mul3A_1010 : vector<16xi32>
      %gather3A_1012 = tpu.vector_load_idx %arg13[%mul3A_1011] : memref<29928xi32, #tpu.memory_space<vmem>>[vector<16xi32>], vector<16xi32>,
      %mul3A_1013 = arith.constant 3 : i32
      %mul3A_1014 = vector.broadcast %mul3A_1013 : i32 to vector<16xi32>
      %mul3A_1015 = arith.muli %max3A_1008, %mul3A_1014 : vector<16xi32>
      %add3A_1016 = arith.constant 1 : i32
      %add3A_1017 = vector.broadcast %add3A_1016 : i32 to vector<16xi32>
      %add3A_1018 = arith.addi %mul3A_1015, %add3A_1017 : vector<16xi32>
      %gather3A_1019 = tpu.vector_load_idx %arg13[%add3A_1018] : memref<29928xi32, #tpu.memory_space<vmem>>[vector<16xi32>], vector<16xi32>,
      %mul3A_1020 = arith.constant 3 : i32
      %mul3A_1021 = vector.broadcast %mul3A_1020 : i32 to vector<16xi32>
      %mul3A_1022 = arith.muli %max3A_1008, %mul3A_1021 : vector<16xi32>
      %add3A_1023 = arith.constant 2 : i32
      %add3A_1024 = vector.broadcast %add3A_1023 : i32 to vector<16xi32>
      %add3A_1025 = arith.addi %mul3A_1022, %add3A_1024 : vector<16xi32>
      %gather3A_1026 = tpu.vector_load_idx %arg13[%add3A_1025] : memref<29928xi32, #tpu.memory_space<vmem>>[vector<16xi32>], vector<16xi32>,
      %gather3A_1027 = tpu.vector_load_idx %arg11[%gather3A_1012] : memref<5024xf32, #tpu.memory_space<vmem>>[vector<16xi32>], vector<16xf32>,
      %gather3A_1028 = tpu.vector_load_idx %arg11[%gather3A_1019] : memref<5024xf32, #tpu.memory_space<vmem>>[vector<16xi32>], vector<16xf32>,
      %gather3A_1029 = tpu.vector_load_idx %arg11[%gather3A_1026] : memref<5024xf32, #tpu.memory_space<vmem>>[vector<16xi32>], vector<16xf32>,
      %gather3A_1030 = tpu.vector_load_idx %arg12[%gather3A_1012] : memref<5024xf32, #tpu.memory_space<vmem>>[vector<16xi32>], vector<16xf32>,
      %gather3A_1031 = tpu.vector_load_idx %arg12[%gather3A_1019] : memref<5024xf32, #tpu.memory_space<vmem>>[vector<16xi32>], vector<16xf32>,
      %gather3A_1032 = tpu.vector_load_idx %arg12[%gather3A_1026] : memref<5024xf32, #tpu.memory_space<vmem>>[vector<16xi32>], vector<16xf32>,
      %add3A_1033 = arith.constant 64 : i32
      %add3A_1034 = arith.addi %mul3A_51, %add3A_1033 : i32
      %mul3A_1035 = arith.constant 3 : i32
      %mul3A_1036 = arith.muli %add3A_1034, %mul3A_1035 : i32
      %add3A_1037 = vector.broadcast %mul3A_1036 : i32 to vector<16xi32>
      %add3A_1038 = arith.addi %mul3A_40, %add3A_1037 : vector<16xi32>
      %gather3A_1039 = tpu.vector_load_idx %arg17[%add3A_1038] : memref<6144xf32, #tpu.memory_space<vmem>>[vector<16xi32>], vector<16xf32>,
      %add3A_1040 = arith.constant 1 : i32
      %add3A_1041 = arith.addi %mul3A_1036, %add3A_1040 : i32
      %add3A_1042 = vector.broadcast %add3A_1041 : i32 to vector<16xi32>
      %add3A_1043 = arith.addi %mul3A_40, %add3A_1042 : vector<16xi32>
      %gather3A_1044 = tpu.vector_load_idx %arg17[%add3A_1043] : memref<6144xf32, #tpu.memory_space<vmem>>[vector<16xi32>], vector<16xf32>,
      %add3A_1045 = arith.constant 2 : i32
      %add3A_1046 = arith.addi %mul3A_1036, %add3A_1045 : i32
      %add3A_1047 = vector.broadcast %add3A_1046 : i32 to vector<16xi32>
      %add3A_1048 = arith.addi %mul3A_40, %add3A_1047 : vector<16xi32>
      %gather3A_1049 = tpu.vector_load_idx %arg17[%add3A_1048] : memref<6144xf32, #tpu.memory_space<vmem>>[vector<16xi32>], vector<16xf32>,
      %mul3A_1050 = arith.mulf %gather3A_1039, %gather3A_1027 : vector<16xf32>
      %mul3A_1051 = arith.mulf %gather3A_1044, %gather3A_1028 : vector<16xf32>
      %add3A_1052 = arith.addf %mul3A_1050, %mul3A_1051 : vector<16xf32>
      %mul3A_1053 = arith.mulf %gather3A_1049, %gather3A_1029 : vector<16xf32>
      %add3A_1054 = arith.addf %add3A_1052, %mul3A_1053 : vector<16xf32>
      %mul3A_1055 = arith.mulf %add3A_1054, %select_n3A_1005 : vector<16xf32>
      %mul3A_1056 = arith.mulf %gather3A_1039, %gather3A_1030 : vector<16xf32>
      %mul3A_1057 = arith.mulf %gather3A_1044, %gather3A_1031 : vector<16xf32>
      %add3A_1058 = arith.addf %mul3A_1056, %mul3A_1057 : vector<16xf32>
      %mul3A_1059 = arith.mulf %gather3A_1049, %gather3A_1032 : vector<16xf32>
      %add3A_1060 = arith.addf %add3A_1058, %mul3A_1059 : vector<16xf32>
      %mul3A_1061 = arith.mulf %add3A_1060, %select_n3A_1005 : vector<16xf32>
      %add3A_1062 = arith.constant 1.000000e+00 : f32
      %add3A_1063 = vector.broadcast %add3A_1062 : f32 to vector<16xf32>
      %add3A_1064 = arith.addf %mul3A_1055, %add3A_1063 : vector<16xf32>
      %mul3A_1065 = arith.constant 2.240000e+02 : f32
      %mul3A_1066 = vector.broadcast %mul3A_1065 : f32 to vector<16xf32>
      %mul3A_1067 = arith.mulf %add3A_1064, %mul3A_1066 : vector<16xf32>
      %sub3A_1068 = arith.constant 1.000000e+00 : f32
      %sub3A_1069 = vector.broadcast %sub3A_1068 : f32 to vector<16xf32>
      %sub3A_1070 = arith.subf %mul3A_1067, %sub3A_1069 : vector<16xf32>
      %mul3A_1071 = arith.constant 5.000000e-01 : f32
      %mul3A_1072 = vector.broadcast %mul3A_1071 : f32 to vector<16xf32>
      %mul3A_1073 = arith.mulf %sub3A_1070, %mul3A_1072 : vector<16xf32>
      %jit3A_1074 = arith.constant -8.000000e+00 : f32
      %jit3A_1075 = arith.constant 2.320000e+02 : f32
      %max3A_1076 = vector.broadcast %jit3A_1074 : f32 to vector<16xf32>
      %max3A_1077 = arith.maximumf %max3A_1076, %mul3A_1073 : vector<16xf32>
      %min3A_1078 = vector.broadcast %jit3A_1075 : f32 to vector<16xf32>
      %min3A_1079 = arith.minimumf %min3A_1078, %max3A_1077 : vector<16xf32>
      %add3A_1080 = arith.constant 1.000000e+00 : f32
      %add3A_1081 = vector.broadcast %add3A_1080 : f32 to vector<16xf32>
      %add3A_1082 = arith.addf %mul3A_1061, %add3A_1081 : vector<16xf32>
      %mul3A_1083 = arith.constant 2.240000e+02 : f32
      %mul3A_1084 = vector.broadcast %mul3A_1083 : f32 to vector<16xf32>
      %mul3A_1085 = arith.mulf %add3A_1082, %mul3A_1084 : vector<16xf32>
      %sub3A_1086 = arith.constant 1.000000e+00 : f32
      %sub3A_1087 = vector.broadcast %sub3A_1086 : f32 to vector<16xf32>
      %sub3A_1088 = arith.subf %mul3A_1085, %sub3A_1087 : vector<16xf32>
      %mul3A_1089 = arith.constant 5.000000e-01 : f32
      %mul3A_1090 = vector.broadcast %mul3A_1089 : f32 to vector<16xf32>
      %mul3A_1091 = arith.mulf %sub3A_1088, %mul3A_1090 : vector<16xf32>
      %jit3A_1092 = arith.constant -8.000000e+00 : f32
      %jit3A_1093 = arith.constant 2.320000e+02 : f32
      %max3A_1094 = vector.broadcast %jit3A_1092 : f32 to vector<16xf32>
      %max3A_1095 = arith.maximumf %max3A_1094, %mul3A_1091 : vector<16xf32>
      %min3A_1096 = vector.broadcast %jit3A_1093 : f32 to vector<16xf32>
      %min3A_1097 = arith.minimumf %min3A_1096, %max3A_1095 : vector<16xf32>
      %convert_element_type3A_1098 = arith.fptosi %min3A_1079 : vector<16xf32> to vector<16xi32>
      %convert_element_type3A_1099 = arith.sitofp %convert_element_type3A_1098 : vector<16xi32> to vector<16xf32>
      %gt3A_1100 = arith.cmpf ogt, %convert_element_type3A_1099, %min3A_1079 : vector<16xf32>
      %sub3A_1101 = arith.constant 1 : i32
      %sub3A_1102 = vector.broadcast %sub3A_1101 : i32 to vector<16xi32>
      %sub3A_1103 = arith.subi %convert_element_type3A_1098, %sub3A_1102 : vector<16xi32>
      %select_n3A_1104 = arith.select %gt3A_1100, %sub3A_1103, %convert_element_type3A_1098 : vector<16xi1>, vector<16xi32>
      %convert_element_type3A_1105 = arith.fptosi %min3A_1097 : vector<16xf32> to vector<16xi32>
      %convert_element_type3A_1106 = arith.sitofp %convert_element_type3A_1105 : vector<16xi32> to vector<16xf32>
      %gt3A_1107 = arith.cmpf ogt, %convert_element_type3A_1106, %min3A_1097 : vector<16xf32>
      %sub3A_1108 = arith.constant 1 : i32
      %sub3A_1109 = vector.broadcast %sub3A_1108 : i32 to vector<16xi32>
      %sub3A_1110 = arith.subi %convert_element_type3A_1105, %sub3A_1109 : vector<16xi32>
      %select_n3A_1111 = arith.select %gt3A_1107, %sub3A_1110, %convert_element_type3A_1105 : vector<16xi1>, vector<16xi32>
      %convert_element_type3A_1112 = arith.sitofp %select_n3A_1104 : vector<16xi32> to vector<16xf32>
      %sub3A_1113 = arith.subf %min3A_1079, %convert_element_type3A_1112 : vector<16xf32>
      %sub3A_1114 = arith.constant 1.000000e+00 : f32
      %sub3A_1115 = vector.broadcast %sub3A_1114 : f32 to vector<16xf32>
      %sub3A_1116 = arith.subf %sub3A_1115, %sub3A_1113 : vector<16xf32>
      %convert_element_type3A_1117 = arith.sitofp %select_n3A_1111 : vector<16xi32> to vector<16xf32>
      %sub3A_1118 = arith.subf %min3A_1097, %convert_element_type3A_1117 : vector<16xf32>
      %sub3A_1119 = arith.constant 1.000000e+00 : f32
      %sub3A_1120 = vector.broadcast %sub3A_1119 : f32 to vector<16xf32>
      %sub3A_1121 = arith.subf %sub3A_1120, %sub3A_1118 : vector<16xf32>
      %ge3A_1122 = arith.constant 0 : i32
      %ge3A_1123 = vector.broadcast %ge3A_1122 : i32 to vector<16xi32>
      %ge3A_1124 = arith.cmpi sge, %select_n3A_1104, %ge3A_1123 : vector<16xi32>
      %le3A_1125 = arith.constant 223 : i32
      %le3A_1126 = vector.broadcast %le3A_1125 : i32 to vector<16xi32>
      %le3A_1127 = arith.cmpi sle, %select_n3A_1104, %le3A_1126 : vector<16xi32>
      %and3A_1128 = arith.andi %ge3A_1124, %le3A_1127 : vector<16xi1>
      %ge3A_1129 = arith.constant -1 : i32
      %ge3A_1130 = vector.broadcast %ge3A_1129 : i32 to vector<16xi32>
      %ge3A_1131 = arith.cmpi sge, %select_n3A_1104, %ge3A_1130 : vector<16xi32>
      %le3A_1132 = arith.constant 222 : i32
      %le3A_1133 = vector.broadcast %le3A_1132 : i32 to vector<16xi32>
      %le3A_1134 = arith.cmpi sle, %select_n3A_1104, %le3A_1133 : vector<16xi32>
      %and3A_1135 = arith.andi %ge3A_1131, %le3A_1134 : vector<16xi1>
      %ge3A_1136 = arith.constant 0 : i32
      %ge3A_1137 = vector.broadcast %ge3A_1136 : i32 to vector<16xi32>
      %ge3A_1138 = arith.cmpi sge, %select_n3A_1111, %ge3A_1137 : vector<16xi32>
      %le3A_1139 = arith.constant 223 : i32
      %le3A_1140 = vector.broadcast %le3A_1139 : i32 to vector<16xi32>
      %le3A_1141 = arith.cmpi sle, %select_n3A_1111, %le3A_1140 : vector<16xi32>
      %and3A_1142 = arith.andi %ge3A_1138, %le3A_1141 : vector<16xi1>
      %ge3A_1143 = arith.constant -1 : i32
      %ge3A_1144 = vector.broadcast %ge3A_1143 : i32 to vector<16xi32>
      %ge3A_1145 = arith.cmpi sge, %select_n3A_1111, %ge3A_1144 : vector<16xi32>
      %le3A_1146 = arith.constant 222 : i32
      %le3A_1147 = vector.broadcast %le3A_1146 : i32 to vector<16xi32>
      %le3A_1148 = arith.cmpi sle, %select_n3A_1111, %le3A_1147 : vector<16xi32>
      %and3A_1149 = arith.andi %ge3A_1145, %le3A_1148 : vector<16xi1>
      %jit3A_1150 = arith.constant 0 : i32
      %jit3A_1151 = arith.constant 223 : i32
      %max3A_1152 = vector.broadcast %jit3A_1150 : i32 to vector<16xi32>
      %max3A_1153 = arith.maxsi %max3A_1152, %select_n3A_1104 : vector<16xi32>
      %min3A_1154 = vector.broadcast %jit3A_1151 : i32 to vector<16xi32>
      %min3A_1155 = arith.minsi %min3A_1154, %max3A_1153 : vector<16xi32>
      %jit3A_1156 = arith.constant 0 : i32
      %jit3A_1157 = arith.constant 223 : i32
      %max3A_1158 = vector.broadcast %jit3A_1156 : i32 to vector<16xi32>
      %max3A_1159 = arith.maxsi %max3A_1158, %select_n3A_1111 : vector<16xi32>
      %min3A_1160 = vector.broadcast %jit3A_1157 : i32 to vector<16xi32>
      %min3A_1161 = arith.minsi %min3A_1160, %max3A_1159 : vector<16xi32>
      %mul3A_1162 = arith.constant 224 : i32
      %mul3A_1163 = vector.broadcast %mul3A_1162 : i32 to vector<16xi32>
      %mul3A_1164 = arith.muli %min3A_1161, %mul3A_1163 : vector<16xi32>
      %add3A_1165 = arith.constant 1 : i32
      %add3A_1166 = vector.broadcast %add3A_1165 : i32 to vector<16xi32>
      %add3A_1167 = arith.addi %select_n3A_1111, %add3A_1166 : vector<16xi32>
      %jit3A_1168 = arith.constant 0 : i32
      %jit3A_1169 = arith.constant 223 : i32
      %max3A_1170 = vector.broadcast %jit3A_1168 : i32 to vector<16xi32>
      %max3A_1171 = arith.maxsi %max3A_1170, %add3A_1167 : vector<16xi32>
      %min3A_1172 = vector.broadcast %jit3A_1169 : i32 to vector<16xi32>
      %min3A_1173 = arith.minsi %min3A_1172, %max3A_1171 : vector<16xi32>
      %mul3A_1174 = arith.constant 224 : i32
      %mul3A_1175 = vector.broadcast %mul3A_1174 : i32 to vector<16xi32>
      %mul3A_1176 = arith.muli %min3A_1173, %mul3A_1175 : vector<16xi32>
      %add3A_1177 = arith.addi %mul3A_1164, %min3A_1155 : vector<16xi32>
      %swap3A_1178 = arith.constant 64 : index
      %swap3A_1179 = tpu.vector_load %arg19[%swap3A_1178] {strides = array<i32>} : memref<128xi32, #tpu.memory_space<vmem>>, vector<16xi32>,
      tpu.vector_store %arg19[%swap3A_1178], %add3A_1177 {strides = array<i32>} : memref<128xi32, #tpu.memory_space<vmem>>, vector<16xi32>,
      %add3A_1180 = arith.addi %mul3A_1176, %min3A_1155 : vector<16xi32>
      %swap3A_1181 = arith.constant 64 : index
      %swap3A_1182 = tpu.vector_load %arg20[%swap3A_1181] {strides = array<i32>} : memref<128xi32, #tpu.memory_space<vmem>>, vector<16xi32>,
      tpu.vector_store %arg20[%swap3A_1181], %add3A_1180 {strides = array<i32>} : memref<128xi32, #tpu.memory_space<vmem>>, vector<16xi32>,
      %eq3A_1183 = arith.constant -1 : i32
      %eq3A_1184 = vector.broadcast %eq3A_1183 : i32 to vector<16xi32>
      %eq3A_1185 = arith.cmpi eq, %select_n3A_1104, %eq3A_1184 : vector<16xi32>
      %jit3A_1186 = arith.constant 1.000000e+00 : f32
      %jit3A_1187 = arith.constant 0.000000e+00 : f32
      %broadcast_in_dim3A_1188 = vector.broadcast %jit3A_1186 : f32 to vector<16xf32>
      %broadcast_in_dim3A_1189 = vector.broadcast %jit3A_1187 : f32 to vector<16xf32>
      %select_n3A_1190 = arith.select %eq3A_1185, %broadcast_in_dim3A_1188, %broadcast_in_dim3A_1189 : vector<16xi1>, vector<16xf32>
      %swap3A_1191 = arith.constant 64 : index
      %swap3A_1192 = tpu.vector_load %arg25[%swap3A_1191] {strides = array<i32>} : memref<128xf32, #tpu.memory_space<vmem>>, vector<16xf32>,
      tpu.vector_store %arg25[%swap3A_1191], %select_n3A_1190 {strides = array<i32>} : memref<128xf32, #tpu.memory_space<vmem>>, vector<16xf32>,
      %mul3A_1193 = arith.mulf %sub3A_1121, %sub3A_1116 : vector<16xf32>
      %and3A_1194 = arith.andi %and3A_1142, %and3A_1128 : vector<16xi1>
      %jit3A_1195 = arith.constant 1.000000e+00 : f32
      %jit3A_1196 = arith.constant 0.000000e+00 : f32
      %broadcast_in_dim3A_1197 = vector.broadcast %jit3A_1195 : f32 to vector<16xf32>
      %broadcast_in_dim3A_1198 = vector.broadcast %jit3A_1196 : f32 to vector<16xf32>
      %select_n3A_1199 = arith.select %and3A_1194, %broadcast_in_dim3A_1197, %broadcast_in_dim3A_1198 : vector<16xi1>, vector<16xf32>
      %mul3A_1200 = arith.mulf %mul3A_1193, %select_n3A_1199 : vector<16xf32>
      %swap3A_1201 = arith.constant 64 : index
      %swap3A_1202 = tpu.vector_load %arg21[%swap3A_1201] {strides = array<i32>} : memref<128xf32, #tpu.memory_space<vmem>>, vector<16xf32>,
      tpu.vector_store %arg21[%swap3A_1201], %mul3A_1200 {strides = array<i32>} : memref<128xf32, #tpu.memory_space<vmem>>, vector<16xf32>,
      %mul3A_1203 = arith.mulf %sub3A_1121, %sub3A_1113 : vector<16xf32>
      %and3A_1204 = arith.andi %and3A_1142, %and3A_1135 : vector<16xi1>
      %jit3A_1205 = arith.constant 1.000000e+00 : f32
      %jit3A_1206 = arith.constant 0.000000e+00 : f32
      %broadcast_in_dim3A_1207 = vector.broadcast %jit3A_1205 : f32 to vector<16xf32>
      %broadcast_in_dim3A_1208 = vector.broadcast %jit3A_1206 : f32 to vector<16xf32>
      %select_n3A_1209 = arith.select %and3A_1204, %broadcast_in_dim3A_1207, %broadcast_in_dim3A_1208 : vector<16xi1>, vector<16xf32>
      %mul3A_1210 = arith.mulf %mul3A_1203, %select_n3A_1209 : vector<16xf32>
      %swap3A_1211 = arith.constant 64 : index
      %swap3A_1212 = tpu.vector_load %arg22[%swap3A_1211] {strides = array<i32>} : memref<128xf32, #tpu.memory_space<vmem>>, vector<16xf32>,
      tpu.vector_store %arg22[%swap3A_1211], %mul3A_1210 {strides = array<i32>} : memref<128xf32, #tpu.memory_space<vmem>>, vector<16xf32>,
      %mul3A_1213 = arith.mulf %sub3A_1118, %sub3A_1116 : vector<16xf32>
      %and3A_1214 = arith.andi %and3A_1149, %and3A_1128 : vector<16xi1>
      %jit3A_1215 = arith.constant 1.000000e+00 : f32
      %jit3A_1216 = arith.constant 0.000000e+00 : f32
      %broadcast_in_dim3A_1217 = vector.broadcast %jit3A_1215 : f32 to vector<16xf32>
      %broadcast_in_dim3A_1218 = vector.broadcast %jit3A_1216 : f32 to vector<16xf32>
      %select_n3A_1219 = arith.select %and3A_1214, %broadcast_in_dim3A_1217, %broadcast_in_dim3A_1218 : vector<16xi1>, vector<16xf32>
      %mul3A_1220 = arith.mulf %mul3A_1213, %select_n3A_1219 : vector<16xf32>
      %swap3A_1221 = arith.constant 64 : index
      %swap3A_1222 = tpu.vector_load %arg23[%swap3A_1221] {strides = array<i32>} : memref<128xf32, #tpu.memory_space<vmem>>, vector<16xf32>,
      tpu.vector_store %arg23[%swap3A_1221], %mul3A_1220 {strides = array<i32>} : memref<128xf32, #tpu.memory_space<vmem>>, vector<16xf32>,
      %mul3A_1223 = arith.mulf %sub3A_1118, %sub3A_1113 : vector<16xf32>
      %and3A_1224 = arith.andi %and3A_1149, %and3A_1135 : vector<16xi1>
      %jit3A_1225 = arith.constant 1.000000e+00 : f32
      %jit3A_1226 = arith.constant 0.000000e+00 : f32
      %broadcast_in_dim3A_1227 = vector.broadcast %jit3A_1225 : f32 to vector<16xf32>
      %broadcast_in_dim3A_1228 = vector.broadcast %jit3A_1226 : f32 to vector<16xf32>
      %select_n3A_1229 = arith.select %and3A_1224, %broadcast_in_dim3A_1227, %broadcast_in_dim3A_1228 : vector<16xi1>, vector<16xf32>
      %mul3A_1230 = arith.mulf %mul3A_1223, %select_n3A_1229 : vector<16xf32>
      %swap3A_1231 = arith.constant 64 : index
      %swap3A_1232 = tpu.vector_load %arg24[%swap3A_1231] {strides = array<i32>} : memref<128xf32, #tpu.memory_space<vmem>>, vector<16xf32>,
      tpu.vector_store %arg24[%swap3A_1231], %mul3A_1230 {strides = array<i32>} : memref<128xf32, #tpu.memory_space<vmem>>, vector<16xf32>,
      %add3A_1233 = arith.constant 80 : i32
      %add3A_1234 = arith.addi %mul3A_51, %add3A_1233 : i32
      %get3A_1235 = arith.index_cast %add3A_1234 : i32 to index
      %get3A_1236 = tpu.vector_load %arg16[%get3A_1235] {strides = array<i32>} : memref<2048xi32, #tpu.memory_space<vmem>>, vector<16xi32>,
      %ge3A_1237 = arith.constant 0 : i32
      %ge3A_1238 = vector.broadcast %ge3A_1237 : i32 to vector<16xi32>
      %ge3A_1239 = arith.cmpi sge, %get3A_1236, %ge3A_1238 : vector<16xi32>
      %jit3A_1240 = arith.constant 1.000000e+00 : f32
      %jit3A_1241 = arith.constant 0.000000e+00 : f32
      %broadcast_in_dim3A_1242 = vector.broadcast %jit3A_1240 : f32 to vector<16xf32>
      %broadcast_in_dim3A_1243 = vector.broadcast %jit3A_1241 : f32 to vector<16xf32>
      %select_n3A_1244 = arith.select %ge3A_1239, %broadcast_in_dim3A_1242, %broadcast_in_dim3A_1243 : vector<16xi1>, vector<16xf32>
      %max3A_1245 = arith.constant 0 : i32
      %max3A_1246 = vector.broadcast %max3A_1245 : i32 to vector<16xi32>
      %max3A_1247 = arith.maxsi %get3A_1236, %max3A_1246 : vector<16xi32>
      %mul3A_1248 = arith.constant 3 : i32
      %mul3A_1249 = vector.broadcast %mul3A_1248 : i32 to vector<16xi32>
      %mul3A_1250 = arith.muli %max3A_1247, %mul3A_1249 : vector<16xi32>
      %gather3A_1251 = tpu.vector_load_idx %arg13[%mul3A_1250] : memref<29928xi32, #tpu.memory_space<vmem>>[vector<16xi32>], vector<16xi32>,
      %mul3A_1252 = arith.constant 3 : i32
      %mul3A_1253 = vector.broadcast %mul3A_1252 : i32 to vector<16xi32>
      %mul3A_1254 = arith.muli %max3A_1247, %mul3A_1253 : vector<16xi32>
      %add3A_1255 = arith.constant 1 : i32
      %add3A_1256 = vector.broadcast %add3A_1255 : i32 to vector<16xi32>
      %add3A_1257 = arith.addi %mul3A_1254, %add3A_1256 : vector<16xi32>
      %gather3A_1258 = tpu.vector_load_idx %arg13[%add3A_1257] : memref<29928xi32, #tpu.memory_space<vmem>>[vector<16xi32>], vector<16xi32>,
      %mul3A_1259 = arith.constant 3 : i32
      %mul3A_1260 = vector.broadcast %mul3A_1259 : i32 to vector<16xi32>
      %mul3A_1261 = arith.muli %max3A_1247, %mul3A_1260 : vector<16xi32>
      %add3A_1262 = arith.constant 2 : i32
      %add3A_1263 = vector.broadcast %add3A_1262 : i32 to vector<16xi32>
      %add3A_1264 = arith.addi %mul3A_1261, %add3A_1263 : vector<16xi32>
      %gather3A_1265 = tpu.vector_load_idx %arg13[%add3A_1264] : memref<29928xi32, #tpu.memory_space<vmem>>[vector<16xi32>], vector<16xi32>,
      %gather3A_1266 = tpu.vector_load_idx %arg11[%gather3A_1251] : memref<5024xf32, #tpu.memory_space<vmem>>[vector<16xi32>], vector<16xf32>,
      %gather3A_1267 = tpu.vector_load_idx %arg11[%gather3A_1258] : memref<5024xf32, #tpu.memory_space<vmem>>[vector<16xi32>], vector<16xf32>,
      %gather3A_1268 = tpu.vector_load_idx %arg11[%gather3A_1265] : memref<5024xf32, #tpu.memory_space<vmem>>[vector<16xi32>], vector<16xf32>,
      %gather3A_1269 = tpu.vector_load_idx %arg12[%gather3A_1251] : memref<5024xf32, #tpu.memory_space<vmem>>[vector<16xi32>], vector<16xf32>,
      %gather3A_1270 = tpu.vector_load_idx %arg12[%gather3A_1258] : memref<5024xf32, #tpu.memory_space<vmem>>[vector<16xi32>], vector<16xf32>,
      %gather3A_1271 = tpu.vector_load_idx %arg12[%gather3A_1265] : memref<5024xf32, #tpu.memory_space<vmem>>[vector<16xi32>], vector<16xf32>,
      %add3A_1272 = arith.constant 80 : i32
      %add3A_1273 = arith.addi %mul3A_51, %add3A_1272 : i32
      %mul3A_1274 = arith.constant 3 : i32
      %mul3A_1275 = arith.muli %add3A_1273, %mul3A_1274 : i32
      %add3A_1276 = vector.broadcast %mul3A_1275 : i32 to vector<16xi32>
      %add3A_1277 = arith.addi %mul3A_40, %add3A_1276 : vector<16xi32>
      %gather3A_1278 = tpu.vector_load_idx %arg17[%add3A_1277] : memref<6144xf32, #tpu.memory_space<vmem>>[vector<16xi32>], vector<16xf32>,
      %add3A_1279 = arith.constant 1 : i32
      %add3A_1280 = arith.addi %mul3A_1275, %add3A_1279 : i32
      %add3A_1281 = vector.broadcast %add3A_1280 : i32 to vector<16xi32>
      %add3A_1282 = arith.addi %mul3A_40, %add3A_1281 : vector<16xi32>
      %gather3A_1283 = tpu.vector_load_idx %arg17[%add3A_1282] : memref<6144xf32, #tpu.memory_space<vmem>>[vector<16xi32>], vector<16xf32>,
      %add3A_1284 = arith.constant 2 : i32
      %add3A_1285 = arith.addi %mul3A_1275, %add3A_1284 : i32
      %add3A_1286 = vector.broadcast %add3A_1285 : i32 to vector<16xi32>
      %add3A_1287 = arith.addi %mul3A_40, %add3A_1286 : vector<16xi32>
      %gather3A_1288 = tpu.vector_load_idx %arg17[%add3A_1287] : memref<6144xf32, #tpu.memory_space<vmem>>[vector<16xi32>], vector<16xf32>,
      %mul3A_1289 = arith.mulf %gather3A_1278, %gather3A_1266 : vector<16xf32>
      %mul3A_1290 = arith.mulf %gather3A_1283, %gather3A_1267 : vector<16xf32>
      %add3A_1291 = arith.addf %mul3A_1289, %mul3A_1290 : vector<16xf32>
      %mul3A_1292 = arith.mulf %gather3A_1288, %gather3A_1268 : vector<16xf32>
      %add3A_1293 = arith.addf %add3A_1291, %mul3A_1292 : vector<16xf32>
      %mul3A_1294 = arith.mulf %add3A_1293, %select_n3A_1244 : vector<16xf32>
      %mul3A_1295 = arith.mulf %gather3A_1278, %gather3A_1269 : vector<16xf32>
      %mul3A_1296 = arith.mulf %gather3A_1283, %gather3A_1270 : vector<16xf32>
      %add3A_1297 = arith.addf %mul3A_1295, %mul3A_1296 : vector<16xf32>
      %mul3A_1298 = arith.mulf %gather3A_1288, %gather3A_1271 : vector<16xf32>
      %add3A_1299 = arith.addf %add3A_1297, %mul3A_1298 : vector<16xf32>
      %mul3A_1300 = arith.mulf %add3A_1299, %select_n3A_1244 : vector<16xf32>
      %add3A_1301 = arith.constant 1.000000e+00 : f32
      %add3A_1302 = vector.broadcast %add3A_1301 : f32 to vector<16xf32>
      %add3A_1303 = arith.addf %mul3A_1294, %add3A_1302 : vector<16xf32>
      %mul3A_1304 = arith.constant 2.240000e+02 : f32
      %mul3A_1305 = vector.broadcast %mul3A_1304 : f32 to vector<16xf32>
      %mul3A_1306 = arith.mulf %add3A_1303, %mul3A_1305 : vector<16xf32>
      %sub3A_1307 = arith.constant 1.000000e+00 : f32
      %sub3A_1308 = vector.broadcast %sub3A_1307 : f32 to vector<16xf32>
      %sub3A_1309 = arith.subf %mul3A_1306, %sub3A_1308 : vector<16xf32>
      %mul3A_1310 = arith.constant 5.000000e-01 : f32
      %mul3A_1311 = vector.broadcast %mul3A_1310 : f32 to vector<16xf32>
      %mul3A_1312 = arith.mulf %sub3A_1309, %mul3A_1311 : vector<16xf32>
      %jit3A_1313 = arith.constant -8.000000e+00 : f32
      %jit3A_1314 = arith.constant 2.320000e+02 : f32
      %max3A_1315 = vector.broadcast %jit3A_1313 : f32 to vector<16xf32>
      %max3A_1316 = arith.maximumf %max3A_1315, %mul3A_1312 : vector<16xf32>
      %min3A_1317 = vector.broadcast %jit3A_1314 : f32 to vector<16xf32>
      %min3A_1318 = arith.minimumf %min3A_1317, %max3A_1316 : vector<16xf32>
      %add3A_1319 = arith.constant 1.000000e+00 : f32
      %add3A_1320 = vector.broadcast %add3A_1319 : f32 to vector<16xf32>
      %add3A_1321 = arith.addf %mul3A_1300, %add3A_1320 : vector<16xf32>
      %mul3A_1322 = arith.constant 2.240000e+02 : f32
      %mul3A_1323 = vector.broadcast %mul3A_1322 : f32 to vector<16xf32>
      %mul3A_1324 = arith.mulf %add3A_1321, %mul3A_1323 : vector<16xf32>
      %sub3A_1325 = arith.constant 1.000000e+00 : f32
      %sub3A_1326 = vector.broadcast %sub3A_1325 : f32 to vector<16xf32>
      %sub3A_1327 = arith.subf %mul3A_1324, %sub3A_1326 : vector<16xf32>
      %mul3A_1328 = arith.constant 5.000000e-01 : f32
      %mul3A_1329 = vector.broadcast %mul3A_1328 : f32 to vector<16xf32>
      %mul3A_1330 = arith.mulf %sub3A_1327, %mul3A_1329 : vector<16xf32>
      %jit3A_1331 = arith.constant -8.000000e+00 : f32
      %jit3A_1332 = arith.constant 2.320000e+02 : f32
      %max3A_1333 = vector.broadcast %jit3A_1331 : f32 to vector<16xf32>
      %max3A_1334 = arith.maximumf %max3A_1333, %mul3A_1330 : vector<16xf32>
      %min3A_1335 = vector.broadcast %jit3A_1332 : f32 to vector<16xf32>
      %min3A_1336 = arith.minimumf %min3A_1335, %max3A_1334 : vector<16xf32>
      %convert_element_type3A_1337 = arith.fptosi %min3A_1318 : vector<16xf32> to vector<16xi32>
      %convert_element_type3A_1338 = arith.sitofp %convert_element_type3A_1337 : vector<16xi32> to vector<16xf32>
      %gt3A_1339 = arith.cmpf ogt, %convert_element_type3A_1338, %min3A_1318 : vector<16xf32>
      %sub3A_1340 = arith.constant 1 : i32
      %sub3A_1341 = vector.broadcast %sub3A_1340 : i32 to vector<16xi32>
      %sub3A_1342 = arith.subi %convert_element_type3A_1337, %sub3A_1341 : vector<16xi32>
      %select_n3A_1343 = arith.select %gt3A_1339, %sub3A_1342, %convert_element_type3A_1337 : vector<16xi1>, vector<16xi32>
      %convert_element_type3A_1344 = arith.fptosi %min3A_1336 : vector<16xf32> to vector<16xi32>
      %convert_element_type3A_1345 = arith.sitofp %convert_element_type3A_1344 : vector<16xi32> to vector<16xf32>
      %gt3A_1346 = arith.cmpf ogt, %convert_element_type3A_1345, %min3A_1336 : vector<16xf32>
      %sub3A_1347 = arith.constant 1 : i32
      %sub3A_1348 = vector.broadcast %sub3A_1347 : i32 to vector<16xi32>
      %sub3A_1349 = arith.subi %convert_element_type3A_1344, %sub3A_1348 : vector<16xi32>
      %select_n3A_1350 = arith.select %gt3A_1346, %sub3A_1349, %convert_element_type3A_1344 : vector<16xi1>, vector<16xi32>
      %convert_element_type3A_1351 = arith.sitofp %select_n3A_1343 : vector<16xi32> to vector<16xf32>
      %sub3A_1352 = arith.subf %min3A_1318, %convert_element_type3A_1351 : vector<16xf32>
      %sub3A_1353 = arith.constant 1.000000e+00 : f32
      %sub3A_1354 = vector.broadcast %sub3A_1353 : f32 to vector<16xf32>
      %sub3A_1355 = arith.subf %sub3A_1354, %sub3A_1352 : vector<16xf32>
      %convert_element_type3A_1356 = arith.sitofp %select_n3A_1350 : vector<16xi32> to vector<16xf32>
      %sub3A_1357 = arith.subf %min3A_1336, %convert_element_type3A_1356 : vector<16xf32>
      %sub3A_1358 = arith.constant 1.000000e+00 : f32
      %sub3A_1359 = vector.broadcast %sub3A_1358 : f32 to vector<16xf32>
      %sub3A_1360 = arith.subf %sub3A_1359, %sub3A_1357 : vector<16xf32>
      %ge3A_1361 = arith.constant 0 : i32
      %ge3A_1362 = vector.broadcast %ge3A_1361 : i32 to vector<16xi32>
      %ge3A_1363 = arith.cmpi sge, %select_n3A_1343, %ge3A_1362 : vector<16xi32>
      %le3A_1364 = arith.constant 223 : i32
      %le3A_1365 = vector.broadcast %le3A_1364 : i32 to vector<16xi32>
      %le3A_1366 = arith.cmpi sle, %select_n3A_1343, %le3A_1365 : vector<16xi32>
      %and3A_1367 = arith.andi %ge3A_1363, %le3A_1366 : vector<16xi1>
      %ge3A_1368 = arith.constant -1 : i32
      %ge3A_1369 = vector.broadcast %ge3A_1368 : i32 to vector<16xi32>
      %ge3A_1370 = arith.cmpi sge, %select_n3A_1343, %ge3A_1369 : vector<16xi32>
      %le3A_1371 = arith.constant 222 : i32
      %le3A_1372 = vector.broadcast %le3A_1371 : i32 to vector<16xi32>
      %le3A_1373 = arith.cmpi sle, %select_n3A_1343, %le3A_1372 : vector<16xi32>
      %and3A_1374 = arith.andi %ge3A_1370, %le3A_1373 : vector<16xi1>
      %ge3A_1375 = arith.constant 0 : i32
      %ge3A_1376 = vector.broadcast %ge3A_1375 : i32 to vector<16xi32>
      %ge3A_1377 = arith.cmpi sge, %select_n3A_1350, %ge3A_1376 : vector<16xi32>
      %le3A_1378 = arith.constant 223 : i32
      %le3A_1379 = vector.broadcast %le3A_1378 : i32 to vector<16xi32>
      %le3A_1380 = arith.cmpi sle, %select_n3A_1350, %le3A_1379 : vector<16xi32>
      %and3A_1381 = arith.andi %ge3A_1377, %le3A_1380 : vector<16xi1>
      %ge3A_1382 = arith.constant -1 : i32
      %ge3A_1383 = vector.broadcast %ge3A_1382 : i32 to vector<16xi32>
      %ge3A_1384 = arith.cmpi sge, %select_n3A_1350, %ge3A_1383 : vector<16xi32>
      %le3A_1385 = arith.constant 222 : i32
      %le3A_1386 = vector.broadcast %le3A_1385 : i32 to vector<16xi32>
      %le3A_1387 = arith.cmpi sle, %select_n3A_1350, %le3A_1386 : vector<16xi32>
      %and3A_1388 = arith.andi %ge3A_1384, %le3A_1387 : vector<16xi1>
      %jit3A_1389 = arith.constant 0 : i32
      %jit3A_1390 = arith.constant 223 : i32
      %max3A_1391 = vector.broadcast %jit3A_1389 : i32 to vector<16xi32>
      %max3A_1392 = arith.maxsi %max3A_1391, %select_n3A_1343 : vector<16xi32>
      %min3A_1393 = vector.broadcast %jit3A_1390 : i32 to vector<16xi32>
      %min3A_1394 = arith.minsi %min3A_1393, %max3A_1392 : vector<16xi32>
      %jit3A_1395 = arith.constant 0 : i32
      %jit3A_1396 = arith.constant 223 : i32
      %max3A_1397 = vector.broadcast %jit3A_1395 : i32 to vector<16xi32>
      %max3A_1398 = arith.maxsi %max3A_1397, %select_n3A_1350 : vector<16xi32>
      %min3A_1399 = vector.broadcast %jit3A_1396 : i32 to vector<16xi32>
      %min3A_1400 = arith.minsi %min3A_1399, %max3A_1398 : vector<16xi32>
      %mul3A_1401 = arith.constant 224 : i32
      %mul3A_1402 = vector.broadcast %mul3A_1401 : i32 to vector<16xi32>
      %mul3A_1403 = arith.muli %min3A_1400, %mul3A_1402 : vector<16xi32>
      %add3A_1404 = arith.constant 1 : i32
      %add3A_1405 = vector.broadcast %add3A_1404 : i32 to vector<16xi32>
      %add3A_1406 = arith.addi %select_n3A_1350, %add3A_1405 : vector<16xi32>
      %jit3A_1407 = arith.constant 0 : i32
      %jit3A_1408 = arith.constant 223 : i32
      %max3A_1409 = vector.broadcast %jit3A_1407 : i32 to vector<16xi32>
      %max3A_1410 = arith.maxsi %max3A_1409, %add3A_1406 : vector<16xi32>
      %min3A_1411 = vector.broadcast %jit3A_1408 : i32 to vector<16xi32>
      %min3A_1412 = arith.minsi %min3A_1411, %max3A_1410 : vector<16xi32>
      %mul3A_1413 = arith.constant 224 : i32
      %mul3A_1414 = vector.broadcast %mul3A_1413 : i32 to vector<16xi32>
      %mul3A_1415 = arith.muli %min3A_1412, %mul3A_1414 : vector<16xi32>
      %add3A_1416 = arith.addi %mul3A_1403, %min3A_1394 : vector<16xi32>
      %swap3A_1417 = arith.constant 80 : index
      %swap3A_1418 = tpu.vector_load %arg19[%swap3A_1417] {strides = array<i32>} : memref<128xi32, #tpu.memory_space<vmem>>, vector<16xi32>,
      tpu.vector_store %arg19[%swap3A_1417], %add3A_1416 {strides = array<i32>} : memref<128xi32, #tpu.memory_space<vmem>>, vector<16xi32>,
      %add3A_1419 = arith.addi %mul3A_1415, %min3A_1394 : vector<16xi32>
      %swap3A_1420 = arith.constant 80 : index
      %swap3A_1421 = tpu.vector_load %arg20[%swap3A_1420] {strides = array<i32>} : memref<128xi32, #tpu.memory_space<vmem>>, vector<16xi32>,
      tpu.vector_store %arg20[%swap3A_1420], %add3A_1419 {strides = array<i32>} : memref<128xi32, #tpu.memory_space<vmem>>, vector<16xi32>,
      %eq3A_1422 = arith.constant -1 : i32
      %eq3A_1423 = vector.broadcast %eq3A_1422 : i32 to vector<16xi32>
      %eq3A_1424 = arith.cmpi eq, %select_n3A_1343, %eq3A_1423 : vector<16xi32>
      %jit3A_1425 = arith.constant 1.000000e+00 : f32
      %jit3A_1426 = arith.constant 0.000000e+00 : f32
      %broadcast_in_dim3A_1427 = vector.broadcast %jit3A_1425 : f32 to vector<16xf32>
      %broadcast_in_dim3A_1428 = vector.broadcast %jit3A_1426 : f32 to vector<16xf32>
      %select_n3A_1429 = arith.select %eq3A_1424, %broadcast_in_dim3A_1427, %broadcast_in_dim3A_1428 : vector<16xi1>, vector<16xf32>
      %swap3A_1430 = arith.constant 80 : index
      %swap3A_1431 = tpu.vector_load %arg25[%swap3A_1430] {strides = array<i32>} : memref<128xf32, #tpu.memory_space<vmem>>, vector<16xf32>,
      tpu.vector_store %arg25[%swap3A_1430], %select_n3A_1429 {strides = array<i32>} : memref<128xf32, #tpu.memory_space<vmem>>, vector<16xf32>,
      %mul3A_1432 = arith.mulf %sub3A_1360, %sub3A_1355 : vector<16xf32>
      %and3A_1433 = arith.andi %and3A_1381, %and3A_1367 : vector<16xi1>
      %jit3A_1434 = arith.constant 1.000000e+00 : f32
      %jit3A_1435 = arith.constant 0.000000e+00 : f32
      %broadcast_in_dim3A_1436 = vector.broadcast %jit3A_1434 : f32 to vector<16xf32>
      %broadcast_in_dim3A_1437 = vector.broadcast %jit3A_1435 : f32 to vector<16xf32>
      %select_n3A_1438 = arith.select %and3A_1433, %broadcast_in_dim3A_1436, %broadcast_in_dim3A_1437 : vector<16xi1>, vector<16xf32>
      %mul3A_1439 = arith.mulf %mul3A_1432, %select_n3A_1438 : vector<16xf32>
      %swap3A_1440 = arith.constant 80 : index
      %swap3A_1441 = tpu.vector_load %arg21[%swap3A_1440] {strides = array<i32>} : memref<128xf32, #tpu.memory_space<vmem>>, vector<16xf32>,
      tpu.vector_store %arg21[%swap3A_1440], %mul3A_1439 {strides = array<i32>} : memref<128xf32, #tpu.memory_space<vmem>>, vector<16xf32>,
      %mul3A_1442 = arith.mulf %sub3A_1360, %sub3A_1352 : vector<16xf32>
      %and3A_1443 = arith.andi %and3A_1381, %and3A_1374 : vector<16xi1>
      %jit3A_1444 = arith.constant 1.000000e+00 : f32
      %jit3A_1445 = arith.constant 0.000000e+00 : f32
      %broadcast_in_dim3A_1446 = vector.broadcast %jit3A_1444 : f32 to vector<16xf32>
      %broadcast_in_dim3A_1447 = vector.broadcast %jit3A_1445 : f32 to vector<16xf32>
      %select_n3A_1448 = arith.select %and3A_1443, %broadcast_in_dim3A_1446, %broadcast_in_dim3A_1447 : vector<16xi1>, vector<16xf32>
      %mul3A_1449 = arith.mulf %mul3A_1442, %select_n3A_1448 : vector<16xf32>
      %swap3A_1450 = arith.constant 80 : index
      %swap3A_1451 = tpu.vector_load %arg22[%swap3A_1450] {strides = array<i32>} : memref<128xf32, #tpu.memory_space<vmem>>, vector<16xf32>,
      tpu.vector_store %arg22[%swap3A_1450], %mul3A_1449 {strides = array<i32>} : memref<128xf32, #tpu.memory_space<vmem>>, vector<16xf32>,
      %mul3A_1452 = arith.mulf %sub3A_1357, %sub3A_1355 : vector<16xf32>
      %and3A_1453 = arith.andi %and3A_1388, %and3A_1367 : vector<16xi1>
      %jit3A_1454 = arith.constant 1.000000e+00 : f32
      %jit3A_1455 = arith.constant 0.000000e+00 : f32
      %broadcast_in_dim3A_1456 = vector.broadcast %jit3A_1454 : f32 to vector<16xf32>
      %broadcast_in_dim3A_1457 = vector.broadcast %jit3A_1455 : f32 to vector<16xf32>
      %select_n3A_1458 = arith.select %and3A_1453, %broadcast_in_dim3A_1456, %broadcast_in_dim3A_1457 : vector<16xi1>, vector<16xf32>
      %mul3A_1459 = arith.mulf %mul3A_1452, %select_n3A_1458 : vector<16xf32>
      %swap3A_1460 = arith.constant 80 : index
      %swap3A_1461 = tpu.vector_load %arg23[%swap3A_1460] {strides = array<i32>} : memref<128xf32, #tpu.memory_space<vmem>>, vector<16xf32>,
      tpu.vector_store %arg23[%swap3A_1460], %mul3A_1459 {strides = array<i32>} : memref<128xf32, #tpu.memory_space<vmem>>, vector<16xf32>,
      %mul3A_1462 = arith.mulf %sub3A_1357, %sub3A_1352 : vector<16xf32>
      %and3A_1463 = arith.andi %and3A_1388, %and3A_1374 : vector<16xi1>
      %jit3A_1464 = arith.constant 1.000000e+00 : f32
      %jit3A_1465 = arith.constant 0.000000e+00 : f32
      %broadcast_in_dim3A_1466 = vector.broadcast %jit3A_1464 : f32 to vector<16xf32>
      %broadcast_in_dim3A_1467 = vector.broadcast %jit3A_1465 : f32 to vector<16xf32>
      %select_n3A_1468 = arith.select %and3A_1463, %broadcast_in_dim3A_1466, %broadcast_in_dim3A_1467 : vector<16xi1>, vector<16xf32>
      %mul3A_1469 = arith.mulf %mul3A_1462, %select_n3A_1468 : vector<16xf32>
      %swap3A_1470 = arith.constant 80 : index
      %swap3A_1471 = tpu.vector_load %arg24[%swap3A_1470] {strides = array<i32>} : memref<128xf32, #tpu.memory_space<vmem>>, vector<16xf32>,
      tpu.vector_store %arg24[%swap3A_1470], %mul3A_1469 {strides = array<i32>} : memref<128xf32, #tpu.memory_space<vmem>>, vector<16xf32>,
      %add3A_1472 = arith.constant 96 : i32
      %add3A_1473 = arith.addi %mul3A_51, %add3A_1472 : i32
      %get3A_1474 = arith.index_cast %add3A_1473 : i32 to index
      %get3A_1475 = tpu.vector_load %arg16[%get3A_1474] {strides = array<i32>} : memref<2048xi32, #tpu.memory_space<vmem>>, vector<16xi32>,
      %ge3A_1476 = arith.constant 0 : i32
      %ge3A_1477 = vector.broadcast %ge3A_1476 : i32 to vector<16xi32>
      %ge3A_1478 = arith.cmpi sge, %get3A_1475, %ge3A_1477 : vector<16xi32>
      %jit3A_1479 = arith.constant 1.000000e+00 : f32
      %jit3A_1480 = arith.constant 0.000000e+00 : f32
      %broadcast_in_dim3A_1481 = vector.broadcast %jit3A_1479 : f32 to vector<16xf32>
      %broadcast_in_dim3A_1482 = vector.broadcast %jit3A_1480 : f32 to vector<16xf32>
      %select_n3A_1483 = arith.select %ge3A_1478, %broadcast_in_dim3A_1481, %broadcast_in_dim3A_1482 : vector<16xi1>, vector<16xf32>
      %max3A_1484 = arith.constant 0 : i32
      %max3A_1485 = vector.broadcast %max3A_1484 : i32 to vector<16xi32>
      %max3A_1486 = arith.maxsi %get3A_1475, %max3A_1485 : vector<16xi32>
      %mul3A_1487 = arith.constant 3 : i32
      %mul3A_1488 = vector.broadcast %mul3A_1487 : i32 to vector<16xi32>
      %mul3A_1489 = arith.muli %max3A_1486, %mul3A_1488 : vector<16xi32>
      %gather3A_1490 = tpu.vector_load_idx %arg13[%mul3A_1489] : memref<29928xi32, #tpu.memory_space<vmem>>[vector<16xi32>], vector<16xi32>,
      %mul3A_1491 = arith.constant 3 : i32
      %mul3A_1492 = vector.broadcast %mul3A_1491 : i32 to vector<16xi32>
      %mul3A_1493 = arith.muli %max3A_1486, %mul3A_1492 : vector<16xi32>
      %add3A_1494 = arith.constant 1 : i32
      %add3A_1495 = vector.broadcast %add3A_1494 : i32 to vector<16xi32>
      %add3A_1496 = arith.addi %mul3A_1493, %add3A_1495 : vector<16xi32>
      %gather3A_1497 = tpu.vector_load_idx %arg13[%add3A_1496] : memref<29928xi32, #tpu.memory_space<vmem>>[vector<16xi32>], vector<16xi32>,
      %mul3A_1498 = arith.constant 3 : i32
      %mul3A_1499 = vector.broadcast %mul3A_1498 : i32 to vector<16xi32>
      %mul3A_1500 = arith.muli %max3A_1486, %mul3A_1499 : vector<16xi32>
      %add3A_1501 = arith.constant 2 : i32
      %add3A_1502 = vector.broadcast %add3A_1501 : i32 to vector<16xi32>
      %add3A_1503 = arith.addi %mul3A_1500, %add3A_1502 : vector<16xi32>
      %gather3A_1504 = tpu.vector_load_idx %arg13[%add3A_1503] : memref<29928xi32, #tpu.memory_space<vmem>>[vector<16xi32>], vector<16xi32>,
      %gather3A_1505 = tpu.vector_load_idx %arg11[%gather3A_1490] : memref<5024xf32, #tpu.memory_space<vmem>>[vector<16xi32>], vector<16xf32>,
      %gather3A_1506 = tpu.vector_load_idx %arg11[%gather3A_1497] : memref<5024xf32, #tpu.memory_space<vmem>>[vector<16xi32>], vector<16xf32>,
      %gather3A_1507 = tpu.vector_load_idx %arg11[%gather3A_1504] : memref<5024xf32, #tpu.memory_space<vmem>>[vector<16xi32>], vector<16xf32>,
      %gather3A_1508 = tpu.vector_load_idx %arg12[%gather3A_1490] : memref<5024xf32, #tpu.memory_space<vmem>>[vector<16xi32>], vector<16xf32>,
      %gather3A_1509 = tpu.vector_load_idx %arg12[%gather3A_1497] : memref<5024xf32, #tpu.memory_space<vmem>>[vector<16xi32>], vector<16xf32>,
      %gather3A_1510 = tpu.vector_load_idx %arg12[%gather3A_1504] : memref<5024xf32, #tpu.memory_space<vmem>>[vector<16xi32>], vector<16xf32>,
      %add3A_1511 = arith.constant 96 : i32
      %add3A_1512 = arith.addi %mul3A_51, %add3A_1511 : i32
      %mul3A_1513 = arith.constant 3 : i32
      %mul3A_1514 = arith.muli %add3A_1512, %mul3A_1513 : i32
      %add3A_1515 = vector.broadcast %mul3A_1514 : i32 to vector<16xi32>
      %add3A_1516 = arith.addi %mul3A_40, %add3A_1515 : vector<16xi32>
      %gather3A_1517 = tpu.vector_load_idx %arg17[%add3A_1516] : memref<6144xf32, #tpu.memory_space<vmem>>[vector<16xi32>], vector<16xf32>,
      %add3A_1518 = arith.constant 1 : i32
      %add3A_1519 = arith.addi %mul3A_1514, %add3A_1518 : i32
      %add3A_1520 = vector.broadcast %add3A_1519 : i32 to vector<16xi32>
      %add3A_1521 = arith.addi %mul3A_40, %add3A_1520 : vector<16xi32>
      %gather3A_1522 = tpu.vector_load_idx %arg17[%add3A_1521] : memref<6144xf32, #tpu.memory_space<vmem>>[vector<16xi32>], vector<16xf32>,
      %add3A_1523 = arith.constant 2 : i32
      %add3A_1524 = arith.addi %mul3A_1514, %add3A_1523 : i32
      %add3A_1525 = vector.broadcast %add3A_1524 : i32 to vector<16xi32>
      %add3A_1526 = arith.addi %mul3A_40, %add3A_1525 : vector<16xi32>
      %gather3A_1527 = tpu.vector_load_idx %arg17[%add3A_1526] : memref<6144xf32, #tpu.memory_space<vmem>>[vector<16xi32>], vector<16xf32>,
      %mul3A_1528 = arith.mulf %gather3A_1517, %gather3A_1505 : vector<16xf32>
      %mul3A_1529 = arith.mulf %gather3A_1522, %gather3A_1506 : vector<16xf32>
      %add3A_1530 = arith.addf %mul3A_1528, %mul3A_1529 : vector<16xf32>
      %mul3A_1531 = arith.mulf %gather3A_1527, %gather3A_1507 : vector<16xf32>
      %add3A_1532 = arith.addf %add3A_1530, %mul3A_1531 : vector<16xf32>
      %mul3A_1533 = arith.mulf %add3A_1532, %select_n3A_1483 : vector<16xf32>
      %mul3A_1534 = arith.mulf %gather3A_1517, %gather3A_1508 : vector<16xf32>
      %mul3A_1535 = arith.mulf %gather3A_1522, %gather3A_1509 : vector<16xf32>
      %add3A_1536 = arith.addf %mul3A_1534, %mul3A_1535 : vector<16xf32>
      %mul3A_1537 = arith.mulf %gather3A_1527, %gather3A_1510 : vector<16xf32>
      %add3A_1538 = arith.addf %add3A_1536, %mul3A_1537 : vector<16xf32>
      %mul3A_1539 = arith.mulf %add3A_1538, %select_n3A_1483 : vector<16xf32>
      %add3A_1540 = arith.constant 1.000000e+00 : f32
      %add3A_1541 = vector.broadcast %add3A_1540 : f32 to vector<16xf32>
      %add3A_1542 = arith.addf %mul3A_1533, %add3A_1541 : vector<16xf32>
      %mul3A_1543 = arith.constant 2.240000e+02 : f32
      %mul3A_1544 = vector.broadcast %mul3A_1543 : f32 to vector<16xf32>
      %mul3A_1545 = arith.mulf %add3A_1542, %mul3A_1544 : vector<16xf32>
      %sub3A_1546 = arith.constant 1.000000e+00 : f32
      %sub3A_1547 = vector.broadcast %sub3A_1546 : f32 to vector<16xf32>
      %sub3A_1548 = arith.subf %mul3A_1545, %sub3A_1547 : vector<16xf32>
      %mul3A_1549 = arith.constant 5.000000e-01 : f32
      %mul3A_1550 = vector.broadcast %mul3A_1549 : f32 to vector<16xf32>
      %mul3A_1551 = arith.mulf %sub3A_1548, %mul3A_1550 : vector<16xf32>
      %jit3A_1552 = arith.constant -8.000000e+00 : f32
      %jit3A_1553 = arith.constant 2.320000e+02 : f32
      %max3A_1554 = vector.broadcast %jit3A_1552 : f32 to vector<16xf32>
      %max3A_1555 = arith.maximumf %max3A_1554, %mul3A_1551 : vector<16xf32>
      %min3A_1556 = vector.broadcast %jit3A_1553 : f32 to vector<16xf32>
      %min3A_1557 = arith.minimumf %min3A_1556, %max3A_1555 : vector<16xf32>
      %add3A_1558 = arith.constant 1.000000e+00 : f32
      %add3A_1559 = vector.broadcast %add3A_1558 : f32 to vector<16xf32>
      %add3A_1560 = arith.addf %mul3A_1539, %add3A_1559 : vector<16xf32>
      %mul3A_1561 = arith.constant 2.240000e+02 : f32
      %mul3A_1562 = vector.broadcast %mul3A_1561 : f32 to vector<16xf32>
      %mul3A_1563 = arith.mulf %add3A_1560, %mul3A_1562 : vector<16xf32>
      %sub3A_1564 = arith.constant 1.000000e+00 : f32
      %sub3A_1565 = vector.broadcast %sub3A_1564 : f32 to vector<16xf32>
      %sub3A_1566 = arith.subf %mul3A_1563, %sub3A_1565 : vector<16xf32>
      %mul3A_1567 = arith.constant 5.000000e-01 : f32
      %mul3A_1568 = vector.broadcast %mul3A_1567 : f32 to vector<16xf32>
      %mul3A_1569 = arith.mulf %sub3A_1566, %mul3A_1568 : vector<16xf32>
      %jit3A_1570 = arith.constant -8.000000e+00 : f32
      %jit3A_1571 = arith.constant 2.320000e+02 : f32
      %max3A_1572 = vector.broadcast %jit3A_1570 : f32 to vector<16xf32>
      %max3A_1573 = arith.maximumf %max3A_1572, %mul3A_1569 : vector<16xf32>
      %min3A_1574 = vector.broadcast %jit3A_1571 : f32 to vector<16xf32>
      %min3A_1575 = arith.minimumf %min3A_1574, %max3A_1573 : vector<16xf32>
      %convert_element_type3A_1576 = arith.fptosi %min3A_1557 : vector<16xf32> to vector<16xi32>
      %convert_element_type3A_1577 = arith.sitofp %convert_element_type3A_1576 : vector<16xi32> to vector<16xf32>
      %gt3A_1578 = arith.cmpf ogt, %convert_element_type3A_1577, %min3A_1557 : vector<16xf32>
      %sub3A_1579 = arith.constant 1 : i32
      %sub3A_1580 = vector.broadcast %sub3A_1579 : i32 to vector<16xi32>
      %sub3A_1581 = arith.subi %convert_element_type3A_1576, %sub3A_1580 : vector<16xi32>
      %select_n3A_1582 = arith.select %gt3A_1578, %sub3A_1581, %convert_element_type3A_1576 : vector<16xi1>, vector<16xi32>
      %convert_element_type3A_1583 = arith.fptosi %min3A_1575 : vector<16xf32> to vector<16xi32>
      %convert_element_type3A_1584 = arith.sitofp %convert_element_type3A_1583 : vector<16xi32> to vector<16xf32>
      %gt3A_1585 = arith.cmpf ogt, %convert_element_type3A_1584, %min3A_1575 : vector<16xf32>
      %sub3A_1586 = arith.constant 1 : i32
      %sub3A_1587 = vector.broadcast %sub3A_1586 : i32 to vector<16xi32>
      %sub3A_1588 = arith.subi %convert_element_type3A_1583, %sub3A_1587 : vector<16xi32>
      %select_n3A_1589 = arith.select %gt3A_1585, %sub3A_1588, %convert_element_type3A_1583 : vector<16xi1>, vector<16xi32>
      %convert_element_type3A_1590 = arith.sitofp %select_n3A_1582 : vector<16xi32> to vector<16xf32>
      %sub3A_1591 = arith.subf %min3A_1557, %convert_element_type3A_1590 : vector<16xf32>
      %sub3A_1592 = arith.constant 1.000000e+00 : f32
      %sub3A_1593 = vector.broadcast %sub3A_1592 : f32 to vector<16xf32>
      %sub3A_1594 = arith.subf %sub3A_1593, %sub3A_1591 : vector<16xf32>
      %convert_element_type3A_1595 = arith.sitofp %select_n3A_1589 : vector<16xi32> to vector<16xf32>
      %sub3A_1596 = arith.subf %min3A_1575, %convert_element_type3A_1595 : vector<16xf32>
      %sub3A_1597 = arith.constant 1.000000e+00 : f32
      %sub3A_1598 = vector.broadcast %sub3A_1597 : f32 to vector<16xf32>
      %sub3A_1599 = arith.subf %sub3A_1598, %sub3A_1596 : vector<16xf32>
      %ge3A_1600 = arith.constant 0 : i32
      %ge3A_1601 = vector.broadcast %ge3A_1600 : i32 to vector<16xi32>
      %ge3A_1602 = arith.cmpi sge, %select_n3A_1582, %ge3A_1601 : vector<16xi32>
      %le3A_1603 = arith.constant 223 : i32
      %le3A_1604 = vector.broadcast %le3A_1603 : i32 to vector<16xi32>
      %le3A_1605 = arith.cmpi sle, %select_n3A_1582, %le3A_1604 : vector<16xi32>
      %and3A_1606 = arith.andi %ge3A_1602, %le3A_1605 : vector<16xi1>
      %ge3A_1607 = arith.constant -1 : i32
      %ge3A_1608 = vector.broadcast %ge3A_1607 : i32 to vector<16xi32>
      %ge3A_1609 = arith.cmpi sge, %select_n3A_1582, %ge3A_1608 : vector<16xi32>
      %le3A_1610 = arith.constant 222 : i32
      %le3A_1611 = vector.broadcast %le3A_1610 : i32 to vector<16xi32>
      %le3A_1612 = arith.cmpi sle, %select_n3A_1582, %le3A_1611 : vector<16xi32>
      %and3A_1613 = arith.andi %ge3A_1609, %le3A_1612 : vector<16xi1>
      %ge3A_1614 = arith.constant 0 : i32
      %ge3A_1615 = vector.broadcast %ge3A_1614 : i32 to vector<16xi32>
      %ge3A_1616 = arith.cmpi sge, %select_n3A_1589, %ge3A_1615 : vector<16xi32>
      %le3A_1617 = arith.constant 223 : i32
      %le3A_1618 = vector.broadcast %le3A_1617 : i32 to vector<16xi32>
      %le3A_1619 = arith.cmpi sle, %select_n3A_1589, %le3A_1618 : vector<16xi32>
      %and3A_1620 = arith.andi %ge3A_1616, %le3A_1619 : vector<16xi1>
      %ge3A_1621 = arith.constant -1 : i32
      %ge3A_1622 = vector.broadcast %ge3A_1621 : i32 to vector<16xi32>
      %ge3A_1623 = arith.cmpi sge, %select_n3A_1589, %ge3A_1622 : vector<16xi32>
      %le3A_1624 = arith.constant 222 : i32
      %le3A_1625 = vector.broadcast %le3A_1624 : i32 to vector<16xi32>
      %le3A_1626 = arith.cmpi sle, %select_n3A_1589, %le3A_1625 : vector<16xi32>
      %and3A_1627 = arith.andi %ge3A_1623, %le3A_1626 : vector<16xi1>
      %jit3A_1628 = arith.constant 0 : i32
      %jit3A_1629 = arith.constant 223 : i32
      %max3A_1630 = vector.broadcast %jit3A_1628 : i32 to vector<16xi32>
      %max3A_1631 = arith.maxsi %max3A_1630, %select_n3A_1582 : vector<16xi32>
      %min3A_1632 = vector.broadcast %jit3A_1629 : i32 to vector<16xi32>
      %min3A_1633 = arith.minsi %min3A_1632, %max3A_1631 : vector<16xi32>
      %jit3A_1634 = arith.constant 0 : i32
      %jit3A_1635 = arith.constant 223 : i32
      %max3A_1636 = vector.broadcast %jit3A_1634 : i32 to vector<16xi32>
      %max3A_1637 = arith.maxsi %max3A_1636, %select_n3A_1589 : vector<16xi32>
      %min3A_1638 = vector.broadcast %jit3A_1635 : i32 to vector<16xi32>
      %min3A_1639 = arith.minsi %min3A_1638, %max3A_1637 : vector<16xi32>
      %mul3A_1640 = arith.constant 224 : i32
      %mul3A_1641 = vector.broadcast %mul3A_1640 : i32 to vector<16xi32>
      %mul3A_1642 = arith.muli %min3A_1639, %mul3A_1641 : vector<16xi32>
      %add3A_1643 = arith.constant 1 : i32
      %add3A_1644 = vector.broadcast %add3A_1643 : i32 to vector<16xi32>
      %add3A_1645 = arith.addi %select_n3A_1589, %add3A_1644 : vector<16xi32>
      %jit3A_1646 = arith.constant 0 : i32
      %jit3A_1647 = arith.constant 223 : i32
      %max3A_1648 = vector.broadcast %jit3A_1646 : i32 to vector<16xi32>
      %max3A_1649 = arith.maxsi %max3A_1648, %add3A_1645 : vector<16xi32>
      %min3A_1650 = vector.broadcast %jit3A_1647 : i32 to vector<16xi32>
      %min3A_1651 = arith.minsi %min3A_1650, %max3A_1649 : vector<16xi32>
      %mul3A_1652 = arith.constant 224 : i32
      %mul3A_1653 = vector.broadcast %mul3A_1652 : i32 to vector<16xi32>
      %mul3A_1654 = arith.muli %min3A_1651, %mul3A_1653 : vector<16xi32>
      %add3A_1655 = arith.addi %mul3A_1642, %min3A_1633 : vector<16xi32>
      %swap3A_1656 = arith.constant 96 : index
      %swap3A_1657 = tpu.vector_load %arg19[%swap3A_1656] {strides = array<i32>} : memref<128xi32, #tpu.memory_space<vmem>>, vector<16xi32>,
      tpu.vector_store %arg19[%swap3A_1656], %add3A_1655 {strides = array<i32>} : memref<128xi32, #tpu.memory_space<vmem>>, vector<16xi32>,
      %add3A_1658 = arith.addi %mul3A_1654, %min3A_1633 : vector<16xi32>
      %swap3A_1659 = arith.constant 96 : index
      %swap3A_1660 = tpu.vector_load %arg20[%swap3A_1659] {strides = array<i32>} : memref<128xi32, #tpu.memory_space<vmem>>, vector<16xi32>,
      tpu.vector_store %arg20[%swap3A_1659], %add3A_1658 {strides = array<i32>} : memref<128xi32, #tpu.memory_space<vmem>>, vector<16xi32>,
      %eq3A_1661 = arith.constant -1 : i32
      %eq3A_1662 = vector.broadcast %eq3A_1661 : i32 to vector<16xi32>
      %eq3A_1663 = arith.cmpi eq, %select_n3A_1582, %eq3A_1662 : vector<16xi32>
      %jit3A_1664 = arith.constant 1.000000e+00 : f32
      %jit3A_1665 = arith.constant 0.000000e+00 : f32
      %broadcast_in_dim3A_1666 = vector.broadcast %jit3A_1664 : f32 to vector<16xf32>
      %broadcast_in_dim3A_1667 = vector.broadcast %jit3A_1665 : f32 to vector<16xf32>
      %select_n3A_1668 = arith.select %eq3A_1663, %broadcast_in_dim3A_1666, %broadcast_in_dim3A_1667 : vector<16xi1>, vector<16xf32>
      %swap3A_1669 = arith.constant 96 : index
      %swap3A_1670 = tpu.vector_load %arg25[%swap3A_1669] {strides = array<i32>} : memref<128xf32, #tpu.memory_space<vmem>>, vector<16xf32>,
      tpu.vector_store %arg25[%swap3A_1669], %select_n3A_1668 {strides = array<i32>} : memref<128xf32, #tpu.memory_space<vmem>>, vector<16xf32>,
      %mul3A_1671 = arith.mulf %sub3A_1599, %sub3A_1594 : vector<16xf32>
      %and3A_1672 = arith.andi %and3A_1620, %and3A_1606 : vector<16xi1>
      %jit3A_1673 = arith.constant 1.000000e+00 : f32
      %jit3A_1674 = arith.constant 0.000000e+00 : f32
      %broadcast_in_dim3A_1675 = vector.broadcast %jit3A_1673 : f32 to vector<16xf32>
      %broadcast_in_dim3A_1676 = vector.broadcast %jit3A_1674 : f32 to vector<16xf32>
      %select_n3A_1677 = arith.select %and3A_1672, %broadcast_in_dim3A_1675, %broadcast_in_dim3A_1676 : vector<16xi1>, vector<16xf32>
      %mul3A_1678 = arith.mulf %mul3A_1671, %select_n3A_1677 : vector<16xf32>
      %swap3A_1679 = arith.constant 96 : index
      %swap3A_1680 = tpu.vector_load %arg21[%swap3A_1679] {strides = array<i32>} : memref<128xf32, #tpu.memory_space<vmem>>, vector<16xf32>,
      tpu.vector_store %arg21[%swap3A_1679], %mul3A_1678 {strides = array<i32>} : memref<128xf32, #tpu.memory_space<vmem>>, vector<16xf32>,
      %mul3A_1681 = arith.mulf %sub3A_1599, %sub3A_1591 : vector<16xf32>
      %and3A_1682 = arith.andi %and3A_1620, %and3A_1613 : vector<16xi1>
      %jit3A_1683 = arith.constant 1.000000e+00 : f32
      %jit3A_1684 = arith.constant 0.000000e+00 : f32
      %broadcast_in_dim3A_1685 = vector.broadcast %jit3A_1683 : f32 to vector<16xf32>
      %broadcast_in_dim3A_1686 = vector.broadcast %jit3A_1684 : f32 to vector<16xf32>
      %select_n3A_1687 = arith.select %and3A_1682, %broadcast_in_dim3A_1685, %broadcast_in_dim3A_1686 : vector<16xi1>, vector<16xf32>
      %mul3A_1688 = arith.mulf %mul3A_1681, %select_n3A_1687 : vector<16xf32>
      %swap3A_1689 = arith.constant 96 : index
      %swap3A_1690 = tpu.vector_load %arg22[%swap3A_1689] {strides = array<i32>} : memref<128xf32, #tpu.memory_space<vmem>>, vector<16xf32>,
      tpu.vector_store %arg22[%swap3A_1689], %mul3A_1688 {strides = array<i32>} : memref<128xf32, #tpu.memory_space<vmem>>, vector<16xf32>,
      %mul3A_1691 = arith.mulf %sub3A_1596, %sub3A_1594 : vector<16xf32>
      %and3A_1692 = arith.andi %and3A_1627, %and3A_1606 : vector<16xi1>
      %jit3A_1693 = arith.constant 1.000000e+00 : f32
      %jit3A_1694 = arith.constant 0.000000e+00 : f32
      %broadcast_in_dim3A_1695 = vector.broadcast %jit3A_1693 : f32 to vector<16xf32>
      %broadcast_in_dim3A_1696 = vector.broadcast %jit3A_1694 : f32 to vector<16xf32>
      %select_n3A_1697 = arith.select %and3A_1692, %broadcast_in_dim3A_1695, %broadcast_in_dim3A_1696 : vector<16xi1>, vector<16xf32>
      %mul3A_1698 = arith.mulf %mul3A_1691, %select_n3A_1697 : vector<16xf32>
      %swap3A_1699 = arith.constant 96 : index
      %swap3A_1700 = tpu.vector_load %arg23[%swap3A_1699] {strides = array<i32>} : memref<128xf32, #tpu.memory_space<vmem>>, vector<16xf32>,
      tpu.vector_store %arg23[%swap3A_1699], %mul3A_1698 {strides = array<i32>} : memref<128xf32, #tpu.memory_space<vmem>>, vector<16xf32>,
      %mul3A_1701 = arith.mulf %sub3A_1596, %sub3A_1591 : vector<16xf32>
      %and3A_1702 = arith.andi %and3A_1627, %and3A_1613 : vector<16xi1>
      %jit3A_1703 = arith.constant 1.000000e+00 : f32
      %jit3A_1704 = arith.constant 0.000000e+00 : f32
      %broadcast_in_dim3A_1705 = vector.broadcast %jit3A_1703 : f32 to vector<16xf32>
      %broadcast_in_dim3A_1706 = vector.broadcast %jit3A_1704 : f32 to vector<16xf32>
      %select_n3A_1707 = arith.select %and3A_1702, %broadcast_in_dim3A_1705, %broadcast_in_dim3A_1706 : vector<16xi1>, vector<16xf32>
      %mul3A_1708 = arith.mulf %mul3A_1701, %select_n3A_1707 : vector<16xf32>
      %swap3A_1709 = arith.constant 96 : index
      %swap3A_1710 = tpu.vector_load %arg24[%swap3A_1709] {strides = array<i32>} : memref<128xf32, #tpu.memory_space<vmem>>, vector<16xf32>,
      tpu.vector_store %arg24[%swap3A_1709], %mul3A_1708 {strides = array<i32>} : memref<128xf32, #tpu.memory_space<vmem>>, vector<16xf32>,
      %add3A_1711 = arith.constant 112 : i32
      %add3A_1712 = arith.addi %mul3A_51, %add3A_1711 : i32
      %get3A_1713 = arith.index_cast %add3A_1712 : i32 to index
      %get3A_1714 = tpu.vector_load %arg16[%get3A_1713] {strides = array<i32>} : memref<2048xi32, #tpu.memory_space<vmem>>, vector<16xi32>,
      %ge3A_1715 = arith.constant 0 : i32
      %ge3A_1716 = vector.broadcast %ge3A_1715 : i32 to vector<16xi32>
      %ge3A_1717 = arith.cmpi sge, %get3A_1714, %ge3A_1716 : vector<16xi32>
      %jit3A_1718 = arith.constant 1.000000e+00 : f32
      %jit3A_1719 = arith.constant 0.000000e+00 : f32
      %broadcast_in_dim3A_1720 = vector.broadcast %jit3A_1718 : f32 to vector<16xf32>
      %broadcast_in_dim3A_1721 = vector.broadcast %jit3A_1719 : f32 to vector<16xf32>
      %select_n3A_1722 = arith.select %ge3A_1717, %broadcast_in_dim3A_1720, %broadcast_in_dim3A_1721 : vector<16xi1>, vector<16xf32>
      %max3A_1723 = arith.constant 0 : i32
      %max3A_1724 = vector.broadcast %max3A_1723 : i32 to vector<16xi32>
      %max3A_1725 = arith.maxsi %get3A_1714, %max3A_1724 : vector<16xi32>
      %mul3A_1726 = arith.constant 3 : i32
      %mul3A_1727 = vector.broadcast %mul3A_1726 : i32 to vector<16xi32>
      %mul3A_1728 = arith.muli %max3A_1725, %mul3A_1727 : vector<16xi32>
      %gather3A_1729 = tpu.vector_load_idx %arg13[%mul3A_1728] : memref<29928xi32, #tpu.memory_space<vmem>>[vector<16xi32>], vector<16xi32>,
      %mul3A_1730 = arith.constant 3 : i32
      %mul3A_1731 = vector.broadcast %mul3A_1730 : i32 to vector<16xi32>
      %mul3A_1732 = arith.muli %max3A_1725, %mul3A_1731 : vector<16xi32>
      %add3A_1733 = arith.constant 1 : i32
      %add3A_1734 = vector.broadcast %add3A_1733 : i32 to vector<16xi32>
      %add3A_1735 = arith.addi %mul3A_1732, %add3A_1734 : vector<16xi32>
      %gather3A_1736 = tpu.vector_load_idx %arg13[%add3A_1735] : memref<29928xi32, #tpu.memory_space<vmem>>[vector<16xi32>], vector<16xi32>,
      %mul3A_1737 = arith.constant 3 : i32
      %mul3A_1738 = vector.broadcast %mul3A_1737 : i32 to vector<16xi32>
      %mul3A_1739 = arith.muli %max3A_1725, %mul3A_1738 : vector<16xi32>
      %add3A_1740 = arith.constant 2 : i32
      %add3A_1741 = vector.broadcast %add3A_1740 : i32 to vector<16xi32>
      %add3A_1742 = arith.addi %mul3A_1739, %add3A_1741 : vector<16xi32>
      %gather3A_1743 = tpu.vector_load_idx %arg13[%add3A_1742] : memref<29928xi32, #tpu.memory_space<vmem>>[vector<16xi32>], vector<16xi32>,
      %gather3A_1744 = tpu.vector_load_idx %arg11[%gather3A_1729] : memref<5024xf32, #tpu.memory_space<vmem>>[vector<16xi32>], vector<16xf32>,
      %gather3A_1745 = tpu.vector_load_idx %arg11[%gather3A_1736] : memref<5024xf32, #tpu.memory_space<vmem>>[vector<16xi32>], vector<16xf32>,
      %gather3A_1746 = tpu.vector_load_idx %arg11[%gather3A_1743] : memref<5024xf32, #tpu.memory_space<vmem>>[vector<16xi32>], vector<16xf32>,
      %gather3A_1747 = tpu.vector_load_idx %arg12[%gather3A_1729] : memref<5024xf32, #tpu.memory_space<vmem>>[vector<16xi32>], vector<16xf32>,
      %gather3A_1748 = tpu.vector_load_idx %arg12[%gather3A_1736] : memref<5024xf32, #tpu.memory_space<vmem>>[vector<16xi32>], vector<16xf32>,
      %gather3A_1749 = tpu.vector_load_idx %arg12[%gather3A_1743] : memref<5024xf32, #tpu.memory_space<vmem>>[vector<16xi32>], vector<16xf32>,
      %add3A_1750 = arith.constant 112 : i32
      %add3A_1751 = arith.addi %mul3A_51, %add3A_1750 : i32
      %mul3A_1752 = arith.constant 3 : i32
      %mul3A_1753 = arith.muli %add3A_1751, %mul3A_1752 : i32
      %add3A_1754 = vector.broadcast %mul3A_1753 : i32 to vector<16xi32>
      %add3A_1755 = arith.addi %mul3A_40, %add3A_1754 : vector<16xi32>
      %gather3A_1756 = tpu.vector_load_idx %arg17[%add3A_1755] : memref<6144xf32, #tpu.memory_space<vmem>>[vector<16xi32>], vector<16xf32>,
      %add3A_1757 = arith.constant 1 : i32
      %add3A_1758 = arith.addi %mul3A_1753, %add3A_1757 : i32
      %add3A_1759 = vector.broadcast %add3A_1758 : i32 to vector<16xi32>
      %add3A_1760 = arith.addi %mul3A_40, %add3A_1759 : vector<16xi32>
      %gather3A_1761 = tpu.vector_load_idx %arg17[%add3A_1760] : memref<6144xf32, #tpu.memory_space<vmem>>[vector<16xi32>], vector<16xf32>,
      %add3A_1762 = arith.constant 2 : i32
      %add3A_1763 = arith.addi %mul3A_1753, %add3A_1762 : i32
      %add3A_1764 = vector.broadcast %add3A_1763 : i32 to vector<16xi32>
      %add3A_1765 = arith.addi %mul3A_40, %add3A_1764 : vector<16xi32>
      %gather3A_1766 = tpu.vector_load_idx %arg17[%add3A_1765] : memref<6144xf32, #tpu.memory_space<vmem>>[vector<16xi32>], vector<16xf32>,
      %mul3A_1767 = arith.mulf %gather3A_1756, %gather3A_1744 : vector<16xf32>
      %mul3A_1768 = arith.mulf %gather3A_1761, %gather3A_1745 : vector<16xf32>
      %add3A_1769 = arith.addf %mul3A_1767, %mul3A_1768 : vector<16xf32>
      %mul3A_1770 = arith.mulf %gather3A_1766, %gather3A_1746 : vector<16xf32>
      %add3A_1771 = arith.addf %add3A_1769, %mul3A_1770 : vector<16xf32>
      %mul3A_1772 = arith.mulf %add3A_1771, %select_n3A_1722 : vector<16xf32>
      %mul3A_1773 = arith.mulf %gather3A_1756, %gather3A_1747 : vector<16xf32>
      %mul3A_1774 = arith.mulf %gather3A_1761, %gather3A_1748 : vector<16xf32>
      %add3A_1775 = arith.addf %mul3A_1773, %mul3A_1774 : vector<16xf32>
      %mul3A_1776 = arith.mulf %gather3A_1766, %gather3A_1749 : vector<16xf32>
      %add3A_1777 = arith.addf %add3A_1775, %mul3A_1776 : vector<16xf32>
      %mul3A_1778 = arith.mulf %add3A_1777, %select_n3A_1722 : vector<16xf32>
      %add3A_1779 = arith.constant 1.000000e+00 : f32
      %add3A_1780 = vector.broadcast %add3A_1779 : f32 to vector<16xf32>
      %add3A_1781 = arith.addf %mul3A_1772, %add3A_1780 : vector<16xf32>
      %mul3A_1782 = arith.constant 2.240000e+02 : f32
      %mul3A_1783 = vector.broadcast %mul3A_1782 : f32 to vector<16xf32>
      %mul3A_1784 = arith.mulf %add3A_1781, %mul3A_1783 : vector<16xf32>
      %sub3A_1785 = arith.constant 1.000000e+00 : f32
      %sub3A_1786 = vector.broadcast %sub3A_1785 : f32 to vector<16xf32>
      %sub3A_1787 = arith.subf %mul3A_1784, %sub3A_1786 : vector<16xf32>
      %mul3A_1788 = arith.constant 5.000000e-01 : f32
      %mul3A_1789 = vector.broadcast %mul3A_1788 : f32 to vector<16xf32>
      %mul3A_1790 = arith.mulf %sub3A_1787, %mul3A_1789 : vector<16xf32>
      %jit3A_1791 = arith.constant -8.000000e+00 : f32
      %jit3A_1792 = arith.constant 2.320000e+02 : f32
      %max3A_1793 = vector.broadcast %jit3A_1791 : f32 to vector<16xf32>
      %max3A_1794 = arith.maximumf %max3A_1793, %mul3A_1790 : vector<16xf32>
      %min3A_1795 = vector.broadcast %jit3A_1792 : f32 to vector<16xf32>
      %min3A_1796 = arith.minimumf %min3A_1795, %max3A_1794 : vector<16xf32>
      %add3A_1797 = arith.constant 1.000000e+00 : f32
      %add3A_1798 = vector.broadcast %add3A_1797 : f32 to vector<16xf32>
      %add3A_1799 = arith.addf %mul3A_1778, %add3A_1798 : vector<16xf32>
      %mul3A_1800 = arith.constant 2.240000e+02 : f32
      %mul3A_1801 = vector.broadcast %mul3A_1800 : f32 to vector<16xf32>
      %mul3A_1802 = arith.mulf %add3A_1799, %mul3A_1801 : vector<16xf32>
      %sub3A_1803 = arith.constant 1.000000e+00 : f32
      %sub3A_1804 = vector.broadcast %sub3A_1803 : f32 to vector<16xf32>
      %sub3A_1805 = arith.subf %mul3A_1802, %sub3A_1804 : vector<16xf32>
      %mul3A_1806 = arith.constant 5.000000e-01 : f32
      %mul3A_1807 = vector.broadcast %mul3A_1806 : f32 to vector<16xf32>
      %mul3A_1808 = arith.mulf %sub3A_1805, %mul3A_1807 : vector<16xf32>
      %jit3A_1809 = arith.constant -8.000000e+00 : f32
      %jit3A_1810 = arith.constant 2.320000e+02 : f32
      %max3A_1811 = vector.broadcast %jit3A_1809 : f32 to vector<16xf32>
      %max3A_1812 = arith.maximumf %max3A_1811, %mul3A_1808 : vector<16xf32>
      %min3A_1813 = vector.broadcast %jit3A_1810 : f32 to vector<16xf32>
      %min3A_1814 = arith.minimumf %min3A_1813, %max3A_1812 : vector<16xf32>
      %convert_element_type3A_1815 = arith.fptosi %min3A_1796 : vector<16xf32> to vector<16xi32>
      %convert_element_type3A_1816 = arith.sitofp %convert_element_type3A_1815 : vector<16xi32> to vector<16xf32>
      %gt3A_1817 = arith.cmpf ogt, %convert_element_type3A_1816, %min3A_1796 : vector<16xf32>
      %sub3A_1818 = arith.constant 1 : i32
      %sub3A_1819 = vector.broadcast %sub3A_1818 : i32 to vector<16xi32>
      %sub3A_1820 = arith.subi %convert_element_type3A_1815, %sub3A_1819 : vector<16xi32>
      %select_n3A_1821 = arith.select %gt3A_1817, %sub3A_1820, %convert_element_type3A_1815 : vector<16xi1>, vector<16xi32>
      %convert_element_type3A_1822 = arith.fptosi %min3A_1814 : vector<16xf32> to vector<16xi32>
      %convert_element_type3A_1823 = arith.sitofp %convert_element_type3A_1822 : vector<16xi32> to vector<16xf32>
      %gt3A_1824 = arith.cmpf ogt, %convert_element_type3A_1823, %min3A_1814 : vector<16xf32>
      %sub3A_1825 = arith.constant 1 : i32
      %sub3A_1826 = vector.broadcast %sub3A_1825 : i32 to vector<16xi32>
      %sub3A_1827 = arith.subi %convert_element_type3A_1822, %sub3A_1826 : vector<16xi32>
      %select_n3A_1828 = arith.select %gt3A_1824, %sub3A_1827, %convert_element_type3A_1822 : vector<16xi1>, vector<16xi32>
      %convert_element_type3A_1829 = arith.sitofp %select_n3A_1821 : vector<16xi32> to vector<16xf32>
      %sub3A_1830 = arith.subf %min3A_1796, %convert_element_type3A_1829 : vector<16xf32>
      %sub3A_1831 = arith.constant 1.000000e+00 : f32
      %sub3A_1832 = vector.broadcast %sub3A_1831 : f32 to vector<16xf32>
      %sub3A_1833 = arith.subf %sub3A_1832, %sub3A_1830 : vector<16xf32>
      %convert_element_type3A_1834 = arith.sitofp %select_n3A_1828 : vector<16xi32> to vector<16xf32>
      %sub3A_1835 = arith.subf %min3A_1814, %convert_element_type3A_1834 : vector<16xf32>
      %sub3A_1836 = arith.constant 1.000000e+00 : f32
      %sub3A_1837 = vector.broadcast %sub3A_1836 : f32 to vector<16xf32>
      %sub3A_1838 = arith.subf %sub3A_1837, %sub3A_1835 : vector<16xf32>
      %ge3A_1839 = arith.constant 0 : i32
      %ge3A_1840 = vector.broadcast %ge3A_1839 : i32 to vector<16xi32>
      %ge3A_1841 = arith.cmpi sge, %select_n3A_1821, %ge3A_1840 : vector<16xi32>
      %le3A_1842 = arith.constant 223 : i32
      %le3A_1843 = vector.broadcast %le3A_1842 : i32 to vector<16xi32>
      %le3A_1844 = arith.cmpi sle, %select_n3A_1821, %le3A_1843 : vector<16xi32>
      %and3A_1845 = arith.andi %ge3A_1841, %le3A_1844 : vector<16xi1>
      %ge3A_1846 = arith.constant -1 : i32
      %ge3A_1847 = vector.broadcast %ge3A_1846 : i32 to vector<16xi32>
      %ge3A_1848 = arith.cmpi sge, %select_n3A_1821, %ge3A_1847 : vector<16xi32>
      %le3A_1849 = arith.constant 222 : i32
      %le3A_1850 = vector.broadcast %le3A_1849 : i32 to vector<16xi32>
      %le3A_1851 = arith.cmpi sle, %select_n3A_1821, %le3A_1850 : vector<16xi32>
      %and3A_1852 = arith.andi %ge3A_1848, %le3A_1851 : vector<16xi1>
      %ge3A_1853 = arith.constant 0 : i32
      %ge3A_1854 = vector.broadcast %ge3A_1853 : i32 to vector<16xi32>
      %ge3A_1855 = arith.cmpi sge, %select_n3A_1828, %ge3A_1854 : vector<16xi32>
      %le3A_1856 = arith.constant 223 : i32
      %le3A_1857 = vector.broadcast %le3A_1856 : i32 to vector<16xi32>
      %le3A_1858 = arith.cmpi sle, %select_n3A_1828, %le3A_1857 : vector<16xi32>
      %and3A_1859 = arith.andi %ge3A_1855, %le3A_1858 : vector<16xi1>
      %ge3A_1860 = arith.constant -1 : i32
      %ge3A_1861 = vector.broadcast %ge3A_1860 : i32 to vector<16xi32>
      %ge3A_1862 = arith.cmpi sge, %select_n3A_1828, %ge3A_1861 : vector<16xi32>
      %le3A_1863 = arith.constant 222 : i32
      %le3A_1864 = vector.broadcast %le3A_1863 : i32 to vector<16xi32>
      %le3A_1865 = arith.cmpi sle, %select_n3A_1828, %le3A_1864 : vector<16xi32>
      %and3A_1866 = arith.andi %ge3A_1862, %le3A_1865 : vector<16xi1>
      %jit3A_1867 = arith.constant 0 : i32
      %jit3A_1868 = arith.constant 223 : i32
      %max3A_1869 = vector.broadcast %jit3A_1867 : i32 to vector<16xi32>
      %max3A_1870 = arith.maxsi %max3A_1869, %select_n3A_1821 : vector<16xi32>
      %min3A_1871 = vector.broadcast %jit3A_1868 : i32 to vector<16xi32>
      %min3A_1872 = arith.minsi %min3A_1871, %max3A_1870 : vector<16xi32>
      %jit3A_1873 = arith.constant 0 : i32
      %jit3A_1874 = arith.constant 223 : i32
      %max3A_1875 = vector.broadcast %jit3A_1873 : i32 to vector<16xi32>
      %max3A_1876 = arith.maxsi %max3A_1875, %select_n3A_1828 : vector<16xi32>
      %min3A_1877 = vector.broadcast %jit3A_1874 : i32 to vector<16xi32>
      %min3A_1878 = arith.minsi %min3A_1877, %max3A_1876 : vector<16xi32>
      %mul3A_1879 = arith.constant 224 : i32
      %mul3A_1880 = vector.broadcast %mul3A_1879 : i32 to vector<16xi32>
      %mul3A_1881 = arith.muli %min3A_1878, %mul3A_1880 : vector<16xi32>
      %add3A_1882 = arith.constant 1 : i32
      %add3A_1883 = vector.broadcast %add3A_1882 : i32 to vector<16xi32>
      %add3A_1884 = arith.addi %select_n3A_1828, %add3A_1883 : vector<16xi32>
      %jit3A_1885 = arith.constant 0 : i32
      %jit3A_1886 = arith.constant 223 : i32
      %max3A_1887 = vector.broadcast %jit3A_1885 : i32 to vector<16xi32>
      %max3A_1888 = arith.maxsi %max3A_1887, %add3A_1884 : vector<16xi32>
      %min3A_1889 = vector.broadcast %jit3A_1886 : i32 to vector<16xi32>
      %min3A_1890 = arith.minsi %min3A_1889, %max3A_1888 : vector<16xi32>
      %mul3A_1891 = arith.constant 224 : i32
      %mul3A_1892 = vector.broadcast %mul3A_1891 : i32 to vector<16xi32>
      %mul3A_1893 = arith.muli %min3A_1890, %mul3A_1892 : vector<16xi32>
      %add3A_1894 = arith.addi %mul3A_1881, %min3A_1872 : vector<16xi32>
      %swap3A_1895 = arith.constant 112 : index
      %swap3A_1896 = tpu.vector_load %arg19[%swap3A_1895] {strides = array<i32>} : memref<128xi32, #tpu.memory_space<vmem>>, vector<16xi32>,
      tpu.vector_store %arg19[%swap3A_1895], %add3A_1894 {strides = array<i32>} : memref<128xi32, #tpu.memory_space<vmem>>, vector<16xi32>,
      %add3A_1897 = arith.addi %mul3A_1893, %min3A_1872 : vector<16xi32>
      %swap3A_1898 = arith.constant 112 : index
      %swap3A_1899 = tpu.vector_load %arg20[%swap3A_1898] {strides = array<i32>} : memref<128xi32, #tpu.memory_space<vmem>>, vector<16xi32>,
      tpu.vector_store %arg20[%swap3A_1898], %add3A_1897 {strides = array<i32>} : memref<128xi32, #tpu.memory_space<vmem>>, vector<16xi32>,
      %eq3A_1900 = arith.constant -1 : i32
      %eq3A_1901 = vector.broadcast %eq3A_1900 : i32 to vector<16xi32>
      %eq3A_1902 = arith.cmpi eq, %select_n3A_1821, %eq3A_1901 : vector<16xi32>
      %jit3A_1903 = arith.constant 1.000000e+00 : f32
      %jit3A_1904 = arith.constant 0.000000e+00 : f32
      %broadcast_in_dim3A_1905 = vector.broadcast %jit3A_1903 : f32 to vector<16xf32>
      %broadcast_in_dim3A_1906 = vector.broadcast %jit3A_1904 : f32 to vector<16xf32>
      %select_n3A_1907 = arith.select %eq3A_1902, %broadcast_in_dim3A_1905, %broadcast_in_dim3A_1906 : vector<16xi1>, vector<16xf32>
      %swap3A_1908 = arith.constant 112 : index
      %swap3A_1909 = tpu.vector_load %arg25[%swap3A_1908] {strides = array<i32>} : memref<128xf32, #tpu.memory_space<vmem>>, vector<16xf32>,
      tpu.vector_store %arg25[%swap3A_1908], %select_n3A_1907 {strides = array<i32>} : memref<128xf32, #tpu.memory_space<vmem>>, vector<16xf32>,
      %mul3A_1910 = arith.mulf %sub3A_1838, %sub3A_1833 : vector<16xf32>
      %and3A_1911 = arith.andi %and3A_1859, %and3A_1845 : vector<16xi1>
      %jit3A_1912 = arith.constant 1.000000e+00 : f32
      %jit3A_1913 = arith.constant 0.000000e+00 : f32
      %broadcast_in_dim3A_1914 = vector.broadcast %jit3A_1912 : f32 to vector<16xf32>
      %broadcast_in_dim3A_1915 = vector.broadcast %jit3A_1913 : f32 to vector<16xf32>
      %select_n3A_1916 = arith.select %and3A_1911, %broadcast_in_dim3A_1914, %broadcast_in_dim3A_1915 : vector<16xi1>, vector<16xf32>
      %mul3A_1917 = arith.mulf %mul3A_1910, %select_n3A_1916 : vector<16xf32>
      %swap3A_1918 = arith.constant 112 : index
      %swap3A_1919 = tpu.vector_load %arg21[%swap3A_1918] {strides = array<i32>} : memref<128xf32, #tpu.memory_space<vmem>>, vector<16xf32>,
      tpu.vector_store %arg21[%swap3A_1918], %mul3A_1917 {strides = array<i32>} : memref<128xf32, #tpu.memory_space<vmem>>, vector<16xf32>,
      %mul3A_1920 = arith.mulf %sub3A_1838, %sub3A_1830 : vector<16xf32>
      %and3A_1921 = arith.andi %and3A_1859, %and3A_1852 : vector<16xi1>
      %jit3A_1922 = arith.constant 1.000000e+00 : f32
      %jit3A_1923 = arith.constant 0.000000e+00 : f32
      %broadcast_in_dim3A_1924 = vector.broadcast %jit3A_1922 : f32 to vector<16xf32>
      %broadcast_in_dim3A_1925 = vector.broadcast %jit3A_1923 : f32 to vector<16xf32>
      %select_n3A_1926 = arith.select %and3A_1921, %broadcast_in_dim3A_1924, %broadcast_in_dim3A_1925 : vector<16xi1>, vector<16xf32>
      %mul3A_1927 = arith.mulf %mul3A_1920, %select_n3A_1926 : vector<16xf32>
      %swap3A_1928 = arith.constant 112 : index
      %swap3A_1929 = tpu.vector_load %arg22[%swap3A_1928] {strides = array<i32>} : memref<128xf32, #tpu.memory_space<vmem>>, vector<16xf32>,
      tpu.vector_store %arg22[%swap3A_1928], %mul3A_1927 {strides = array<i32>} : memref<128xf32, #tpu.memory_space<vmem>>, vector<16xf32>,
      %mul3A_1930 = arith.mulf %sub3A_1835, %sub3A_1833 : vector<16xf32>
      %and3A_1931 = arith.andi %and3A_1866, %and3A_1845 : vector<16xi1>
      %jit3A_1932 = arith.constant 1.000000e+00 : f32
      %jit3A_1933 = arith.constant 0.000000e+00 : f32
      %broadcast_in_dim3A_1934 = vector.broadcast %jit3A_1932 : f32 to vector<16xf32>
      %broadcast_in_dim3A_1935 = vector.broadcast %jit3A_1933 : f32 to vector<16xf32>
      %select_n3A_1936 = arith.select %and3A_1931, %broadcast_in_dim3A_1934, %broadcast_in_dim3A_1935 : vector<16xi1>, vector<16xf32>
      %mul3A_1937 = arith.mulf %mul3A_1930, %select_n3A_1936 : vector<16xf32>
      %swap3A_1938 = arith.constant 112 : index
      %swap3A_1939 = tpu.vector_load %arg23[%swap3A_1938] {strides = array<i32>} : memref<128xf32, #tpu.memory_space<vmem>>, vector<16xf32>,
      tpu.vector_store %arg23[%swap3A_1938], %mul3A_1937 {strides = array<i32>} : memref<128xf32, #tpu.memory_space<vmem>>, vector<16xf32>,
      %mul3A_1940 = arith.mulf %sub3A_1835, %sub3A_1830 : vector<16xf32>
      %and3A_1941 = arith.andi %and3A_1866, %and3A_1852 : vector<16xi1>
      %jit3A_1942 = arith.constant 1.000000e+00 : f32
      %jit3A_1943 = arith.constant 0.000000e+00 : f32
      %broadcast_in_dim3A_1944 = vector.broadcast %jit3A_1942 : f32 to vector<16xf32>
      %broadcast_in_dim3A_1945 = vector.broadcast %jit3A_1943 : f32 to vector<16xf32>
      %select_n3A_1946 = arith.select %and3A_1941, %broadcast_in_dim3A_1944, %broadcast_in_dim3A_1945 : vector<16xi1>, vector<16xf32>
      %mul3A_1947 = arith.mulf %mul3A_1940, %select_n3A_1946 : vector<16xf32>
      %swap3A_1948 = arith.constant 112 : index
      %swap3A_1949 = tpu.vector_load %arg24[%swap3A_1948] {strides = array<i32>} : memref<128xf32, #tpu.memory_space<vmem>>, vector<16xf32>,
      tpu.vector_store %arg24[%swap3A_1948], %mul3A_1947 {strides = array<i32>} : memref<128xf32, #tpu.memory_space<vmem>>, vector<16xf32>,
      %dma_start3A = arith.constant 0 : i32
      %dma_start3A_1950 = arith.constant 0 : i32
      %dma_start3A_1951 = tpu.memref_slice %arg29[%dma_start3A, %dma_start3A_1950] : memref<50176x8xf32, #tpu.memory_space<vmem_shared>> -> memref<50176x8xf32, #tpu.memory_space<vmem_shared>>
      tpu.enqueue_indirect_dma source(%dma_start3A_1951 : memref<50176x8xf32, #tpu.memory_space<vmem_shared>>) target(%arg26 : memref<128x8xf32, #tpu.memory_space<vmem>>) offsets(%arg19 : memref<128xi32, #tpu.memory_space<vmem>>) semaphore(%arg30 : memref<!tpu.dma_semaphore, #tpu.memory_space<semaphore_mem>>)
      %dma_start3A_1952 = arith.constant 0 : i32
      %dma_start3A_1953 = arith.constant 0 : i32
      %dma_start3A_1954 = tpu.memref_slice %arg29[%dma_start3A_1952, %dma_start3A_1953] : memref<50176x8xf32, #tpu.memory_space<vmem_shared>> -> memref<50176x8xf32, #tpu.memory_space<vmem_shared>>
      tpu.enqueue_indirect_dma source(%dma_start3A_1954 : memref<50176x8xf32, #tpu.memory_space<vmem_shared>>) target(%arg27 : memref<128x8xf32, #tpu.memory_space<vmem>>) offsets(%arg20 : memref<128xi32, #tpu.memory_space<vmem>>) semaphore(%arg30 : memref<!tpu.dma_semaphore, #tpu.memory_space<semaphore_mem>>)
      %dma_wait3A = arith.constant 0 : i32
      %dma_wait3A_1955 = arith.constant 0 : i32
      %dma_wait3A_1956 = tpu.memref_slice %arg29[%dma_wait3A, %dma_wait3A_1955] : memref<50176x8xf32, #tpu.memory_space<vmem_shared>> -> memref<50176x8xf32, #tpu.memory_space<vmem_shared>>
      tpu.wait_indirect_dma semaphore(%arg30 : memref<!tpu.dma_semaphore, #tpu.memory_space<semaphore_mem>>) src(%dma_wait3A_1956 : memref<50176x8xf32, #tpu.memory_space<vmem_shared>>) dst(%arg26 : memref<128x8xf32, #tpu.memory_space<vmem>>)
      %dma_wait3A_1957 = arith.constant 0 : i32
      %dma_wait3A_1958 = arith.constant 0 : i32
      %dma_wait3A_1959 = tpu.memref_slice %arg29[%dma_wait3A_1957, %dma_wait3A_1958] : memref<50176x8xf32, #tpu.memory_space<vmem_shared>> -> memref<50176x8xf32, #tpu.memory_space<vmem_shared>>
      tpu.wait_indirect_dma semaphore(%arg30 : memref<!tpu.dma_semaphore, #tpu.memory_space<semaphore_mem>>) src(%dma_wait3A_1959 : memref<50176x8xf32, #tpu.memory_space<vmem_shared>>) dst(%arg27 : memref<128x8xf32, #tpu.memory_space<vmem>>)
      %add3A_1960 = arith.constant 0 : i32
      %add3A_1961 = arith.addi %mul3A_51, %add3A_1960 : i32
      %add3A_1962 = arith.constant 0 : i32
      %add3A_1963 = vector.broadcast %add3A_1962 : i32 to vector<16xi32>
      %add3A_1964 = arith.addi %iota3A, %add3A_1963 : vector<16xi32>
      %get3A_1965 = arith.constant 0 : index
      %get3A_1966 = tpu.vector_load %arg21[%get3A_1965] {strides = array<i32>} : memref<128xf32, #tpu.memory_space<vmem>>, vector<16xf32>,
      %get3A_1967 = arith.constant 0 : index
      %get3A_1968 = tpu.vector_load %arg22[%get3A_1967] {strides = array<i32>} : memref<128xf32, #tpu.memory_space<vmem>>, vector<16xf32>,
      %get3A_1969 = arith.constant 0 : index
      %get3A_1970 = tpu.vector_load %arg23[%get3A_1969] {strides = array<i32>} : memref<128xf32, #tpu.memory_space<vmem>>, vector<16xf32>,
      %get3A_1971 = arith.constant 0 : index
      %get3A_1972 = tpu.vector_load %arg24[%get3A_1971] {strides = array<i32>} : memref<128xf32, #tpu.memory_space<vmem>>, vector<16xf32>,
      %get3A_1973 = arith.constant 0 : index
      %get3A_1974 = tpu.vector_load %arg25[%get3A_1973] {strides = array<i32>} : memref<128xf32, #tpu.memory_space<vmem>>, vector<16xf32>,
      %gt3A_1975 = arith.constant 5.000000e-01 : f32
      %gt3A_1976 = vector.broadcast %gt3A_1975 : f32 to vector<16xf32>
      %gt3A_1977 = arith.cmpf ogt, %get3A_1974, %gt3A_1976 : vector<16xf32>
      %get3A_1978 = arith.index_cast %add3A_1961 : i32 to index
      %get3A_1979 = tpu.vector_load %arg18[%get3A_1978] {strides = array<i32>} : memref<2048xf32, #tpu.memory_space<vmem>>, vector<16xf32>,
      %sub3A_1980 = arith.constant 1.000000e+00 : f32
      %sub3A_1981 = vector.broadcast %sub3A_1980 : f32 to vector<16xf32>
      %sub3A_1982 = arith.subf %sub3A_1981, %get3A_1979 : vector<16xf32>
      %mul3A_1983 = arith.constant 0.699999988 : f32
      %mul3A_1984 = vector.broadcast %mul3A_1983 : f32 to vector<16xf32>
      %mul3A_1985 = arith.mulf %mul3A_1984, %sub3A_1982 : vector<16xf32>
      %broadcast_in_dim3A_1986 = arith.constant 0 : i32
      %broadcast_in_dim3A_1987 = vector.broadcast %broadcast_in_dim3A_1986 : i32 to vector<16xi32>
      %gather3A_1988 = tpu.vector_load_idx %arg26[%add3A_1964, %broadcast_in_dim3A_1987] : memref<128x8xf32, #tpu.memory_space<vmem>>[vector<16xi32>, vector<16xi32>], vector<16xf32>,
      %add3A_1989 = arith.constant 3 : i32
      %add3A_1990 = vector.broadcast %add3A_1989 : i32 to vector<16xi32>
      %add3A_1991 = arith.addi %broadcast_in_dim3A_1987, %add3A_1990 : vector<16xi32>
      %gather3A_1992 = tpu.vector_load_idx %arg26[%add3A_1964, %add3A_1991] : memref<128x8xf32, #tpu.memory_space<vmem>>[vector<16xi32>, vector<16xi32>], vector<16xf32>,
      %gather3A_1993 = tpu.vector_load_idx %arg27[%add3A_1964, %broadcast_in_dim3A_1987] : memref<128x8xf32, #tpu.memory_space<vmem>>[vector<16xi32>, vector<16xi32>], vector<16xf32>,
      %add3A_1994 = arith.constant 3 : i32
      %add3A_1995 = vector.broadcast %add3A_1994 : i32 to vector<16xi32>
      %add3A_1996 = arith.addi %broadcast_in_dim3A_1987, %add3A_1995 : vector<16xi32>
      %gather3A_1997 = tpu.vector_load_idx %arg27[%add3A_1964, %add3A_1996] : memref<128x8xf32, #tpu.memory_space<vmem>>[vector<16xi32>, vector<16xi32>], vector<16xf32>,
      %select_n3A_1998 = arith.select %gt3A_1977, %gather3A_1988, %gather3A_1992 : vector<16xi1>, vector<16xf32>
      %select_n3A_1999 = arith.select %gt3A_1977, %gather3A_1993, %gather3A_1997 : vector<16xi1>, vector<16xf32>
      %mul3A_2000 = arith.mulf %get3A_1966, %gather3A_1988 : vector<16xf32>
      %mul3A_2001 = arith.mulf %get3A_1968, %select_n3A_1998 : vector<16xf32>
      %add3A_2002 = arith.addf %mul3A_2000, %mul3A_2001 : vector<16xf32>
      %mul3A_2003 = arith.mulf %get3A_1970, %gather3A_1993 : vector<16xf32>
      %add3A_2004 = arith.addf %add3A_2002, %mul3A_2003 : vector<16xf32>
      %mul3A_2005 = arith.mulf %get3A_1972, %select_n3A_1999 : vector<16xf32>
      %add3A_2006 = arith.addf %add3A_2004, %mul3A_2005 : vector<16xf32>
      %mul3A_2007 = arith.mulf %add3A_2006, %get3A_1979 : vector<16xf32>
      %add3A_2008 = arith.addf %mul3A_2007, %mul3A_1985 : vector<16xf32>
      %mul3A_2009 = arith.constant 2.550000e+02 : f32
      %mul3A_2010 = vector.broadcast %mul3A_2009 : f32 to vector<16xf32>
      %mul3A_2011 = arith.mulf %add3A_2008, %mul3A_2010 : vector<16xf32>
      %jit3A_2012 = arith.constant 0.000000e+00 : f32
      %jit3A_2013 = arith.constant 2.550000e+02 : f32
      %max3A_2014 = vector.broadcast %jit3A_2012 : f32 to vector<16xf32>
      %max3A_2015 = arith.maximumf %max3A_2014, %mul3A_2011 : vector<16xf32>
      %min3A_2016 = vector.broadcast %jit3A_2013 : f32 to vector<16xf32>
      %min3A_2017 = arith.minimumf %min3A_2016, %max3A_2015 : vector<16xf32>
      %swap3A_2018 = arith.constant 0 : i32
      %swap3A_2019 = arith.index_cast %swap3A_2018 : i32 to index
      %swap3A_2020 = arith.constant 0 : index
      %swap3A_2021 = tpu.vector_load %arg28[%swap3A_2019, %swap3A_2020] {strides = array<i32>} : memref<3x128xf32, #tpu.memory_space<vmem>>, vector<16xf32>,
      tpu.vector_store %arg28[%swap3A_2019, %swap3A_2020], %min3A_2017 {strides = array<i32>} : memref<3x128xf32, #tpu.memory_space<vmem>>, vector<16xf32>,
      %broadcast_in_dim3A_2022 = arith.constant 1 : i32
      %broadcast_in_dim3A_2023 = vector.broadcast %broadcast_in_dim3A_2022 : i32 to vector<16xi32>
      %gather3A_2024 = tpu.vector_load_idx %arg26[%add3A_1964, %broadcast_in_dim3A_2023] : memref<128x8xf32, #tpu.memory_space<vmem>>[vector<16xi32>, vector<16xi32>], vector<16xf32>,
      %add3A_2025 = arith.constant 3 : i32
      %add3A_2026 = vector.broadcast %add3A_2025 : i32 to vector<16xi32>
      %add3A_2027 = arith.addi %broadcast_in_dim3A_2023, %add3A_2026 : vector<16xi32>
      %gather3A_2028 = tpu.vector_load_idx %arg26[%add3A_1964, %add3A_2027] : memref<128x8xf32, #tpu.memory_space<vmem>>[vector<16xi32>, vector<16xi32>], vector<16xf32>,
      %gather3A_2029 = tpu.vector_load_idx %arg27[%add3A_1964, %broadcast_in_dim3A_2023] : memref<128x8xf32, #tpu.memory_space<vmem>>[vector<16xi32>, vector<16xi32>], vector<16xf32>,
      %add3A_2030 = arith.constant 3 : i32
      %add3A_2031 = vector.broadcast %add3A_2030 : i32 to vector<16xi32>
      %add3A_2032 = arith.addi %broadcast_in_dim3A_2023, %add3A_2031 : vector<16xi32>
      %gather3A_2033 = tpu.vector_load_idx %arg27[%add3A_1964, %add3A_2032] : memref<128x8xf32, #tpu.memory_space<vmem>>[vector<16xi32>, vector<16xi32>], vector<16xf32>,
      %select_n3A_2034 = arith.select %gt3A_1977, %gather3A_2024, %gather3A_2028 : vector<16xi1>, vector<16xf32>
      %select_n3A_2035 = arith.select %gt3A_1977, %gather3A_2029, %gather3A_2033 : vector<16xi1>, vector<16xf32>
      %mul3A_2036 = arith.mulf %get3A_1966, %gather3A_2024 : vector<16xf32>
      %mul3A_2037 = arith.mulf %get3A_1968, %select_n3A_2034 : vector<16xf32>
      %add3A_2038 = arith.addf %mul3A_2036, %mul3A_2037 : vector<16xf32>
      %mul3A_2039 = arith.mulf %get3A_1970, %gather3A_2029 : vector<16xf32>
      %add3A_2040 = arith.addf %add3A_2038, %mul3A_2039 : vector<16xf32>
      %mul3A_2041 = arith.mulf %get3A_1972, %select_n3A_2035 : vector<16xf32>
      %add3A_2042 = arith.addf %add3A_2040, %mul3A_2041 : vector<16xf32>
      %mul3A_2043 = arith.mulf %add3A_2042, %get3A_1979 : vector<16xf32>
      %add3A_2044 = arith.addf %mul3A_2043, %mul3A_1985 : vector<16xf32>
      %mul3A_2045 = arith.constant 2.550000e+02 : f32
      %mul3A_2046 = vector.broadcast %mul3A_2045 : f32 to vector<16xf32>
      %mul3A_2047 = arith.mulf %add3A_2044, %mul3A_2046 : vector<16xf32>
      %jit3A_2048 = arith.constant 0.000000e+00 : f32
      %jit3A_2049 = arith.constant 2.550000e+02 : f32
      %max3A_2050 = vector.broadcast %jit3A_2048 : f32 to vector<16xf32>
      %max3A_2051 = arith.maximumf %max3A_2050, %mul3A_2047 : vector<16xf32>
      %min3A_2052 = vector.broadcast %jit3A_2049 : f32 to vector<16xf32>
      %min3A_2053 = arith.minimumf %min3A_2052, %max3A_2051 : vector<16xf32>
      %swap3A_2054 = arith.constant 1 : i32
      %swap3A_2055 = arith.index_cast %swap3A_2054 : i32 to index
      %swap3A_2056 = arith.constant 0 : index
      %swap3A_2057 = tpu.vector_load %arg28[%swap3A_2055, %swap3A_2056] {strides = array<i32>} : memref<3x128xf32, #tpu.memory_space<vmem>>, vector<16xf32>,
      tpu.vector_store %arg28[%swap3A_2055, %swap3A_2056], %min3A_2053 {strides = array<i32>} : memref<3x128xf32, #tpu.memory_space<vmem>>, vector<16xf32>,
      %broadcast_in_dim3A_2058 = arith.constant 2 : i32
      %broadcast_in_dim3A_2059 = vector.broadcast %broadcast_in_dim3A_2058 : i32 to vector<16xi32>
      %gather3A_2060 = tpu.vector_load_idx %arg26[%add3A_1964, %broadcast_in_dim3A_2059] : memref<128x8xf32, #tpu.memory_space<vmem>>[vector<16xi32>, vector<16xi32>], vector<16xf32>,
      %add3A_2061 = arith.constant 3 : i32
      %add3A_2062 = vector.broadcast %add3A_2061 : i32 to vector<16xi32>
      %add3A_2063 = arith.addi %broadcast_in_dim3A_2059, %add3A_2062 : vector<16xi32>
      %gather3A_2064 = tpu.vector_load_idx %arg26[%add3A_1964, %add3A_2063] : memref<128x8xf32, #tpu.memory_space<vmem>>[vector<16xi32>, vector<16xi32>], vector<16xf32>,
      %gather3A_2065 = tpu.vector_load_idx %arg27[%add3A_1964, %broadcast_in_dim3A_2059] : memref<128x8xf32, #tpu.memory_space<vmem>>[vector<16xi32>, vector<16xi32>], vector<16xf32>,
      %add3A_2066 = arith.constant 3 : i32
      %add3A_2067 = vector.broadcast %add3A_2066 : i32 to vector<16xi32>
      %add3A_2068 = arith.addi %broadcast_in_dim3A_2059, %add3A_2067 : vector<16xi32>
      %gather3A_2069 = tpu.vector_load_idx %arg27[%add3A_1964, %add3A_2068] : memref<128x8xf32, #tpu.memory_space<vmem>>[vector<16xi32>, vector<16xi32>], vector<16xf32>,
      %select_n3A_2070 = arith.select %gt3A_1977, %gather3A_2060, %gather3A_2064 : vector<16xi1>, vector<16xf32>
      %select_n3A_2071 = arith.select %gt3A_1977, %gather3A_2065, %gather3A_2069 : vector<16xi1>, vector<16xf32>
      %mul3A_2072 = arith.mulf %get3A_1966, %gather3A_2060 : vector<16xf32>
      %mul3A_2073 = arith.mulf %get3A_1968, %select_n3A_2070 : vector<16xf32>
      %add3A_2074 = arith.addf %mul3A_2072, %mul3A_2073 : vector<16xf32>
      %mul3A_2075 = arith.mulf %get3A_1970, %gather3A_2065 : vector<16xf32>
      %add3A_2076 = arith.addf %add3A_2074, %mul3A_2075 : vector<16xf32>
      %mul3A_2077 = arith.mulf %get3A_1972, %select_n3A_2071 : vector<16xf32>
      %add3A_2078 = arith.addf %add3A_2076, %mul3A_2077 : vector<16xf32>
      %mul3A_2079 = arith.mulf %add3A_2078, %get3A_1979 : vector<16xf32>
      %add3A_2080 = arith.addf %mul3A_2079, %mul3A_1985 : vector<16xf32>
      %mul3A_2081 = arith.constant 2.550000e+02 : f32
      %mul3A_2082 = vector.broadcast %mul3A_2081 : f32 to vector<16xf32>
      %mul3A_2083 = arith.mulf %add3A_2080, %mul3A_2082 : vector<16xf32>
      %jit3A_2084 = arith.constant 0.000000e+00 : f32
      %jit3A_2085 = arith.constant 2.550000e+02 : f32
      %max3A_2086 = vector.broadcast %jit3A_2084 : f32 to vector<16xf32>
      %max3A_2087 = arith.maximumf %max3A_2086, %mul3A_2083 : vector<16xf32>
      %min3A_2088 = vector.broadcast %jit3A_2085 : f32 to vector<16xf32>
      %min3A_2089 = arith.minimumf %min3A_2088, %max3A_2087 : vector<16xf32>
      %swap3A_2090 = arith.constant 2 : i32
      %swap3A_2091 = arith.index_cast %swap3A_2090 : i32 to index
      %swap3A_2092 = arith.constant 0 : index
      %swap3A_2093 = tpu.vector_load %arg28[%swap3A_2091, %swap3A_2092] {strides = array<i32>} : memref<3x128xf32, #tpu.memory_space<vmem>>, vector<16xf32>,
      tpu.vector_store %arg28[%swap3A_2091, %swap3A_2092], %min3A_2089 {strides = array<i32>} : memref<3x128xf32, #tpu.memory_space<vmem>>, vector<16xf32>,
      %add3A_2094 = arith.constant 16 : i32
      %add3A_2095 = arith.addi %mul3A_51, %add3A_2094 : i32
      %add3A_2096 = arith.constant 16 : i32
      %add3A_2097 = vector.broadcast %add3A_2096 : i32 to vector<16xi32>
      %add3A_2098 = arith.addi %iota3A, %add3A_2097 : vector<16xi32>
      %get3A_2099 = arith.constant 16 : index
      %get3A_2100 = tpu.vector_load %arg21[%get3A_2099] {strides = array<i32>} : memref<128xf32, #tpu.memory_space<vmem>>, vector<16xf32>,
      %get3A_2101 = arith.constant 16 : index
      %get3A_2102 = tpu.vector_load %arg22[%get3A_2101] {strides = array<i32>} : memref<128xf32, #tpu.memory_space<vmem>>, vector<16xf32>,
      %get3A_2103 = arith.constant 16 : index
      %get3A_2104 = tpu.vector_load %arg23[%get3A_2103] {strides = array<i32>} : memref<128xf32, #tpu.memory_space<vmem>>, vector<16xf32>,
      %get3A_2105 = arith.constant 16 : index
      %get3A_2106 = tpu.vector_load %arg24[%get3A_2105] {strides = array<i32>} : memref<128xf32, #tpu.memory_space<vmem>>, vector<16xf32>,
      %get3A_2107 = arith.constant 16 : index
      %get3A_2108 = tpu.vector_load %arg25[%get3A_2107] {strides = array<i32>} : memref<128xf32, #tpu.memory_space<vmem>>, vector<16xf32>,
      %gt3A_2109 = arith.constant 5.000000e-01 : f32
      %gt3A_2110 = vector.broadcast %gt3A_2109 : f32 to vector<16xf32>
      %gt3A_2111 = arith.cmpf ogt, %get3A_2108, %gt3A_2110 : vector<16xf32>
      %get3A_2112 = arith.index_cast %add3A_2095 : i32 to index
      %get3A_2113 = tpu.vector_load %arg18[%get3A_2112] {strides = array<i32>} : memref<2048xf32, #tpu.memory_space<vmem>>, vector<16xf32>,
      %sub3A_2114 = arith.constant 1.000000e+00 : f32
      %sub3A_2115 = vector.broadcast %sub3A_2114 : f32 to vector<16xf32>
      %sub3A_2116 = arith.subf %sub3A_2115, %get3A_2113 : vector<16xf32>
      %mul3A_2117 = arith.constant 0.699999988 : f32
      %mul3A_2118 = vector.broadcast %mul3A_2117 : f32 to vector<16xf32>
      %mul3A_2119 = arith.mulf %mul3A_2118, %sub3A_2116 : vector<16xf32>
      %broadcast_in_dim3A_2120 = arith.constant 0 : i32
      %broadcast_in_dim3A_2121 = vector.broadcast %broadcast_in_dim3A_2120 : i32 to vector<16xi32>
      %gather3A_2122 = tpu.vector_load_idx %arg26[%add3A_2098, %broadcast_in_dim3A_2121] : memref<128x8xf32, #tpu.memory_space<vmem>>[vector<16xi32>, vector<16xi32>], vector<16xf32>,
      %add3A_2123 = arith.constant 3 : i32
      %add3A_2124 = vector.broadcast %add3A_2123 : i32 to vector<16xi32>
      %add3A_2125 = arith.addi %broadcast_in_dim3A_2121, %add3A_2124 : vector<16xi32>
      %gather3A_2126 = tpu.vector_load_idx %arg26[%add3A_2098, %add3A_2125] : memref<128x8xf32, #tpu.memory_space<vmem>>[vector<16xi32>, vector<16xi32>], vector<16xf32>,
      %gather3A_2127 = tpu.vector_load_idx %arg27[%add3A_2098, %broadcast_in_dim3A_2121] : memref<128x8xf32, #tpu.memory_space<vmem>>[vector<16xi32>, vector<16xi32>], vector<16xf32>,
      %add3A_2128 = arith.constant 3 : i32
      %add3A_2129 = vector.broadcast %add3A_2128 : i32 to vector<16xi32>
      %add3A_2130 = arith.addi %broadcast_in_dim3A_2121, %add3A_2129 : vector<16xi32>
      %gather3A_2131 = tpu.vector_load_idx %arg27[%add3A_2098, %add3A_2130] : memref<128x8xf32, #tpu.memory_space<vmem>>[vector<16xi32>, vector<16xi32>], vector<16xf32>,
      %select_n3A_2132 = arith.select %gt3A_2111, %gather3A_2122, %gather3A_2126 : vector<16xi1>, vector<16xf32>
      %select_n3A_2133 = arith.select %gt3A_2111, %gather3A_2127, %gather3A_2131 : vector<16xi1>, vector<16xf32>
      %mul3A_2134 = arith.mulf %get3A_2100, %gather3A_2122 : vector<16xf32>
      %mul3A_2135 = arith.mulf %get3A_2102, %select_n3A_2132 : vector<16xf32>
      %add3A_2136 = arith.addf %mul3A_2134, %mul3A_2135 : vector<16xf32>
      %mul3A_2137 = arith.mulf %get3A_2104, %gather3A_2127 : vector<16xf32>
      %add3A_2138 = arith.addf %add3A_2136, %mul3A_2137 : vector<16xf32>
      %mul3A_2139 = arith.mulf %get3A_2106, %select_n3A_2133 : vector<16xf32>
      %add3A_2140 = arith.addf %add3A_2138, %mul3A_2139 : vector<16xf32>
      %mul3A_2141 = arith.mulf %add3A_2140, %get3A_2113 : vector<16xf32>
      %add3A_2142 = arith.addf %mul3A_2141, %mul3A_2119 : vector<16xf32>
      %mul3A_2143 = arith.constant 2.550000e+02 : f32
      %mul3A_2144 = vector.broadcast %mul3A_2143 : f32 to vector<16xf32>
      %mul3A_2145 = arith.mulf %add3A_2142, %mul3A_2144 : vector<16xf32>
      %jit3A_2146 = arith.constant 0.000000e+00 : f32
      %jit3A_2147 = arith.constant 2.550000e+02 : f32
      %max3A_2148 = vector.broadcast %jit3A_2146 : f32 to vector<16xf32>
      %max3A_2149 = arith.maximumf %max3A_2148, %mul3A_2145 : vector<16xf32>
      %min3A_2150 = vector.broadcast %jit3A_2147 : f32 to vector<16xf32>
      %min3A_2151 = arith.minimumf %min3A_2150, %max3A_2149 : vector<16xf32>
      %swap3A_2152 = arith.constant 0 : i32
      %swap3A_2153 = arith.index_cast %swap3A_2152 : i32 to index
      %swap3A_2154 = arith.constant 16 : index
      %swap3A_2155 = tpu.vector_load %arg28[%swap3A_2153, %swap3A_2154] {strides = array<i32>} : memref<3x128xf32, #tpu.memory_space<vmem>>, vector<16xf32>,
      tpu.vector_store %arg28[%swap3A_2153, %swap3A_2154], %min3A_2151 {strides = array<i32>} : memref<3x128xf32, #tpu.memory_space<vmem>>, vector<16xf32>,
      %broadcast_in_dim3A_2156 = arith.constant 1 : i32
      %broadcast_in_dim3A_2157 = vector.broadcast %broadcast_in_dim3A_2156 : i32 to vector<16xi32>
      %gather3A_2158 = tpu.vector_load_idx %arg26[%add3A_2098, %broadcast_in_dim3A_2157] : memref<128x8xf32, #tpu.memory_space<vmem>>[vector<16xi32>, vector<16xi32>], vector<16xf32>,
      %add3A_2159 = arith.constant 3 : i32
      %add3A_2160 = vector.broadcast %add3A_2159 : i32 to vector<16xi32>
      %add3A_2161 = arith.addi %broadcast_in_dim3A_2157, %add3A_2160 : vector<16xi32>
      %gather3A_2162 = tpu.vector_load_idx %arg26[%add3A_2098, %add3A_2161] : memref<128x8xf32, #tpu.memory_space<vmem>>[vector<16xi32>, vector<16xi32>], vector<16xf32>,
      %gather3A_2163 = tpu.vector_load_idx %arg27[%add3A_2098, %broadcast_in_dim3A_2157] : memref<128x8xf32, #tpu.memory_space<vmem>>[vector<16xi32>, vector<16xi32>], vector<16xf32>,
      %add3A_2164 = arith.constant 3 : i32
      %add3A_2165 = vector.broadcast %add3A_2164 : i32 to vector<16xi32>
      %add3A_2166 = arith.addi %broadcast_in_dim3A_2157, %add3A_2165 : vector<16xi32>
      %gather3A_2167 = tpu.vector_load_idx %arg27[%add3A_2098, %add3A_2166] : memref<128x8xf32, #tpu.memory_space<vmem>>[vector<16xi32>, vector<16xi32>], vector<16xf32>,
      %select_n3A_2168 = arith.select %gt3A_2111, %gather3A_2158, %gather3A_2162 : vector<16xi1>, vector<16xf32>
      %select_n3A_2169 = arith.select %gt3A_2111, %gather3A_2163, %gather3A_2167 : vector<16xi1>, vector<16xf32>
      %mul3A_2170 = arith.mulf %get3A_2100, %gather3A_2158 : vector<16xf32>
      %mul3A_2171 = arith.mulf %get3A_2102, %select_n3A_2168 : vector<16xf32>
      %add3A_2172 = arith.addf %mul3A_2170, %mul3A_2171 : vector<16xf32>
      %mul3A_2173 = arith.mulf %get3A_2104, %gather3A_2163 : vector<16xf32>
      %add3A_2174 = arith.addf %add3A_2172, %mul3A_2173 : vector<16xf32>
      %mul3A_2175 = arith.mulf %get3A_2106, %select_n3A_2169 : vector<16xf32>
      %add3A_2176 = arith.addf %add3A_2174, %mul3A_2175 : vector<16xf32>
      %mul3A_2177 = arith.mulf %add3A_2176, %get3A_2113 : vector<16xf32>
      %add3A_2178 = arith.addf %mul3A_2177, %mul3A_2119 : vector<16xf32>
      %mul3A_2179 = arith.constant 2.550000e+02 : f32
      %mul3A_2180 = vector.broadcast %mul3A_2179 : f32 to vector<16xf32>
      %mul3A_2181 = arith.mulf %add3A_2178, %mul3A_2180 : vector<16xf32>
      %jit3A_2182 = arith.constant 0.000000e+00 : f32
      %jit3A_2183 = arith.constant 2.550000e+02 : f32
      %max3A_2184 = vector.broadcast %jit3A_2182 : f32 to vector<16xf32>
      %max3A_2185 = arith.maximumf %max3A_2184, %mul3A_2181 : vector<16xf32>
      %min3A_2186 = vector.broadcast %jit3A_2183 : f32 to vector<16xf32>
      %min3A_2187 = arith.minimumf %min3A_2186, %max3A_2185 : vector<16xf32>
      %swap3A_2188 = arith.constant 1 : i32
      %swap3A_2189 = arith.index_cast %swap3A_2188 : i32 to index
      %swap3A_2190 = arith.constant 16 : index
      %swap3A_2191 = tpu.vector_load %arg28[%swap3A_2189, %swap3A_2190] {strides = array<i32>} : memref<3x128xf32, #tpu.memory_space<vmem>>, vector<16xf32>,
      tpu.vector_store %arg28[%swap3A_2189, %swap3A_2190], %min3A_2187 {strides = array<i32>} : memref<3x128xf32, #tpu.memory_space<vmem>>, vector<16xf32>,
      %broadcast_in_dim3A_2192 = arith.constant 2 : i32
      %broadcast_in_dim3A_2193 = vector.broadcast %broadcast_in_dim3A_2192 : i32 to vector<16xi32>
      %gather3A_2194 = tpu.vector_load_idx %arg26[%add3A_2098, %broadcast_in_dim3A_2193] : memref<128x8xf32, #tpu.memory_space<vmem>>[vector<16xi32>, vector<16xi32>], vector<16xf32>,
      %add3A_2195 = arith.constant 3 : i32
      %add3A_2196 = vector.broadcast %add3A_2195 : i32 to vector<16xi32>
      %add3A_2197 = arith.addi %broadcast_in_dim3A_2193, %add3A_2196 : vector<16xi32>
      %gather3A_2198 = tpu.vector_load_idx %arg26[%add3A_2098, %add3A_2197] : memref<128x8xf32, #tpu.memory_space<vmem>>[vector<16xi32>, vector<16xi32>], vector<16xf32>,
      %gather3A_2199 = tpu.vector_load_idx %arg27[%add3A_2098, %broadcast_in_dim3A_2193] : memref<128x8xf32, #tpu.memory_space<vmem>>[vector<16xi32>, vector<16xi32>], vector<16xf32>,
      %add3A_2200 = arith.constant 3 : i32
      %add3A_2201 = vector.broadcast %add3A_2200 : i32 to vector<16xi32>
      %add3A_2202 = arith.addi %broadcast_in_dim3A_2193, %add3A_2201 : vector<16xi32>
      %gather3A_2203 = tpu.vector_load_idx %arg27[%add3A_2098, %add3A_2202] : memref<128x8xf32, #tpu.memory_space<vmem>>[vector<16xi32>, vector<16xi32>], vector<16xf32>,
      %select_n3A_2204 = arith.select %gt3A_2111, %gather3A_2194, %gather3A_2198 : vector<16xi1>, vector<16xf32>
      %select_n3A_2205 = arith.select %gt3A_2111, %gather3A_2199, %gather3A_2203 : vector<16xi1>, vector<16xf32>
      %mul3A_2206 = arith.mulf %get3A_2100, %gather3A_2194 : vector<16xf32>
      %mul3A_2207 = arith.mulf %get3A_2102, %select_n3A_2204 : vector<16xf32>
      %add3A_2208 = arith.addf %mul3A_2206, %mul3A_2207 : vector<16xf32>
      %mul3A_2209 = arith.mulf %get3A_2104, %gather3A_2199 : vector<16xf32>
      %add3A_2210 = arith.addf %add3A_2208, %mul3A_2209 : vector<16xf32>
      %mul3A_2211 = arith.mulf %get3A_2106, %select_n3A_2205 : vector<16xf32>
      %add3A_2212 = arith.addf %add3A_2210, %mul3A_2211 : vector<16xf32>
      %mul3A_2213 = arith.mulf %add3A_2212, %get3A_2113 : vector<16xf32>
      %add3A_2214 = arith.addf %mul3A_2213, %mul3A_2119 : vector<16xf32>
      %mul3A_2215 = arith.constant 2.550000e+02 : f32
      %mul3A_2216 = vector.broadcast %mul3A_2215 : f32 to vector<16xf32>
      %mul3A_2217 = arith.mulf %add3A_2214, %mul3A_2216 : vector<16xf32>
      %jit3A_2218 = arith.constant 0.000000e+00 : f32
      %jit3A_2219 = arith.constant 2.550000e+02 : f32
      %max3A_2220 = vector.broadcast %jit3A_2218 : f32 to vector<16xf32>
      %max3A_2221 = arith.maximumf %max3A_2220, %mul3A_2217 : vector<16xf32>
      %min3A_2222 = vector.broadcast %jit3A_2219 : f32 to vector<16xf32>
      %min3A_2223 = arith.minimumf %min3A_2222, %max3A_2221 : vector<16xf32>
      %swap3A_2224 = arith.constant 2 : i32
      %swap3A_2225 = arith.index_cast %swap3A_2224 : i32 to index
      %swap3A_2226 = arith.constant 16 : index
      %swap3A_2227 = tpu.vector_load %arg28[%swap3A_2225, %swap3A_2226] {strides = array<i32>} : memref<3x128xf32, #tpu.memory_space<vmem>>, vector<16xf32>,
      tpu.vector_store %arg28[%swap3A_2225, %swap3A_2226], %min3A_2223 {strides = array<i32>} : memref<3x128xf32, #tpu.memory_space<vmem>>, vector<16xf32>,
      %add3A_2228 = arith.constant 32 : i32
      %add3A_2229 = arith.addi %mul3A_51, %add3A_2228 : i32
      %add3A_2230 = arith.constant 32 : i32
      %add3A_2231 = vector.broadcast %add3A_2230 : i32 to vector<16xi32>
      %add3A_2232 = arith.addi %iota3A, %add3A_2231 : vector<16xi32>
      %get3A_2233 = arith.constant 32 : index
      %get3A_2234 = tpu.vector_load %arg21[%get3A_2233] {strides = array<i32>} : memref<128xf32, #tpu.memory_space<vmem>>, vector<16xf32>,
      %get3A_2235 = arith.constant 32 : index
      %get3A_2236 = tpu.vector_load %arg22[%get3A_2235] {strides = array<i32>} : memref<128xf32, #tpu.memory_space<vmem>>, vector<16xf32>,
      %get3A_2237 = arith.constant 32 : index
      %get3A_2238 = tpu.vector_load %arg23[%get3A_2237] {strides = array<i32>} : memref<128xf32, #tpu.memory_space<vmem>>, vector<16xf32>,
      %get3A_2239 = arith.constant 32 : index
      %get3A_2240 = tpu.vector_load %arg24[%get3A_2239] {strides = array<i32>} : memref<128xf32, #tpu.memory_space<vmem>>, vector<16xf32>,
      %get3A_2241 = arith.constant 32 : index
      %get3A_2242 = tpu.vector_load %arg25[%get3A_2241] {strides = array<i32>} : memref<128xf32, #tpu.memory_space<vmem>>, vector<16xf32>,
      %gt3A_2243 = arith.constant 5.000000e-01 : f32
      %gt3A_2244 = vector.broadcast %gt3A_2243 : f32 to vector<16xf32>
      %gt3A_2245 = arith.cmpf ogt, %get3A_2242, %gt3A_2244 : vector<16xf32>
      %get3A_2246 = arith.index_cast %add3A_2229 : i32 to index
      %get3A_2247 = tpu.vector_load %arg18[%get3A_2246] {strides = array<i32>} : memref<2048xf32, #tpu.memory_space<vmem>>, vector<16xf32>,
      %sub3A_2248 = arith.constant 1.000000e+00 : f32
      %sub3A_2249 = vector.broadcast %sub3A_2248 : f32 to vector<16xf32>
      %sub3A_2250 = arith.subf %sub3A_2249, %get3A_2247 : vector<16xf32>
      %mul3A_2251 = arith.constant 0.699999988 : f32
      %mul3A_2252 = vector.broadcast %mul3A_2251 : f32 to vector<16xf32>
      %mul3A_2253 = arith.mulf %mul3A_2252, %sub3A_2250 : vector<16xf32>
      %broadcast_in_dim3A_2254 = arith.constant 0 : i32
      %broadcast_in_dim3A_2255 = vector.broadcast %broadcast_in_dim3A_2254 : i32 to vector<16xi32>
      %gather3A_2256 = tpu.vector_load_idx %arg26[%add3A_2232, %broadcast_in_dim3A_2255] : memref<128x8xf32, #tpu.memory_space<vmem>>[vector<16xi32>, vector<16xi32>], vector<16xf32>,
      %add3A_2257 = arith.constant 3 : i32
      %add3A_2258 = vector.broadcast %add3A_2257 : i32 to vector<16xi32>
      %add3A_2259 = arith.addi %broadcast_in_dim3A_2255, %add3A_2258 : vector<16xi32>
      %gather3A_2260 = tpu.vector_load_idx %arg26[%add3A_2232, %add3A_2259] : memref<128x8xf32, #tpu.memory_space<vmem>>[vector<16xi32>, vector<16xi32>], vector<16xf32>,
      %gather3A_2261 = tpu.vector_load_idx %arg27[%add3A_2232, %broadcast_in_dim3A_2255] : memref<128x8xf32, #tpu.memory_space<vmem>>[vector<16xi32>, vector<16xi32>], vector<16xf32>,
      %add3A_2262 = arith.constant 3 : i32
      %add3A_2263 = vector.broadcast %add3A_2262 : i32 to vector<16xi32>
      %add3A_2264 = arith.addi %broadcast_in_dim3A_2255, %add3A_2263 : vector<16xi32>
      %gather3A_2265 = tpu.vector_load_idx %arg27[%add3A_2232, %add3A_2264] : memref<128x8xf32, #tpu.memory_space<vmem>>[vector<16xi32>, vector<16xi32>], vector<16xf32>,
      %select_n3A_2266 = arith.select %gt3A_2245, %gather3A_2256, %gather3A_2260 : vector<16xi1>, vector<16xf32>
      %select_n3A_2267 = arith.select %gt3A_2245, %gather3A_2261, %gather3A_2265 : vector<16xi1>, vector<16xf32>
      %mul3A_2268 = arith.mulf %get3A_2234, %gather3A_2256 : vector<16xf32>
      %mul3A_2269 = arith.mulf %get3A_2236, %select_n3A_2266 : vector<16xf32>
      %add3A_2270 = arith.addf %mul3A_2268, %mul3A_2269 : vector<16xf32>
      %mul3A_2271 = arith.mulf %get3A_2238, %gather3A_2261 : vector<16xf32>
      %add3A_2272 = arith.addf %add3A_2270, %mul3A_2271 : vector<16xf32>
      %mul3A_2273 = arith.mulf %get3A_2240, %select_n3A_2267 : vector<16xf32>
      %add3A_2274 = arith.addf %add3A_2272, %mul3A_2273 : vector<16xf32>
      %mul3A_2275 = arith.mulf %add3A_2274, %get3A_2247 : vector<16xf32>
      %add3A_2276 = arith.addf %mul3A_2275, %mul3A_2253 : vector<16xf32>
      %mul3A_2277 = arith.constant 2.550000e+02 : f32
      %mul3A_2278 = vector.broadcast %mul3A_2277 : f32 to vector<16xf32>
      %mul3A_2279 = arith.mulf %add3A_2276, %mul3A_2278 : vector<16xf32>
      %jit3A_2280 = arith.constant 0.000000e+00 : f32
      %jit3A_2281 = arith.constant 2.550000e+02 : f32
      %max3A_2282 = vector.broadcast %jit3A_2280 : f32 to vector<16xf32>
      %max3A_2283 = arith.maximumf %max3A_2282, %mul3A_2279 : vector<16xf32>
      %min3A_2284 = vector.broadcast %jit3A_2281 : f32 to vector<16xf32>
      %min3A_2285 = arith.minimumf %min3A_2284, %max3A_2283 : vector<16xf32>
      %swap3A_2286 = arith.constant 0 : i32
      %swap3A_2287 = arith.index_cast %swap3A_2286 : i32 to index
      %swap3A_2288 = arith.constant 32 : index
      %swap3A_2289 = tpu.vector_load %arg28[%swap3A_2287, %swap3A_2288] {strides = array<i32>} : memref<3x128xf32, #tpu.memory_space<vmem>>, vector<16xf32>,
      tpu.vector_store %arg28[%swap3A_2287, %swap3A_2288], %min3A_2285 {strides = array<i32>} : memref<3x128xf32, #tpu.memory_space<vmem>>, vector<16xf32>,
      %broadcast_in_dim3A_2290 = arith.constant 1 : i32
      %broadcast_in_dim3A_2291 = vector.broadcast %broadcast_in_dim3A_2290 : i32 to vector<16xi32>
      %gather3A_2292 = tpu.vector_load_idx %arg26[%add3A_2232, %broadcast_in_dim3A_2291] : memref<128x8xf32, #tpu.memory_space<vmem>>[vector<16xi32>, vector<16xi32>], vector<16xf32>,
      %add3A_2293 = arith.constant 3 : i32
      %add3A_2294 = vector.broadcast %add3A_2293 : i32 to vector<16xi32>
      %add3A_2295 = arith.addi %broadcast_in_dim3A_2291, %add3A_2294 : vector<16xi32>
      %gather3A_2296 = tpu.vector_load_idx %arg26[%add3A_2232, %add3A_2295] : memref<128x8xf32, #tpu.memory_space<vmem>>[vector<16xi32>, vector<16xi32>], vector<16xf32>,
      %gather3A_2297 = tpu.vector_load_idx %arg27[%add3A_2232, %broadcast_in_dim3A_2291] : memref<128x8xf32, #tpu.memory_space<vmem>>[vector<16xi32>, vector<16xi32>], vector<16xf32>,
      %add3A_2298 = arith.constant 3 : i32
      %add3A_2299 = vector.broadcast %add3A_2298 : i32 to vector<16xi32>
      %add3A_2300 = arith.addi %broadcast_in_dim3A_2291, %add3A_2299 : vector<16xi32>
      %gather3A_2301 = tpu.vector_load_idx %arg27[%add3A_2232, %add3A_2300] : memref<128x8xf32, #tpu.memory_space<vmem>>[vector<16xi32>, vector<16xi32>], vector<16xf32>,
      %select_n3A_2302 = arith.select %gt3A_2245, %gather3A_2292, %gather3A_2296 : vector<16xi1>, vector<16xf32>
      %select_n3A_2303 = arith.select %gt3A_2245, %gather3A_2297, %gather3A_2301 : vector<16xi1>, vector<16xf32>
      %mul3A_2304 = arith.mulf %get3A_2234, %gather3A_2292 : vector<16xf32>
      %mul3A_2305 = arith.mulf %get3A_2236, %select_n3A_2302 : vector<16xf32>
      %add3A_2306 = arith.addf %mul3A_2304, %mul3A_2305 : vector<16xf32>
      %mul3A_2307 = arith.mulf %get3A_2238, %gather3A_2297 : vector<16xf32>
      %add3A_2308 = arith.addf %add3A_2306, %mul3A_2307 : vector<16xf32>
      %mul3A_2309 = arith.mulf %get3A_2240, %select_n3A_2303 : vector<16xf32>
      %add3A_2310 = arith.addf %add3A_2308, %mul3A_2309 : vector<16xf32>
      %mul3A_2311 = arith.mulf %add3A_2310, %get3A_2247 : vector<16xf32>
      %add3A_2312 = arith.addf %mul3A_2311, %mul3A_2253 : vector<16xf32>
      %mul3A_2313 = arith.constant 2.550000e+02 : f32
      %mul3A_2314 = vector.broadcast %mul3A_2313 : f32 to vector<16xf32>
      %mul3A_2315 = arith.mulf %add3A_2312, %mul3A_2314 : vector<16xf32>
      %jit3A_2316 = arith.constant 0.000000e+00 : f32
      %jit3A_2317 = arith.constant 2.550000e+02 : f32
      %max3A_2318 = vector.broadcast %jit3A_2316 : f32 to vector<16xf32>
      %max3A_2319 = arith.maximumf %max3A_2318, %mul3A_2315 : vector<16xf32>
      %min3A_2320 = vector.broadcast %jit3A_2317 : f32 to vector<16xf32>
      %min3A_2321 = arith.minimumf %min3A_2320, %max3A_2319 : vector<16xf32>
      %swap3A_2322 = arith.constant 1 : i32
      %swap3A_2323 = arith.index_cast %swap3A_2322 : i32 to index
      %swap3A_2324 = arith.constant 32 : index
      %swap3A_2325 = tpu.vector_load %arg28[%swap3A_2323, %swap3A_2324] {strides = array<i32>} : memref<3x128xf32, #tpu.memory_space<vmem>>, vector<16xf32>,
      tpu.vector_store %arg28[%swap3A_2323, %swap3A_2324], %min3A_2321 {strides = array<i32>} : memref<3x128xf32, #tpu.memory_space<vmem>>, vector<16xf32>,
      %broadcast_in_dim3A_2326 = arith.constant 2 : i32
      %broadcast_in_dim3A_2327 = vector.broadcast %broadcast_in_dim3A_2326 : i32 to vector<16xi32>
      %gather3A_2328 = tpu.vector_load_idx %arg26[%add3A_2232, %broadcast_in_dim3A_2327] : memref<128x8xf32, #tpu.memory_space<vmem>>[vector<16xi32>, vector<16xi32>], vector<16xf32>,
      %add3A_2329 = arith.constant 3 : i32
      %add3A_2330 = vector.broadcast %add3A_2329 : i32 to vector<16xi32>
      %add3A_2331 = arith.addi %broadcast_in_dim3A_2327, %add3A_2330 : vector<16xi32>
      %gather3A_2332 = tpu.vector_load_idx %arg26[%add3A_2232, %add3A_2331] : memref<128x8xf32, #tpu.memory_space<vmem>>[vector<16xi32>, vector<16xi32>], vector<16xf32>,
      %gather3A_2333 = tpu.vector_load_idx %arg27[%add3A_2232, %broadcast_in_dim3A_2327] : memref<128x8xf32, #tpu.memory_space<vmem>>[vector<16xi32>, vector<16xi32>], vector<16xf32>,
      %add3A_2334 = arith.constant 3 : i32
      %add3A_2335 = vector.broadcast %add3A_2334 : i32 to vector<16xi32>
      %add3A_2336 = arith.addi %broadcast_in_dim3A_2327, %add3A_2335 : vector<16xi32>
      %gather3A_2337 = tpu.vector_load_idx %arg27[%add3A_2232, %add3A_2336] : memref<128x8xf32, #tpu.memory_space<vmem>>[vector<16xi32>, vector<16xi32>], vector<16xf32>,
      %select_n3A_2338 = arith.select %gt3A_2245, %gather3A_2328, %gather3A_2332 : vector<16xi1>, vector<16xf32>
      %select_n3A_2339 = arith.select %gt3A_2245, %gather3A_2333, %gather3A_2337 : vector<16xi1>, vector<16xf32>
      %mul3A_2340 = arith.mulf %get3A_2234, %gather3A_2328 : vector<16xf32>
      %mul3A_2341 = arith.mulf %get3A_2236, %select_n3A_2338 : vector<16xf32>
      %add3A_2342 = arith.addf %mul3A_2340, %mul3A_2341 : vector<16xf32>
      %mul3A_2343 = arith.mulf %get3A_2238, %gather3A_2333 : vector<16xf32>
      %add3A_2344 = arith.addf %add3A_2342, %mul3A_2343 : vector<16xf32>
      %mul3A_2345 = arith.mulf %get3A_2240, %select_n3A_2339 : vector<16xf32>
      %add3A_2346 = arith.addf %add3A_2344, %mul3A_2345 : vector<16xf32>
      %mul3A_2347 = arith.mulf %add3A_2346, %get3A_2247 : vector<16xf32>
      %add3A_2348 = arith.addf %mul3A_2347, %mul3A_2253 : vector<16xf32>
      %mul3A_2349 = arith.constant 2.550000e+02 : f32
      %mul3A_2350 = vector.broadcast %mul3A_2349 : f32 to vector<16xf32>
      %mul3A_2351 = arith.mulf %add3A_2348, %mul3A_2350 : vector<16xf32>
      %jit3A_2352 = arith.constant 0.000000e+00 : f32
      %jit3A_2353 = arith.constant 2.550000e+02 : f32
      %max3A_2354 = vector.broadcast %jit3A_2352 : f32 to vector<16xf32>
      %max3A_2355 = arith.maximumf %max3A_2354, %mul3A_2351 : vector<16xf32>
      %min3A_2356 = vector.broadcast %jit3A_2353 : f32 to vector<16xf32>
      %min3A_2357 = arith.minimumf %min3A_2356, %max3A_2355 : vector<16xf32>
      %swap3A_2358 = arith.constant 2 : i32
      %swap3A_2359 = arith.index_cast %swap3A_2358 : i32 to index
      %swap3A_2360 = arith.constant 32 : index
      %swap3A_2361 = tpu.vector_load %arg28[%swap3A_2359, %swap3A_2360] {strides = array<i32>} : memref<3x128xf32, #tpu.memory_space<vmem>>, vector<16xf32>,
      tpu.vector_store %arg28[%swap3A_2359, %swap3A_2360], %min3A_2357 {strides = array<i32>} : memref<3x128xf32, #tpu.memory_space<vmem>>, vector<16xf32>,
      %add3A_2362 = arith.constant 48 : i32
      %add3A_2363 = arith.addi %mul3A_51, %add3A_2362 : i32
      %add3A_2364 = arith.constant 48 : i32
      %add3A_2365 = vector.broadcast %add3A_2364 : i32 to vector<16xi32>
      %add3A_2366 = arith.addi %iota3A, %add3A_2365 : vector<16xi32>
      %get3A_2367 = arith.constant 48 : index
      %get3A_2368 = tpu.vector_load %arg21[%get3A_2367] {strides = array<i32>} : memref<128xf32, #tpu.memory_space<vmem>>, vector<16xf32>,
      %get3A_2369 = arith.constant 48 : index
      %get3A_2370 = tpu.vector_load %arg22[%get3A_2369] {strides = array<i32>} : memref<128xf32, #tpu.memory_space<vmem>>, vector<16xf32>,
      %get3A_2371 = arith.constant 48 : index
      %get3A_2372 = tpu.vector_load %arg23[%get3A_2371] {strides = array<i32>} : memref<128xf32, #tpu.memory_space<vmem>>, vector<16xf32>,
      %get3A_2373 = arith.constant 48 : index
      %get3A_2374 = tpu.vector_load %arg24[%get3A_2373] {strides = array<i32>} : memref<128xf32, #tpu.memory_space<vmem>>, vector<16xf32>,
      %get3A_2375 = arith.constant 48 : index
      %get3A_2376 = tpu.vector_load %arg25[%get3A_2375] {strides = array<i32>} : memref<128xf32, #tpu.memory_space<vmem>>, vector<16xf32>,
      %gt3A_2377 = arith.constant 5.000000e-01 : f32
      %gt3A_2378 = vector.broadcast %gt3A_2377 : f32 to vector<16xf32>
      %gt3A_2379 = arith.cmpf ogt, %get3A_2376, %gt3A_2378 : vector<16xf32>
      %get3A_2380 = arith.index_cast %add3A_2363 : i32 to index
      %get3A_2381 = tpu.vector_load %arg18[%get3A_2380] {strides = array<i32>} : memref<2048xf32, #tpu.memory_space<vmem>>, vector<16xf32>,
      %sub3A_2382 = arith.constant 1.000000e+00 : f32
      %sub3A_2383 = vector.broadcast %sub3A_2382 : f32 to vector<16xf32>
      %sub3A_2384 = arith.subf %sub3A_2383, %get3A_2381 : vector<16xf32>
      %mul3A_2385 = arith.constant 0.699999988 : f32
      %mul3A_2386 = vector.broadcast %mul3A_2385 : f32 to vector<16xf32>
      %mul3A_2387 = arith.mulf %mul3A_2386, %sub3A_2384 : vector<16xf32>
      %broadcast_in_dim3A_2388 = arith.constant 0 : i32
      %broadcast_in_dim3A_2389 = vector.broadcast %broadcast_in_dim3A_2388 : i32 to vector<16xi32>
      %gather3A_2390 = tpu.vector_load_idx %arg26[%add3A_2366, %broadcast_in_dim3A_2389] : memref<128x8xf32, #tpu.memory_space<vmem>>[vector<16xi32>, vector<16xi32>], vector<16xf32>,
      %add3A_2391 = arith.constant 3 : i32
      %add3A_2392 = vector.broadcast %add3A_2391 : i32 to vector<16xi32>
      %add3A_2393 = arith.addi %broadcast_in_dim3A_2389, %add3A_2392 : vector<16xi32>
      %gather3A_2394 = tpu.vector_load_idx %arg26[%add3A_2366, %add3A_2393] : memref<128x8xf32, #tpu.memory_space<vmem>>[vector<16xi32>, vector<16xi32>], vector<16xf32>,
      %gather3A_2395 = tpu.vector_load_idx %arg27[%add3A_2366, %broadcast_in_dim3A_2389] : memref<128x8xf32, #tpu.memory_space<vmem>>[vector<16xi32>, vector<16xi32>], vector<16xf32>,
      %add3A_2396 = arith.constant 3 : i32
      %add3A_2397 = vector.broadcast %add3A_2396 : i32 to vector<16xi32>
      %add3A_2398 = arith.addi %broadcast_in_dim3A_2389, %add3A_2397 : vector<16xi32>
      %gather3A_2399 = tpu.vector_load_idx %arg27[%add3A_2366, %add3A_2398] : memref<128x8xf32, #tpu.memory_space<vmem>>[vector<16xi32>, vector<16xi32>], vector<16xf32>,
      %select_n3A_2400 = arith.select %gt3A_2379, %gather3A_2390, %gather3A_2394 : vector<16xi1>, vector<16xf32>
      %select_n3A_2401 = arith.select %gt3A_2379, %gather3A_2395, %gather3A_2399 : vector<16xi1>, vector<16xf32>
      %mul3A_2402 = arith.mulf %get3A_2368, %gather3A_2390 : vector<16xf32>
      %mul3A_2403 = arith.mulf %get3A_2370, %select_n3A_2400 : vector<16xf32>
      %add3A_2404 = arith.addf %mul3A_2402, %mul3A_2403 : vector<16xf32>
      %mul3A_2405 = arith.mulf %get3A_2372, %gather3A_2395 : vector<16xf32>
      %add3A_2406 = arith.addf %add3A_2404, %mul3A_2405 : vector<16xf32>
      %mul3A_2407 = arith.mulf %get3A_2374, %select_n3A_2401 : vector<16xf32>
      %add3A_2408 = arith.addf %add3A_2406, %mul3A_2407 : vector<16xf32>
      %mul3A_2409 = arith.mulf %add3A_2408, %get3A_2381 : vector<16xf32>
      %add3A_2410 = arith.addf %mul3A_2409, %mul3A_2387 : vector<16xf32>
      %mul3A_2411 = arith.constant 2.550000e+02 : f32
      %mul3A_2412 = vector.broadcast %mul3A_2411 : f32 to vector<16xf32>
      %mul3A_2413 = arith.mulf %add3A_2410, %mul3A_2412 : vector<16xf32>
      %jit3A_2414 = arith.constant 0.000000e+00 : f32
      %jit3A_2415 = arith.constant 2.550000e+02 : f32
      %max3A_2416 = vector.broadcast %jit3A_2414 : f32 to vector<16xf32>
      %max3A_2417 = arith.maximumf %max3A_2416, %mul3A_2413 : vector<16xf32>
      %min3A_2418 = vector.broadcast %jit3A_2415 : f32 to vector<16xf32>
      %min3A_2419 = arith.minimumf %min3A_2418, %max3A_2417 : vector<16xf32>
      %swap3A_2420 = arith.constant 0 : i32
      %swap3A_2421 = arith.index_cast %swap3A_2420 : i32 to index
      %swap3A_2422 = arith.constant 48 : index
      %swap3A_2423 = tpu.vector_load %arg28[%swap3A_2421, %swap3A_2422] {strides = array<i32>} : memref<3x128xf32, #tpu.memory_space<vmem>>, vector<16xf32>,
      tpu.vector_store %arg28[%swap3A_2421, %swap3A_2422], %min3A_2419 {strides = array<i32>} : memref<3x128xf32, #tpu.memory_space<vmem>>, vector<16xf32>,
      %broadcast_in_dim3A_2424 = arith.constant 1 : i32
      %broadcast_in_dim3A_2425 = vector.broadcast %broadcast_in_dim3A_2424 : i32 to vector<16xi32>
      %gather3A_2426 = tpu.vector_load_idx %arg26[%add3A_2366, %broadcast_in_dim3A_2425] : memref<128x8xf32, #tpu.memory_space<vmem>>[vector<16xi32>, vector<16xi32>], vector<16xf32>,
      %add3A_2427 = arith.constant 3 : i32
      %add3A_2428 = vector.broadcast %add3A_2427 : i32 to vector<16xi32>
      %add3A_2429 = arith.addi %broadcast_in_dim3A_2425, %add3A_2428 : vector<16xi32>
      %gather3A_2430 = tpu.vector_load_idx %arg26[%add3A_2366, %add3A_2429] : memref<128x8xf32, #tpu.memory_space<vmem>>[vector<16xi32>, vector<16xi32>], vector<16xf32>,
      %gather3A_2431 = tpu.vector_load_idx %arg27[%add3A_2366, %broadcast_in_dim3A_2425] : memref<128x8xf32, #tpu.memory_space<vmem>>[vector<16xi32>, vector<16xi32>], vector<16xf32>,
      %add3A_2432 = arith.constant 3 : i32
      %add3A_2433 = vector.broadcast %add3A_2432 : i32 to vector<16xi32>
      %add3A_2434 = arith.addi %broadcast_in_dim3A_2425, %add3A_2433 : vector<16xi32>
      %gather3A_2435 = tpu.vector_load_idx %arg27[%add3A_2366, %add3A_2434] : memref<128x8xf32, #tpu.memory_space<vmem>>[vector<16xi32>, vector<16xi32>], vector<16xf32>,
      %select_n3A_2436 = arith.select %gt3A_2379, %gather3A_2426, %gather3A_2430 : vector<16xi1>, vector<16xf32>
      %select_n3A_2437 = arith.select %gt3A_2379, %gather3A_2431, %gather3A_2435 : vector<16xi1>, vector<16xf32>
      %mul3A_2438 = arith.mulf %get3A_2368, %gather3A_2426 : vector<16xf32>
      %mul3A_2439 = arith.mulf %get3A_2370, %select_n3A_2436 : vector<16xf32>
      %add3A_2440 = arith.addf %mul3A_2438, %mul3A_2439 : vector<16xf32>
      %mul3A_2441 = arith.mulf %get3A_2372, %gather3A_2431 : vector<16xf32>
      %add3A_2442 = arith.addf %add3A_2440, %mul3A_2441 : vector<16xf32>
      %mul3A_2443 = arith.mulf %get3A_2374, %select_n3A_2437 : vector<16xf32>
      %add3A_2444 = arith.addf %add3A_2442, %mul3A_2443 : vector<16xf32>
      %mul3A_2445 = arith.mulf %add3A_2444, %get3A_2381 : vector<16xf32>
      %add3A_2446 = arith.addf %mul3A_2445, %mul3A_2387 : vector<16xf32>
      %mul3A_2447 = arith.constant 2.550000e+02 : f32
      %mul3A_2448 = vector.broadcast %mul3A_2447 : f32 to vector<16xf32>
      %mul3A_2449 = arith.mulf %add3A_2446, %mul3A_2448 : vector<16xf32>
      %jit3A_2450 = arith.constant 0.000000e+00 : f32
      %jit3A_2451 = arith.constant 2.550000e+02 : f32
      %max3A_2452 = vector.broadcast %jit3A_2450 : f32 to vector<16xf32>
      %max3A_2453 = arith.maximumf %max3A_2452, %mul3A_2449 : vector<16xf32>
      %min3A_2454 = vector.broadcast %jit3A_2451 : f32 to vector<16xf32>
      %min3A_2455 = arith.minimumf %min3A_2454, %max3A_2453 : vector<16xf32>
      %swap3A_2456 = arith.constant 1 : i32
      %swap3A_2457 = arith.index_cast %swap3A_2456 : i32 to index
      %swap3A_2458 = arith.constant 48 : index
      %swap3A_2459 = tpu.vector_load %arg28[%swap3A_2457, %swap3A_2458] {strides = array<i32>} : memref<3x128xf32, #tpu.memory_space<vmem>>, vector<16xf32>,
      tpu.vector_store %arg28[%swap3A_2457, %swap3A_2458], %min3A_2455 {strides = array<i32>} : memref<3x128xf32, #tpu.memory_space<vmem>>, vector<16xf32>,
      %broadcast_in_dim3A_2460 = arith.constant 2 : i32
      %broadcast_in_dim3A_2461 = vector.broadcast %broadcast_in_dim3A_2460 : i32 to vector<16xi32>
      %gather3A_2462 = tpu.vector_load_idx %arg26[%add3A_2366, %broadcast_in_dim3A_2461] : memref<128x8xf32, #tpu.memory_space<vmem>>[vector<16xi32>, vector<16xi32>], vector<16xf32>,
      %add3A_2463 = arith.constant 3 : i32
      %add3A_2464 = vector.broadcast %add3A_2463 : i32 to vector<16xi32>
      %add3A_2465 = arith.addi %broadcast_in_dim3A_2461, %add3A_2464 : vector<16xi32>
      %gather3A_2466 = tpu.vector_load_idx %arg26[%add3A_2366, %add3A_2465] : memref<128x8xf32, #tpu.memory_space<vmem>>[vector<16xi32>, vector<16xi32>], vector<16xf32>,
      %gather3A_2467 = tpu.vector_load_idx %arg27[%add3A_2366, %broadcast_in_dim3A_2461] : memref<128x8xf32, #tpu.memory_space<vmem>>[vector<16xi32>, vector<16xi32>], vector<16xf32>,
      %add3A_2468 = arith.constant 3 : i32
      %add3A_2469 = vector.broadcast %add3A_2468 : i32 to vector<16xi32>
      %add3A_2470 = arith.addi %broadcast_in_dim3A_2461, %add3A_2469 : vector<16xi32>
      %gather3A_2471 = tpu.vector_load_idx %arg27[%add3A_2366, %add3A_2470] : memref<128x8xf32, #tpu.memory_space<vmem>>[vector<16xi32>, vector<16xi32>], vector<16xf32>,
      %select_n3A_2472 = arith.select %gt3A_2379, %gather3A_2462, %gather3A_2466 : vector<16xi1>, vector<16xf32>
      %select_n3A_2473 = arith.select %gt3A_2379, %gather3A_2467, %gather3A_2471 : vector<16xi1>, vector<16xf32>
      %mul3A_2474 = arith.mulf %get3A_2368, %gather3A_2462 : vector<16xf32>
      %mul3A_2475 = arith.mulf %get3A_2370, %select_n3A_2472 : vector<16xf32>
      %add3A_2476 = arith.addf %mul3A_2474, %mul3A_2475 : vector<16xf32>
      %mul3A_2477 = arith.mulf %get3A_2372, %gather3A_2467 : vector<16xf32>
      %add3A_2478 = arith.addf %add3A_2476, %mul3A_2477 : vector<16xf32>
      %mul3A_2479 = arith.mulf %get3A_2374, %select_n3A_2473 : vector<16xf32>
      %add3A_2480 = arith.addf %add3A_2478, %mul3A_2479 : vector<16xf32>
      %mul3A_2481 = arith.mulf %add3A_2480, %get3A_2381 : vector<16xf32>
      %add3A_2482 = arith.addf %mul3A_2481, %mul3A_2387 : vector<16xf32>
      %mul3A_2483 = arith.constant 2.550000e+02 : f32
      %mul3A_2484 = vector.broadcast %mul3A_2483 : f32 to vector<16xf32>
      %mul3A_2485 = arith.mulf %add3A_2482, %mul3A_2484 : vector<16xf32>
      %jit3A_2486 = arith.constant 0.000000e+00 : f32
      %jit3A_2487 = arith.constant 2.550000e+02 : f32
      %max3A_2488 = vector.broadcast %jit3A_2486 : f32 to vector<16xf32>
      %max3A_2489 = arith.maximumf %max3A_2488, %mul3A_2485 : vector<16xf32>
      %min3A_2490 = vector.broadcast %jit3A_2487 : f32 to vector<16xf32>
      %min3A_2491 = arith.minimumf %min3A_2490, %max3A_2489 : vector<16xf32>
      %swap3A_2492 = arith.constant 2 : i32
      %swap3A_2493 = arith.index_cast %swap3A_2492 : i32 to index
      %swap3A_2494 = arith.constant 48 : index
      %swap3A_2495 = tpu.vector_load %arg28[%swap3A_2493, %swap3A_2494] {strides = array<i32>} : memref<3x128xf32, #tpu.memory_space<vmem>>, vector<16xf32>,
      tpu.vector_store %arg28[%swap3A_2493, %swap3A_2494], %min3A_2491 {strides = array<i32>} : memref<3x128xf32, #tpu.memory_space<vmem>>, vector<16xf32>,
      %add3A_2496 = arith.constant 64 : i32
      %add3A_2497 = arith.addi %mul3A_51, %add3A_2496 : i32
      %add3A_2498 = arith.constant 64 : i32
      %add3A_2499 = vector.broadcast %add3A_2498 : i32 to vector<16xi32>
      %add3A_2500 = arith.addi %iota3A, %add3A_2499 : vector<16xi32>
      %get3A_2501 = arith.constant 64 : index
      %get3A_2502 = tpu.vector_load %arg21[%get3A_2501] {strides = array<i32>} : memref<128xf32, #tpu.memory_space<vmem>>, vector<16xf32>,
      %get3A_2503 = arith.constant 64 : index
      %get3A_2504 = tpu.vector_load %arg22[%get3A_2503] {strides = array<i32>} : memref<128xf32, #tpu.memory_space<vmem>>, vector<16xf32>,
      %get3A_2505 = arith.constant 64 : index
      %get3A_2506 = tpu.vector_load %arg23[%get3A_2505] {strides = array<i32>} : memref<128xf32, #tpu.memory_space<vmem>>, vector<16xf32>,
      %get3A_2507 = arith.constant 64 : index
      %get3A_2508 = tpu.vector_load %arg24[%get3A_2507] {strides = array<i32>} : memref<128xf32, #tpu.memory_space<vmem>>, vector<16xf32>,
      %get3A_2509 = arith.constant 64 : index
      %get3A_2510 = tpu.vector_load %arg25[%get3A_2509] {strides = array<i32>} : memref<128xf32, #tpu.memory_space<vmem>>, vector<16xf32>,
      %gt3A_2511 = arith.constant 5.000000e-01 : f32
      %gt3A_2512 = vector.broadcast %gt3A_2511 : f32 to vector<16xf32>
      %gt3A_2513 = arith.cmpf ogt, %get3A_2510, %gt3A_2512 : vector<16xf32>
      %get3A_2514 = arith.index_cast %add3A_2497 : i32 to index
      %get3A_2515 = tpu.vector_load %arg18[%get3A_2514] {strides = array<i32>} : memref<2048xf32, #tpu.memory_space<vmem>>, vector<16xf32>,
      %sub3A_2516 = arith.constant 1.000000e+00 : f32
      %sub3A_2517 = vector.broadcast %sub3A_2516 : f32 to vector<16xf32>
      %sub3A_2518 = arith.subf %sub3A_2517, %get3A_2515 : vector<16xf32>
      %mul3A_2519 = arith.constant 0.699999988 : f32
      %mul3A_2520 = vector.broadcast %mul3A_2519 : f32 to vector<16xf32>
      %mul3A_2521 = arith.mulf %mul3A_2520, %sub3A_2518 : vector<16xf32>
      %broadcast_in_dim3A_2522 = arith.constant 0 : i32
      %broadcast_in_dim3A_2523 = vector.broadcast %broadcast_in_dim3A_2522 : i32 to vector<16xi32>
      %gather3A_2524 = tpu.vector_load_idx %arg26[%add3A_2500, %broadcast_in_dim3A_2523] : memref<128x8xf32, #tpu.memory_space<vmem>>[vector<16xi32>, vector<16xi32>], vector<16xf32>,
      %add3A_2525 = arith.constant 3 : i32
      %add3A_2526 = vector.broadcast %add3A_2525 : i32 to vector<16xi32>
      %add3A_2527 = arith.addi %broadcast_in_dim3A_2523, %add3A_2526 : vector<16xi32>
      %gather3A_2528 = tpu.vector_load_idx %arg26[%add3A_2500, %add3A_2527] : memref<128x8xf32, #tpu.memory_space<vmem>>[vector<16xi32>, vector<16xi32>], vector<16xf32>,
      %gather3A_2529 = tpu.vector_load_idx %arg27[%add3A_2500, %broadcast_in_dim3A_2523] : memref<128x8xf32, #tpu.memory_space<vmem>>[vector<16xi32>, vector<16xi32>], vector<16xf32>,
      %add3A_2530 = arith.constant 3 : i32
      %add3A_2531 = vector.broadcast %add3A_2530 : i32 to vector<16xi32>
      %add3A_2532 = arith.addi %broadcast_in_dim3A_2523, %add3A_2531 : vector<16xi32>
      %gather3A_2533 = tpu.vector_load_idx %arg27[%add3A_2500, %add3A_2532] : memref<128x8xf32, #tpu.memory_space<vmem>>[vector<16xi32>, vector<16xi32>], vector<16xf32>,
      %select_n3A_2534 = arith.select %gt3A_2513, %gather3A_2524, %gather3A_2528 : vector<16xi1>, vector<16xf32>
      %select_n3A_2535 = arith.select %gt3A_2513, %gather3A_2529, %gather3A_2533 : vector<16xi1>, vector<16xf32>
      %mul3A_2536 = arith.mulf %get3A_2502, %gather3A_2524 : vector<16xf32>
      %mul3A_2537 = arith.mulf %get3A_2504, %select_n3A_2534 : vector<16xf32>
      %add3A_2538 = arith.addf %mul3A_2536, %mul3A_2537 : vector<16xf32>
      %mul3A_2539 = arith.mulf %get3A_2506, %gather3A_2529 : vector<16xf32>
      %add3A_2540 = arith.addf %add3A_2538, %mul3A_2539 : vector<16xf32>
      %mul3A_2541 = arith.mulf %get3A_2508, %select_n3A_2535 : vector<16xf32>
      %add3A_2542 = arith.addf %add3A_2540, %mul3A_2541 : vector<16xf32>
      %mul3A_2543 = arith.mulf %add3A_2542, %get3A_2515 : vector<16xf32>
      %add3A_2544 = arith.addf %mul3A_2543, %mul3A_2521 : vector<16xf32>
      %mul3A_2545 = arith.constant 2.550000e+02 : f32
      %mul3A_2546 = vector.broadcast %mul3A_2545 : f32 to vector<16xf32>
      %mul3A_2547 = arith.mulf %add3A_2544, %mul3A_2546 : vector<16xf32>
      %jit3A_2548 = arith.constant 0.000000e+00 : f32
      %jit3A_2549 = arith.constant 2.550000e+02 : f32
      %max3A_2550 = vector.broadcast %jit3A_2548 : f32 to vector<16xf32>
      %max3A_2551 = arith.maximumf %max3A_2550, %mul3A_2547 : vector<16xf32>
      %min3A_2552 = vector.broadcast %jit3A_2549 : f32 to vector<16xf32>
      %min3A_2553 = arith.minimumf %min3A_2552, %max3A_2551 : vector<16xf32>
      %swap3A_2554 = arith.constant 0 : i32
      %swap3A_2555 = arith.index_cast %swap3A_2554 : i32 to index
      %swap3A_2556 = arith.constant 64 : index
      %swap3A_2557 = tpu.vector_load %arg28[%swap3A_2555, %swap3A_2556] {strides = array<i32>} : memref<3x128xf32, #tpu.memory_space<vmem>>, vector<16xf32>,
      tpu.vector_store %arg28[%swap3A_2555, %swap3A_2556], %min3A_2553 {strides = array<i32>} : memref<3x128xf32, #tpu.memory_space<vmem>>, vector<16xf32>,
      %broadcast_in_dim3A_2558 = arith.constant 1 : i32
      %broadcast_in_dim3A_2559 = vector.broadcast %broadcast_in_dim3A_2558 : i32 to vector<16xi32>
      %gather3A_2560 = tpu.vector_load_idx %arg26[%add3A_2500, %broadcast_in_dim3A_2559] : memref<128x8xf32, #tpu.memory_space<vmem>>[vector<16xi32>, vector<16xi32>], vector<16xf32>,
      %add3A_2561 = arith.constant 3 : i32
      %add3A_2562 = vector.broadcast %add3A_2561 : i32 to vector<16xi32>
      %add3A_2563 = arith.addi %broadcast_in_dim3A_2559, %add3A_2562 : vector<16xi32>
      %gather3A_2564 = tpu.vector_load_idx %arg26[%add3A_2500, %add3A_2563] : memref<128x8xf32, #tpu.memory_space<vmem>>[vector<16xi32>, vector<16xi32>], vector<16xf32>,
      %gather3A_2565 = tpu.vector_load_idx %arg27[%add3A_2500, %broadcast_in_dim3A_2559] : memref<128x8xf32, #tpu.memory_space<vmem>>[vector<16xi32>, vector<16xi32>], vector<16xf32>,
      %add3A_2566 = arith.constant 3 : i32
      %add3A_2567 = vector.broadcast %add3A_2566 : i32 to vector<16xi32>
      %add3A_2568 = arith.addi %broadcast_in_dim3A_2559, %add3A_2567 : vector<16xi32>
      %gather3A_2569 = tpu.vector_load_idx %arg27[%add3A_2500, %add3A_2568] : memref<128x8xf32, #tpu.memory_space<vmem>>[vector<16xi32>, vector<16xi32>], vector<16xf32>,
      %select_n3A_2570 = arith.select %gt3A_2513, %gather3A_2560, %gather3A_2564 : vector<16xi1>, vector<16xf32>
      %select_n3A_2571 = arith.select %gt3A_2513, %gather3A_2565, %gather3A_2569 : vector<16xi1>, vector<16xf32>
      %mul3A_2572 = arith.mulf %get3A_2502, %gather3A_2560 : vector<16xf32>
      %mul3A_2573 = arith.mulf %get3A_2504, %select_n3A_2570 : vector<16xf32>
      %add3A_2574 = arith.addf %mul3A_2572, %mul3A_2573 : vector<16xf32>
      %mul3A_2575 = arith.mulf %get3A_2506, %gather3A_2565 : vector<16xf32>
      %add3A_2576 = arith.addf %add3A_2574, %mul3A_2575 : vector<16xf32>
      %mul3A_2577 = arith.mulf %get3A_2508, %select_n3A_2571 : vector<16xf32>
      %add3A_2578 = arith.addf %add3A_2576, %mul3A_2577 : vector<16xf32>
      %mul3A_2579 = arith.mulf %add3A_2578, %get3A_2515 : vector<16xf32>
      %add3A_2580 = arith.addf %mul3A_2579, %mul3A_2521 : vector<16xf32>
      %mul3A_2581 = arith.constant 2.550000e+02 : f32
      %mul3A_2582 = vector.broadcast %mul3A_2581 : f32 to vector<16xf32>
      %mul3A_2583 = arith.mulf %add3A_2580, %mul3A_2582 : vector<16xf32>
      %jit3A_2584 = arith.constant 0.000000e+00 : f32
      %jit3A_2585 = arith.constant 2.550000e+02 : f32
      %max3A_2586 = vector.broadcast %jit3A_2584 : f32 to vector<16xf32>
      %max3A_2587 = arith.maximumf %max3A_2586, %mul3A_2583 : vector<16xf32>
      %min3A_2588 = vector.broadcast %jit3A_2585 : f32 to vector<16xf32>
      %min3A_2589 = arith.minimumf %min3A_2588, %max3A_2587 : vector<16xf32>
      %swap3A_2590 = arith.constant 1 : i32
      %swap3A_2591 = arith.index_cast %swap3A_2590 : i32 to index
      %swap3A_2592 = arith.constant 64 : index
      %swap3A_2593 = tpu.vector_load %arg28[%swap3A_2591, %swap3A_2592] {strides = array<i32>} : memref<3x128xf32, #tpu.memory_space<vmem>>, vector<16xf32>,
      tpu.vector_store %arg28[%swap3A_2591, %swap3A_2592], %min3A_2589 {strides = array<i32>} : memref<3x128xf32, #tpu.memory_space<vmem>>, vector<16xf32>,
      %broadcast_in_dim3A_2594 = arith.constant 2 : i32
      %broadcast_in_dim3A_2595 = vector.broadcast %broadcast_in_dim3A_2594 : i32 to vector<16xi32>
      %gather3A_2596 = tpu.vector_load_idx %arg26[%add3A_2500, %broadcast_in_dim3A_2595] : memref<128x8xf32, #tpu.memory_space<vmem>>[vector<16xi32>, vector<16xi32>], vector<16xf32>,
      %add3A_2597 = arith.constant 3 : i32
      %add3A_2598 = vector.broadcast %add3A_2597 : i32 to vector<16xi32>
      %add3A_2599 = arith.addi %broadcast_in_dim3A_2595, %add3A_2598 : vector<16xi32>
      %gather3A_2600 = tpu.vector_load_idx %arg26[%add3A_2500, %add3A_2599] : memref<128x8xf32, #tpu.memory_space<vmem>>[vector<16xi32>, vector<16xi32>], vector<16xf32>,
      %gather3A_2601 = tpu.vector_load_idx %arg27[%add3A_2500, %broadcast_in_dim3A_2595] : memref<128x8xf32, #tpu.memory_space<vmem>>[vector<16xi32>, vector<16xi32>], vector<16xf32>,
      %add3A_2602 = arith.constant 3 : i32
      %add3A_2603 = vector.broadcast %add3A_2602 : i32 to vector<16xi32>
      %add3A_2604 = arith.addi %broadcast_in_dim3A_2595, %add3A_2603 : vector<16xi32>
      %gather3A_2605 = tpu.vector_load_idx %arg27[%add3A_2500, %add3A_2604] : memref<128x8xf32, #tpu.memory_space<vmem>>[vector<16xi32>, vector<16xi32>], vector<16xf32>,
      %select_n3A_2606 = arith.select %gt3A_2513, %gather3A_2596, %gather3A_2600 : vector<16xi1>, vector<16xf32>
      %select_n3A_2607 = arith.select %gt3A_2513, %gather3A_2601, %gather3A_2605 : vector<16xi1>, vector<16xf32>
      %mul3A_2608 = arith.mulf %get3A_2502, %gather3A_2596 : vector<16xf32>
      %mul3A_2609 = arith.mulf %get3A_2504, %select_n3A_2606 : vector<16xf32>
      %add3A_2610 = arith.addf %mul3A_2608, %mul3A_2609 : vector<16xf32>
      %mul3A_2611 = arith.mulf %get3A_2506, %gather3A_2601 : vector<16xf32>
      %add3A_2612 = arith.addf %add3A_2610, %mul3A_2611 : vector<16xf32>
      %mul3A_2613 = arith.mulf %get3A_2508, %select_n3A_2607 : vector<16xf32>
      %add3A_2614 = arith.addf %add3A_2612, %mul3A_2613 : vector<16xf32>
      %mul3A_2615 = arith.mulf %add3A_2614, %get3A_2515 : vector<16xf32>
      %add3A_2616 = arith.addf %mul3A_2615, %mul3A_2521 : vector<16xf32>
      %mul3A_2617 = arith.constant 2.550000e+02 : f32
      %mul3A_2618 = vector.broadcast %mul3A_2617 : f32 to vector<16xf32>
      %mul3A_2619 = arith.mulf %add3A_2616, %mul3A_2618 : vector<16xf32>
      %jit3A_2620 = arith.constant 0.000000e+00 : f32
      %jit3A_2621 = arith.constant 2.550000e+02 : f32
      %max3A_2622 = vector.broadcast %jit3A_2620 : f32 to vector<16xf32>
      %max3A_2623 = arith.maximumf %max3A_2622, %mul3A_2619 : vector<16xf32>
      %min3A_2624 = vector.broadcast %jit3A_2621 : f32 to vector<16xf32>
      %min3A_2625 = arith.minimumf %min3A_2624, %max3A_2623 : vector<16xf32>
      %swap3A_2626 = arith.constant 2 : i32
      %swap3A_2627 = arith.index_cast %swap3A_2626 : i32 to index
      %swap3A_2628 = arith.constant 64 : index
      %swap3A_2629 = tpu.vector_load %arg28[%swap3A_2627, %swap3A_2628] {strides = array<i32>} : memref<3x128xf32, #tpu.memory_space<vmem>>, vector<16xf32>,
      tpu.vector_store %arg28[%swap3A_2627, %swap3A_2628], %min3A_2625 {strides = array<i32>} : memref<3x128xf32, #tpu.memory_space<vmem>>, vector<16xf32>,
      %add3A_2630 = arith.constant 80 : i32
      %add3A_2631 = arith.addi %mul3A_51, %add3A_2630 : i32
      %add3A_2632 = arith.constant 80 : i32
      %add3A_2633 = vector.broadcast %add3A_2632 : i32 to vector<16xi32>
      %add3A_2634 = arith.addi %iota3A, %add3A_2633 : vector<16xi32>
      %get3A_2635 = arith.constant 80 : index
      %get3A_2636 = tpu.vector_load %arg21[%get3A_2635] {strides = array<i32>} : memref<128xf32, #tpu.memory_space<vmem>>, vector<16xf32>,
      %get3A_2637 = arith.constant 80 : index
      %get3A_2638 = tpu.vector_load %arg22[%get3A_2637] {strides = array<i32>} : memref<128xf32, #tpu.memory_space<vmem>>, vector<16xf32>,
      %get3A_2639 = arith.constant 80 : index
      %get3A_2640 = tpu.vector_load %arg23[%get3A_2639] {strides = array<i32>} : memref<128xf32, #tpu.memory_space<vmem>>, vector<16xf32>,
      %get3A_2641 = arith.constant 80 : index
      %get3A_2642 = tpu.vector_load %arg24[%get3A_2641] {strides = array<i32>} : memref<128xf32, #tpu.memory_space<vmem>>, vector<16xf32>,
      %get3A_2643 = arith.constant 80 : index
      %get3A_2644 = tpu.vector_load %arg25[%get3A_2643] {strides = array<i32>} : memref<128xf32, #tpu.memory_space<vmem>>, vector<16xf32>,
      %gt3A_2645 = arith.constant 5.000000e-01 : f32
      %gt3A_2646 = vector.broadcast %gt3A_2645 : f32 to vector<16xf32>
      %gt3A_2647 = arith.cmpf ogt, %get3A_2644, %gt3A_2646 : vector<16xf32>
      %get3A_2648 = arith.index_cast %add3A_2631 : i32 to index
      %get3A_2649 = tpu.vector_load %arg18[%get3A_2648] {strides = array<i32>} : memref<2048xf32, #tpu.memory_space<vmem>>, vector<16xf32>,
      %sub3A_2650 = arith.constant 1.000000e+00 : f32
      %sub3A_2651 = vector.broadcast %sub3A_2650 : f32 to vector<16xf32>
      %sub3A_2652 = arith.subf %sub3A_2651, %get3A_2649 : vector<16xf32>
      %mul3A_2653 = arith.constant 0.699999988 : f32
      %mul3A_2654 = vector.broadcast %mul3A_2653 : f32 to vector<16xf32>
      %mul3A_2655 = arith.mulf %mul3A_2654, %sub3A_2652 : vector<16xf32>
      %broadcast_in_dim3A_2656 = arith.constant 0 : i32
      %broadcast_in_dim3A_2657 = vector.broadcast %broadcast_in_dim3A_2656 : i32 to vector<16xi32>
      %gather3A_2658 = tpu.vector_load_idx %arg26[%add3A_2634, %broadcast_in_dim3A_2657] : memref<128x8xf32, #tpu.memory_space<vmem>>[vector<16xi32>, vector<16xi32>], vector<16xf32>,
      %add3A_2659 = arith.constant 3 : i32
      %add3A_2660 = vector.broadcast %add3A_2659 : i32 to vector<16xi32>
      %add3A_2661 = arith.addi %broadcast_in_dim3A_2657, %add3A_2660 : vector<16xi32>
      %gather3A_2662 = tpu.vector_load_idx %arg26[%add3A_2634, %add3A_2661] : memref<128x8xf32, #tpu.memory_space<vmem>>[vector<16xi32>, vector<16xi32>], vector<16xf32>,
      %gather3A_2663 = tpu.vector_load_idx %arg27[%add3A_2634, %broadcast_in_dim3A_2657] : memref<128x8xf32, #tpu.memory_space<vmem>>[vector<16xi32>, vector<16xi32>], vector<16xf32>,
      %add3A_2664 = arith.constant 3 : i32
      %add3A_2665 = vector.broadcast %add3A_2664 : i32 to vector<16xi32>
      %add3A_2666 = arith.addi %broadcast_in_dim3A_2657, %add3A_2665 : vector<16xi32>
      %gather3A_2667 = tpu.vector_load_idx %arg27[%add3A_2634, %add3A_2666] : memref<128x8xf32, #tpu.memory_space<vmem>>[vector<16xi32>, vector<16xi32>], vector<16xf32>,
      %select_n3A_2668 = arith.select %gt3A_2647, %gather3A_2658, %gather3A_2662 : vector<16xi1>, vector<16xf32>
      %select_n3A_2669 = arith.select %gt3A_2647, %gather3A_2663, %gather3A_2667 : vector<16xi1>, vector<16xf32>
      %mul3A_2670 = arith.mulf %get3A_2636, %gather3A_2658 : vector<16xf32>
      %mul3A_2671 = arith.mulf %get3A_2638, %select_n3A_2668 : vector<16xf32>
      %add3A_2672 = arith.addf %mul3A_2670, %mul3A_2671 : vector<16xf32>
      %mul3A_2673 = arith.mulf %get3A_2640, %gather3A_2663 : vector<16xf32>
      %add3A_2674 = arith.addf %add3A_2672, %mul3A_2673 : vector<16xf32>
      %mul3A_2675 = arith.mulf %get3A_2642, %select_n3A_2669 : vector<16xf32>
      %add3A_2676 = arith.addf %add3A_2674, %mul3A_2675 : vector<16xf32>
      %mul3A_2677 = arith.mulf %add3A_2676, %get3A_2649 : vector<16xf32>
      %add3A_2678 = arith.addf %mul3A_2677, %mul3A_2655 : vector<16xf32>
      %mul3A_2679 = arith.constant 2.550000e+02 : f32
      %mul3A_2680 = vector.broadcast %mul3A_2679 : f32 to vector<16xf32>
      %mul3A_2681 = arith.mulf %add3A_2678, %mul3A_2680 : vector<16xf32>
      %jit3A_2682 = arith.constant 0.000000e+00 : f32
      %jit3A_2683 = arith.constant 2.550000e+02 : f32
      %max3A_2684 = vector.broadcast %jit3A_2682 : f32 to vector<16xf32>
      %max3A_2685 = arith.maximumf %max3A_2684, %mul3A_2681 : vector<16xf32>
      %min3A_2686 = vector.broadcast %jit3A_2683 : f32 to vector<16xf32>
      %min3A_2687 = arith.minimumf %min3A_2686, %max3A_2685 : vector<16xf32>
      %swap3A_2688 = arith.constant 0 : i32
      %swap3A_2689 = arith.index_cast %swap3A_2688 : i32 to index
      %swap3A_2690 = arith.constant 80 : index
      %swap3A_2691 = tpu.vector_load %arg28[%swap3A_2689, %swap3A_2690] {strides = array<i32>} : memref<3x128xf32, #tpu.memory_space<vmem>>, vector<16xf32>,
      tpu.vector_store %arg28[%swap3A_2689, %swap3A_2690], %min3A_2687 {strides = array<i32>} : memref<3x128xf32, #tpu.memory_space<vmem>>, vector<16xf32>,
      %broadcast_in_dim3A_2692 = arith.constant 1 : i32
      %broadcast_in_dim3A_2693 = vector.broadcast %broadcast_in_dim3A_2692 : i32 to vector<16xi32>
      %gather3A_2694 = tpu.vector_load_idx %arg26[%add3A_2634, %broadcast_in_dim3A_2693] : memref<128x8xf32, #tpu.memory_space<vmem>>[vector<16xi32>, vector<16xi32>], vector<16xf32>,
      %add3A_2695 = arith.constant 3 : i32
      %add3A_2696 = vector.broadcast %add3A_2695 : i32 to vector<16xi32>
      %add3A_2697 = arith.addi %broadcast_in_dim3A_2693, %add3A_2696 : vector<16xi32>
      %gather3A_2698 = tpu.vector_load_idx %arg26[%add3A_2634, %add3A_2697] : memref<128x8xf32, #tpu.memory_space<vmem>>[vector<16xi32>, vector<16xi32>], vector<16xf32>,
      %gather3A_2699 = tpu.vector_load_idx %arg27[%add3A_2634, %broadcast_in_dim3A_2693] : memref<128x8xf32, #tpu.memory_space<vmem>>[vector<16xi32>, vector<16xi32>], vector<16xf32>,
      %add3A_2700 = arith.constant 3 : i32
      %add3A_2701 = vector.broadcast %add3A_2700 : i32 to vector<16xi32>
      %add3A_2702 = arith.addi %broadcast_in_dim3A_2693, %add3A_2701 : vector<16xi32>
      %gather3A_2703 = tpu.vector_load_idx %arg27[%add3A_2634, %add3A_2702] : memref<128x8xf32, #tpu.memory_space<vmem>>[vector<16xi32>, vector<16xi32>], vector<16xf32>,
      %select_n3A_2704 = arith.select %gt3A_2647, %gather3A_2694, %gather3A_2698 : vector<16xi1>, vector<16xf32>
      %select_n3A_2705 = arith.select %gt3A_2647, %gather3A_2699, %gather3A_2703 : vector<16xi1>, vector<16xf32>
      %mul3A_2706 = arith.mulf %get3A_2636, %gather3A_2694 : vector<16xf32>
      %mul3A_2707 = arith.mulf %get3A_2638, %select_n3A_2704 : vector<16xf32>
      %add3A_2708 = arith.addf %mul3A_2706, %mul3A_2707 : vector<16xf32>
      %mul3A_2709 = arith.mulf %get3A_2640, %gather3A_2699 : vector<16xf32>
      %add3A_2710 = arith.addf %add3A_2708, %mul3A_2709 : vector<16xf32>
      %mul3A_2711 = arith.mulf %get3A_2642, %select_n3A_2705 : vector<16xf32>
      %add3A_2712 = arith.addf %add3A_2710, %mul3A_2711 : vector<16xf32>
      %mul3A_2713 = arith.mulf %add3A_2712, %get3A_2649 : vector<16xf32>
      %add3A_2714 = arith.addf %mul3A_2713, %mul3A_2655 : vector<16xf32>
      %mul3A_2715 = arith.constant 2.550000e+02 : f32
      %mul3A_2716 = vector.broadcast %mul3A_2715 : f32 to vector<16xf32>
      %mul3A_2717 = arith.mulf %add3A_2714, %mul3A_2716 : vector<16xf32>
      %jit3A_2718 = arith.constant 0.000000e+00 : f32
      %jit3A_2719 = arith.constant 2.550000e+02 : f32
      %max3A_2720 = vector.broadcast %jit3A_2718 : f32 to vector<16xf32>
      %max3A_2721 = arith.maximumf %max3A_2720, %mul3A_2717 : vector<16xf32>
      %min3A_2722 = vector.broadcast %jit3A_2719 : f32 to vector<16xf32>
      %min3A_2723 = arith.minimumf %min3A_2722, %max3A_2721 : vector<16xf32>
      %swap3A_2724 = arith.constant 1 : i32
      %swap3A_2725 = arith.index_cast %swap3A_2724 : i32 to index
      %swap3A_2726 = arith.constant 80 : index
      %swap3A_2727 = tpu.vector_load %arg28[%swap3A_2725, %swap3A_2726] {strides = array<i32>} : memref<3x128xf32, #tpu.memory_space<vmem>>, vector<16xf32>,
      tpu.vector_store %arg28[%swap3A_2725, %swap3A_2726], %min3A_2723 {strides = array<i32>} : memref<3x128xf32, #tpu.memory_space<vmem>>, vector<16xf32>,
      %broadcast_in_dim3A_2728 = arith.constant 2 : i32
      %broadcast_in_dim3A_2729 = vector.broadcast %broadcast_in_dim3A_2728 : i32 to vector<16xi32>
      %gather3A_2730 = tpu.vector_load_idx %arg26[%add3A_2634, %broadcast_in_dim3A_2729] : memref<128x8xf32, #tpu.memory_space<vmem>>[vector<16xi32>, vector<16xi32>], vector<16xf32>,
      %add3A_2731 = arith.constant 3 : i32
      %add3A_2732 = vector.broadcast %add3A_2731 : i32 to vector<16xi32>
      %add3A_2733 = arith.addi %broadcast_in_dim3A_2729, %add3A_2732 : vector<16xi32>
      %gather3A_2734 = tpu.vector_load_idx %arg26[%add3A_2634, %add3A_2733] : memref<128x8xf32, #tpu.memory_space<vmem>>[vector<16xi32>, vector<16xi32>], vector<16xf32>,
      %gather3A_2735 = tpu.vector_load_idx %arg27[%add3A_2634, %broadcast_in_dim3A_2729] : memref<128x8xf32, #tpu.memory_space<vmem>>[vector<16xi32>, vector<16xi32>], vector<16xf32>,
      %add3A_2736 = arith.constant 3 : i32
      %add3A_2737 = vector.broadcast %add3A_2736 : i32 to vector<16xi32>
      %add3A_2738 = arith.addi %broadcast_in_dim3A_2729, %add3A_2737 : vector<16xi32>
      %gather3A_2739 = tpu.vector_load_idx %arg27[%add3A_2634, %add3A_2738] : memref<128x8xf32, #tpu.memory_space<vmem>>[vector<16xi32>, vector<16xi32>], vector<16xf32>,
      %select_n3A_2740 = arith.select %gt3A_2647, %gather3A_2730, %gather3A_2734 : vector<16xi1>, vector<16xf32>
      %select_n3A_2741 = arith.select %gt3A_2647, %gather3A_2735, %gather3A_2739 : vector<16xi1>, vector<16xf32>
      %mul3A_2742 = arith.mulf %get3A_2636, %gather3A_2730 : vector<16xf32>
      %mul3A_2743 = arith.mulf %get3A_2638, %select_n3A_2740 : vector<16xf32>
      %add3A_2744 = arith.addf %mul3A_2742, %mul3A_2743 : vector<16xf32>
      %mul3A_2745 = arith.mulf %get3A_2640, %gather3A_2735 : vector<16xf32>
      %add3A_2746 = arith.addf %add3A_2744, %mul3A_2745 : vector<16xf32>
      %mul3A_2747 = arith.mulf %get3A_2642, %select_n3A_2741 : vector<16xf32>
      %add3A_2748 = arith.addf %add3A_2746, %mul3A_2747 : vector<16xf32>
      %mul3A_2749 = arith.mulf %add3A_2748, %get3A_2649 : vector<16xf32>
      %add3A_2750 = arith.addf %mul3A_2749, %mul3A_2655 : vector<16xf32>
      %mul3A_2751 = arith.constant 2.550000e+02 : f32
      %mul3A_2752 = vector.broadcast %mul3A_2751 : f32 to vector<16xf32>
      %mul3A_2753 = arith.mulf %add3A_2750, %mul3A_2752 : vector<16xf32>
      %jit3A_2754 = arith.constant 0.000000e+00 : f32
      %jit3A_2755 = arith.constant 2.550000e+02 : f32
      %max3A_2756 = vector.broadcast %jit3A_2754 : f32 to vector<16xf32>
      %max3A_2757 = arith.maximumf %max3A_2756, %mul3A_2753 : vector<16xf32>
      %min3A_2758 = vector.broadcast %jit3A_2755 : f32 to vector<16xf32>
      %min3A_2759 = arith.minimumf %min3A_2758, %max3A_2757 : vector<16xf32>
      %swap3A_2760 = arith.constant 2 : i32
      %swap3A_2761 = arith.index_cast %swap3A_2760 : i32 to index
      %swap3A_2762 = arith.constant 80 : index
      %swap3A_2763 = tpu.vector_load %arg28[%swap3A_2761, %swap3A_2762] {strides = array<i32>} : memref<3x128xf32, #tpu.memory_space<vmem>>, vector<16xf32>,
      tpu.vector_store %arg28[%swap3A_2761, %swap3A_2762], %min3A_2759 {strides = array<i32>} : memref<3x128xf32, #tpu.memory_space<vmem>>, vector<16xf32>,
      %add3A_2764 = arith.constant 96 : i32
      %add3A_2765 = arith.addi %mul3A_51, %add3A_2764 : i32
      %add3A_2766 = arith.constant 96 : i32
      %add3A_2767 = vector.broadcast %add3A_2766 : i32 to vector<16xi32>
      %add3A_2768 = arith.addi %iota3A, %add3A_2767 : vector<16xi32>
      %get3A_2769 = arith.constant 96 : index
      %get3A_2770 = tpu.vector_load %arg21[%get3A_2769] {strides = array<i32>} : memref<128xf32, #tpu.memory_space<vmem>>, vector<16xf32>,
      %get3A_2771 = arith.constant 96 : index
      %get3A_2772 = tpu.vector_load %arg22[%get3A_2771] {strides = array<i32>} : memref<128xf32, #tpu.memory_space<vmem>>, vector<16xf32>,
      %get3A_2773 = arith.constant 96 : index
      %get3A_2774 = tpu.vector_load %arg23[%get3A_2773] {strides = array<i32>} : memref<128xf32, #tpu.memory_space<vmem>>, vector<16xf32>,
      %get3A_2775 = arith.constant 96 : index
      %get3A_2776 = tpu.vector_load %arg24[%get3A_2775] {strides = array<i32>} : memref<128xf32, #tpu.memory_space<vmem>>, vector<16xf32>,
      %get3A_2777 = arith.constant 96 : index
      %get3A_2778 = tpu.vector_load %arg25[%get3A_2777] {strides = array<i32>} : memref<128xf32, #tpu.memory_space<vmem>>, vector<16xf32>,
      %gt3A_2779 = arith.constant 5.000000e-01 : f32
      %gt3A_2780 = vector.broadcast %gt3A_2779 : f32 to vector<16xf32>
      %gt3A_2781 = arith.cmpf ogt, %get3A_2778, %gt3A_2780 : vector<16xf32>
      %get3A_2782 = arith.index_cast %add3A_2765 : i32 to index
      %get3A_2783 = tpu.vector_load %arg18[%get3A_2782] {strides = array<i32>} : memref<2048xf32, #tpu.memory_space<vmem>>, vector<16xf32>,
      %sub3A_2784 = arith.constant 1.000000e+00 : f32
      %sub3A_2785 = vector.broadcast %sub3A_2784 : f32 to vector<16xf32>
      %sub3A_2786 = arith.subf %sub3A_2785, %get3A_2783 : vector<16xf32>
      %mul3A_2787 = arith.constant 0.699999988 : f32
      %mul3A_2788 = vector.broadcast %mul3A_2787 : f32 to vector<16xf32>
      %mul3A_2789 = arith.mulf %mul3A_2788, %sub3A_2786 : vector<16xf32>
      %broadcast_in_dim3A_2790 = arith.constant 0 : i32
      %broadcast_in_dim3A_2791 = vector.broadcast %broadcast_in_dim3A_2790 : i32 to vector<16xi32>
      %gather3A_2792 = tpu.vector_load_idx %arg26[%add3A_2768, %broadcast_in_dim3A_2791] : memref<128x8xf32, #tpu.memory_space<vmem>>[vector<16xi32>, vector<16xi32>], vector<16xf32>,
      %add3A_2793 = arith.constant 3 : i32
      %add3A_2794 = vector.broadcast %add3A_2793 : i32 to vector<16xi32>
      %add3A_2795 = arith.addi %broadcast_in_dim3A_2791, %add3A_2794 : vector<16xi32>
      %gather3A_2796 = tpu.vector_load_idx %arg26[%add3A_2768, %add3A_2795] : memref<128x8xf32, #tpu.memory_space<vmem>>[vector<16xi32>, vector<16xi32>], vector<16xf32>,
      %gather3A_2797 = tpu.vector_load_idx %arg27[%add3A_2768, %broadcast_in_dim3A_2791] : memref<128x8xf32, #tpu.memory_space<vmem>>[vector<16xi32>, vector<16xi32>], vector<16xf32>,
      %add3A_2798 = arith.constant 3 : i32
      %add3A_2799 = vector.broadcast %add3A_2798 : i32 to vector<16xi32>
      %add3A_2800 = arith.addi %broadcast_in_dim3A_2791, %add3A_2799 : vector<16xi32>
      %gather3A_2801 = tpu.vector_load_idx %arg27[%add3A_2768, %add3A_2800] : memref<128x8xf32, #tpu.memory_space<vmem>>[vector<16xi32>, vector<16xi32>], vector<16xf32>,
      %select_n3A_2802 = arith.select %gt3A_2781, %gather3A_2792, %gather3A_2796 : vector<16xi1>, vector<16xf32>
      %select_n3A_2803 = arith.select %gt3A_2781, %gather3A_2797, %gather3A_2801 : vector<16xi1>, vector<16xf32>
      %mul3A_2804 = arith.mulf %get3A_2770, %gather3A_2792 : vector<16xf32>
      %mul3A_2805 = arith.mulf %get3A_2772, %select_n3A_2802 : vector<16xf32>
      %add3A_2806 = arith.addf %mul3A_2804, %mul3A_2805 : vector<16xf32>
      %mul3A_2807 = arith.mulf %get3A_2774, %gather3A_2797 : vector<16xf32>
      %add3A_2808 = arith.addf %add3A_2806, %mul3A_2807 : vector<16xf32>
      %mul3A_2809 = arith.mulf %get3A_2776, %select_n3A_2803 : vector<16xf32>
      %add3A_2810 = arith.addf %add3A_2808, %mul3A_2809 : vector<16xf32>
      %mul3A_2811 = arith.mulf %add3A_2810, %get3A_2783 : vector<16xf32>
      %add3A_2812 = arith.addf %mul3A_2811, %mul3A_2789 : vector<16xf32>
      %mul3A_2813 = arith.constant 2.550000e+02 : f32
      %mul3A_2814 = vector.broadcast %mul3A_2813 : f32 to vector<16xf32>
      %mul3A_2815 = arith.mulf %add3A_2812, %mul3A_2814 : vector<16xf32>
      %jit3A_2816 = arith.constant 0.000000e+00 : f32
      %jit3A_2817 = arith.constant 2.550000e+02 : f32
      %max3A_2818 = vector.broadcast %jit3A_2816 : f32 to vector<16xf32>
      %max3A_2819 = arith.maximumf %max3A_2818, %mul3A_2815 : vector<16xf32>
      %min3A_2820 = vector.broadcast %jit3A_2817 : f32 to vector<16xf32>
      %min3A_2821 = arith.minimumf %min3A_2820, %max3A_2819 : vector<16xf32>
      %swap3A_2822 = arith.constant 0 : i32
      %swap3A_2823 = arith.index_cast %swap3A_2822 : i32 to index
      %swap3A_2824 = arith.constant 96 : index
      %swap3A_2825 = tpu.vector_load %arg28[%swap3A_2823, %swap3A_2824] {strides = array<i32>} : memref<3x128xf32, #tpu.memory_space<vmem>>, vector<16xf32>,
      tpu.vector_store %arg28[%swap3A_2823, %swap3A_2824], %min3A_2821 {strides = array<i32>} : memref<3x128xf32, #tpu.memory_space<vmem>>, vector<16xf32>,
      %broadcast_in_dim3A_2826 = arith.constant 1 : i32
      %broadcast_in_dim3A_2827 = vector.broadcast %broadcast_in_dim3A_2826 : i32 to vector<16xi32>
      %gather3A_2828 = tpu.vector_load_idx %arg26[%add3A_2768, %broadcast_in_dim3A_2827] : memref<128x8xf32, #tpu.memory_space<vmem>>[vector<16xi32>, vector<16xi32>], vector<16xf32>,
      %add3A_2829 = arith.constant 3 : i32
      %add3A_2830 = vector.broadcast %add3A_2829 : i32 to vector<16xi32>
      %add3A_2831 = arith.addi %broadcast_in_dim3A_2827, %add3A_2830 : vector<16xi32>
      %gather3A_2832 = tpu.vector_load_idx %arg26[%add3A_2768, %add3A_2831] : memref<128x8xf32, #tpu.memory_space<vmem>>[vector<16xi32>, vector<16xi32>], vector<16xf32>,
      %gather3A_2833 = tpu.vector_load_idx %arg27[%add3A_2768, %broadcast_in_dim3A_2827] : memref<128x8xf32, #tpu.memory_space<vmem>>[vector<16xi32>, vector<16xi32>], vector<16xf32>,
      %add3A_2834 = arith.constant 3 : i32
      %add3A_2835 = vector.broadcast %add3A_2834 : i32 to vector<16xi32>
      %add3A_2836 = arith.addi %broadcast_in_dim3A_2827, %add3A_2835 : vector<16xi32>
      %gather3A_2837 = tpu.vector_load_idx %arg27[%add3A_2768, %add3A_2836] : memref<128x8xf32, #tpu.memory_space<vmem>>[vector<16xi32>, vector<16xi32>], vector<16xf32>,
      %select_n3A_2838 = arith.select %gt3A_2781, %gather3A_2828, %gather3A_2832 : vector<16xi1>, vector<16xf32>
      %select_n3A_2839 = arith.select %gt3A_2781, %gather3A_2833, %gather3A_2837 : vector<16xi1>, vector<16xf32>
      %mul3A_2840 = arith.mulf %get3A_2770, %gather3A_2828 : vector<16xf32>
      %mul3A_2841 = arith.mulf %get3A_2772, %select_n3A_2838 : vector<16xf32>
      %add3A_2842 = arith.addf %mul3A_2840, %mul3A_2841 : vector<16xf32>
      %mul3A_2843 = arith.mulf %get3A_2774, %gather3A_2833 : vector<16xf32>
      %add3A_2844 = arith.addf %add3A_2842, %mul3A_2843 : vector<16xf32>
      %mul3A_2845 = arith.mulf %get3A_2776, %select_n3A_2839 : vector<16xf32>
      %add3A_2846 = arith.addf %add3A_2844, %mul3A_2845 : vector<16xf32>
      %mul3A_2847 = arith.mulf %add3A_2846, %get3A_2783 : vector<16xf32>
      %add3A_2848 = arith.addf %mul3A_2847, %mul3A_2789 : vector<16xf32>
      %mul3A_2849 = arith.constant 2.550000e+02 : f32
      %mul3A_2850 = vector.broadcast %mul3A_2849 : f32 to vector<16xf32>
      %mul3A_2851 = arith.mulf %add3A_2848, %mul3A_2850 : vector<16xf32>
      %jit3A_2852 = arith.constant 0.000000e+00 : f32
      %jit3A_2853 = arith.constant 2.550000e+02 : f32
      %max3A_2854 = vector.broadcast %jit3A_2852 : f32 to vector<16xf32>
      %max3A_2855 = arith.maximumf %max3A_2854, %mul3A_2851 : vector<16xf32>
      %min3A_2856 = vector.broadcast %jit3A_2853 : f32 to vector<16xf32>
      %min3A_2857 = arith.minimumf %min3A_2856, %max3A_2855 : vector<16xf32>
      %swap3A_2858 = arith.constant 1 : i32
      %swap3A_2859 = arith.index_cast %swap3A_2858 : i32 to index
      %swap3A_2860 = arith.constant 96 : index
      %swap3A_2861 = tpu.vector_load %arg28[%swap3A_2859, %swap3A_2860] {strides = array<i32>} : memref<3x128xf32, #tpu.memory_space<vmem>>, vector<16xf32>,
      tpu.vector_store %arg28[%swap3A_2859, %swap3A_2860], %min3A_2857 {strides = array<i32>} : memref<3x128xf32, #tpu.memory_space<vmem>>, vector<16xf32>,
      %broadcast_in_dim3A_2862 = arith.constant 2 : i32
      %broadcast_in_dim3A_2863 = vector.broadcast %broadcast_in_dim3A_2862 : i32 to vector<16xi32>
      %gather3A_2864 = tpu.vector_load_idx %arg26[%add3A_2768, %broadcast_in_dim3A_2863] : memref<128x8xf32, #tpu.memory_space<vmem>>[vector<16xi32>, vector<16xi32>], vector<16xf32>,
      %add3A_2865 = arith.constant 3 : i32
      %add3A_2866 = vector.broadcast %add3A_2865 : i32 to vector<16xi32>
      %add3A_2867 = arith.addi %broadcast_in_dim3A_2863, %add3A_2866 : vector<16xi32>
      %gather3A_2868 = tpu.vector_load_idx %arg26[%add3A_2768, %add3A_2867] : memref<128x8xf32, #tpu.memory_space<vmem>>[vector<16xi32>, vector<16xi32>], vector<16xf32>,
      %gather3A_2869 = tpu.vector_load_idx %arg27[%add3A_2768, %broadcast_in_dim3A_2863] : memref<128x8xf32, #tpu.memory_space<vmem>>[vector<16xi32>, vector<16xi32>], vector<16xf32>,
      %add3A_2870 = arith.constant 3 : i32
      %add3A_2871 = vector.broadcast %add3A_2870 : i32 to vector<16xi32>
      %add3A_2872 = arith.addi %broadcast_in_dim3A_2863, %add3A_2871 : vector<16xi32>
      %gather3A_2873 = tpu.vector_load_idx %arg27[%add3A_2768, %add3A_2872] : memref<128x8xf32, #tpu.memory_space<vmem>>[vector<16xi32>, vector<16xi32>], vector<16xf32>,
      %select_n3A_2874 = arith.select %gt3A_2781, %gather3A_2864, %gather3A_2868 : vector<16xi1>, vector<16xf32>
      %select_n3A_2875 = arith.select %gt3A_2781, %gather3A_2869, %gather3A_2873 : vector<16xi1>, vector<16xf32>
      %mul3A_2876 = arith.mulf %get3A_2770, %gather3A_2864 : vector<16xf32>
      %mul3A_2877 = arith.mulf %get3A_2772, %select_n3A_2874 : vector<16xf32>
      %add3A_2878 = arith.addf %mul3A_2876, %mul3A_2877 : vector<16xf32>
      %mul3A_2879 = arith.mulf %get3A_2774, %gather3A_2869 : vector<16xf32>
      %add3A_2880 = arith.addf %add3A_2878, %mul3A_2879 : vector<16xf32>
      %mul3A_2881 = arith.mulf %get3A_2776, %select_n3A_2875 : vector<16xf32>
      %add3A_2882 = arith.addf %add3A_2880, %mul3A_2881 : vector<16xf32>
      %mul3A_2883 = arith.mulf %add3A_2882, %get3A_2783 : vector<16xf32>
      %add3A_2884 = arith.addf %mul3A_2883, %mul3A_2789 : vector<16xf32>
      %mul3A_2885 = arith.constant 2.550000e+02 : f32
      %mul3A_2886 = vector.broadcast %mul3A_2885 : f32 to vector<16xf32>
      %mul3A_2887 = arith.mulf %add3A_2884, %mul3A_2886 : vector<16xf32>
      %jit3A_2888 = arith.constant 0.000000e+00 : f32
      %jit3A_2889 = arith.constant 2.550000e+02 : f32
      %max3A_2890 = vector.broadcast %jit3A_2888 : f32 to vector<16xf32>
      %max3A_2891 = arith.maximumf %max3A_2890, %mul3A_2887 : vector<16xf32>
      %min3A_2892 = vector.broadcast %jit3A_2889 : f32 to vector<16xf32>
      %min3A_2893 = arith.minimumf %min3A_2892, %max3A_2891 : vector<16xf32>
      %swap3A_2894 = arith.constant 2 : i32
      %swap3A_2895 = arith.index_cast %swap3A_2894 : i32 to index
      %swap3A_2896 = arith.constant 96 : index
      %swap3A_2897 = tpu.vector_load %arg28[%swap3A_2895, %swap3A_2896] {strides = array<i32>} : memref<3x128xf32, #tpu.memory_space<vmem>>, vector<16xf32>,
      tpu.vector_store %arg28[%swap3A_2895, %swap3A_2896], %min3A_2893 {strides = array<i32>} : memref<3x128xf32, #tpu.memory_space<vmem>>, vector<16xf32>,
      %add3A_2898 = arith.constant 112 : i32
      %add3A_2899 = arith.addi %mul3A_51, %add3A_2898 : i32
      %add3A_2900 = arith.constant 112 : i32
      %add3A_2901 = vector.broadcast %add3A_2900 : i32 to vector<16xi32>
      %add3A_2902 = arith.addi %iota3A, %add3A_2901 : vector<16xi32>
      %get3A_2903 = arith.constant 112 : index
      %get3A_2904 = tpu.vector_load %arg21[%get3A_2903] {strides = array<i32>} : memref<128xf32, #tpu.memory_space<vmem>>, vector<16xf32>,
      %get3A_2905 = arith.constant 112 : index
      %get3A_2906 = tpu.vector_load %arg22[%get3A_2905] {strides = array<i32>} : memref<128xf32, #tpu.memory_space<vmem>>, vector<16xf32>,
      %get3A_2907 = arith.constant 112 : index
      %get3A_2908 = tpu.vector_load %arg23[%get3A_2907] {strides = array<i32>} : memref<128xf32, #tpu.memory_space<vmem>>, vector<16xf32>,
      %get3A_2909 = arith.constant 112 : index
      %get3A_2910 = tpu.vector_load %arg24[%get3A_2909] {strides = array<i32>} : memref<128xf32, #tpu.memory_space<vmem>>, vector<16xf32>,
      %get3A_2911 = arith.constant 112 : index
      %get3A_2912 = tpu.vector_load %arg25[%get3A_2911] {strides = array<i32>} : memref<128xf32, #tpu.memory_space<vmem>>, vector<16xf32>,
      %gt3A_2913 = arith.constant 5.000000e-01 : f32
      %gt3A_2914 = vector.broadcast %gt3A_2913 : f32 to vector<16xf32>
      %gt3A_2915 = arith.cmpf ogt, %get3A_2912, %gt3A_2914 : vector<16xf32>
      %get3A_2916 = arith.index_cast %add3A_2899 : i32 to index
      %get3A_2917 = tpu.vector_load %arg18[%get3A_2916] {strides = array<i32>} : memref<2048xf32, #tpu.memory_space<vmem>>, vector<16xf32>,
      %sub3A_2918 = arith.constant 1.000000e+00 : f32
      %sub3A_2919 = vector.broadcast %sub3A_2918 : f32 to vector<16xf32>
      %sub3A_2920 = arith.subf %sub3A_2919, %get3A_2917 : vector<16xf32>
      %mul3A_2921 = arith.constant 0.699999988 : f32
      %mul3A_2922 = vector.broadcast %mul3A_2921 : f32 to vector<16xf32>
      %mul3A_2923 = arith.mulf %mul3A_2922, %sub3A_2920 : vector<16xf32>
      %broadcast_in_dim3A_2924 = arith.constant 0 : i32
      %broadcast_in_dim3A_2925 = vector.broadcast %broadcast_in_dim3A_2924 : i32 to vector<16xi32>
      %gather3A_2926 = tpu.vector_load_idx %arg26[%add3A_2902, %broadcast_in_dim3A_2925] : memref<128x8xf32, #tpu.memory_space<vmem>>[vector<16xi32>, vector<16xi32>], vector<16xf32>,
      %add3A_2927 = arith.constant 3 : i32
      %add3A_2928 = vector.broadcast %add3A_2927 : i32 to vector<16xi32>
      %add3A_2929 = arith.addi %broadcast_in_dim3A_2925, %add3A_2928 : vector<16xi32>
      %gather3A_2930 = tpu.vector_load_idx %arg26[%add3A_2902, %add3A_2929] : memref<128x8xf32, #tpu.memory_space<vmem>>[vector<16xi32>, vector<16xi32>], vector<16xf32>,
      %gather3A_2931 = tpu.vector_load_idx %arg27[%add3A_2902, %broadcast_in_dim3A_2925] : memref<128x8xf32, #tpu.memory_space<vmem>>[vector<16xi32>, vector<16xi32>], vector<16xf32>,
      %add3A_2932 = arith.constant 3 : i32
      %add3A_2933 = vector.broadcast %add3A_2932 : i32 to vector<16xi32>
      %add3A_2934 = arith.addi %broadcast_in_dim3A_2925, %add3A_2933 : vector<16xi32>
      %gather3A_2935 = tpu.vector_load_idx %arg27[%add3A_2902, %add3A_2934] : memref<128x8xf32, #tpu.memory_space<vmem>>[vector<16xi32>, vector<16xi32>], vector<16xf32>,
      %select_n3A_2936 = arith.select %gt3A_2915, %gather3A_2926, %gather3A_2930 : vector<16xi1>, vector<16xf32>
      %select_n3A_2937 = arith.select %gt3A_2915, %gather3A_2931, %gather3A_2935 : vector<16xi1>, vector<16xf32>
      %mul3A_2938 = arith.mulf %get3A_2904, %gather3A_2926 : vector<16xf32>
      %mul3A_2939 = arith.mulf %get3A_2906, %select_n3A_2936 : vector<16xf32>
      %add3A_2940 = arith.addf %mul3A_2938, %mul3A_2939 : vector<16xf32>
      %mul3A_2941 = arith.mulf %get3A_2908, %gather3A_2931 : vector<16xf32>
      %add3A_2942 = arith.addf %add3A_2940, %mul3A_2941 : vector<16xf32>
      %mul3A_2943 = arith.mulf %get3A_2910, %select_n3A_2937 : vector<16xf32>
      %add3A_2944 = arith.addf %add3A_2942, %mul3A_2943 : vector<16xf32>
      %mul3A_2945 = arith.mulf %add3A_2944, %get3A_2917 : vector<16xf32>
      %add3A_2946 = arith.addf %mul3A_2945, %mul3A_2923 : vector<16xf32>
      %mul3A_2947 = arith.constant 2.550000e+02 : f32
      %mul3A_2948 = vector.broadcast %mul3A_2947 : f32 to vector<16xf32>
      %mul3A_2949 = arith.mulf %add3A_2946, %mul3A_2948 : vector<16xf32>
      %jit3A_2950 = arith.constant 0.000000e+00 : f32
      %jit3A_2951 = arith.constant 2.550000e+02 : f32
      %max3A_2952 = vector.broadcast %jit3A_2950 : f32 to vector<16xf32>
      %max3A_2953 = arith.maximumf %max3A_2952, %mul3A_2949 : vector<16xf32>
      %min3A_2954 = vector.broadcast %jit3A_2951 : f32 to vector<16xf32>
      %min3A_2955 = arith.minimumf %min3A_2954, %max3A_2953 : vector<16xf32>
      %swap3A_2956 = arith.constant 0 : i32
      %swap3A_2957 = arith.index_cast %swap3A_2956 : i32 to index
      %swap3A_2958 = arith.constant 112 : index
      %swap3A_2959 = tpu.vector_load %arg28[%swap3A_2957, %swap3A_2958] {strides = array<i32>} : memref<3x128xf32, #tpu.memory_space<vmem>>, vector<16xf32>,
      tpu.vector_store %arg28[%swap3A_2957, %swap3A_2958], %min3A_2955 {strides = array<i32>} : memref<3x128xf32, #tpu.memory_space<vmem>>, vector<16xf32>,
      %broadcast_in_dim3A_2960 = arith.constant 1 : i32
      %broadcast_in_dim3A_2961 = vector.broadcast %broadcast_in_dim3A_2960 : i32 to vector<16xi32>
      %gather3A_2962 = tpu.vector_load_idx %arg26[%add3A_2902, %broadcast_in_dim3A_2961] : memref<128x8xf32, #tpu.memory_space<vmem>>[vector<16xi32>, vector<16xi32>], vector<16xf32>,
      %add3A_2963 = arith.constant 3 : i32
      %add3A_2964 = vector.broadcast %add3A_2963 : i32 to vector<16xi32>
      %add3A_2965 = arith.addi %broadcast_in_dim3A_2961, %add3A_2964 : vector<16xi32>
      %gather3A_2966 = tpu.vector_load_idx %arg26[%add3A_2902, %add3A_2965] : memref<128x8xf32, #tpu.memory_space<vmem>>[vector<16xi32>, vector<16xi32>], vector<16xf32>,
      %gather3A_2967 = tpu.vector_load_idx %arg27[%add3A_2902, %broadcast_in_dim3A_2961] : memref<128x8xf32, #tpu.memory_space<vmem>>[vector<16xi32>, vector<16xi32>], vector<16xf32>,
      %add3A_2968 = arith.constant 3 : i32
      %add3A_2969 = vector.broadcast %add3A_2968 : i32 to vector<16xi32>
      %add3A_2970 = arith.addi %broadcast_in_dim3A_2961, %add3A_2969 : vector<16xi32>
      %gather3A_2971 = tpu.vector_load_idx %arg27[%add3A_2902, %add3A_2970] : memref<128x8xf32, #tpu.memory_space<vmem>>[vector<16xi32>, vector<16xi32>], vector<16xf32>,
      %select_n3A_2972 = arith.select %gt3A_2915, %gather3A_2962, %gather3A_2966 : vector<16xi1>, vector<16xf32>
      %select_n3A_2973 = arith.select %gt3A_2915, %gather3A_2967, %gather3A_2971 : vector<16xi1>, vector<16xf32>
      %mul3A_2974 = arith.mulf %get3A_2904, %gather3A_2962 : vector<16xf32>
      %mul3A_2975 = arith.mulf %get3A_2906, %select_n3A_2972 : vector<16xf32>
      %add3A_2976 = arith.addf %mul3A_2974, %mul3A_2975 : vector<16xf32>
      %mul3A_2977 = arith.mulf %get3A_2908, %gather3A_2967 : vector<16xf32>
      %add3A_2978 = arith.addf %add3A_2976, %mul3A_2977 : vector<16xf32>
      %mul3A_2979 = arith.mulf %get3A_2910, %select_n3A_2973 : vector<16xf32>
      %add3A_2980 = arith.addf %add3A_2978, %mul3A_2979 : vector<16xf32>
      %mul3A_2981 = arith.mulf %add3A_2980, %get3A_2917 : vector<16xf32>
      %add3A_2982 = arith.addf %mul3A_2981, %mul3A_2923 : vector<16xf32>
      %mul3A_2983 = arith.constant 2.550000e+02 : f32
      %mul3A_2984 = vector.broadcast %mul3A_2983 : f32 to vector<16xf32>
      %mul3A_2985 = arith.mulf %add3A_2982, %mul3A_2984 : vector<16xf32>
      %jit3A_2986 = arith.constant 0.000000e+00 : f32
      %jit3A_2987 = arith.constant 2.550000e+02 : f32
      %max3A_2988 = vector.broadcast %jit3A_2986 : f32 to vector<16xf32>
      %max3A_2989 = arith.maximumf %max3A_2988, %mul3A_2985 : vector<16xf32>
      %min3A_2990 = vector.broadcast %jit3A_2987 : f32 to vector<16xf32>
      %min3A_2991 = arith.minimumf %min3A_2990, %max3A_2989 : vector<16xf32>
      %swap3A_2992 = arith.constant 1 : i32
      %swap3A_2993 = arith.index_cast %swap3A_2992 : i32 to index
      %swap3A_2994 = arith.constant 112 : index
      %swap3A_2995 = tpu.vector_load %arg28[%swap3A_2993, %swap3A_2994] {strides = array<i32>} : memref<3x128xf32, #tpu.memory_space<vmem>>, vector<16xf32>,
      tpu.vector_store %arg28[%swap3A_2993, %swap3A_2994], %min3A_2991 {strides = array<i32>} : memref<3x128xf32, #tpu.memory_space<vmem>>, vector<16xf32>,
      %broadcast_in_dim3A_2996 = arith.constant 2 : i32
      %broadcast_in_dim3A_2997 = vector.broadcast %broadcast_in_dim3A_2996 : i32 to vector<16xi32>
      %gather3A_2998 = tpu.vector_load_idx %arg26[%add3A_2902, %broadcast_in_dim3A_2997] : memref<128x8xf32, #tpu.memory_space<vmem>>[vector<16xi32>, vector<16xi32>], vector<16xf32>,
      %add3A_2999 = arith.constant 3 : i32
      %add3A_3000 = vector.broadcast %add3A_2999 : i32 to vector<16xi32>
      %add3A_3001 = arith.addi %broadcast_in_dim3A_2997, %add3A_3000 : vector<16xi32>
      %gather3A_3002 = tpu.vector_load_idx %arg26[%add3A_2902, %add3A_3001] : memref<128x8xf32, #tpu.memory_space<vmem>>[vector<16xi32>, vector<16xi32>], vector<16xf32>,
      %gather3A_3003 = tpu.vector_load_idx %arg27[%add3A_2902, %broadcast_in_dim3A_2997] : memref<128x8xf32, #tpu.memory_space<vmem>>[vector<16xi32>, vector<16xi32>], vector<16xf32>,
      %add3A_3004 = arith.constant 3 : i32
      %add3A_3005 = vector.broadcast %add3A_3004 : i32 to vector<16xi32>
      %add3A_3006 = arith.addi %broadcast_in_dim3A_2997, %add3A_3005 : vector<16xi32>
      %gather3A_3007 = tpu.vector_load_idx %arg27[%add3A_2902, %add3A_3006] : memref<128x8xf32, #tpu.memory_space<vmem>>[vector<16xi32>, vector<16xi32>], vector<16xf32>,
      %select_n3A_3008 = arith.select %gt3A_2915, %gather3A_2998, %gather3A_3002 : vector<16xi1>, vector<16xf32>
      %select_n3A_3009 = arith.select %gt3A_2915, %gather3A_3003, %gather3A_3007 : vector<16xi1>, vector<16xf32>
      %mul3A_3010 = arith.mulf %get3A_2904, %gather3A_2998 : vector<16xf32>
      %mul3A_3011 = arith.mulf %get3A_2906, %select_n3A_3008 : vector<16xf32>
      %add3A_3012 = arith.addf %mul3A_3010, %mul3A_3011 : vector<16xf32>
      %mul3A_3013 = arith.mulf %get3A_2908, %gather3A_3003 : vector<16xf32>
      %add3A_3014 = arith.addf %add3A_3012, %mul3A_3013 : vector<16xf32>
      %mul3A_3015 = arith.mulf %get3A_2910, %select_n3A_3009 : vector<16xf32>
      %add3A_3016 = arith.addf %add3A_3014, %mul3A_3015 : vector<16xf32>
      %mul3A_3017 = arith.mulf %add3A_3016, %get3A_2917 : vector<16xf32>
      %add3A_3018 = arith.addf %mul3A_3017, %mul3A_2923 : vector<16xf32>
      %mul3A_3019 = arith.constant 2.550000e+02 : f32
      %mul3A_3020 = vector.broadcast %mul3A_3019 : f32 to vector<16xf32>
      %mul3A_3021 = arith.mulf %add3A_3018, %mul3A_3020 : vector<16xf32>
      %jit3A_3022 = arith.constant 0.000000e+00 : f32
      %jit3A_3023 = arith.constant 2.550000e+02 : f32
      %max3A_3024 = vector.broadcast %jit3A_3022 : f32 to vector<16xf32>
      %max3A_3025 = arith.maximumf %max3A_3024, %mul3A_3021 : vector<16xf32>
      %min3A_3026 = vector.broadcast %jit3A_3023 : f32 to vector<16xf32>
      %min3A_3027 = arith.minimumf %min3A_3026, %max3A_3025 : vector<16xf32>
      %swap3A_3028 = arith.constant 2 : i32
      %swap3A_3029 = arith.index_cast %swap3A_3028 : i32 to index
      %swap3A_3030 = arith.constant 112 : index
      %swap3A_3031 = tpu.vector_load %arg28[%swap3A_3029, %swap3A_3030] {strides = array<i32>} : memref<3x128xf32, #tpu.memory_space<vmem>>, vector<16xf32>,
      tpu.vector_store %arg28[%swap3A_3029, %swap3A_3030], %min3A_3027 {strides = array<i32>} : memref<3x128xf32, #tpu.memory_space<vmem>>, vector<16xf32>,
      %mul3A_3032 = arith.constant 16 : i32
      %mul3A_3033 = arith.muli %add3A, %mul3A_3032 : i32
      %add3A_3034 = arith.addi %mul3A_3033, %scan3A_48 : i32
      "tpu.region"() ({
        %run_scoped3A_3036 = tpu.sem_alloc : memref<!tpu.dma_semaphore, #tpu.memory_space<semaphore_mem>>
        %dma_start3A_3037 = arith.constant 0 : i32
        %dma_start3A_3038 = arith.constant 0 : i32
        %dma_start3A_3039 = tpu.memref_slice %arg9[%add3A_3034, %dma_start3A_3037, %dma_start3A_3038] : memref<512x3x128xf32, #tpu.memory_space<hbm>> -> memref<1x3x128xf32, #tpu.memory_space<hbm>>
        %dma_start3A_3040 = tpu.memref_squeeze %dma_start3A_3039 : memref<1x3x128xf32, #tpu.memory_space<hbm>> -> memref<3x128xf32, #tpu.memory_space<hbm>>
        %dma_start3A_3041 = arith.constant 0 : i32
        %dma_start3A_3042 = arith.constant 0 : i32
        %dma_start3A_3043 = tpu.memref_slice %arg9[%add3A_3034, %dma_start3A_3041, %dma_start3A_3042] : memref<512x3x128xf32, #tpu.memory_space<hbm>> -> memref<1x3x128xf32, #tpu.memory_space<hbm>>
        %dma_start3A_3044 = tpu.memref_squeeze %dma_start3A_3043 : memref<1x3x128xf32, #tpu.memory_space<hbm>> -> memref<3x128xf32, #tpu.memory_space<hbm>>
        tpu.enqueue_dma source(%arg28 : memref<3x128xf32, #tpu.memory_space<vmem>>) target(%dma_start3A_3044 : memref<3x128xf32, #tpu.memory_space<hbm>>) target_semaphore(%run_scoped3A_3036 : memref<!tpu.dma_semaphore, #tpu.memory_space<semaphore_mem>>)
        %dma_wait3A_3045 = arith.constant 0 : i32
        %dma_wait3A_3046 = arith.constant 0 : i32
        %dma_wait3A_3047 = tpu.memref_slice %arg9[%add3A_3034, %dma_wait3A_3045, %dma_wait3A_3046] : memref<512x3x128xf32, #tpu.memory_space<hbm>> -> memref<1x3x128xf32, #tpu.memory_space<hbm>>
        %dma_wait3A_3048 = tpu.memref_squeeze %dma_wait3A_3047 : memref<1x3x128xf32, #tpu.memory_space<hbm>> -> memref<3x128xf32, #tpu.memory_space<hbm>>
        %dma_wait3A_3049 = arith.constant 0 : i32
        %dma_wait3A_3050 = arith.constant 0 : i32
        %dma_wait3A_3051 = tpu.memref_slice %arg9[%add3A_3034, %dma_wait3A_3049, %dma_wait3A_3050] : memref<512x3x128xf32, #tpu.memory_space<hbm>> -> memref<1x3x128xf32, #tpu.memory_space<hbm>>
        %dma_wait3A_3052 = tpu.memref_squeeze %dma_wait3A_3051 : memref<1x3x128xf32, #tpu.memory_space<hbm>> -> memref<3x128xf32, #tpu.memory_space<hbm>>
        tpu.wait_dma2 semaphore(%run_scoped3A_3036 : memref<!tpu.dma_semaphore, #tpu.memory_space<semaphore_mem>>) src(%arg28 : memref<3x128xf32, #tpu.memory_space<vmem>>) dst(%dma_wait3A_3052 : memref<3x128xf32, #tpu.memory_space<hbm>>)
        tpu.yield
      }) : () -> ()
      %scan3A_3035 = arith.constant 0 : i32
      scf.yield %scan3A_3035 : i32
    }
    %scan3A_47 = arith.constant 16 : i32
    return
  }
}

</mosaic_0001>

<sc_bundles>
// kernel: kernel.3.cloned.1.call-start
scs
__scs_entry_jumppad:
0x0: {  	(pc) =	sbr.rel $0x88, $3  }
0x1: {  	(tag) =	ssettag $0x0;
	lr =	simm.s32 $0x1  }
0x2: {  	[smem:$0x3F9A] =	sst lr;
	_ =	strace $0xD0000000  }
0x3: {  	_ = 	snop  }
0x4: {  	_ = 	snop  }
0x5: {  	_ = 	snop  }
0x6: {  	_ = 	snop  }
0x7: {  	_ = 	snop  }
__scs_overlays_trampoline_lowered:
0x8: {  	[smem:$0x3FA9] =	sst s0  }
0x9: {  	[smem:$0x3FAA] =	sst s1  }
0xa: {  	[smem:$0x3FAB] =	sst s2  }
0xb: {  	[smem:$0x3FAC] =	sst s3  }
0xc: {  	[smem:$0x3FAD] =	sst s4  }
0xd: {  	[smem:$0x3FAE] =	sst s5  }
0xe: {  	[smem:$0x3FAF] =	sst s6  }
0xf: {  	[smem:$0x3FB0] =	sst s7  }
0x10: {  	[smem:$0x3FB1] =	sst s8  }
0x11: {  	[smem:$0x3FB2] =	sst s9;
	s0 =	simm.s32 @!p0 $0x0  }
0x12: {  	s1 =	sld [smem:$0x3F98];
	s0 =	simm.s32 @p0 $0x1  }
0x13: {  	[smem:$0x3FB3] =	sst s0;
	s0 =	simm.s32 @!p1 $0x0  }
0x14: {  	s2 =	sld [smem:$0x3F97];
	s0 =	simm.s32 @p1 $0x1  }
0x15: {  	[smem:$0x3FB4] =	sst s0;
	s0 =	simm.s32 @!p2 $0x0  }
0x16: {  	s3 =	sld [smem:$0x3FDB];
	s0 =	simm.s32 @p2 $0x1  }
0x17: {  	s4 =	simm.s32 $0x1BF5;
	[smem:$0x3FB6] =	sst s0  }
0x18: {  	s0 =	sld [smem:$0x3F99];
	_ =	swait.ge [sflag:s4], $0x0  }
0x19: {  	s7 =	sld [smem:$0x3F9A]  }
0x1a: {  	s8 =	sadd.s32 $0xFFFFE003, lr  }
0x1b: {  	s9 =	sadd.s32 $0xFFFFFEF7, lr;
	s5 =	simm.s32 $0xFFFFFFFF;
	p2 =	slt.u32 s8, $0xFFFFF086  }
0x1c: {  	p1 =	slt.u32 s9, $0xF7A;
	s5 =	simm.s32 @!p2 $0x0  }
0x1d: {  	s5 =	simm.s32 @p1 $0x1;
	p0 =	seq.s32 s7, s2  }
0x1e: {  	s7 =	smul.u32 @!p0 $0xF7A, s2;
	p2 =	seq.s32 @!p0 s5, $0x0  }
0x1f: {  	s9 =	smul.u32 $0xF7A, s1;
	s8 =	simm.s32 @!p0 $0x1BF5;
	p2 =	por !p2, p0  }
0x20: {  	[sflag:s8] =	ssyncset.s32 @!p0 $0xFFFFF086;
	s6 =	sadd.s32 @!p0 s3, s7;
	s7 =	simm.s32 @!p0 $0x108  }
0x21: {  	s3 =	sadd.s32 s3, s9;
	s6 =	sadd.s32 @!p0 $0x88, s6;
	s7 =	simm.s32 @p2 $0x1082  }
0x22: {  	[simem:s7], [sflag:s8] =	dma.local @!p0 [hbm:s6], $0xF7A  }
0x23: {  	s9 =	sor.u32 $0xD0000000, s2;
	s6 =	simm.s32 $0x108;
	_ =	swait.ge @!p0 [sflag:s8], $0x0  }
0x24: {  	s3 =	sadd.s32 $0x88, s3;
	s6 =	simm.s32 @!p1 $0x1082;
	[sflag:s4] =	ssyncset.s32 $0xFFFFF086  }
0x25: {  	[simem:s6], [sflag:s4] =	dma.local [hbm:s3], $0xF7A  }
0x26: {  	[smem:$0x3F9A] =	sst s1;
	(tag) =	ssettag s2;
	_ =	strace s9  }
0x27: {  	s1 =	sld [smem:$0x3FAA]  }
0x28: {  	s2 =	sld [smem:$0x3FAB]  }
0x29: {  	s4 =	sld [smem:$0x3FAD]  }
0x2a: {  	p0 =	seq.s32 s5, $0x0;
	s5 =	sld [smem:$0x3FAE]  }
0x2b: {  	s6 =	sld [smem:$0x3FAF]  }
0x2c: {  	s7 =	sld [smem:$0x3FB0]  }
0x2d: {  	s3 =	simm.s32 $0x108;
	s8 =	sld [smem:$0x3FB1]  }
0x2e: {  	s3 =	simm.s32 @!p0 $0x1082;
	s9 =	sld [smem:$0x3FB2]  }
0x2f: {  	lr =	sadd.s32 s0, s3;
	s0 =	sld [smem:$0x3FA9]  }
0x30: {  	s3 =	sld [smem:$0x3FAC]  }
0x31: {  	[smem:$0x3FB5] =	sst s10  }
0x32: {  	s10 =	sld [smem:$0x3FB3];
	_ =	sdelay $0x3  }
0x33: {  	p0 =	seq.s32 s10, $0x1;
	s10 =	sld [smem:$0x3FB5];
	_ =	sdelay $0x3  }
0x34: {  	[smem:$0x3FB5] =	sst s10  }
0x35: {  	s10 =	sld [smem:$0x3FB4];
	_ =	sdelay $0x3  }
0x36: {  	p1 =	seq.s32 s10, $0x1;
	s10 =	sld [smem:$0x3FB5];
	_ =	sdelay $0x3  }
0x37: {  	[smem:$0x3FB5] =	sst s10  }
0x38: {  	s10 =	sld [smem:$0x3FB6]  }
0x39: {  	_ = 	snop;
	(pc) =	sbr.ind lr, $3  }
0x3a: {  	_ = 	snop  }
0x3b: {  	_ = 	snop  }
0x3c: {  	p2 =	seq.s32 s10, $0x1;
	s10 =	sld [smem:$0x3FB5]  }
0x3d: {  	_ =	shalt  }
0x3e: {  	_ =	shalt  }
0x3f: {  	_ =	shalt  }
0x40: {  	_ =	shalt  }
0x41: {  	_ =	shalt  }
0x42: {  	_ =	shalt  }
0x43: {  	_ =	shalt  }
0x44: {  	_ =	shalt  }
0x45: {  	_ =	shalt  }
0x46: {  	_ =	shalt  }
0x47: {  	_ =	shalt  }
0x48: {  	_ =	shalt  }
0x49: {  	_ =	shalt  }
0x4a: {  	_ =	shalt  }
0x4b: {  	_ =	shalt  }
0x4c: {  	_ =	shalt  }
0x4d: {  	_ =	shalt  }
0x4e: {  	_ =	shalt  }
0x4f: {  	_ =	shalt  }
0x50: {  	_ =	shalt  }
0x51: {  	_ =	shalt  }
0x52: {  	_ =	shalt  }
0x53: {  	_ =	shalt  }
0x54: {  	_ =	shalt  }
0x55: {  	_ =	shalt  }
0x56: {  	_ =	shalt  }
0x57: {  	_ =	shalt  }
0x58: {  	_ =	shalt  }
0x59: {  	_ =	shalt  }
0x5a: {  	_ =	shalt  }
0x5b: {  	_ =	shalt  }
0x5c: {  	_ =	shalt  }
0x5d: {  	_ =	shalt  }
0x5e: {  	_ =	shalt  }
0x5f: {  	_ =	shalt  }
0x60: {  	_ =	shalt  }
0x61: {  	_ =	shalt  }
0x62: {  	_ =	shalt  }
0x63: {  	_ =	shalt  }
0x64: {  	_ =	shalt  }
0x65: {  	_ =	shalt  }
0x66: {  	_ =	shalt  }
0x67: {  	_ =	shalt  }
0x68: {  	_ =	shalt  }
0x69: {  	_ =	shalt  }
0x6a: {  	_ =	shalt  }
0x6b: {  	_ =	shalt  }
0x6c: {  	_ =	shalt  }
0x6d: {  	_ =	shalt  }
0x6e: {  	_ =	shalt  }
0x6f: {  	_ =	shalt  }
0x70: {  	_ =	shalt  }
0x71: {  	_ =	shalt  }
0x72: {  	_ =	shalt  }
0x73: {  	_ =	shalt  }
0x74: {  	_ =	shalt  }
0x75: {  	_ =	shalt  }
0x76: {  	_ =	shalt  }
0x77: {  	_ =	shalt  }
0x78: {  	_ =	shalt  }
0x79: {  	_ =	shalt  }
0x7a: {  	_ =	shalt  }
0x7b: {  	_ =	shalt  }
0x7c: {  	_ =	shalt  }
0x7d: {  	_ =	shalt  }
0x7e: {  	_ =	shalt  }
0x7f: {  	_ =	shalt  }
0x80: {  	_ =	shalt  }
0x81: {  	_ =	shalt  }
0x82: {  	_ =	shalt  }
0x83: {  	_ =	shalt  }
0x84: {  	_ =	shalt  }
0x85: {  	_ =	shalt  }
0x86: {  	_ =	shalt  }
0x87: {  	_ =	shalt  }
.Lfunc_end0:
.L_simem_size_0:
called_computation_lowered:
.L_overlay_start_0:
0x88: {  	s2 =	sld [smem:$0x3FD9]  }
0x89: {  	s3 =	sld [smem:$0x3FFE];
	_ =	sdelay $0x1  }
0x8a: {  	s1 =	srdreg.scid  }
0x8b: {  	s0 =	sand.u32 $0x1, s1  }
0x8c: {  	s17 =	sshll.u32 s0, $0xA;
	s2 =	sadd.s32 s3, s2  }
0x8d: {  	s2 =	sadd.s32 s2, s17  }
0x8e: {  	[smem:$0x3FC1] =	sst s2  }
0x8f: {  	_ = 	snop  }
0x90: {  	s2 =	sld [smem:$0x3FC5]  }
0x91: {  	s18 =	sld [smem:$0x3FD0];
	(tm) =	ssettm $0x1  }
0x92: {  	s4 =	sld [smem:$0x3FFB];
	_ =	sdelay $0x3  }
0x93: {  	_ =	strace s4  }
0x94: {  	s4 =	sld [smem:$0x3FFC];
	_ =	sdelay $0x3  }
0x95: {  	_ =	strace s4  }
0x96: {  	s4 =	sld [smem:$0x3FFD];
	_ =	sdelay $0x3  }
0x97: {  	_ =	strace s4  }
0x98: {  	_ =	strace $0x8FFFFFFF  }
0x99: {  	s19 =	sld [smem:$0x3FDB];
	_ =	sdelay $0x1  }
0x9a: {  	s5 =	simm.s32 $_scs_section_size  }
0x9b: {  	s6 =	simm.s32 $_size__tile_overlayer_lowered;
	s7 =	simm.s32 $_tile_overlayer_lowered  }
0x9c: {  	s22 =	simm.s32 $0x1BFF;
	s21 =	sshll.u32 s7, $0x1;
	s4 =	sadd.s32 s5, s19  }
0x9d: {  	s8 =	simm.s32 $0x0;
	s20 =	sshll.u32 s6, $0x1;
	s6 =	sadd.s32 s21, s4  }
0x9e: {  	[timem:s8], [sflag:s22] =	dma.local [hbm:s6], s20  }
0x9f: {  	_ =	swait.ge [sflag:s22], s20  }
0xa0: {  	s5 =	ssub.s32 $0x0, s20;
	[sflag:s22] =	ssyncset.done $0x0  }
0xa1: {  	[sflag:s22] =	ssyncadd.s32 s5;
	_ =	sdelay $0x1  }
0xa2: {  	s23 =	simm.s32 $0x1B8B  }
0xa3: {  	_ =	swait.ge [sflag:s23], $0x1  }
0xa4: {  	[sflag:s23] =	ssyncset.done $0x0  }
0xa5: {  	s25 =	simm.s32 $0x1B8E;
	s24 =	sld [smem:$0x3FFE];
	[sflag:s23] =	ssyncadd.s32 $0xFFFFFFFF  }
0xa6: {  	s26 =	simm.s32 $execute0_lowered;
	[smem:$0x3FD2] =	sst s25  }
0xa7: {  	s6 =	sshll.u32 s26, $0x1;
	_ =	strace $0x80000046;
	[dreg:$0x1] =	wrdreg $0xFFFFFFFF  }
0xa8: {  	s28 =	simm.s32 $_size_execute0_lowered;
	s4 =	sadd.s32 s4, s6;
	[dreg:$0x0] =	wrdreg $0x0  }
0xa9: {  	s6 =	sshll.u32 s28, $0x1;
	[dreg:$0x2] =	wrdreg s4  }
0xaa: {  	[dreg:$0x3] =	wrdreg s6  }
0xab: {  	[dreg:$0x4] =	wrdreg $0xC0  }
0xac: {  	_ =	task [dreg:s8], $0x5FFFF  }
0xad: {  	[dreg:$0x1] =	wrdreg $0xFFFFFFFF  }
0xae: {  	[dreg:$0x0] =	wrdreg $0x60  }
0xaf: {  	[dreg:$0x2] =	wrdreg s24  }
0xb0: {  	[dreg:$0x3] =	wrdreg s18  }
0xb1: {  	[dreg:$0x4] =	wrdreg s2  }
0xb2: {  	[dreg:$0x5] =	wrdreg $0x158480  }
0xb3: {  	[dreg:$0x6] =	wrdreg $0x9  }
0xb4: {  	_ =	task.clear_ibuf [dreg:s8], $0x7FFFF;
	_ =	strace $0x90000046  }
0xb5: {  	s29 =	simm.s32 $0x9;
	_ =	strace $0x80000048  }
0xb6: {  	_ =	swait.ge [sflag:s29], $0x1  }
0xb7: {  	[sflag:s29] =	ssyncadd.s32 $0xFFFFFFFF  }
0xb8: {  	_ =	strace $0x90000048  }
0xb9: {  	_ =	sfence  }
0xba: {  	s30 =	sld [smem:$0x0];
	_ =	sdelay $0x2  }
0xbb: {  	s31 =	sshll.u32 s1, $0xD;
	s1 =	sshrl.u32 s1, $0x2  }
0xbc: {  	s3 =	sand.u32 $0x4000, s31;
	s1 =	sadd.s32 s1, s30  }
0xbd: {  	s0 =	sor.u32 s3, s0;
	s1 =	sshll.u32 s1, $0x11  }
0xbe: {  	s0 =	sor.u32 s1, s0  }
0xbf: {  	s0 =	sadd.s32 $0x8F2B, s0  }
0xc0: {  	[sflag:s0] =	ssyncadd.remote.s32 $0x1  }
0xc1: {  	_ =	sfence.sel $0xFFFF  }
0xc2: {  	[dreg:$0x0] =	wrdreg $0xFFFFFFFF;
	(pc) =	sbr.abs _section_cstart, $3  }
0xc3: {  	[dreg:$0x1] =	wrdreg $0xFFFFFFFF  }
0xc4: {  	_ =	task.clear_ibuf [dreg:s8], $0x2FFFF;
	_ =	strace $0x9FFFFFFF  }
0xc5: {  	(tm) =	ssettm $0x7FFFFFFF  }
tec
execute0_lowered:
.L_overlay_start_1:
0x0: {  	(tag) =	ssettag $0x1  }
0x1: {  	s0 =	rddreg [dreg:$0x0];
	s13 =	stileid.u32  }
0x2: {  	s1 =	rddreg [dreg:$0x2];
	v1 =	vlaneseq.u32;
	v3 =	vimm.s32 $0x52741630;
	v2 =	vimm.s32 $0xDF;
	s2 =	smul.u32 $0xC40, s13  }
0x3: {  	s3 =	rddreg [dreg:$0x3];
	s4 =	simm.s32 $0x0;
	s5 =	srdreg.scid;
	v4 =	vimm.s32 $0x0;
	v7 =	vunpack.c.l.s4.s8 v3;
	v24 =	vmul.u32 $0x8, v1  }
0x4: {  	v5 =	vimm.f32 $0.0e+00;
	s24 =	simm.s32 $0x14B48;
	s25 =	simm.s32 $0x14BC8;
	s26 =	simm.s32 $0x156C8;
	v6 =	vmul.u32 $0x3, v1;
	v0 =	vmov s2  }
0x5: {  	s28 =	simm.s32 $0x80;
	s29 =	simm.s32 $0x14EC8;
	s30 =	simm.s32 $0x152C8;
	v7 =	vunpack.c.0.s8.s32 v7;
	v9 =	vor.u32 $0x3, v24;
	v10 =	vor.u32 $0x1, v24  }
0x6: {  	s31 =	simm.s32 $0x1;
	[smem:$0x7FF] =	sst s4;
	s10 =	sand.u32 $0x1, s5;
	v11 =	vor.u32 $0x4, v24;
	v12 =	vor.u32 $0x2, v24;
	v13 =	vor.u32 $0x5, v24  }
0x7: {  	s17 =	sshll.u32 s13, $0x1;
	s6 =	sadd.s32 $0x7A00, s0;
	s9 =	smul.u32 $0x600, s13;
	v14 =	vor.u32 $0x80, v24;
	v15 =	vor.u32 $0x83, v24;
	v16 =	vor.u32 $0x81, v24  }
0x8: {  	s18 =	sadd.s32 $0x8000, s0;
	s22 =	smul.u32 $0x18800, s13;
	_ =	strace $0x80000047;
	v17 =	vor.u32 $0x84, v24;
	v18 =	vor.u32 $0x82, v24;
	v19 =	vor.u32 $0x85, v24  }
0x9: {  	s7 =	sor.u32 s10, s17;
	[dreg:$0x8] =	wrdreg s18;
	s20 =	ssub.s32 $0x2, s10;
	v20 =	vor.u32 $0x100, v24;
	v21 =	vor.u32 $0x103, v24;
	v22 =	vor.u32 $0x101, v24  }
0xa: {  	s23 =	smul.u32 $0x300, s10;
	s17 =	simm.s32 $0x2;
	[dreg:$0x5] =	wrdreg s24;
	v23 =	vor.u32 $0x104, v24;
	v3 =	vor.u32 $0x102, v24;
	v25 =	vor.u32 $0x105, v24  }
0xb: {  	s18 =	simm.s32 $0x30;
	[dreg:$0x6] =	wrdreg s25;
	s24 =	simm.s32 $0x9C58;
	v26 =	vor.u32 $0x180, v24;
	v27 =	vor.u32 $0x183, v24;
	v28 =	vor.u32 $0x181, v24  }
0xc: {  	[dreg:$0x7] =	wrdreg s26;
	s26 =	simm.s32 $0xC148;
	s2 =	sshrl.u32 s2, $0x3;
	v29 =	vor.u32 $0x184, v24;
	v30 =	vor.u32 $0x182, v24;
	v31 =	vor.u32 $0x185, v24  }
0xd: {  	s8 =	smul.u32 $0x300, s7;
	s19 =	sshll.u32 s7, $0x8;
	s14 =	sadd.s32 s9, s0;
	v32 =	vor.u32 $0x200, v24;
	v33 =	vor.u32 $0x203, v24;
	v34 =	vor.u32 $0x201, v24  }
0xe: {  	s21 =	sshrl.u32 s20, $0x1;
	s7 =	sadd.s32 $0x7C74, s0;
	v35 =	vor.u32 $0x204, v24;
	v36 =	vor.u32 $0x202, v24;
	v37 =	vor.u32 $0x205, v24;
	s2 =	sadd.s32 s2, s0  }
0xf: {  	v38 =	vor.u32 $0x280, v24;
	v39 =	vor.u32 $0x283, v24;
	v40 =	vor.u32 $0x281, v24;
	s12 =	sadd.s32 s19, s0;
	s15 =	ssub.s32 s20, s21;
	s20 =	simm.s32 $0x2770  }
0x10: {  	v41 =	vor.u32 $0x284, v24;
	v42 =	vor.u32 $0x282, v24;
	v43 =	vor.u32 $0x285, v24;
	s11 =	sadd.s32 s8, s0;
	s8 =	sadd.s32 s1, s19;
	s10 =	sadd.s32 $0x5A00, s12  }
0x11: {  	v44 =	vor.u32 $0x300, v24;
	v45 =	vor.u32 $0x303, v24;
	v46 =	vor.u32 $0x301, v24;
	s12 =	sadd.s32 $0x2884, s2;
	s13 =	sadd.s32 $0x4108, s2;
	s0 =	sshrl.u32 s22, $0x2  }
0x12: {  	v47 =	vor.u32 $0x304, v24;
	v48 =	vor.u32 $0x302, v24;
	v49 =	vor.u32 $0x305, v24;
	s1 =	sadd.s32 s23, s14;
	s15 =	smax.u32 s15, $0x1;
	s19 =	simm.s32 $0x13D0  }
0x13: {  	v50 =	vor.u32 $0x380, v24;
	v51 =	vor.u32 $0x383, v24;
	v8 =	vor.u32 $0x385, v24;
	s22 =	simm.s32 $0x12B48;
	s9 =	sadd.s32 $0x101000, s11;
	s11 =	sadd.s32 $0x1000, s2  }
0x14: {  	v52 =	vor.u32 $0x381, v24;
	v53 =	vor.u32 $0x384, v24;
	v54 =	vor.u32 $0x382, v24;
	[tilespmem:$0x1FFF0] =	vst v8;
	s14 =	sadd.s32 s0, s3;
	s23 =	sadd.s32 $0x8200, s1;
	s1 =	simm.s32 $0x0  }
.LBB2_1:
0x15: {  	s0 =	rddreg [dreg:$0x8]  }
0x16: {  	[tilespmem:s4], [sflag:$0x2] =	stream.linear.gather [hbm4b:s0+s4], $0x30, $0x38;
	[tilespmem:$0x1BA48] =	vst v63  }
0x17: {  	_ =	swait.ge [sflag:s17], $0x30  }
0x18: {  	[sflag:s17] =	ssyncset.done $0x0  }
0x19: {  	[sflag:s17] =	ssyncadd.s32 $0xFFFFFFD0  }
0x1a: {  	[tilespmem:s18], [sflag:$0x2] =	stream.linear.gather [hbm4b:s6+s4], $0x13A0, $0x38;
	[tilespmem:$0x1BA48] =	vst v63  }
0x1b: {  	_ =	swait.ge [sflag:s17], $0x13A0  }
0x1c: {  	[sflag:s17] =	ssyncset.done $0x0  }
0x1d: {  	[sflag:s17] =	ssyncadd.s32 $0xFFFFEC60  }
0x1e: {  	[tilespmem:s19], [sflag:$0x2] =	stream.linear.gather [hbm4b:s7+s4], $0x13A0, $0x38;
	[tilespmem:$0x1BA48] =	vst v63  }
0x1f: {  	_ =	swait.ge [sflag:s17], $0x13A0  }
0x20: {  	[sflag:s17] =	ssyncset.done $0x0  }
0x21: {  	[sflag:s17] =	ssyncadd.s32 $0xFFFFEC60  }
0x22: {  	s5 =	rddreg [dreg:$0x1]  }
0x23: {  	[tilespmem:s20], [sflag:$0x2] =	stream.linear.gather [hbm4b:s5+s4], $0x74E8, $0x38;
	[tilespmem:$0x1BA48] =	vst v63  }
0x24: {  	_ =	swait.ge [sflag:s17], $0x74E8  }
0x25: {  	[sflag:s17] =	ssyncset.done $0x0  }
0x26: {  	s16 =	simm.s32 $0x12348;
	[sflag:s17] =	ssyncadd.s32 $0xFFFF8B18  }
0x27: {  	[tilespmem:s16], [sflag:$0x2] =	stream.linear.gather [hbm4b:s8+s4], $0x800, $0x38;
	[tilespmem:$0x1BA48] =	vst v63  }
0x28: {  	_ =	swait.ge [sflag:s17], $0x800  }
0x29: {  	[sflag:s17] =	ssyncset.done $0x0  }
0x2a: {  	[sflag:s17] =	ssyncadd.s32 $0xFFFFF800  }
0x2b: {  	[tilespmem:s22], [sflag:$0x2] =	stream.linear.gather [hbm4b:s9+s4], $0x1800, $0x38;
	[tilespmem:$0x1BA48] =	vst v63  }
0x2c: {  	_ =	swait.ge [sflag:s17], $0x1800  }
0x2d: {  	[sflag:s17] =	ssyncset.done $0x0  }
0x2e: {  	s21 =	simm.s32 $0x14348;
	[sflag:s17] =	ssyncadd.s32 $0xFFFFE800  }
0x2f: {  	[tilespmem:s21], [sflag:$0x2] =	stream.linear.gather [hbm4b:s10+s4], $0x800, $0x38;
	[tilespmem:$0x1BA48] =	vst v63  }
0x30: {  	_ =	swait.ge [sflag:s17], $0x800  }
0x31: {  	[sflag:s17] =	ssyncset.done $0x0  }
0x32: {  	v55 =	vor.u32 s4, v1;
	[sflag:s17] =	ssyncadd.s32 $0xFFFFF800  }
0x33: {  	v56 =	vadd.s32 v0, v55;
	[tilespmem:s24], [sflag:$0x2] =	stream.linear.gather [hbm4b:s11+s4], $0xC50, $0x38;
	[tilespmem:$0x1BA48] =	vst v63  }
0x34: {  	v56 =	vsub.s32 v56, v2;
	_ =	swait.ge [sflag:s17], $0xC50  }
0x35: {  	v56 =	vmul.u32 $0xB6DB6DB7, v56;
	[sflag:s17] =	ssyncset.done $0x0  }
0x36: {  	s0 =	simm.s32 $0xA8A8;
	[sflag:s17] =	ssyncadd.s32 $0xFFFFF3B0  }
0x37: {  	v57 =	vshll.u32 v56, $0x1B;
	v56 =	vshrl.u32 v56, $0x5;
	[tilespmem:s0], [sflag:$0x2] =	stream.linear.gather [hbm4b:s12+s4], $0xC50, $0x38;
	[tilespmem:$0x1BA48] =	vst v63  }
0x38: {  	v56 =	vor.u32 v57, v56;
	_ =	swait.ge [sflag:s17], $0xC50  }
0x39: {  	vm0 =	vgt.u32 v56, $0x1249248;
	[sflag:s17] =	ssyncset.done $0x0  }
0x3a: {  	s2 =	simm.s32 $0xB4F8;
	v56 =	vsel vm0, $0x1, v4;
	[sflag:s17] =	ssyncadd.s32 $0xFFFFF3B0  }
0x3b: {  	v56 =	vadd.s32 v56, v55;
	[tilespmem:s2], [sflag:$0x2] =	stream.linear.gather [hbm4b:s13+s4], $0xC50, $0x38;
	[tilespmem:$0x1BA48] =	vst v63  }
0x3c: {  	_ =	swait.ge [sflag:s17], $0xC50  }
0x3d: {  	[sflag:s17] =	ssyncset.done $0x0  }
0x3e: {  	[sflag:s17] =	ssyncadd.s32 $0xFFFFF3B0  }
0x3f: {  	v60 =	vshll.u32 v55, $0x3;
	v57 =	vld [tilespmem:s0+$0xFFFFF3B0]  }
0x40: {  	v58 =	vor.u32 $0x3, v60;
	v62 =	vld.idx.msk [tilespmem:v56+s24+$0x0], $0xffff  }
0x41: {  	v56 =	vand.u32 $0x1FFF, v56  }
0x42: {  	v59 =	vadd.s32 $0xC50, v56;
	_ =	sdelay $0x1  }
0x43: {  	[tilespmem:v60+s26+$0x0] =	vst.idx.msk $0xffff, v57  }
0x44: {  	[tilespmem:v58+s26+$0x0] =	vst.idx.msk $0xffff, v62  }
0x45: {  	s25 =	simm.s32 $0x10;
	v58 =	vor.u32 $0x1, v60;
	v57 =	vld [tilespmem:s0+$0x0]  }
0x46: {  	v55 =	vor.u32 s25, v1;
	v62 =	vor.u32 $0x4, v60;
	v59 =	vld.idx.msk [tilespmem:v59+s24+$0x0], $0xffff  }
0x47: {  	v61 =	vadd.s32 v0, v55  }
0x48: {  	v61 =	vsub.s32 v61, v2  }
0x49: {  	v61 =	vmul.u32 $0xB6DB6DB7, v61;
	v56 =	vadd.s32 $0x18A0, v56  }
0x4a: {  	[tilespmem:v58+s26+$0x0] =	vst.idx.msk $0xffff, v57  }
0x4b: {  	v63 =	vshll.u32 v61, $0x1B;
	v61 =	vshrl.u32 v61, $0x5;
	[tilespmem:v62+s26+$0x0] =	vst.idx.msk $0xffff, v59  }
0x4c: {  	v63 =	vor.u32 v63, v61;
	v58 =	vor.u32 $0x2, v60;
	v59 =	vld [tilespmem:s0+$0xC50]  }
0x4d: {  	vm15 =	vgt.u32 v63, $0x1249248  }
0x4e: {  	v61 =	vsel vm15, $0x1, v4;
	v57 =	vor.u32 $0x5, v60;
	v60 =	vld.idx.msk [tilespmem:v56+s24+$0x0], $0xffff  }
0x4f: {  	s2 =	simm.s32 $0x20;
	v56 =	vadd.s32 v61, v55  }
.LBB2_2:
0x50: {  	p0 =	sne.s32 s2, $0xC30  }
0x51: {  	[tilespmem:v58+s26+$0x0] =	vst.idx.msk $0xffff, v59;
	s0 =	sadd.s32 $0x10, s0;
	s16 =	smov.u32 s2;
	s2 =	sadd.s32 $0x10, s2  }
0x52: {  	_ = 	snop  }
0x53: {  	[tilespmem:v57+s26+$0x0] =	vst.idx.msk $0xffff, v60  }
0x54: {  	v57 =	vld [tilespmem:s0+$0xFFFFF3B0]  }
0x55: {  	v60 =	vshll.u32 v55, $0x3;
	v58 =	vld.idx.msk [tilespmem:v56+s24+$0x0], $0xffff  }
0x56: {  	v55 =	vor.u32 $0x3, v60;
	v56 =	vand.u32 $0x1FFF, v56  }
0x57: {  	v59 =	vadd.s32 $0xC50, v56;
	_ =	sdelay $0x2  }
0x58: {  	[tilespmem:v60+s26+$0x0] =	vst.idx.msk $0xffff, v57  }
0x59: {  	[tilespmem:v55+s26+$0x0] =	vst.idx.msk $0xffff, v58  }
0x5a: {  	v58 =	vor.u32 $0x1, v60;
	v57 =	vld [tilespmem:s0+$0x0]  }
0x5b: {  	v61 =	vor.u32 $0x4, v60;
	v59 =	vld.idx.msk [tilespmem:v59+s24+$0x0], $0xffff;
	_ =	sdelay $0x1  }
0x5c: {  	v56 =	vadd.s32 $0x18A0, v56;
	v55 =	vor.u32 s16, v1  }
0x5d: {  	v62 =	vadd.s32 v0, v55  }
0x5e: {  	v62 =	vsub.s32 v62, v2;
	[tilespmem:v58+s26+$0x0] =	vst.idx.msk $0xffff, v57  }
0x5f: {  	v57 =	vmul.u32 $0xB6DB6DB7, v62  }
0x60: {  	v58 =	vor.u32 $0x2, v60;
	[tilespmem:v61+s26+$0x0] =	vst.idx.msk $0xffff, v59  }
.Ltmp0:
0x61: {  	v61 =	vshll.u32 v57, $0x1B;
	v62 =	vshrl.u32 v57, $0x5;
	v57 =	vor.u32 $0x5, v60;
	v59 =	vld [tilespmem:s0+$0xC50];
	(pc) =	sbr.rel @p0 .LBB2_2-.Ltmp0, $4  }
0x62: {  	v61 =	vor.u32 v61, v62;
	v60 =	vld.idx.msk [tilespmem:v56+s24+$0x0], $0xffff  }
0x63: {  	vm0 =	vgt.u32 v61, $0x1249248  }
0x64: {  	v56 =	vsel vm0, $0x1, v4  }
0x65: {  	v56 =	vadd.s32 v56, v55  }
0x66: {  	_ =	sdelay $0x3  }
0x67: {  	[tilespmem:v58+s26+$0x0] =	vst.idx.msk $0xffff, v59  }
0x68: {  	s0 =	sadd.s32 $0x10, s0;
	[tilespmem:v57+s26+$0x0] =	vst.idx.msk $0xffff, v60  }
0x69: {  	v55 =	vshll.u32 v55, $0x3;
	v57 =	vld [tilespmem:s0+$0xFFFFF3B0]  }
0x6a: {  	v59 =	vor.u32 $0x3, v55;
	v58 =	vld.idx.msk [tilespmem:v56+s24+$0x0], $0xffff  }
0x6b: {  	v56 =	vand.u32 $0x1FFF, v56  }
0x6c: {  	v60 =	vadd.s32 $0xC50, v56;
	_ =	sdelay $0x1  }
0x6d: {  	[tilespmem:v55+s26+$0x0] =	vst.idx.msk $0xffff, v57  }
0x6e: {  	[tilespmem:v59+s26+$0x0] =	vst.idx.msk $0xffff, v58  }
0x6f: {  	v58 =	vor.u32 $0x1, v55;
	v57 =	vld [tilespmem:s0+$0x0]  }
0x70: {  	v59 =	vld.idx.msk [tilespmem:v60+s24+$0x0], $0xffff;
	v60 =	vor.u32 $0x4, v55;
	_ =	sdelay $0x1  }
0x71: {  	v56 =	vadd.s32 $0x18A0, v56;
	_ =	sdelay $0x1  }
0x72: {  	[tilespmem:v58+s26+$0x0] =	vst.idx.msk $0xffff, v57  }
0x73: {  	[tilespmem:v60+s26+$0x0] =	vst.idx.msk $0xffff, v59  }
0x74: {  	v63 =	vor.u32 $0x2, v55;
	v58 =	vld [tilespmem:s0+$0xC50]  }
0x75: {  	v55 =	vor.u32 $0x5, v55;
	v56 =	vld.idx.msk [tilespmem:v56+s24+$0x0], $0xffff;
	_ =	sdelay $0x3  }
0x76: {  	[tilespmem:v63+s26+$0x0] =	vst.idx.msk $0xffff, v58  }
0x77: {  	[tilespmem:v55+s26+$0x0] =	vst.idx.msk $0xffff, v56  }
0x78: {  	[spmem:s14] =	stream.linear.scatter [tilespmem:s26], [sflag:$0x2], $0x6200, $0x38;
	[tilespmem:$0x1BA48] =	vst v63  }
0x79: {  	_ =	swait.ge [sflag:s17], $0x6200  }
0x7a: {  	[sflag:s17] =	ssyncset.done $0x0  }
0x7b: {  	[sflag:s17] =	ssyncadd.s32 $0xFFFF9E00  }
0x7c: {  	v55 =	vld [tilespmem:$0x0];
	_ =	sdelay $0x2  }
0x7d: {  	v56 =	vld [tilespmem:$0x10]  }
0x7e: {  	s0 =	simm.s32 $0x0;
	v57 =	vld [tilespmem:$0x20]  }
0x7f: {  	s2 =	simm.s32 $0x40;
	v59 =	vld [tilespmem:s0+$0x30];
	v58 =	vsub.f32 $0.0e+00, v55  }
.LBB2_4:
0x80: {  	p0 =	sne.s32 s2, $0x4E40;
	v60 =	vld [tilespmem:s0+$0x13D0];
	_ =	sdelay $0x3  }
0x81: {  	v59 =	vadd.f32 v59, v56  }
.Ltmp1:
0x82: {  	v60 =	vadd.f32 v60, v57;
	(pc) =	sbr.rel @p0 .LBB2_4-.Ltmp1, $4  }
0x83: {  	v59 =	vmul.f32 v59, v55  }
0x84: {  	v60 =	vmul.f32 v60, v58  }
0x85: {  	s16 =	sshra.s32 s2, $0x2;
	[tilespmem:s0+$0x30] =	vst v59  }
0x86: {  	s2 =	sadd.s32 $0x40, s2;
	v59 =	vld [tilespmem:s16+$0x30];
	[tilespmem:s0+$0x13D0] =	vst v60;
	s0 =	smov.u32 s16  }
0x87: {  	v60 =	vld [tilespmem:s0+$0x13D0];
	_ =	sdelay $0x3  }
0x88: {  	v56 =	vadd.f32 v59, v56  }
0x89: {  	v57 =	vadd.f32 v60, v57  }
0x8a: {  	v55 =	vmul.f32 v56, v55  }
0x8b: {  	v63 =	vmul.f32 v57, v58  }
0x8c: {  	[tilespmem:s0+$0x30] =	vst v55  }
0x8d: {  	s2 =	simm.s32 $0x12388;
	s21 =	simm.s32 $0x14388;
	[tilespmem:s0+$0x13D0] =	vst v63  }
0x8e: {  	s16 =	smov.u32 s23;
	s0 =	simm.s32 $0x0;
	[bflag:$0x0] =	sbarrier.arrive $0xFFFF  }
.LBB2_6:
0x8f: {  	v55 =	vld [tilespmem:s2+$0xFFFFFFC0];
	_ =	sdelay $0x4  }
0x90: {  	vm0 =	vgt.s32 v55, $0x0  }
0x91: {  	v56 =	vnsel vm0, $0x0, v55  }
0x92: {  	v56 =	vmul.u32 $0x3, v56;
	_ =	sdelay $0x2  }
0x93: {  	v57 =	vadd.s32 $0x1, v56;
	_ =	sdelay $0x1  }
0x94: {  	v58 =	vadd.s32 $0x2, v56  }
0x95: {  	v59 =	vor.u32 s0, v6;
	s25 =	sadd.s32 $0x1, s0;
	v56 =	vld.idx.msk [tilespmem:v56+s20+$0x0], $0xffff  }
0x96: {  	s5 =	sadd.s32 $0x2, s0;
	v61 =	vadd.s32 s25, v6  }
0x97: {  	v8 =	vadd.s32 s5, v6;
	v57 =	vld.idx.msk [tilespmem:v57+s20+$0x0], $0xffff;
	_ =	sdelay $0x1  }
0x98: {  	v58 =	vld.idx.msk [tilespmem:v58+s20+$0x0], $0xffff  }
0x99: {  	v59 =	vld.idx.msk [tilespmem:v59+s22+$0x0], $0xffff  }
0x9a: {  	v61 =	vld.idx.msk [tilespmem:v61+s22+$0x0], $0xffff  }
0x9b: {  	v8 =	vld.idx.msk [tilespmem:v8+s22+$0x0], $0xffff  }
0x9c: {  	v60 =	vld.idx.msk [tilespmem:v56+s18+$0x0], $0xffff  }
0x9d: {  	v56 =	vld.idx.msk [tilespmem:v56+s19+$0x0], $0xffff  }
0x9e: {  	v62 =	vld.idx.msk [tilespmem:v57+s18+$0x0], $0xffff  }
0x9f: {  	v57 =	vld.idx.msk [tilespmem:v57+s19+$0x0], $0xffff  }
0xa0: {  	v63 =	vld.idx.msk [tilespmem:v58+s18+$0x0], $0xffff  }
0xa1: {  	v58 =	vld.idx.msk [tilespmem:v58+s19+$0x0], $0xffff;
	_ =	sdelay $0x1  }
0xa2: {  	v60 =	vmul.f32 v59, v60;
	v62 =	vmul.f32 v61, v62  }
0xa3: {  	v56 =	vmul.f32 v59, v56;
	v57 =	vmul.f32 v61, v57  }
0xa4: {  	v59 =	vadd.f32 v62, v60;
	v60 =	vmul.f32 v8, v63  }
0xa5: {  	v56 =	vadd.f32 v57, v56;
	v8 =	vmul.f32 v8, v58  }
0xa6: {  	vm7 =	vgt.s32 v55, $0xFFFFFFFF;
	v60 =	vadd.f32 v60, v59  }
0xa7: {  	v61 =	vsel vm7, $0x3F800000, v5;
	v8 =	vadd.f32 v8, v56  }
0xa8: {  	v55 =	vmul.f32 v60, v61  }
0xa9: {  	v8 =	vmul.f32 v8, v61  }
0xaa: {  	v55 =	vadd.f32 $1.000000000e+00, v55  }
0xab: {  	v8 =	vadd.f32 $1.000000000e+00, v8  }
0xac: {  	v55 =	vmul.f32 $2.240000000e+02, v55  }
0xad: {  	v8 =	vmul.f32 $2.240000000e+02, v8  }
0xae: {  	v55 =	vadd.f32 $-1.000000000e+00, v55  }
0xaf: {  	v8 =	vadd.f32 $-1.000000000e+00, v8  }
0xb0: {  	v55 =	vmul.f32 $5.000000000e-01, v55  }
0xb1: {  	v8 =	vmul.f32 $5.000000000e-01, v8  }
0xb2: {  	v55 =	vmax.f32 v55, $-8.000000000e+00  }
0xb3: {  	v8 =	vmax.f32 v8, $-8.000000000e+00;
	v55 =	vmin.f32 v55, $2.320000000e+02  }
0xb4: {  	v8 =	vmin.f32 v8, $2.320000000e+02;
	v62 =	vtrunc.f32 v55  }
0xb5: {  	v63 =	vtrunc.f32 v8;
	v57 =	vcvt.f32.s32 v62;
	vm8 =	vlt.f32 v55, v62  }
0xb6: {  	v60 =	vcvt.f32.s32 v63;
	vm1 =	vlt.f32 v8, v63;
	v61 =	vsel vm8, $0xFFFFFFFF, v4  }
0xb7: {  	v62 =	vsel vm1, $0xFFFFFFFF, v4;
	v57 =	vadd.s32 v57, v61  }
0xb8: {  	v56 =	vadd.s32 v60, v62;
	v58 =	vcvt.s32.f32 v57  }
0xb9: {  	v59 =	vcvt.s32.f32 v56;
	vm9 =	vlt.u32 v57, $0xE0;
	v60 =	vadd.s32 $0x1, v57  }
0xba: {  	v61 =	vadd.s32 $0x1, v56;
	vm10 =	vgt.s32 v56, $0x0;
	vm3 =	vgt.s32 v57, $0x0  }
0xbb: {  	vm12 =	vlt.u32 v56, $0xE0;
	vm14 =	veq.s32 v57, $0xFFFFFFFF;
	vm2 =	vlt.u32 v60, $0xE0  }
0xbc: {  	v60 =	vnsel vm10, $0x0, v56;
	vm11 =	vgt.s32 v61, $0x0;
	v63 =	vnsel vm3, $0x0, v57  }
0xbd: {  	vm13 =	vlt.u32 v61, $0xE0;
	vm4 =	vmand vm12, vm9;
	v55 =	vsub.f32 v55, v58  }
0xbe: {  	v8 =	vsub.f32 v8, v59;
	v60 =	vmin.u32 v60, $0xDF;
	v62 =	vnsel vm11, $0x0, v61  }
0xbf: {  	v56 =	vmin.u32 v63, $0xDF;
	v60 =	vmul.u32 $0xE0, v60;
	v62 =	vmin.u32 v62, $0xDF  }
0xc0: {  	v58 =	vsub.f32 $1.000000000e+00, v55;
	v59 =	vsub.f32 $1.000000000e+00, v8;
	v62 =	vmul.u32 $0xE0, v62  }
0xc1: {  	vm1 =	vmand vm12, vm2;
	vm0 =	vmand vm9, vm13;
	vm15 =	vmand vm13, vm2  }
0xc2: {  	v60 =	vadd.s32 v56, v60;
	v56 =	vadd.s32 v56, v62;
	v61 =	vmul.f32 v58, v59  }
0xc3: {  	v62 =	vsel vm4, $0x3F800000, v5;
	v57 =	vmul.f32 v59, v55;
	[tilespmem:$0x14B48] =	vst v60;
	v59 =	vsel vm14, $0x3F800000, v5  }
0xc4: {  	v63 =	vmul.f32 v58, v8;
	[tilespmem:$0x14BC8] =	vst v56;
	v60 =	vmul.f32 v61, v62;
	v61 =	vsel vm1, $0x3F800000, v5  }
0xc5: {  	v8 =	vmul.f32 v55, v8;
	[tilespmem:$0x14E48] =	vst v59;
	v56 =	vmul.f32 v61, v57;
	v61 =	vsel vm0, $0x3F800000, v5  }
0xc6: {  	[tilespmem:$0x14C48] =	vst v60;
	v62 =	vmul.f32 v61, v63;
	v63 =	vsel vm15, $0x3F800000, v5  }
0xc7: {  	[tilespmem:$0x14CC8] =	vst v56;
	v8 =	vmul.f32 v63, v8  }
0xc8: {  	[tilespmem:$0x14D48] =	vst v62  }
0xc9: {  	[tilespmem:$0x14DC8] =	vst v8  }
0xca: {  	v8 =	vld [tilespmem:s2+$0xFFFFFFD0];
	_ =	sdelay $0x4  }
0xcb: {  	vm4 =	vgt.s32 v8, $0x0  }
0xcc: {  	v60 =	vnsel vm4, $0x0, v8  }
0xcd: {  	v55 =	vmul.u32 $0x3, v60;
	_ =	sdelay $0x2  }
0xce: {  	s5 =	sadd.s32 $0x30, s0;
	v61 =	vadd.s32 $0x1, v55  }
0xcf: {  	v63 =	vadd.s32 s5, v6  }
0xd0: {  	v58 =	vand.u32 $0x7FFFFFF8, v63;
	v62 =	vadd.s32 $0x2, v55  }
0xd1: {  	s5 =	sadd.s32 $0x31, s0;
	v58 =	vor.u32 v7, v58;
	v55 =	vld.idx.msk [tilespmem:v55+s20+$0x0], $0xffff  }
0xd2: {  	v60 =	vadd.s32 s5, v6;
	s5 =	sadd.s32 $0x32, s0  }
0xd3: {  	v63 =	vadd.s32 s5, v6;
	v56 =	vld.idx.msk [tilespmem:v61+s20+$0x0], $0xffff;
	_ =	sdelay $0x1  }
0xd4: {  	v57 =	vld.idx.msk [tilespmem:v62+s20+$0x0], $0xffff  }
0xd5: {  	v58 =	vld.idx.msk [tilespmem:v58+s22+$0x0], $0xffff  }
0xd6: {  	v60 =	vld.idx.msk [tilespmem:v60+s22+$0x0], $0xffff  }
0xd7: {  	v63 =	vld.idx.msk [tilespmem:v63+s22+$0x0], $0xffff  }
0xd8: {  	v59 =	vld.idx.msk [tilespmem:v55+s18+$0x0], $0xffff  }
0xd9: {  	v55 =	vld.idx.msk [tilespmem:v55+s19+$0x0], $0xffff  }
0xda: {  	v61 =	vld.idx.msk [tilespmem:v56+s18+$0x0], $0xffff  }
0xdb: {  	v56 =	vld.idx.msk [tilespmem:v56+s19+$0x0], $0xffff  }
0xdc: {  	v62 =	vld.idx.msk [tilespmem:v57+s18+$0x0], $0xffff  }
0xdd: {  	v57 =	vld.idx.msk [tilespmem:v57+s19+$0x0], $0xffff;
	_ =	sdelay $0x1  }
0xde: {  	v59 =	vmul.f32 v58, v59;
	v61 =	vmul.f32 v60, v61  }
0xdf: {  	v55 =	vmul.f32 v58, v55;
	v56 =	vmul.f32 v60, v56  }
0xe0: {  	v60 =	vadd.f32 v61, v59;
	v61 =	vmul.f32 v63, v62  }
0xe1: {  	v55 =	vadd.f32 v56, v55;
	v62 =	vmul.f32 v63, v57  }
0xe2: {  	vm5 =	vgt.s32 v8, $0xFFFFFFFF;
	v8 =	vadd.f32 v61, v60  }
0xe3: {  	v63 =	vsel vm5, $0x3F800000, v5;
	v55 =	vadd.f32 v62, v55  }
0xe4: {  	v8 =	vmul.f32 v8, v63  }
0xe5: {  	v55 =	vmul.f32 v55, v63  }
0xe6: {  	v8 =	vadd.f32 $1.000000000e+00, v8  }
0xe7: {  	v55 =	vadd.f32 $1.000000000e+00, v55  }
0xe8: {  	v8 =	vmul.f32 $2.240000000e+02, v8  }
0xe9: {  	v55 =	vmul.f32 $2.240000000e+02, v55  }
0xea: {  	v8 =	vadd.f32 $-1.000000000e+00, v8  }
0xeb: {  	v55 =	vadd.f32 $-1.000000000e+00, v55  }
0xec: {  	v8 =	vmul.f32 $5.000000000e-01, v8  }
0xed: {  	v55 =	vmul.f32 $5.000000000e-01, v55  }
0xee: {  	v8 =	vmax.f32 v8, $-8.000000000e+00  }
0xef: {  	v55 =	vmax.f32 v55, $-8.000000000e+00;
	v8 =	vmin.f32 v8, $2.320000000e+02  }
0xf0: {  	v55 =	vmin.f32 v55, $2.320000000e+02;
	v60 =	vtrunc.f32 v8  }
0xf1: {  	v61 =	vtrunc.f32 v55;
	v57 =	vcvt.f32.s32 v60;
	vm6 =	vlt.f32 v8, v60  }
0xf2: {  	v62 =	vcvt.f32.s32 v61;
	vm7 =	vlt.f32 v55, v61;
	v63 =	vsel vm6, $0xFFFFFFFF, v4  }
0xf3: {  	v60 =	vsel vm7, $0xFFFFFFFF, v4;
	v57 =	vadd.s32 v57, v63  }
0xf4: {  	v56 =	vadd.s32 v62, v60;
	v58 =	vcvt.s32.f32 v57  }
0xf5: {  	v59 =	vcvt.s32.f32 v56;
	vm0 =	vlt.u32 v57, $0xE0;
	v60 =	vadd.s32 $0x1, v57  }
0xf6: {  	v61 =	vadd.s32 $0x1, v56;
	vm8 =	vgt.s32 v56, $0x0;
	vm11 =	vgt.s32 v57, $0x0  }
0xf7: {  	vm12 =	vlt.u32 v56, $0xE0;
	vm15 =	veq.s32 v57, $0xFFFFFFFF;
	vm9 =	vlt.u32 v60, $0xE0  }
0xf8: {  	v60 =	vnsel vm8, $0x0, v56;
	vm10 =	vgt.s32 v61, $0x0;
	v63 =	vnsel vm11, $0x0, v57  }
0xf9: {  	v8 =	vsub.f32 v8, v58;
	v55 =	vsub.f32 v55, v59;
	v60 =	vmin.u32 v60, $0xDF  }
0xfa: {  	vm13 =	vlt.u32 v61, $0xE0;
	v62 =	vnsel vm10, $0x0, v61;
	v60 =	vmul.u32 $0xE0, v60  }
0xfb: {  	v62 =	vmin.u32 v62, $0xDF;
	v58 =	vsub.f32 $1.000000000e+00, v8;
	v59 =	vsub.f32 $1.000000000e+00, v55  }
0xfc: {  	vm14 =	vmand vm12, vm0;
	v56 =	vmin.u32 v63, $0xDF;
	v62 =	vmul.u32 $0xE0, v62  }
0xfd: {  	vm1 =	vmand vm12, vm9;
	v60 =	vadd.s32 v56, v60;
	v61 =	vmul.f32 v58, v59  }
0xfe: {  	v56 =	vadd.s32 v56, v62;
	v62 =	vsel vm14, $0x3F800000, v5;
	v57 =	vmul.f32 v59, v8  }
0xff: {  	vm0 =	vmand vm0, vm13;
	[tilespmem:$0x14B58] =	vst v60;
	v60 =	vmul.f32 v61, v62;
	v61 =	vsel vm1, $0x3F800000, v5  }
0x100: {  	v59 =	vsel vm15, $0x3F800000, v5;
	[tilespmem:$0x14BD8] =	vst v56;
	v56 =	vmul.f32 v61, v57;
	v61 =	vmul.f32 v58, v55  }
0x101: {  	vm5 =	vmand vm13, vm9;
	v8 =	vmul.f32 v8, v55;
	[tilespmem:$0x14E58] =	vst v59;
	v62 =	vsel vm0, $0x3F800000, v5  }
0x102: {  	[tilespmem:$0x14C58] =	vst v60;
	v60 =	vsel vm5, $0x3F800000, v5;
	v63 =	vmul.f32 v62, v61  }
0x103: {  	[tilespmem:$0x14CD8] =	vst v56;
	v8 =	vmul.f32 v60, v8  }
0x104: {  	[tilespmem:$0x14D58] =	vst v63  }
0x105: {  	[tilespmem:$0x14DD8] =	vst v8  }
0x106: {  	v8 =	vld [tilespmem:s2+$0xFFFFFFE0];
	_ =	sdelay $0x4  }
0x107: {  	vm6 =	vgt.s32 v8, $0x0  }
0x108: {  	v61 =	vnsel vm6, $0x0, v8  }
0x109: {  	v55 =	vmul.u32 $0x3, v61;
	_ =	sdelay $0x1  }
0x10a: {  	v62 =	vadd.s32 $0x1, v55  }
0x10b: {  	v63 =	vadd.s32 $0x2, v55  }
0x10c: {  	s5 =	sadd.s32 $0x60, s0  }
0x10d: {  	v60 =	vadd.s32 s5, v6;
	s5 =	sadd.s32 $0x61, s0  }
0x10e: {  	v58 =	vand.u32 $0x7FFFFFF8, v60;
	v60 =	vadd.s32 s5, v6;
	v55 =	vld.idx.msk [tilespmem:v55+s20+$0x0], $0xffff  }
0x10f: {  	s5 =	sadd.s32 $0x62, s0;
	v58 =	vor.u32 v7, v58;
	v56 =	vld.idx.msk [tilespmem:v62+s20+$0x0], $0xffff  }
0x110: {  	v57 =	vld.idx.msk [tilespmem:v63+s20+$0x0], $0xffff;
	v63 =	vadd.s32 s5, v6;
	_ =	sdelay $0x2  }
0x111: {  	v60 =	vld.idx.msk [tilespmem:v60+s22+$0x0], $0xffff  }
0x112: {  	v58 =	vld.idx.msk [tilespmem:v58+s22+$0x0], $0xffff  }
0x113: {  	v63 =	vld.idx.msk [tilespmem:v63+s22+$0x0], $0xffff  }
0x114: {  	v59 =	vld.idx.msk [tilespmem:v55+s18+$0x0], $0xffff  }
0x115: {  	v55 =	vld.idx.msk [tilespmem:v55+s19+$0x0], $0xffff  }
0x116: {  	v61 =	vld.idx.msk [tilespmem:v56+s18+$0x0], $0xffff  }
0x117: {  	v56 =	vld.idx.msk [tilespmem:v56+s19+$0x0], $0xffff  }
0x118: {  	v62 =	vld.idx.msk [tilespmem:v57+s18+$0x0], $0xffff  }
0x119: {  	v57 =	vld.idx.msk [tilespmem:v57+s19+$0x0], $0xffff;
	_ =	sdelay $0x1  }
0x11a: {  	v59 =	vmul.f32 v58, v59;
	v61 =	vmul.f32 v60, v61  }
0x11b: {  	v55 =	vmul.f32 v58, v55;
	v56 =	vmul.f32 v60, v56  }
0x11c: {  	v62 =	vmul.f32 v63, v62;
	v61 =	vadd.f32 v61, v59  }
0x11d: {  	v60 =	vmul.f32 v63, v57;
	v55 =	vadd.f32 v56, v55  }
0x11e: {  	vm7 =	vgt.s32 v8, $0xFFFFFFFF;
	v8 =	vadd.f32 v62, v61  }
0x11f: {  	v61 =	vsel vm7, $0x3F800000, v5;
	v55 =	vadd.f32 v60, v55  }
0x120: {  	v8 =	vmul.f32 v8, v61  }
0x121: {  	v55 =	vmul.f32 v55, v61  }
0x122: {  	v8 =	vadd.f32 $1.000000000e+00, v8  }
0x123: {  	v55 =	vadd.f32 $1.000000000e+00, v55  }
0x124: {  	v8 =	vmul.f32 $2.240000000e+02, v8  }
0x125: {  	v55 =	vmul.f32 $2.240000000e+02, v55  }
0x126: {  	v8 =	vadd.f32 $-1.000000000e+00, v8  }
0x127: {  	v55 =	vadd.f32 $-1.000000000e+00, v55  }
0x128: {  	v8 =	vmul.f32 $5.000000000e-01, v8  }
0x129: {  	v55 =	vmul.f32 $5.000000000e-01, v55  }
0x12a: {  	v8 =	vmax.f32 v8, $-8.000000000e+00  }
0x12b: {  	v55 =	vmax.f32 v55, $-8.000000000e+00;
	v8 =	vmin.f32 v8, $2.320000000e+02  }
0x12c: {  	v55 =	vmin.f32 v55, $2.320000000e+02;
	v62 =	vtrunc.f32 v8  }
0x12d: {  	v63 =	vtrunc.f32 v55;
	v57 =	vcvt.f32.s32 v62;
	vm8 =	vlt.f32 v8, v62  }
0x12e: {  	v60 =	vcvt.f32.s32 v63;
	vm9 =	vlt.f32 v55, v63;
	v61 =	vsel vm8, $0xFFFFFFFF, v4  }
0x12f: {  	v62 =	vsel vm9, $0xFFFFFFFF, v4;
	v57 =	vadd.s32 v57, v61  }
0x130: {  	v56 =	vadd.s32 v60, v62;
	v58 =	vcvt.s32.f32 v57  }
0x131: {  	v59 =	vcvt.s32.f32 v56;
	vm0 =	vlt.u32 v57, $0xE0;
	v60 =	vadd.s32 $0x1, v57  }
0x132: {  	v61 =	vadd.s32 $0x1, v56;
	vm10 =	vgt.s32 v56, $0x0;
	vm13 =	vgt.s32 v57, $0x0  }
0x133: {  	vm14 =	vlt.u32 v56, $0xE0;
	vm9 =	veq.s32 v57, $0xFFFFFFFF;
	vm11 =	vlt.u32 v60, $0xE0  }
0x134: {  	v60 =	vnsel vm10, $0x0, v56;
	vm12 =	vgt.s32 v61, $0x0;
	v63 =	vnsel vm13, $0x0, v57  }
0x135: {  	vm15 =	vlt.u32 v61, $0xE0;
	vm8 =	vmand vm14, vm0;
	v8 =	vsub.f32 v8, v58  }
0x136: {  	v55 =	vsub.f32 v55, v59;
	v60 =	vmin.u32 v60, $0xDF;
	v62 =	vnsel vm12, $0x0, v61  }
0x137: {  	v56 =	vmin.u32 v63, $0xDF;
	v60 =	vmul.u32 $0xE0, v60;
	v62 =	vmin.u32 v62, $0xDF  }
0x138: {  	v58 =	vsub.f32 $1.000000000e+00, v8;
	v59 =	vsub.f32 $1.000000000e+00, v55;
	v62 =	vmul.u32 $0xE0, v62  }
0x139: {  	vm1 =	vmand vm14, vm11;
	vm0 =	vmand vm0, vm15;
	vm10 =	vmand vm15, vm11  }
0x13a: {  	v60 =	vadd.s32 v56, v60;
	v56 =	vadd.s32 v56, v62;
	v61 =	vmul.f32 v58, v59  }
0x13b: {  	v62 =	vsel vm8, $0x3F800000, v5;
	v57 =	vmul.f32 v59, v8;
	[tilespmem:$0x14B68] =	vst v60;
	v59 =	vsel vm9, $0x3F800000, v5  }
0x13c: {  	v63 =	vmul.f32 v58, v55;
	[tilespmem:$0x14BE8] =	vst v56;
	v60 =	vmul.f32 v61, v62;
	v61 =	vsel vm1, $0x3F800000, v5  }
0x13d: {  	v8 =	vmul.f32 v8, v55;
	[tilespmem:$0x14E68] =	vst v59;
	v56 =	vmul.f32 v61, v57;
	v61 =	vsel vm0, $0x3F800000, v5  }
0x13e: {  	[tilespmem:$0x14C68] =	vst v60;
	v62 =	vmul.f32 v61, v63;
	v63 =	vsel vm10, $0x3F800000, v5  }
0x13f: {  	[tilespmem:$0x14CE8] =	vst v56;
	v8 =	vmul.f32 v63, v8  }
0x140: {  	[tilespmem:$0x14D68] =	vst v62  }
0x141: {  	[tilespmem:$0x14DE8] =	vst v8  }
0x142: {  	v8 =	vld [tilespmem:s2+$0xFFFFFFF0];
	_ =	sdelay $0x4  }
0x143: {  	vm11 =	vgt.s32 v8, $0x0  }
0x144: {  	v60 =	vnsel vm11, $0x0, v8  }
0x145: {  	v55 =	vmul.u32 $0x3, v60;
	_ =	sdelay $0x2  }
0x146: {  	s5 =	sadd.s32 $0x90, s0;
	v61 =	vadd.s32 $0x1, v55  }
0x147: {  	v63 =	vadd.s32 s5, v6  }
0x148: {  	v58 =	vand.u32 $0x7FFFFFF8, v63;
	v62 =	vadd.s32 $0x2, v55  }
0x149: {  	s5 =	sadd.s32 $0x91, s0;
	v58 =	vor.u32 v7, v58;
	v55 =	vld.idx.msk [tilespmem:v55+s20+$0x0], $0xffff  }
0x14a: {  	v60 =	vadd.s32 s5, v6;
	s5 =	sadd.s32 $0x92, s0  }
0x14b: {  	v63 =	vadd.s32 s5, v6;
	v56 =	vld.idx.msk [tilespmem:v61+s20+$0x0], $0xffff;
	_ =	sdelay $0x1  }
0x14c: {  	v57 =	vld.idx.msk [tilespmem:v62+s20+$0x0], $0xffff  }
0x14d: {  	v58 =	vld.idx.msk [tilespmem:v58+s22+$0x0], $0xffff  }
0x14e: {  	v60 =	vld.idx.msk [tilespmem:v60+s22+$0x0], $0xffff  }
0x14f: {  	v63 =	vld.idx.msk [tilespmem:v63+s22+$0x0], $0xffff  }
0x150: {  	v59 =	vld.idx.msk [tilespmem:v55+s18+$0x0], $0xffff  }
0x151: {  	v55 =	vld.idx.msk [tilespmem:v55+s19+$0x0], $0xffff  }
0x152: {  	v61 =	vld.idx.msk [tilespmem:v56+s18+$0x0], $0xffff  }
0x153: {  	v56 =	vld.idx.msk [tilespmem:v56+s19+$0x0], $0xffff  }
0x154: {  	v62 =	vld.idx.msk [tilespmem:v57+s18+$0x0], $0xffff  }
0x155: {  	v57 =	vld.idx.msk [tilespmem:v57+s19+$0x0], $0xffff;
	_ =	sdelay $0x1  }
0x156: {  	v59 =	vmul.f32 v58, v59;
	v61 =	vmul.f32 v60, v61  }
0x157: {  	v55 =	vmul.f32 v58, v55;
	v56 =	vmul.f32 v60, v56  }
0x158: {  	v60 =	vadd.f32 v61, v59;
	v61 =	vmul.f32 v63, v62  }
0x159: {  	v55 =	vadd.f32 v56, v55;
	v62 =	vmul.f32 v63, v57  }
0x15a: {  	vm12 =	vgt.s32 v8, $0xFFFFFFFF;
	v8 =	vadd.f32 v61, v60  }
0x15b: {  	v63 =	vsel vm12, $0x3F800000, v5;
	v55 =	vadd.f32 v62, v55  }
0x15c: {  	v8 =	vmul.f32 v8, v63  }
0x15d: {  	v55 =	vmul.f32 v55, v63  }
0x15e: {  	v8 =	vadd.f32 $1.000000000e+00, v8  }
0x15f: {  	v55 =	vadd.f32 $1.000000000e+00, v55  }
0x160: {  	v8 =	vmul.f32 $2.240000000e+02, v8  }
0x161: {  	v55 =	vmul.f32 $2.240000000e+02, v55  }
0x162: {  	v8 =	vadd.f32 $-1.000000000e+00, v8  }
0x163: {  	v55 =	vadd.f32 $-1.000000000e+00, v55  }
0x164: {  	v8 =	vmul.f32 $5.000000000e-01, v8  }
0x165: {  	v55 =	vmul.f32 $5.000000000e-01, v55  }
0x166: {  	v8 =	vmax.f32 v8, $-8.000000000e+00  }
0x167: {  	v55 =	vmax.f32 v55, $-8.000000000e+00;
	v8 =	vmin.f32 v8, $2.320000000e+02  }
0x168: {  	v55 =	vmin.f32 v55, $2.320000000e+02;
	v60 =	vtrunc.f32 v8  }
0x169: {  	v61 =	vtrunc.f32 v55;
	v57 =	vcvt.f32.s32 v60;
	vm13 =	vlt.f32 v8, v60  }
0x16a: {  	v62 =	vcvt.f32.s32 v61;
	vm14 =	vlt.f32 v55, v61;
	v63 =	vsel vm13, $0xFFFFFFFF, v4  }
0x16b: {  	v60 =	vsel vm14, $0xFFFFFFFF, v4;
	v57 =	vadd.s32 v57, v63  }
0x16c: {  	v56 =	vadd.s32 v62, v60;
	v58 =	vcvt.s32.f32 v57  }
0x16d: {  	v59 =	vcvt.s32.f32 v56;
	vm15 =	vlt.u32 v57, $0xE0;
	v60 =	vadd.s32 $0x1, v57  }
0x16e: {  	v61 =	vadd.s32 $0x1, v56;
	vm7 =	vgt.s32 v56, $0x0;
	vm10 =	vgt.s32 v57, $0x0  }
0x16f: {  	vm11 =	vlt.u32 v56, $0xE0;
	vm14 =	veq.s32 v57, $0xFFFFFFFF;
	vm8 =	vlt.u32 v60, $0xE0  }
0x170: {  	v60 =	vnsel vm7, $0x0, v56;
	vm9 =	vgt.s32 v61, $0x0;
	v63 =	vnsel vm10, $0x0, v57  }
0x171: {  	v8 =	vsub.f32 v8, v58;
	v55 =	vsub.f32 v55, v59;
	v60 =	vmin.u32 v60, $0xDF  }
0x172: {  	vm12 =	vlt.u32 v61, $0xE0;
	v62 =	vnsel vm9, $0x0, v61;
	v60 =	vmul.u32 $0xE0, v60  }
0x173: {  	v62 =	vmin.u32 v62, $0xDF;
	v58 =	vsub.f32 $1.000000000e+00, v8;
	v59 =	vsub.f32 $1.000000000e+00, v55  }
0x174: {  	vm13 =	vmand vm11, vm15;
	v56 =	vmin.u32 v63, $0xDF;
	v62 =	vmul.u32 $0xE0, v62  }
0x175: {  	vm1 =	vmand vm11, vm8;
	v60 =	vadd.s32 v56, v60;
	v61 =	vmul.f32 v58, v59  }
0x176: {  	v56 =	vadd.s32 v56, v62;
	v62 =	vsel vm13, $0x3F800000, v5;
	v57 =	vmul.f32 v59, v8  }
0x177: {  	vm0 =	vmand vm15, vm12;
	[tilespmem:$0x14B78] =	vst v60;
	v60 =	vmul.f32 v61, v62;
	v61 =	vsel vm1, $0x3F800000, v5  }
0x178: {  	v59 =	vsel vm14, $0x3F800000, v5;
	[tilespmem:$0x14BF8] =	vst v56;
	v56 =	vmul.f32 v61, v57;
	v61 =	vmul.f32 v58, v55  }
0x179: {  	vm15 =	vmand vm12, vm8;
	v8 =	vmul.f32 v8, v55;
	[tilespmem:$0x14E78] =	vst v59;
	v62 =	vsel vm0, $0x3F800000, v5  }
0x17a: {  	[tilespmem:$0x14C78] =	vst v60;
	v60 =	vsel vm15, $0x3F800000, v5;
	v63 =	vmul.f32 v62, v61  }
0x17b: {  	[tilespmem:$0x14CF8] =	vst v56;
	v8 =	vmul.f32 v60, v8  }
0x17c: {  	[tilespmem:$0x14D78] =	vst v63  }
0x17d: {  	[tilespmem:$0x14DF8] =	vst v8  }
0x17e: {  	v8 =	vld [tilespmem:s2+$0x0];
	_ =	sdelay $0x4  }
0x17f: {  	vm4 =	vgt.s32 v8, $0x0  }
0x180: {  	v61 =	vnsel vm4, $0x0, v8  }
0x181: {  	v55 =	vmul.u32 $0x3, v61;
	_ =	sdelay $0x1  }
0x182: {  	v62 =	vadd.s32 $0x1, v55  }
0x183: {  	v63 =	vadd.s32 $0x2, v55;
	_ =	sdelay $0x1  }
0x184: {  	s5 =	sadd.s32 $0xC0, s0  }
0x185: {  	v58 =	vor.u32 s5, v6;
	s5 =	sadd.s32 $0xC1, s0;
	v55 =	vld.idx.msk [tilespmem:v55+s20+$0x0], $0xffff  }
0x186: {  	v60 =	vadd.s32 s5, v6;
	s5 =	sadd.s32 $0xC2, s0;
	v56 =	vld.idx.msk [tilespmem:v62+s20+$0x0], $0xffff  }
0x187: {  	v57 =	vld.idx.msk [tilespmem:v63+s20+$0x0], $0xffff;
	v63 =	vadd.s32 s5, v6;
	_ =	sdelay $0x2  }
0x188: {  	v58 =	vld.idx.msk [tilespmem:v58+s22+$0x0], $0xffff  }
0x189: {  	v60 =	vld.idx.msk [tilespmem:v60+s22+$0x0], $0xffff  }
0x18a: {  	v63 =	vld.idx.msk [tilespmem:v63+s22+$0x0], $0xffff  }
0x18b: {  	v59 =	vld.idx.msk [tilespmem:v55+s18+$0x0], $0xffff  }
0x18c: {  	v55 =	vld.idx.msk [tilespmem:v55+s19+$0x0], $0xffff  }
0x18d: {  	v61 =	vld.idx.msk [tilespmem:v56+s18+$0x0], $0xffff  }
0x18e: {  	v56 =	vld.idx.msk [tilespmem:v56+s19+$0x0], $0xffff  }
0x18f: {  	v62 =	vld.idx.msk [tilespmem:v57+s18+$0x0], $0xffff  }
0x190: {  	v57 =	vld.idx.msk [tilespmem:v57+s19+$0x0], $0xffff;
	_ =	sdelay $0x1  }
0x191: {  	v59 =	vmul.f32 v58, v59;
	v61 =	vmul.f32 v60, v61  }
0x192: {  	v55 =	vmul.f32 v58, v55;
	v56 =	vmul.f32 v60, v56  }
0x193: {  	v60 =	vadd.f32 v61, v59;
	v61 =	vmul.f32 v63, v62  }
0x194: {  	v55 =	vadd.f32 v56, v55;
	v62 =	vmul.f32 v63, v57  }
0x195: {  	vm5 =	vgt.s32 v8, $0xFFFFFFFF;
	v8 =	vadd.f32 v61, v60  }
0x196: {  	v63 =	vsel vm5, $0x3F800000, v5;
	v55 =	vadd.f32 v62, v55  }
0x197: {  	v8 =	vmul.f32 v8, v63  }
0x198: {  	v55 =	vmul.f32 v55, v63  }
0x199: {  	v8 =	vadd.f32 $1.000000000e+00, v8  }
0x19a: {  	v55 =	vadd.f32 $1.000000000e+00, v55  }
0x19b: {  	v8 =	vmul.f32 $2.240000000e+02, v8  }
0x19c: {  	v55 =	vmul.f32 $2.240000000e+02, v55  }
0x19d: {  	v8 =	vadd.f32 $-1.000000000e+00, v8  }
0x19e: {  	v55 =	vadd.f32 $-1.000000000e+00, v55  }
0x19f: {  	v8 =	vmul.f32 $5.000000000e-01, v8  }
0x1a0: {  	v55 =	vmul.f32 $5.000000000e-01, v55  }
0x1a1: {  	v8 =	vmax.f32 v8, $-8.000000000e+00  }
0x1a2: {  	v55 =	vmax.f32 v55, $-8.000000000e+00;
	v8 =	vmin.f32 v8, $2.320000000e+02  }
0x1a3: {  	v55 =	vmin.f32 v55, $2.320000000e+02;
	v60 =	vtrunc.f32 v8  }
0x1a4: {  	v61 =	vtrunc.f32 v55;
	v57 =	vcvt.f32.s32 v60;
	vm6 =	vlt.f32 v8, v60  }
0x1a5: {  	v62 =	vcvt.f32.s32 v61;
	vm7 =	vlt.f32 v55, v61;
	v63 =	vsel vm6, $0xFFFFFFFF, v4  }
0x1a6: {  	v60 =	vsel vm7, $0xFFFFFFFF, v4;
	v57 =	vadd.s32 v57, v63  }
0x1a7: {  	v56 =	vadd.s32 v62, v60;
	v58 =	vcvt.s32.f32 v57  }
0x1a8: {  	v59 =	vcvt.s32.f32 v56;
	vm0 =	vlt.u32 v57, $0xE0;
	v60 =	vadd.s32 $0x1, v57  }
0x1a9: {  	v61 =	vadd.s32 $0x1, v56;
	vm8 =	vgt.s32 v56, $0x0;
	vm11 =	vgt.s32 v57, $0x0  }
0x1aa: {  	vm12 =	vlt.u32 v56, $0xE0;
	vm15 =	veq.s32 v57, $0xFFFFFFFF;
	vm9 =	vlt.u32 v60, $0xE0  }
0x1ab: {  	v60 =	vnsel vm8, $0x0, v56;
	vm10 =	vgt.s32 v61, $0x0;
	v63 =	vnsel vm11, $0x0, v57  }
0x1ac: {  	v8 =	vsub.f32 v8, v58;
	v55 =	vsub.f32 v55, v59;
	v60 =	vmin.u32 v60, $0xDF  }
0x1ad: {  	vm13 =	vlt.u32 v61, $0xE0;
	v62 =	vnsel vm10, $0x0, v61;
	v60 =	vmul.u32 $0xE0, v60  }
0x1ae: {  	v62 =	vmin.u32 v62, $0xDF;
	v58 =	vsub.f32 $1.000000000e+00, v8;
	v59 =	vsub.f32 $1.000000000e+00, v55  }
0x1af: {  	vm14 =	vmand vm12, vm0;
	v56 =	vmin.u32 v63, $0xDF;
	v62 =	vmul.u32 $0xE0, v62  }
0x1b0: {  	vm1 =	vmand vm12, vm9;
	v60 =	vadd.s32 v56, v60;
	v61 =	vmul.f32 v58, v59  }
0x1b1: {  	v56 =	vadd.s32 v56, v62;
	v62 =	vsel vm14, $0x3F800000, v5;
	v57 =	vmul.f32 v59, v8  }
0x1b2: {  	vm0 =	vmand vm0, vm13;
	[tilespmem:$0x14B88] =	vst v60;
	v60 =	vmul.f32 v61, v62;
	v61 =	vsel vm1, $0x3F800000, v5  }
0x1b3: {  	v59 =	vsel vm15, $0x3F800000, v5;
	[tilespmem:$0x14C08] =	vst v56;
	v56 =	vmul.f32 v61, v57;
	v61 =	vmul.f32 v58, v55  }
0x1b4: {  	vm5 =	vmand vm13, vm9;
	v8 =	vmul.f32 v8, v55;
	[tilespmem:$0x14E88] =	vst v59;
	v62 =	vsel vm0, $0x3F800000, v5  }
0x1b5: {  	[tilespmem:$0x14C88] =	vst v60;
	v60 =	vsel vm5, $0x3F800000, v5;
	v63 =	vmul.f32 v62, v61  }
0x1b6: {  	[tilespmem:$0x14D08] =	vst v56;
	v8 =	vmul.f32 v60, v8  }
0x1b7: {  	[tilespmem:$0x14D88] =	vst v63  }
0x1b8: {  	[tilespmem:$0x14E08] =	vst v8  }
0x1b9: {  	v8 =	vld [tilespmem:s2+$0x10];
	_ =	sdelay $0x4  }
0x1ba: {  	vm6 =	vgt.s32 v8, $0x0  }
0x1bb: {  	v61 =	vnsel vm6, $0x0, v8  }
0x1bc: {  	v55 =	vmul.u32 $0x3, v61;
	_ =	sdelay $0x1  }
0x1bd: {  	v62 =	vadd.s32 $0x1, v55  }
0x1be: {  	v63 =	vadd.s32 $0x2, v55  }
0x1bf: {  	s5 =	sadd.s32 $0xF0, s0  }
0x1c0: {  	v60 =	vadd.s32 s5, v6;
	s5 =	sadd.s32 $0xF1, s0  }
0x1c1: {  	v58 =	vand.u32 $0x7FFFFFF8, v60;
	v60 =	vadd.s32 s5, v6;
	v55 =	vld.idx.msk [tilespmem:v55+s20+$0x0], $0xffff  }
0x1c2: {  	s5 =	sadd.s32 $0xF2, s0;
	v58 =	vor.u32 v7, v58;
	v56 =	vld.idx.msk [tilespmem:v62+s20+$0x0], $0xffff  }
0x1c3: {  	v57 =	vld.idx.msk [tilespmem:v63+s20+$0x0], $0xffff;
	v63 =	vadd.s32 s5, v6;
	_ =	sdelay $0x2  }
0x1c4: {  	v60 =	vld.idx.msk [tilespmem:v60+s22+$0x0], $0xffff  }
0x1c5: {  	v58 =	vld.idx.msk [tilespmem:v58+s22+$0x0], $0xffff  }
0x1c6: {  	v63 =	vld.idx.msk [tilespmem:v63+s22+$0x0], $0xffff  }
0x1c7: {  	v59 =	vld.idx.msk [tilespmem:v55+s18+$0x0], $0xffff  }
0x1c8: {  	v55 =	vld.idx.msk [tilespmem:v55+s19+$0x0], $0xffff  }
0x1c9: {  	v61 =	vld.idx.msk [tilespmem:v56+s18+$0x0], $0xffff  }
0x1ca: {  	v56 =	vld.idx.msk [tilespmem:v56+s19+$0x0], $0xffff  }
0x1cb: {  	v62 =	vld.idx.msk [tilespmem:v57+s18+$0x0], $0xffff  }
0x1cc: {  	v57 =	vld.idx.msk [tilespmem:v57+s19+$0x0], $0xffff;
	_ =	sdelay $0x1  }
0x1cd: {  	v59 =	vmul.f32 v58, v59;
	v61 =	vmul.f32 v60, v61  }
0x1ce: {  	v55 =	vmul.f32 v58, v55;
	v56 =	vmul.f32 v60, v56  }
0x1cf: {  	v62 =	vmul.f32 v63, v62;
	v61 =	vadd.f32 v61, v59  }
0x1d0: {  	v60 =	vmul.f32 v63, v57;
	v55 =	vadd.f32 v56, v55  }
0x1d1: {  	vm7 =	vgt.s32 v8, $0xFFFFFFFF;
	v8 =	vadd.f32 v62, v61  }
0x1d2: {  	v61 =	vsel vm7, $0x3F800000, v5;
	v55 =	vadd.f32 v60, v55  }
0x1d3: {  	v8 =	vmul.f32 v8, v61  }
0x1d4: {  	v55 =	vmul.f32 v55, v61  }
0x1d5: {  	v8 =	vadd.f32 $1.000000000e+00, v8  }
0x1d6: {  	v55 =	vadd.f32 $1.000000000e+00, v55  }
0x1d7: {  	v8 =	vmul.f32 $2.240000000e+02, v8  }
0x1d8: {  	v55 =	vmul.f32 $2.240000000e+02, v55  }
0x1d9: {  	v8 =	vadd.f32 $-1.000000000e+00, v8  }
0x1da: {  	v55 =	vadd.f32 $-1.000000000e+00, v55  }
0x1db: {  	v8 =	vmul.f32 $5.000000000e-01, v8  }
0x1dc: {  	v55 =	vmul.f32 $5.000000000e-01, v55  }
0x1dd: {  	v8 =	vmax.f32 v8, $-8.000000000e+00  }
0x1de: {  	v55 =	vmax.f32 v55, $-8.000000000e+00;
	v8 =	vmin.f32 v8, $2.320000000e+02  }
0x1df: {  	v55 =	vmin.f32 v55, $2.320000000e+02;
	v62 =	vtrunc.f32 v8  }
0x1e0: {  	v63 =	vtrunc.f32 v55;
	v57 =	vcvt.f32.s32 v62;
	vm8 =	vlt.f32 v8, v62  }
0x1e1: {  	v60 =	vcvt.f32.s32 v63;
	vm9 =	vlt.f32 v55, v63;
	v61 =	vsel vm8, $0xFFFFFFFF, v4  }
0x1e2: {  	v62 =	vsel vm9, $0xFFFFFFFF, v4;
	v57 =	vadd.s32 v57, v61  }
0x1e3: {  	v56 =	vadd.s32 v60, v62;
	v58 =	vcvt.s32.f32 v57  }
0x1e4: {  	v59 =	vcvt.s32.f32 v56;
	vm0 =	vlt.u32 v57, $0xE0;
	v60 =	vadd.s32 $0x1, v57  }
0x1e5: {  	v61 =	vadd.s32 $0x1, v56;
	vm10 =	vgt.s32 v56, $0x0;
	vm13 =	vgt.s32 v57, $0x0  }
0x1e6: {  	vm14 =	vlt.u32 v56, $0xE0;
	vm9 =	veq.s32 v57, $0xFFFFFFFF;
	vm11 =	vlt.u32 v60, $0xE0  }
0x1e7: {  	v60 =	vnsel vm10, $0x0, v56;
	vm12 =	vgt.s32 v61, $0x0;
	v63 =	vnsel vm13, $0x0, v57  }
0x1e8: {  	vm15 =	vlt.u32 v61, $0xE0;
	vm8 =	vmand vm14, vm0;
	v8 =	vsub.f32 v8, v58  }
0x1e9: {  	v55 =	vsub.f32 v55, v59;
	v60 =	vmin.u32 v60, $0xDF;
	v62 =	vnsel vm12, $0x0, v61  }
0x1ea: {  	v56 =	vmin.u32 v63, $0xDF;
	v60 =	vmul.u32 $0xE0, v60;
	v62 =	vmin.u32 v62, $0xDF  }
0x1eb: {  	v58 =	vsub.f32 $1.000000000e+00, v8;
	v59 =	vsub.f32 $1.000000000e+00, v55;
	v62 =	vmul.u32 $0xE0, v62  }
0x1ec: {  	vm1 =	vmand vm14, vm11;
	vm0 =	vmand vm0, vm15;
	vm10 =	vmand vm15, vm11  }
0x1ed: {  	v60 =	vadd.s32 v56, v60;
	v56 =	vadd.s32 v56, v62;
	v61 =	vmul.f32 v58, v59  }
0x1ee: {  	v62 =	vsel vm8, $0x3F800000, v5;
	v57 =	vmul.f32 v59, v8;
	[tilespmem:$0x14B98] =	vst v60;
	v59 =	vsel vm9, $0x3F800000, v5  }
0x1ef: {  	v63 =	vmul.f32 v58, v55;
	[tilespmem:$0x14C18] =	vst v56;
	v60 =	vmul.f32 v61, v62;
	v61 =	vsel vm1, $0x3F800000, v5  }
0x1f0: {  	v8 =	vmul.f32 v8, v55;
	[tilespmem:$0x14E98] =	vst v59;
	v56 =	vmul.f32 v61, v57;
	v61 =	vsel vm0, $0x3F800000, v5  }
0x1f1: {  	[tilespmem:$0x14C98] =	vst v60;
	v62 =	vmul.f32 v61, v63;
	v63 =	vsel vm10, $0x3F800000, v5  }
0x1f2: {  	[tilespmem:$0x14D18] =	vst v56;
	v8 =	vmul.f32 v63, v8  }
0x1f3: {  	[tilespmem:$0x14D98] =	vst v62  }
0x1f4: {  	[tilespmem:$0x14E18] =	vst v8  }
0x1f5: {  	v8 =	vld [tilespmem:s2+$0x20];
	_ =	sdelay $0x4  }
0x1f6: {  	vm11 =	vgt.s32 v8, $0x0  }
0x1f7: {  	v60 =	vnsel vm11, $0x0, v8  }
0x1f8: {  	v55 =	vmul.u32 $0x3, v60;
	_ =	sdelay $0x2  }
0x1f9: {  	s5 =	sadd.s32 $0x120, s0;
	v61 =	vadd.s32 $0x1, v55  }
0x1fa: {  	v63 =	vadd.s32 s5, v6  }
0x1fb: {  	v58 =	vand.u32 $0x7FFFFFF8, v63;
	v62 =	vadd.s32 $0x2, v55  }
0x1fc: {  	s5 =	sadd.s32 $0x121, s0;
	v58 =	vor.u32 v7, v58;
	v55 =	vld.idx.msk [tilespmem:v55+s20+$0x0], $0xffff  }
0x1fd: {  	v60 =	vadd.s32 s5, v6;
	s5 =	sadd.s32 $0x122, s0  }
0x1fe: {  	v63 =	vadd.s32 s5, v6;
	v56 =	vld.idx.msk [tilespmem:v61+s20+$0x0], $0xffff;
	_ =	sdelay $0x1  }
0x1ff: {  	v57 =	vld.idx.msk [tilespmem:v62+s20+$0x0], $0xffff  }
0x200: {  	v58 =	vld.idx.msk [tilespmem:v58+s22+$0x0], $0xffff  }
0x201: {  	v60 =	vld.idx.msk [tilespmem:v60+s22+$0x0], $0xffff  }
0x202: {  	v63 =	vld.idx.msk [tilespmem:v63+s22+$0x0], $0xffff  }
0x203: {  	v59 =	vld.idx.msk [tilespmem:v55+s18+$0x0], $0xffff  }
0x204: {  	v55 =	vld.idx.msk [tilespmem:v55+s19+$0x0], $0xffff  }
0x205: {  	v61 =	vld.idx.msk [tilespmem:v56+s18+$0x0], $0xffff  }
0x206: {  	v56 =	vld.idx.msk [tilespmem:v56+s19+$0x0], $0xffff  }
0x207: {  	v62 =	vld.idx.msk [tilespmem:v57+s18+$0x0], $0xffff  }
0x208: {  	v57 =	vld.idx.msk [tilespmem:v57+s19+$0x0], $0xffff;
	_ =	sdelay $0x1  }
0x209: {  	v59 =	vmul.f32 v58, v59;
	v61 =	vmul.f32 v60, v61  }
0x20a: {  	v55 =	vmul.f32 v58, v55;
	v56 =	vmul.f32 v60, v56  }
0x20b: {  	v60 =	vadd.f32 v61, v59;
	v61 =	vmul.f32 v63, v62  }
0x20c: {  	v55 =	vadd.f32 v56, v55;
	v62 =	vmul.f32 v63, v57  }
0x20d: {  	vm12 =	vgt.s32 v8, $0xFFFFFFFF;
	v8 =	vadd.f32 v61, v60  }
0x20e: {  	v63 =	vsel vm12, $0x3F800000, v5;
	v55 =	vadd.f32 v62, v55  }
0x20f: {  	v8 =	vmul.f32 v8, v63  }
0x210: {  	v55 =	vmul.f32 v55, v63  }
0x211: {  	v8 =	vadd.f32 $1.000000000e+00, v8  }
0x212: {  	v55 =	vadd.f32 $1.000000000e+00, v55  }
0x213: {  	v8 =	vmul.f32 $2.240000000e+02, v8  }
0x214: {  	v55 =	vmul.f32 $2.240000000e+02, v55  }
0x215: {  	v8 =	vadd.f32 $-1.000000000e+00, v8  }
0x216: {  	v55 =	vadd.f32 $-1.000000000e+00, v55  }
0x217: {  	v8 =	vmul.f32 $5.000000000e-01, v8  }
0x218: {  	v55 =	vmul.f32 $5.000000000e-01, v55  }
0x219: {  	v8 =	vmax.f32 v8, $-8.000000000e+00  }
0x21a: {  	v55 =	vmax.f32 v55, $-8.000000000e+00;
	v8 =	vmin.f32 v8, $2.320000000e+02  }
0x21b: {  	v55 =	vmin.f32 v55, $2.320000000e+02;
	v60 =	vtrunc.f32 v8  }
0x21c: {  	v61 =	vtrunc.f32 v55;
	v57 =	vcvt.f32.s32 v60;
	vm13 =	vlt.f32 v8, v60  }
0x21d: {  	v62 =	vcvt.f32.s32 v61;
	vm14 =	vlt.f32 v55, v61;
	v63 =	vsel vm13, $0xFFFFFFFF, v4  }
0x21e: {  	v60 =	vsel vm14, $0xFFFFFFFF, v4;
	v57 =	vadd.s32 v57, v63  }
0x21f: {  	v56 =	vadd.s32 v62, v60;
	v58 =	vcvt.s32.f32 v57  }
0x220: {  	v59 =	vcvt.s32.f32 v56;
	vm15 =	vlt.u32 v57, $0xE0;
	v60 =	vadd.s32 $0x1, v57  }
0x221: {  	v61 =	vadd.s32 $0x1, v56;
	vm7 =	vgt.s32 v56, $0x0;
	vm10 =	vgt.s32 v57, $0x0  }
0x222: {  	vm11 =	vlt.u32 v56, $0xE0;
	vm14 =	veq.s32 v57, $0xFFFFFFFF;
	vm8 =	vlt.u32 v60, $0xE0  }
0x223: {  	v60 =	vnsel vm7, $0x0, v56;
	vm9 =	vgt.s32 v61, $0x0;
	v63 =	vnsel vm10, $0x0, v57  }
0x224: {  	v8 =	vsub.f32 v8, v58;
	v55 =	vsub.f32 v55, v59;
	v60 =	vmin.u32 v60, $0xDF  }
0x225: {  	vm12 =	vlt.u32 v61, $0xE0;
	v62 =	vnsel vm9, $0x0, v61;
	v60 =	vmul.u32 $0xE0, v60  }
0x226: {  	v62 =	vmin.u32 v62, $0xDF;
	v58 =	vsub.f32 $1.000000000e+00, v8;
	v59 =	vsub.f32 $1.000000000e+00, v55  }
0x227: {  	vm13 =	vmand vm11, vm15;
	v56 =	vmin.u32 v63, $0xDF;
	v62 =	vmul.u32 $0xE0, v62  }
0x228: {  	vm1 =	vmand vm11, vm8;
	v60 =	vadd.s32 v56, v60;
	v61 =	vmul.f32 v58, v59  }
0x229: {  	v56 =	vadd.s32 v56, v62;
	v62 =	vsel vm13, $0x3F800000, v5;
	v57 =	vmul.f32 v59, v8  }
0x22a: {  	vm0 =	vmand vm15, vm12;
	[tilespmem:$0x14BA8] =	vst v60;
	v60 =	vmul.f32 v61, v62;
	v61 =	vsel vm1, $0x3F800000, v5  }
0x22b: {  	v59 =	vsel vm14, $0x3F800000, v5;
	[tilespmem:$0x14C28] =	vst v56;
	v56 =	vmul.f32 v61, v57;
	v61 =	vmul.f32 v58, v55  }
0x22c: {  	vm15 =	vmand vm12, vm8;
	v8 =	vmul.f32 v8, v55;
	[tilespmem:$0x14EA8] =	vst v59;
	v62 =	vsel vm0, $0x3F800000, v5  }
0x22d: {  	[tilespmem:$0x14CA8] =	vst v60;
	v60 =	vsel vm15, $0x3F800000, v5;
	v63 =	vmul.f32 v62, v61  }
0x22e: {  	[tilespmem:$0x14D28] =	vst v56;
	v8 =	vmul.f32 v60, v8  }
0x22f: {  	[tilespmem:$0x14DA8] =	vst v63  }
0x230: {  	[tilespmem:$0x14E28] =	vst v8  }
0x231: {  	v8 =	vld [tilespmem:s2+$0x30];
	_ =	sdelay $0x4  }
0x232: {  	vm4 =	vgt.s32 v8, $0x0  }
0x233: {  	v61 =	vnsel vm4, $0x0, v8  }
0x234: {  	v55 =	vmul.u32 $0x3, v61;
	_ =	sdelay $0x1  }
0x235: {  	v62 =	vadd.s32 $0x1, v55  }
0x236: {  	v63 =	vadd.s32 $0x2, v55  }
0x237: {  	s5 =	sadd.s32 $0x150, s0  }
0x238: {  	v60 =	vadd.s32 s5, v6;
	s5 =	sadd.s32 $0x151, s0  }
0x239: {  	v58 =	vand.u32 $0x7FFFFFF8, v60;
	v60 =	vadd.s32 s5, v6;
	v55 =	vld.idx.msk [tilespmem:v55+s20+$0x0], $0xffff  }
0x23a: {  	s5 =	sadd.s32 $0x152, s0;
	v58 =	vor.u32 v7, v58;
	v56 =	vld.idx.msk [tilespmem:v62+s20+$0x0], $0xffff  }
0x23b: {  	v57 =	vld.idx.msk [tilespmem:v63+s20+$0x0], $0xffff;
	v63 =	vadd.s32 s5, v6;
	_ =	sdelay $0x2  }
0x23c: {  	v60 =	vld.idx.msk [tilespmem:v60+s22+$0x0], $0xffff  }
0x23d: {  	v58 =	vld.idx.msk [tilespmem:v58+s22+$0x0], $0xffff  }
0x23e: {  	v63 =	vld.idx.msk [tilespmem:v63+s22+$0x0], $0xffff  }
0x23f: {  	v59 =	vld.idx.msk [tilespmem:v55+s18+$0x0], $0xffff  }
0x240: {  	v55 =	vld.idx.msk [tilespmem:v55+s19+$0x0], $0xffff  }
0x241: {  	v61 =	vld.idx.msk [tilespmem:v56+s18+$0x0], $0xffff  }
0x242: {  	v56 =	vld.idx.msk [tilespmem:v56+s19+$0x0], $0xffff  }
0x243: {  	v62 =	vld.idx.msk [tilespmem:v57+s18+$0x0], $0xffff  }
0x244: {  	v57 =	vld.idx.msk [tilespmem:v57+s19+$0x0], $0xffff;
	_ =	sdelay $0x1  }
0x245: {  	v59 =	vmul.f32 v58, v59;
	v61 =	vmul.f32 v60, v61  }
0x246: {  	v55 =	vmul.f32 v58, v55;
	v56 =	vmul.f32 v60, v56  }
0x247: {  	v62 =	vmul.f32 v63, v62;
	v61 =	vadd.f32 v61, v59  }
0x248: {  	v63 =	vmul.f32 v63, v57;
	v55 =	vadd.f32 v56, v55  }
0x249: {  	vm5 =	vgt.s32 v8, $0xFFFFFFFF;
	v8 =	vadd.f32 v62, v61  }
0x24a: {  	v60 =	vsel vm5, $0x3F800000, v5;
	v55 =	vadd.f32 v63, v55  }
0x24b: {  	v8 =	vmul.f32 v8, v60  }
0x24c: {  	v55 =	vmul.f32 v55, v60  }
0x24d: {  	v8 =	vadd.f32 $1.000000000e+00, v8  }
0x24e: {  	v55 =	vadd.f32 $1.000000000e+00, v55  }
0x24f: {  	v8 =	vmul.f32 $2.240000000e+02, v8  }
0x250: {  	v55 =	vmul.f32 $2.240000000e+02, v55  }
0x251: {  	v8 =	vadd.f32 $-1.000000000e+00, v8  }
0x252: {  	v55 =	vadd.f32 $-1.000000000e+00, v55  }
0x253: {  	v8 =	vmul.f32 $5.000000000e-01, v8  }
0x254: {  	v55 =	vmul.f32 $5.000000000e-01, v55  }
0x255: {  	v8 =	vmax.f32 v8, $-8.000000000e+00  }
0x256: {  	v55 =	vmax.f32 v55, $-8.000000000e+00;
	v8 =	vmin.f32 v8, $2.320000000e+02  }
0x257: {  	v55 =	vmin.f32 v55, $2.320000000e+02;
	v61 =	vtrunc.f32 v8  }
0x258: {  	v62 =	vtrunc.f32 v55;
	v57 =	vcvt.f32.s32 v61;
	vm6 =	vlt.f32 v8, v61  }
0x259: {  	v63 =	vcvt.f32.s32 v62;
	vm7 =	vlt.f32 v55, v62;
	v60 =	vsel vm6, $0xFFFFFFFF, v4  }
0x25a: {  	v61 =	vsel vm7, $0xFFFFFFFF, v4;
	v57 =	vadd.s32 v57, v60  }
0x25b: {  	v56 =	vadd.s32 v63, v61;
	v58 =	vcvt.s32.f32 v57  }
0x25c: {  	v59 =	vcvt.s32.f32 v56;
	vm0 =	vlt.u32 v57, $0xE0;
	v60 =	vadd.s32 $0x1, v57  }
0x25d: {  	v61 =	vadd.s32 $0x1, v56;
	vm8 =	vgt.s32 v56, $0x0;
	vm11 =	vgt.s32 v57, $0x0  }
0x25e: {  	vm12 =	vlt.u32 v56, $0xE0;
	vm15 =	veq.s32 v57, $0xFFFFFFFF;
	vm9 =	vlt.u32 v60, $0xE0  }
0x25f: {  	v60 =	vnsel vm8, $0x0, v56;
	vm10 =	vgt.s32 v61, $0x0;
	v63 =	vnsel vm11, $0x0, v57  }
0x260: {  	vm13 =	vlt.u32 v61, $0xE0;
	vm14 =	vmand vm12, vm0;
	v8 =	vsub.f32 v8, v58  }
0x261: {  	v55 =	vsub.f32 v55, v59;
	v60 =	vmin.u32 v60, $0xDF;
	v62 =	vnsel vm10, $0x0, v61  }
0x262: {  	v56 =	vmin.u32 v63, $0xDF;
	v60 =	vmul.u32 $0xE0, v60;
	v62 =	vmin.u32 v62, $0xDF  }
0x263: {  	v58 =	vsub.f32 $1.000000000e+00, v8;
	v59 =	vsub.f32 $1.000000000e+00, v55;
	v62 =	vmul.u32 $0xE0, v62  }
0x264: {  	vm1 =	vmand vm12, vm9;
	vm0 =	vmand vm0, vm13;
	vm7 =	vmand vm13, vm9  }
0x265: {  	v60 =	vadd.s32 v56, v60;
	v56 =	vadd.s32 v56, v62;
	v61 =	vmul.f32 v58, v59  }
0x266: {  	v62 =	vsel vm14, $0x3F800000, v5;
	v57 =	vmul.f32 v59, v8;
	[tilespmem:$0x14BB8] =	vst v60;
	v59 =	vsel vm15, $0x3F800000, v5  }
0x267: {  	[tilespmem:$0x14C38] =	vst v56;
	v60 =	vmul.f32 v61, v62;
	v61 =	vsel vm1, $0x3F800000, v5;
	v62 =	vmul.f32 v58, v55  }
0x268: {  	v63 =	vsel vm0, $0x3F800000, v5;
	v8 =	vmul.f32 v8, v55;
	[tilespmem:$0x14EB8] =	vst v59;
	v56 =	vmul.f32 v61, v57  }
0x269: {  	[tilespmem:$0x14CB8] =	vst v60;
	v61 =	vmul.f32 v63, v62;
	v62 =	vsel vm7, $0x3F800000, v5  }
0x26a: {  	[tilespmem:$0x14D38] =	vst v56;
	v8 =	vmul.f32 v62, v8  }
0x26b: {  	[tilespmem:$0x14DB8] =	vst v61  }
0x26c: {  	s25 =	rddreg [dreg:$0x5];
	[tilespmem:$0x14E38] =	vst v8  }
0x26d: {  	[tilespmem:s29], [sflag:$0x1] =	stream.indirect.gather [spmem:s3], $0x8, s25, s28, $0xb8;
	[tilespmem:$0x1BA48] =	vst v63  }
0x26e: {  	s5 =	rddreg [dreg:$0x6]  }
0x26f: {  	[tilespmem:s30], [sflag:$0x1] =	stream.indirect.gather [spmem:s3], $0x8, s5, s28, $0xb8;
	[tilespmem:$0x1BA48] =	vst v63  }
0x270: {  	_ =	swait.ge [sflag:s31], $0x400  }
0x271: {  	[sflag:s31] =	ssyncset.done $0x0  }
0x272: {  	[sflag:s31] =	ssyncadd.s32 $0xFFFFFC00  }
0x273: {  	_ =	swait.ge [sflag:s31], $0x400  }
0x274: {  	[sflag:s31] =	ssyncset.done $0x0  }
0x275: {  	[sflag:s31] =	ssyncadd.s32 $0xFFFFFC00  }
0x276: {  	v8 =	vld [tilespmem:$0x14C48]  }
0x277: {  	v55 =	vld [tilespmem:$0x14E48]  }
0x278: {  	v56 =	vld.idx.msk [tilespmem:v24+s29+$0x0], $0xffff  }
0x279: {  	v57 =	vld.idx.msk [tilespmem:v9+s29+$0x0], $0xffff  }
0x27a: {  	v58 =	vld [tilespmem:$0x14CC8]  }
0x27b: {  	v59 =	vld [tilespmem:$0x14D48]  }
0x27c: {  	v60 =	vld.idx.msk [tilespmem:v24+s30+$0x0], $0xffff  }
0x27d: {  	vm8 =	vgt.f32 v55, $5.000000000e-01;
	v55 =	vld.idx.msk [tilespmem:v9+s30+$0x0], $0xffff  }
0x27e: {  	v61 =	vld [tilespmem:$0x14DC8];
	v57 =	vsel vm8, v56, v57  }
0x27f: {  	v56 =	vmul.f32 v56, v8;
	v57 =	vmul.f32 v57, v58  }
0x280: {  	v62 =	vld [tilespmem:s21+$0xFFFFFFC0]  }
0x281: {  	v63 =	vmul.f32 v60, v59;
	v56 =	vadd.f32 v57, v56  }
0x282: {  	v55 =	vsel vm8, v60, v55  }
0x283: {  	v56 =	vadd.f32 v56, v63;
	v55 =	vmul.f32 v55, v61;
	_ =	sdelay $0x1  }
0x284: {  	v60 =	vsub.f32 $1.000000000e+00, v62;
	v55 =	vadd.f32 v55, v56;
	_ =	sdelay $0x1  }
0x285: {  	v56 =	vmul.f32 $6.999999880e-01, v60;
	v55 =	vmul.f32 v55, v62;
	_ =	sdelay $0x1  }
0x286: {  	v55 =	vadd.f32 v55, v56;
	_ =	sdelay $0x1  }
0x287: {  	v55 =	vmul.f32 $2.550000000e+02, v55;
	_ =	sdelay $0x1  }
0x288: {  	v55 =	vmax.f32 v55, $0.0e+00  }
0x289: {  	v55 =	vmin.f32 v55, $2.550000000e+02  }
0x28a: {  	[tilespmem:$0x156C8] =	vst v55  }
0x28b: {  	v55 =	vld.idx.msk [tilespmem:v10+s29+$0x0], $0xffff  }
0x28c: {  	v57 =	vld.idx.msk [tilespmem:v11+s29+$0x0], $0xffff;
	_ =	sdelay $0x2  }
0x28d: {  	v60 =	vld.idx.msk [tilespmem:v10+s30+$0x0], $0xffff  }
0x28e: {  	v63 =	vld.idx.msk [tilespmem:v11+s30+$0x0], $0xffff  }
0x28f: {  	v57 =	vsel vm8, v55, v57  }
0x290: {  	v55 =	vmul.f32 v55, v8;
	v57 =	vmul.f32 v57, v58;
	_ =	sdelay $0x1  }
0x291: {  	v55 =	vadd.f32 v57, v55;
	v57 =	vmul.f32 v60, v59  }
0x292: {  	v60 =	vsel vm8, v60, v63  }
0x293: {  	v63 =	vmul.f32 v60, v61;
	v55 =	vadd.f32 v55, v57;
	_ =	sdelay $0x1  }
0x294: {  	v55 =	vadd.f32 v63, v55;
	_ =	sdelay $0x1  }
0x295: {  	v55 =	vmul.f32 v55, v62;
	_ =	sdelay $0x1  }
0x296: {  	v55 =	vadd.f32 v55, v56;
	_ =	sdelay $0x1  }
0x297: {  	v55 =	vmul.f32 $2.550000000e+02, v55;
	_ =	sdelay $0x1  }
0x298: {  	v55 =	vmax.f32 v55, $0.0e+00  }
0x299: {  	v55 =	vmin.f32 v55, $2.550000000e+02  }
0x29a: {  	[tilespmem:$0x15748] =	vst v55  }
0x29b: {  	v55 =	vld.idx.msk [tilespmem:v12+s29+$0x0], $0xffff  }
0x29c: {  	v57 =	vld.idx.msk [tilespmem:v13+s29+$0x0], $0xffff;
	_ =	sdelay $0x2  }
0x29d: {  	v60 =	vld.idx.msk [tilespmem:v12+s30+$0x0], $0xffff  }
0x29e: {  	v63 =	vld.idx.msk [tilespmem:v13+s30+$0x0], $0xffff  }
0x29f: {  	v57 =	vsel vm8, v55, v57  }
0x2a0: {  	v8 =	vmul.f32 v55, v8;
	v58 =	vmul.f32 v57, v58;
	_ =	sdelay $0x1  }
0x2a1: {  	v55 =	vmul.f32 v60, v59;
	v8 =	vadd.f32 v58, v8  }
0x2a2: {  	v60 =	vsel vm8, v60, v63  }
0x2a3: {  	v61 =	vmul.f32 v60, v61;
	v8 =	vadd.f32 v8, v55;
	_ =	sdelay $0x1  }
0x2a4: {  	v8 =	vadd.f32 v61, v8;
	_ =	sdelay $0x1  }
0x2a5: {  	v8 =	vmul.f32 v8, v62;
	_ =	sdelay $0x1  }
0x2a6: {  	v8 =	vadd.f32 v8, v56;
	_ =	sdelay $0x1  }
0x2a7: {  	v8 =	vmul.f32 $2.550000000e+02, v8;
	_ =	sdelay $0x1  }
0x2a8: {  	v8 =	vmax.f32 v8, $0.0e+00  }
0x2a9: {  	v58 =	vld [tilespmem:$0x14CD8];
	v8 =	vmin.f32 v8, $2.550000000e+02  }
0x2aa: {  	[tilespmem:$0x157C8] =	vst v8;
	v8 =	vld [tilespmem:$0x14E58]  }
0x2ab: {  	v56 =	vld.idx.msk [tilespmem:v14+s29+$0x0], $0xffff  }
0x2ac: {  	v57 =	vld.idx.msk [tilespmem:v15+s29+$0x0], $0xffff  }
0x2ad: {  	v55 =	vld [tilespmem:$0x14C58]  }
0x2ae: {  	v59 =	vld [tilespmem:$0x14D58]  }
0x2af: {  	v60 =	vld.idx.msk [tilespmem:v14+s30+$0x0], $0xffff  }
0x2b0: {  	vm9 =	vgt.f32 v8, $5.000000000e-01;
	v8 =	vld.idx.msk [tilespmem:v15+s30+$0x0], $0xffff  }
0x2b1: {  	v61 =	vld [tilespmem:$0x14DD8];
	v57 =	vsel vm9, v56, v57  }
0x2b2: {  	v56 =	vmul.f32 v56, v55;
	v57 =	vmul.f32 v57, v58  }
0x2b3: {  	v62 =	vld [tilespmem:s21+$0xFFFFFFD0]  }
0x2b4: {  	v63 =	vmul.f32 v60, v59;
	v56 =	vadd.f32 v57, v56  }
0x2b5: {  	v8 =	vsel vm9, v60, v8  }
0x2b6: {  	v56 =	vadd.f32 v56, v63;
	v8 =	vmul.f32 v8, v61;
	_ =	sdelay $0x1  }
0x2b7: {  	v60 =	vsub.f32 $1.000000000e+00, v62;
	v8 =	vadd.f32 v8, v56;
	_ =	sdelay $0x1  }
0x2b8: {  	v56 =	vmul.f32 $6.999999880e-01, v60;
	v8 =	vmul.f32 v8, v62;
	_ =	sdelay $0x1  }
0x2b9: {  	v8 =	vadd.f32 v8, v56;
	_ =	sdelay $0x1  }
0x2ba: {  	v8 =	vmul.f32 $2.550000000e+02, v8;
	_ =	sdelay $0x1  }
0x2bb: {  	v8 =	vmax.f32 v8, $0.0e+00  }
0x2bc: {  	v8 =	vmin.f32 v8, $2.550000000e+02  }
0x2bd: {  	[tilespmem:$0x156D8] =	vst v8  }
0x2be: {  	v8 =	vld.idx.msk [tilespmem:v16+s29+$0x0], $0xffff  }
0x2bf: {  	v57 =	vld.idx.msk [tilespmem:v17+s29+$0x0], $0xffff;
	_ =	sdelay $0x2  }
0x2c0: {  	v60 =	vld.idx.msk [tilespmem:v16+s30+$0x0], $0xffff  }
0x2c1: {  	v63 =	vld.idx.msk [tilespmem:v17+s30+$0x0], $0xffff  }
0x2c2: {  	v57 =	vsel vm9, v8, v57  }
0x2c3: {  	v8 =	vmul.f32 v8, v55;
	v57 =	vmul.f32 v57, v58;
	_ =	sdelay $0x1  }
0x2c4: {  	v8 =	vadd.f32 v57, v8;
	v57 =	vmul.f32 v60, v59  }
0x2c5: {  	v60 =	vsel vm9, v60, v63  }
0x2c6: {  	v63 =	vmul.f32 v60, v61;
	v8 =	vadd.f32 v8, v57;
	_ =	sdelay $0x1  }
0x2c7: {  	v8 =	vadd.f32 v63, v8;
	_ =	sdelay $0x1  }
0x2c8: {  	v8 =	vmul.f32 v8, v62;
	_ =	sdelay $0x1  }
0x2c9: {  	v8 =	vadd.f32 v8, v56;
	_ =	sdelay $0x1  }
0x2ca: {  	v8 =	vmul.f32 $2.550000000e+02, v8;
	_ =	sdelay $0x1  }
0x2cb: {  	v8 =	vmax.f32 v8, $0.0e+00  }
0x2cc: {  	v8 =	vmin.f32 v8, $2.550000000e+02  }
0x2cd: {  	[tilespmem:$0x15758] =	vst v8  }
0x2ce: {  	v8 =	vld.idx.msk [tilespmem:v18+s29+$0x0], $0xffff  }
0x2cf: {  	v57 =	vld.idx.msk [tilespmem:v19+s29+$0x0], $0xffff;
	_ =	sdelay $0x2  }
0x2d0: {  	v60 =	vld.idx.msk [tilespmem:v18+s30+$0x0], $0xffff  }
0x2d1: {  	v63 =	vld.idx.msk [tilespmem:v19+s30+$0x0], $0xffff  }
0x2d2: {  	v57 =	vsel vm9, v8, v57  }
0x2d3: {  	v8 =	vmul.f32 v8, v55;
	v58 =	vmul.f32 v57, v58;
	_ =	sdelay $0x1  }
0x2d4: {  	v55 =	vmul.f32 v60, v59;
	v8 =	vadd.f32 v58, v8  }
0x2d5: {  	v60 =	vsel vm9, v60, v63  }
0x2d6: {  	v61 =	vmul.f32 v60, v61;
	v8 =	vadd.f32 v8, v55;
	_ =	sdelay $0x1  }
0x2d7: {  	v8 =	vadd.f32 v61, v8;
	_ =	sdelay $0x1  }
0x2d8: {  	v8 =	vmul.f32 v8, v62;
	_ =	sdelay $0x1  }
0x2d9: {  	v8 =	vadd.f32 v8, v56;
	_ =	sdelay $0x1  }
0x2da: {  	v8 =	vmul.f32 $2.550000000e+02, v8;
	_ =	sdelay $0x1  }
0x2db: {  	v8 =	vmax.f32 v8, $0.0e+00  }
0x2dc: {  	v58 =	vld [tilespmem:$0x14CE8];
	v8 =	vmin.f32 v8, $2.550000000e+02  }
0x2dd: {  	[tilespmem:$0x157D8] =	vst v8;
	v8 =	vld [tilespmem:$0x14E68]  }
0x2de: {  	v56 =	vld.idx.msk [tilespmem:v20+s29+$0x0], $0xffff  }
0x2df: {  	v57 =	vld.idx.msk [tilespmem:v21+s29+$0x0], $0xffff  }
0x2e0: {  	v55 =	vld [tilespmem:$0x14C68]  }
0x2e1: {  	v59 =	vld [tilespmem:$0x14D68]  }
0x2e2: {  	v60 =	vld.idx.msk [tilespmem:v20+s30+$0x0], $0xffff  }
0x2e3: {  	vm10 =	vgt.f32 v8, $5.000000000e-01;
	v8 =	vld.idx.msk [tilespmem:v21+s30+$0x0], $0xffff  }
0x2e4: {  	v61 =	vld [tilespmem:$0x14DE8];
	v57 =	vsel vm10, v56, v57  }
0x2e5: {  	v56 =	vmul.f32 v56, v55;
	v57 =	vmul.f32 v57, v58  }
0x2e6: {  	v62 =	vld [tilespmem:s21+$0xFFFFFFE0]  }
0x2e7: {  	v63 =	vmul.f32 v60, v59;
	v56 =	vadd.f32 v57, v56  }
0x2e8: {  	v8 =	vsel vm10, v60, v8  }
0x2e9: {  	v56 =	vadd.f32 v56, v63;
	v8 =	vmul.f32 v8, v61;
	_ =	sdelay $0x1  }
0x2ea: {  	v60 =	vsub.f32 $1.000000000e+00, v62;
	v8 =	vadd.f32 v8, v56;
	_ =	sdelay $0x1  }
0x2eb: {  	v56 =	vmul.f32 $6.999999880e-01, v60;
	v8 =	vmul.f32 v8, v62;
	_ =	sdelay $0x1  }
0x2ec: {  	v8 =	vadd.f32 v8, v56;
	_ =	sdelay $0x1  }
0x2ed: {  	v8 =	vmul.f32 $2.550000000e+02, v8;
	_ =	sdelay $0x1  }
0x2ee: {  	v8 =	vmax.f32 v8, $0.0e+00  }
0x2ef: {  	v8 =	vmin.f32 v8, $2.550000000e+02  }
0x2f0: {  	[tilespmem:$0x156E8] =	vst v8  }
0x2f1: {  	v8 =	vld.idx.msk [tilespmem:v22+s29+$0x0], $0xffff  }
0x2f2: {  	v57 =	vld.idx.msk [tilespmem:v23+s29+$0x0], $0xffff;
	_ =	sdelay $0x2  }
0x2f3: {  	v60 =	vld.idx.msk [tilespmem:v22+s30+$0x0], $0xffff  }
0x2f4: {  	v63 =	vld.idx.msk [tilespmem:v23+s30+$0x0], $0xffff  }
0x2f5: {  	v57 =	vsel vm10, v8, v57  }
0x2f6: {  	v8 =	vmul.f32 v8, v55;
	v57 =	vmul.f32 v57, v58;
	_ =	sdelay $0x1  }
0x2f7: {  	v8 =	vadd.f32 v57, v8;
	v57 =	vmul.f32 v60, v59  }
0x2f8: {  	v60 =	vsel vm10, v60, v63  }
0x2f9: {  	v63 =	vmul.f32 v60, v61;
	v8 =	vadd.f32 v8, v57;
	_ =	sdelay $0x1  }
0x2fa: {  	v8 =	vadd.f32 v63, v8;
	_ =	sdelay $0x1  }
0x2fb: {  	v8 =	vmul.f32 v8, v62;
	_ =	sdelay $0x1  }
0x2fc: {  	v8 =	vadd.f32 v8, v56;
	_ =	sdelay $0x1  }
0x2fd: {  	v8 =	vmul.f32 $2.550000000e+02, v8;
	_ =	sdelay $0x1  }
0x2fe: {  	v8 =	vmax.f32 v8, $0.0e+00  }
0x2ff: {  	v8 =	vmin.f32 v8, $2.550000000e+02  }
0x300: {  	[tilespmem:$0x15768] =	vst v8  }
0x301: {  	v8 =	vld.idx.msk [tilespmem:v3+s29+$0x0], $0xffff  }
0x302: {  	v57 =	vld.idx.msk [tilespmem:v25+s29+$0x0], $0xffff;
	_ =	sdelay $0x2  }
0x303: {  	v60 =	vld.idx.msk [tilespmem:v3+s30+$0x0], $0xffff  }
0x304: {  	v63 =	vld.idx.msk [tilespmem:v25+s30+$0x0], $0xffff  }
0x305: {  	v57 =	vsel vm10, v8, v57  }
0x306: {  	v8 =	vmul.f32 v8, v55;
	v58 =	vmul.f32 v57, v58;
	_ =	sdelay $0x1  }
0x307: {  	v55 =	vmul.f32 v60, v59;
	v8 =	vadd.f32 v58, v8  }
0x308: {  	v60 =	vsel vm10, v60, v63  }
0x309: {  	v61 =	vmul.f32 v60, v61;
	v8 =	vadd.f32 v8, v55;
	_ =	sdelay $0x1  }
0x30a: {  	v8 =	vadd.f32 v61, v8;
	_ =	sdelay $0x1  }
0x30b: {  	v8 =	vmul.f32 v8, v62;
	_ =	sdelay $0x1  }
0x30c: {  	v8 =	vadd.f32 v8, v56;
	_ =	sdelay $0x1  }
0x30d: {  	v8 =	vmul.f32 $2.550000000e+02, v8;
	_ =	sdelay $0x1  }
0x30e: {  	v8 =	vmax.f32 v8, $0.0e+00  }
0x30f: {  	v58 =	vld [tilespmem:$0x14CF8];
	v8 =	vmin.f32 v8, $2.550000000e+02  }
0x310: {  	[tilespmem:$0x157E8] =	vst v8;
	v8 =	vld [tilespmem:$0x14E78]  }
0x311: {  	v56 =	vld.idx.msk [tilespmem:v26+s29+$0x0], $0xffff  }
0x312: {  	v57 =	vld.idx.msk [tilespmem:v27+s29+$0x0], $0xffff  }
0x313: {  	v55 =	vld [tilespmem:$0x14C78]  }
0x314: {  	v59 =	vld [tilespmem:$0x14D78]  }
0x315: {  	v60 =	vld.idx.msk [tilespmem:v26+s30+$0x0], $0xffff  }
0x316: {  	vm11 =	vgt.f32 v8, $5.000000000e-01;
	v8 =	vld.idx.msk [tilespmem:v27+s30+$0x0], $0xffff  }
0x317: {  	v61 =	vld [tilespmem:$0x14DF8];
	v57 =	vsel vm11, v56, v57  }
0x318: {  	v56 =	vmul.f32 v56, v55;
	v57 =	vmul.f32 v57, v58  }
0x319: {  	v62 =	vld [tilespmem:s21+$0xFFFFFFF0]  }
0x31a: {  	v63 =	vmul.f32 v60, v59;
	v56 =	vadd.f32 v57, v56  }
0x31b: {  	v8 =	vsel vm11, v60, v8  }
0x31c: {  	v56 =	vadd.f32 v56, v63;
	v8 =	vmul.f32 v8, v61;
	_ =	sdelay $0x1  }
0x31d: {  	v60 =	vsub.f32 $1.000000000e+00, v62;
	v8 =	vadd.f32 v8, v56;
	_ =	sdelay $0x1  }
0x31e: {  	v56 =	vmul.f32 $6.999999880e-01, v60;
	v8 =	vmul.f32 v8, v62;
	_ =	sdelay $0x1  }
0x31f: {  	v8 =	vadd.f32 v8, v56;
	_ =	sdelay $0x1  }
0x320: {  	v8 =	vmul.f32 $2.550000000e+02, v8;
	_ =	sdelay $0x1  }
0x321: {  	v8 =	vmax.f32 v8, $0.0e+00  }
0x322: {  	v8 =	vmin.f32 v8, $2.550000000e+02  }
0x323: {  	[tilespmem:$0x156F8] =	vst v8  }
0x324: {  	v8 =	vld.idx.msk [tilespmem:v28+s29+$0x0], $0xffff  }
0x325: {  	v57 =	vld.idx.msk [tilespmem:v29+s29+$0x0], $0xffff;
	_ =	sdelay $0x2  }
0x326: {  	v60 =	vld.idx.msk [tilespmem:v28+s30+$0x0], $0xffff  }
0x327: {  	v63 =	vld.idx.msk [tilespmem:v29+s30+$0x0], $0xffff  }
0x328: {  	v57 =	vsel vm11, v8, v57  }
0x329: {  	v8 =	vmul.f32 v8, v55;
	v57 =	vmul.f32 v57, v58;
	_ =	sdelay $0x1  }
0x32a: {  	v8 =	vadd.f32 v57, v8;
	v57 =	vmul.f32 v60, v59  }
0x32b: {  	v60 =	vsel vm11, v60, v63  }
0x32c: {  	v63 =	vmul.f32 v60, v61;
	v8 =	vadd.f32 v8, v57;
	_ =	sdelay $0x1  }
0x32d: {  	v8 =	vadd.f32 v63, v8;
	_ =	sdelay $0x1  }
0x32e: {  	v8 =	vmul.f32 v8, v62;
	_ =	sdelay $0x1  }
0x32f: {  	v8 =	vadd.f32 v8, v56;
	_ =	sdelay $0x1  }
0x330: {  	v8 =	vmul.f32 $2.550000000e+02, v8;
	_ =	sdelay $0x1  }
0x331: {  	v8 =	vmax.f32 v8, $0.0e+00  }
0x332: {  	v8 =	vmin.f32 v8, $2.550000000e+02  }
0x333: {  	[tilespmem:$0x15778] =	vst v8  }
0x334: {  	v8 =	vld.idx.msk [tilespmem:v30+s29+$0x0], $0xffff  }
0x335: {  	v57 =	vld.idx.msk [tilespmem:v31+s29+$0x0], $0xffff;
	_ =	sdelay $0x2  }
0x336: {  	v60 =	vld.idx.msk [tilespmem:v30+s30+$0x0], $0xffff  }
0x337: {  	v63 =	vld.idx.msk [tilespmem:v31+s30+$0x0], $0xffff  }
0x338: {  	v57 =	vsel vm11, v8, v57  }
0x339: {  	v8 =	vmul.f32 v8, v55;
	v58 =	vmul.f32 v57, v58;
	_ =	sdelay $0x1  }
0x33a: {  	v55 =	vmul.f32 v60, v59;
	v8 =	vadd.f32 v58, v8  }
0x33b: {  	v60 =	vsel vm11, v60, v63  }
0x33c: {  	v61 =	vmul.f32 v60, v61;
	v8 =	vadd.f32 v8, v55;
	_ =	sdelay $0x1  }
0x33d: {  	v8 =	vadd.f32 v61, v8;
	_ =	sdelay $0x1  }
0x33e: {  	v8 =	vmul.f32 v8, v62;
	_ =	sdelay $0x1  }
0x33f: {  	v8 =	vadd.f32 v8, v56;
	_ =	sdelay $0x1  }
0x340: {  	v8 =	vmul.f32 $2.550000000e+02, v8;
	_ =	sdelay $0x1  }
0x341: {  	v8 =	vmax.f32 v8, $0.0e+00  }
0x342: {  	v58 =	vld [tilespmem:$0x14D08];
	v8 =	vmin.f32 v8, $2.550000000e+02  }
0x343: {  	[tilespmem:$0x157F8] =	vst v8;
	v8 =	vld [tilespmem:$0x14E88]  }
0x344: {  	v56 =	vld.idx.msk [tilespmem:v32+s29+$0x0], $0xffff  }
0x345: {  	v57 =	vld.idx.msk [tilespmem:v33+s29+$0x0], $0xffff  }
0x346: {  	v55 =	vld [tilespmem:$0x14C88]  }
0x347: {  	v59 =	vld [tilespmem:$0x14D88]  }
0x348: {  	v60 =	vld.idx.msk [tilespmem:v32+s30+$0x0], $0xffff  }
0x349: {  	vm12 =	vgt.f32 v8, $5.000000000e-01;
	v8 =	vld.idx.msk [tilespmem:v33+s30+$0x0], $0xffff  }
0x34a: {  	v61 =	vld [tilespmem:$0x14E08];
	v57 =	vsel vm12, v56, v57  }
0x34b: {  	v56 =	vmul.f32 v56, v55;
	v57 =	vmul.f32 v57, v58  }
0x34c: {  	v62 =	vld [tilespmem:s21+$0x0]  }
0x34d: {  	v63 =	vmul.f32 v60, v59;
	v56 =	vadd.f32 v57, v56  }
0x34e: {  	v8 =	vsel vm12, v60, v8  }
0x34f: {  	v56 =	vadd.f32 v56, v63;
	v8 =	vmul.f32 v8, v61;
	_ =	sdelay $0x1  }
0x350: {  	v60 =	vsub.f32 $1.000000000e+00, v62;
	v8 =	vadd.f32 v8, v56;
	_ =	sdelay $0x1  }
0x351: {  	v56 =	vmul.f32 $6.999999880e-01, v60;
	v8 =	vmul.f32 v8, v62;
	_ =	sdelay $0x1  }
0x352: {  	v8 =	vadd.f32 v8, v56;
	_ =	sdelay $0x1  }
0x353: {  	v8 =	vmul.f32 $2.550000000e+02, v8;
	_ =	sdelay $0x1  }
0x354: {  	v8 =	vmax.f32 v8, $0.0e+00  }
0x355: {  	v8 =	vmin.f32 v8, $2.550000000e+02  }
0x356: {  	[tilespmem:$0x15708] =	vst v8  }
0x357: {  	v8 =	vld.idx.msk [tilespmem:v34+s29+$0x0], $0xffff  }
0x358: {  	v57 =	vld.idx.msk [tilespmem:v35+s29+$0x0], $0xffff;
	_ =	sdelay $0x2  }
0x359: {  	v60 =	vld.idx.msk [tilespmem:v34+s30+$0x0], $0xffff  }
0x35a: {  	v63 =	vld.idx.msk [tilespmem:v35+s30+$0x0], $0xffff  }
0x35b: {  	v57 =	vsel vm12, v8, v57  }
0x35c: {  	v8 =	vmul.f32 v8, v55;
	v57 =	vmul.f32 v57, v58;
	_ =	sdelay $0x1  }
0x35d: {  	v8 =	vadd.f32 v57, v8;
	v57 =	vmul.f32 v60, v59  }
0x35e: {  	v60 =	vsel vm12, v60, v63  }
0x35f: {  	v63 =	vmul.f32 v60, v61;
	v8 =	vadd.f32 v8, v57;
	_ =	sdelay $0x1  }
0x360: {  	v8 =	vadd.f32 v63, v8;
	_ =	sdelay $0x1  }
0x361: {  	v8 =	vmul.f32 v8, v62;
	_ =	sdelay $0x1  }
0x362: {  	v8 =	vadd.f32 v8, v56;
	_ =	sdelay $0x1  }
0x363: {  	v8 =	vmul.f32 $2.550000000e+02, v8;
	_ =	sdelay $0x1  }
0x364: {  	v8 =	vmax.f32 v8, $0.0e+00  }
0x365: {  	v8 =	vmin.f32 v8, $2.550000000e+02  }
0x366: {  	[tilespmem:$0x15788] =	vst v8  }
0x367: {  	v8 =	vld.idx.msk [tilespmem:v36+s29+$0x0], $0xffff  }
0x368: {  	v57 =	vld.idx.msk [tilespmem:v37+s29+$0x0], $0xffff;
	_ =	sdelay $0x2  }
0x369: {  	v60 =	vld.idx.msk [tilespmem:v36+s30+$0x0], $0xffff  }
0x36a: {  	v63 =	vld.idx.msk [tilespmem:v37+s30+$0x0], $0xffff  }
0x36b: {  	v57 =	vsel vm12, v8, v57  }
0x36c: {  	v8 =	vmul.f32 v8, v55;
	v58 =	vmul.f32 v57, v58;
	_ =	sdelay $0x1  }
0x36d: {  	v55 =	vmul.f32 v60, v59;
	v8 =	vadd.f32 v58, v8  }
0x36e: {  	v60 =	vsel vm12, v60, v63  }
0x36f: {  	v61 =	vmul.f32 v60, v61;
	v8 =	vadd.f32 v8, v55;
	_ =	sdelay $0x1  }
0x370: {  	v8 =	vadd.f32 v61, v8;
	_ =	sdelay $0x1  }
0x371: {  	v8 =	vmul.f32 v8, v62;
	_ =	sdelay $0x1  }
0x372: {  	v8 =	vadd.f32 v8, v56;
	_ =	sdelay $0x1  }
0x373: {  	v8 =	vmul.f32 $2.550000000e+02, v8;
	_ =	sdelay $0x1  }
0x374: {  	v8 =	vmax.f32 v8, $0.0e+00  }
0x375: {  	v58 =	vld [tilespmem:$0x14D18];
	v8 =	vmin.f32 v8, $2.550000000e+02  }
0x376: {  	[tilespmem:$0x15808] =	vst v8;
	v8 =	vld [tilespmem:$0x14E98]  }
0x377: {  	v56 =	vld.idx.msk [tilespmem:v38+s29+$0x0], $0xffff  }
0x378: {  	v57 =	vld.idx.msk [tilespmem:v39+s29+$0x0], $0xffff  }
0x379: {  	v55 =	vld [tilespmem:$0x14C98]  }
0x37a: {  	v59 =	vld [tilespmem:$0x14D98]  }
0x37b: {  	v60 =	vld.idx.msk [tilespmem:v38+s30+$0x0], $0xffff  }
0x37c: {  	vm13 =	vgt.f32 v8, $5.000000000e-01;
	v8 =	vld.idx.msk [tilespmem:v39+s30+$0x0], $0xffff  }
0x37d: {  	v61 =	vld [tilespmem:$0x14E18];
	v57 =	vsel vm13, v56, v57  }
0x37e: {  	v56 =	vmul.f32 v56, v55;
	v57 =	vmul.f32 v57, v58  }
0x37f: {  	v62 =	vld [tilespmem:s21+$0x10]  }
0x380: {  	v63 =	vmul.f32 v60, v59;
	v56 =	vadd.f32 v57, v56  }
0x381: {  	v8 =	vsel vm13, v60, v8  }
0x382: {  	v56 =	vadd.f32 v56, v63;
	v8 =	vmul.f32 v8, v61;
	_ =	sdelay $0x1  }
0x383: {  	v60 =	vsub.f32 $1.000000000e+00, v62;
	v8 =	vadd.f32 v8, v56;
	_ =	sdelay $0x1  }
0x384: {  	v56 =	vmul.f32 $6.999999880e-01, v60;
	v8 =	vmul.f32 v8, v62;
	_ =	sdelay $0x1  }
0x385: {  	v8 =	vadd.f32 v8, v56;
	_ =	sdelay $0x1  }
0x386: {  	v8 =	vmul.f32 $2.550000000e+02, v8;
	_ =	sdelay $0x1  }
0x387: {  	v8 =	vmax.f32 v8, $0.0e+00  }
0x388: {  	v8 =	vmin.f32 v8, $2.550000000e+02  }
0x389: {  	[tilespmem:$0x15718] =	vst v8  }
0x38a: {  	v8 =	vld.idx.msk [tilespmem:v40+s29+$0x0], $0xffff  }
0x38b: {  	v57 =	vld.idx.msk [tilespmem:v41+s29+$0x0], $0xffff;
	_ =	sdelay $0x2  }
0x38c: {  	v60 =	vld.idx.msk [tilespmem:v40+s30+$0x0], $0xffff  }
0x38d: {  	v63 =	vld.idx.msk [tilespmem:v41+s30+$0x0], $0xffff  }
0x38e: {  	v57 =	vsel vm13, v8, v57  }
0x38f: {  	v8 =	vmul.f32 v8, v55;
	v57 =	vmul.f32 v57, v58;
	_ =	sdelay $0x1  }
0x390: {  	v8 =	vadd.f32 v57, v8;
	v57 =	vmul.f32 v60, v59  }
0x391: {  	v60 =	vsel vm13, v60, v63  }
0x392: {  	v63 =	vmul.f32 v60, v61;
	v8 =	vadd.f32 v8, v57;
	_ =	sdelay $0x1  }
0x393: {  	v8 =	vadd.f32 v63, v8;
	_ =	sdelay $0x1  }
0x394: {  	v8 =	vmul.f32 v8, v62;
	_ =	sdelay $0x1  }
0x395: {  	v8 =	vadd.f32 v8, v56;
	_ =	sdelay $0x1  }
0x396: {  	v8 =	vmul.f32 $2.550000000e+02, v8;
	_ =	sdelay $0x1  }
0x397: {  	v8 =	vmax.f32 v8, $0.0e+00  }
0x398: {  	v8 =	vmin.f32 v8, $2.550000000e+02  }
0x399: {  	[tilespmem:$0x15798] =	vst v8  }
0x39a: {  	v8 =	vld.idx.msk [tilespmem:v42+s29+$0x0], $0xffff  }
0x39b: {  	v57 =	vld.idx.msk [tilespmem:v43+s29+$0x0], $0xffff;
	_ =	sdelay $0x2  }
0x39c: {  	v60 =	vld.idx.msk [tilespmem:v42+s30+$0x0], $0xffff  }
0x39d: {  	v63 =	vld.idx.msk [tilespmem:v43+s30+$0x0], $0xffff  }
0x39e: {  	v57 =	vsel vm13, v8, v57  }
0x39f: {  	v8 =	vmul.f32 v8, v55;
	v58 =	vmul.f32 v57, v58;
	_ =	sdelay $0x1  }
0x3a0: {  	v55 =	vmul.f32 v60, v59;
	v8 =	vadd.f32 v58, v8  }
0x3a1: {  	v60 =	vsel vm13, v60, v63  }
0x3a2: {  	v61 =	vmul.f32 v60, v61;
	v8 =	vadd.f32 v8, v55;
	_ =	sdelay $0x1  }
0x3a3: {  	v8 =	vadd.f32 v61, v8;
	_ =	sdelay $0x1  }
0x3a4: {  	v8 =	vmul.f32 v8, v62;
	_ =	sdelay $0x1  }
0x3a5: {  	v8 =	vadd.f32 v8, v56;
	_ =	sdelay $0x1  }
0x3a6: {  	v8 =	vmul.f32 $2.550000000e+02, v8;
	_ =	sdelay $0x1  }
0x3a7: {  	v8 =	vmax.f32 v8, $0.0e+00  }
0x3a8: {  	v58 =	vld [tilespmem:$0x14D28];
	v8 =	vmin.f32 v8, $2.550000000e+02  }
0x3a9: {  	[tilespmem:$0x15818] =	vst v8;
	v8 =	vld [tilespmem:$0x14EA8]  }
0x3aa: {  	v56 =	vld.idx.msk [tilespmem:v44+s29+$0x0], $0xffff  }
0x3ab: {  	v57 =	vld.idx.msk [tilespmem:v45+s29+$0x0], $0xffff  }
0x3ac: {  	v55 =	vld [tilespmem:$0x14CA8]  }
0x3ad: {  	v59 =	vld [tilespmem:$0x14DA8]  }
0x3ae: {  	v60 =	vld.idx.msk [tilespmem:v44+s30+$0x0], $0xffff  }
0x3af: {  	vm14 =	vgt.f32 v8, $5.000000000e-01;
	v8 =	vld.idx.msk [tilespmem:v45+s30+$0x0], $0xffff  }
0x3b0: {  	v61 =	vld [tilespmem:$0x14E28];
	v57 =	vsel vm14, v56, v57  }
0x3b1: {  	v56 =	vmul.f32 v56, v55;
	v57 =	vmul.f32 v57, v58  }
0x3b2: {  	v62 =	vld [tilespmem:s21+$0x20]  }
0x3b3: {  	v63 =	vmul.f32 v60, v59;
	v56 =	vadd.f32 v57, v56  }
0x3b4: {  	v8 =	vsel vm14, v60, v8  }
0x3b5: {  	v56 =	vadd.f32 v56, v63;
	v8 =	vmul.f32 v8, v61;
	_ =	sdelay $0x1  }
0x3b6: {  	v60 =	vsub.f32 $1.000000000e+00, v62;
	v8 =	vadd.f32 v8, v56;
	_ =	sdelay $0x1  }
0x3b7: {  	v56 =	vmul.f32 $6.999999880e-01, v60;
	v8 =	vmul.f32 v8, v62;
	_ =	sdelay $0x1  }
0x3b8: {  	v8 =	vadd.f32 v8, v56;
	_ =	sdelay $0x1  }
0x3b9: {  	v8 =	vmul.f32 $2.550000000e+02, v8;
	_ =	sdelay $0x1  }
0x3ba: {  	v8 =	vmax.f32 v8, $0.0e+00  }
0x3bb: {  	v8 =	vmin.f32 v8, $2.550000000e+02  }
0x3bc: {  	[tilespmem:$0x15728] =	vst v8  }
0x3bd: {  	v8 =	vld.idx.msk [tilespmem:v46+s29+$0x0], $0xffff  }
0x3be: {  	v57 =	vld.idx.msk [tilespmem:v47+s29+$0x0], $0xffff;
	_ =	sdelay $0x2  }
0x3bf: {  	v60 =	vld.idx.msk [tilespmem:v46+s30+$0x0], $0xffff  }
0x3c0: {  	v63 =	vld.idx.msk [tilespmem:v47+s30+$0x0], $0xffff  }
0x3c1: {  	v57 =	vsel vm14, v8, v57  }
0x3c2: {  	v8 =	vmul.f32 v8, v55;
	v57 =	vmul.f32 v57, v58;
	_ =	sdelay $0x1  }
0x3c3: {  	v8 =	vadd.f32 v57, v8;
	v57 =	vmul.f32 v60, v59  }
0x3c4: {  	v60 =	vsel vm14, v60, v63  }
0x3c5: {  	v63 =	vmul.f32 v60, v61;
	v8 =	vadd.f32 v8, v57;
	_ =	sdelay $0x1  }
0x3c6: {  	v8 =	vadd.f32 v63, v8;
	_ =	sdelay $0x1  }
0x3c7: {  	v8 =	vmul.f32 v8, v62;
	_ =	sdelay $0x1  }
0x3c8: {  	v8 =	vadd.f32 v8, v56;
	_ =	sdelay $0x1  }
0x3c9: {  	v8 =	vmul.f32 $2.550000000e+02, v8;
	_ =	sdelay $0x1  }
0x3ca: {  	v8 =	vmax.f32 v8, $0.0e+00  }
0x3cb: {  	v8 =	vmin.f32 v8, $2.550000000e+02  }
0x3cc: {  	[tilespmem:$0x157A8] =	vst v8  }
0x3cd: {  	v8 =	vld.idx.msk [tilespmem:v48+s29+$0x0], $0xffff  }
0x3ce: {  	v57 =	vld.idx.msk [tilespmem:v49+s29+$0x0], $0xffff;
	_ =	sdelay $0x2  }
0x3cf: {  	v60 =	vld.idx.msk [tilespmem:v48+s30+$0x0], $0xffff  }
0x3d0: {  	v63 =	vld.idx.msk [tilespmem:v49+s30+$0x0], $0xffff  }
0x3d1: {  	v57 =	vsel vm14, v8, v57  }
0x3d2: {  	v8 =	vmul.f32 v8, v55;
	v58 =	vmul.f32 v57, v58;
	_ =	sdelay $0x1  }
0x3d3: {  	v55 =	vmul.f32 v60, v59;
	v8 =	vadd.f32 v58, v8  }
0x3d4: {  	v60 =	vsel vm14, v60, v63  }
0x3d5: {  	v61 =	vmul.f32 v60, v61;
	v8 =	vadd.f32 v8, v55;
	_ =	sdelay $0x1  }
0x3d6: {  	v8 =	vadd.f32 v61, v8;
	_ =	sdelay $0x1  }
0x3d7: {  	v8 =	vmul.f32 v8, v62;
	_ =	sdelay $0x1  }
0x3d8: {  	v8 =	vadd.f32 v8, v56;
	_ =	sdelay $0x1  }
0x3d9: {  	v8 =	vmul.f32 $2.550000000e+02, v8;
	_ =	sdelay $0x1  }
0x3da: {  	v8 =	vmax.f32 v8, $0.0e+00  }
0x3db: {  	v58 =	vld [tilespmem:$0x14D38];
	v8 =	vmin.f32 v8, $2.550000000e+02  }
0x3dc: {  	[tilespmem:$0x15828] =	vst v8;
	v8 =	vld [tilespmem:$0x14EB8]  }
0x3dd: {  	v56 =	vld.idx.msk [tilespmem:v50+s29+$0x0], $0xffff  }
0x3de: {  	v57 =	vld.idx.msk [tilespmem:v51+s29+$0x0], $0xffff  }
0x3df: {  	v55 =	vld [tilespmem:$0x14CB8]  }
0x3e0: {  	v59 =	vld [tilespmem:$0x14DB8]  }
0x3e1: {  	v60 =	vld.idx.msk [tilespmem:v50+s30+$0x0], $0xffff  }
0x3e2: {  	vm15 =	vgt.f32 v8, $5.000000000e-01;
	v8 =	vld.idx.msk [tilespmem:v51+s30+$0x0], $0xffff  }
0x3e3: {  	v61 =	vld [tilespmem:$0x14E38];
	v57 =	vsel vm15, v56, v57  }
0x3e4: {  	v56 =	vmul.f32 v56, v55;
	v57 =	vmul.f32 v57, v58  }
0x3e5: {  	v62 =	vld [tilespmem:s21+$0x30]  }
0x3e6: {  	v63 =	vmul.f32 v60, v59;
	v56 =	vadd.f32 v57, v56  }
0x3e7: {  	v8 =	vsel vm15, v60, v8  }
0x3e8: {  	v56 =	vadd.f32 v56, v63;
	v8 =	vmul.f32 v8, v61;
	_ =	sdelay $0x1  }
0x3e9: {  	v60 =	vsub.f32 $1.000000000e+00, v62;
	v8 =	vadd.f32 v8, v56;
	_ =	sdelay $0x1  }
0x3ea: {  	v56 =	vmul.f32 $6.999999880e-01, v60;
	v8 =	vmul.f32 v8, v62;
	_ =	sdelay $0x1  }
0x3eb: {  	v8 =	vadd.f32 v8, v56;
	_ =	sdelay $0x1  }
0x3ec: {  	v8 =	vmul.f32 $2.550000000e+02, v8;
	_ =	sdelay $0x1  }
0x3ed: {  	v8 =	vmax.f32 v8, $0.0e+00  }
0x3ee: {  	v8 =	vmin.f32 v8, $2.550000000e+02  }
0x3ef: {  	[tilespmem:$0x15738] =	vst v8  }
0x3f0: {  	v8 =	vld.idx.msk [tilespmem:v52+s29+$0x0], $0xffff  }
0x3f1: {  	v57 =	vld.idx.msk [tilespmem:v53+s29+$0x0], $0xffff;
	_ =	sdelay $0x2  }
0x3f2: {  	v60 =	vld.idx.msk [tilespmem:v52+s30+$0x0], $0xffff  }
0x3f3: {  	v63 =	vld.idx.msk [tilespmem:v53+s30+$0x0], $0xffff  }
0x3f4: {  	v57 =	vsel vm15, v8, v57  }
0x3f5: {  	v8 =	vmul.f32 v8, v55;
	v57 =	vmul.f32 v57, v58;
	_ =	sdelay $0x1  }
0x3f6: {  	v8 =	vadd.f32 v57, v8;
	v57 =	vmul.f32 v60, v59  }
0x3f7: {  	v60 =	vsel vm15, v60, v63  }
0x3f8: {  	v63 =	vmul.f32 v60, v61;
	v8 =	vadd.f32 v8, v57;
	_ =	sdelay $0x1  }
0x3f9: {  	v8 =	vadd.f32 v63, v8;
	_ =	sdelay $0x1  }
0x3fa: {  	v8 =	vmul.f32 v8, v62;
	_ =	sdelay $0x1  }
0x3fb: {  	v63 =	vld [tilespmem:$0x1FFF0];
	v8 =	vadd.f32 v8, v56;
	_ =	sdelay $0x1  }
0x3fc: {  	v8 =	vmul.f32 $2.550000000e+02, v8;
	_ =	sdelay $0x1  }
0x3fd: {  	v8 =	vmax.f32 v8, $0.0e+00  }
0x3fe: {  	v8 =	vmin.f32 v8, $2.550000000e+02  }
0x3ff: {  	[tilespmem:$0x157B8] =	vst v8  }
0x400: {  	v8 =	vld.idx.msk [tilespmem:v54+s29+$0x0], $0xffff  }
0x401: {  	v57 =	vld.idx.msk [tilespmem:v63+s29+$0x0], $0xffff;
	_ =	sdelay $0x2  }
0x402: {  	v60 =	vld.idx.msk [tilespmem:v54+s30+$0x0], $0xffff  }
0x403: {  	v63 =	vld.idx.msk [tilespmem:v63+s30+$0x0], $0xffff  }
0x404: {  	v57 =	vsel vm15, v8, v57  }
0x405: {  	v8 =	vmul.f32 v8, v55;
	v58 =	vmul.f32 v57, v58;
	_ =	sdelay $0x1  }
0x406: {  	v55 =	vmul.f32 v60, v59;
	v8 =	vadd.f32 v58, v8  }
0x407: {  	v60 =	vsel vm15, v60, v63  }
0x408: {  	v63 =	vmul.f32 v60, v61;
	v8 =	vadd.f32 v8, v55;
	_ =	sdelay $0x1  }
0x409: {  	v8 =	vadd.f32 v63, v8;
	_ =	sdelay $0x1  }
0x40a: {  	v8 =	vmul.f32 v8, v62;
	_ =	sdelay $0x1  }
0x40b: {  	v8 =	vadd.f32 v8, v56;
	_ =	sdelay $0x1  }
0x40c: {  	v8 =	vmul.f32 $2.550000000e+02, v8;
	_ =	sdelay $0x1  }
0x40d: {  	v8 =	vmax.f32 v8, $0.0e+00  }
0x40e: {  	p0 =	sne.s32 s0, $0x1680;
	v8 =	vmin.f32 v8, $2.550000000e+02  }
.Ltmp2:
0x40f: {  	s25 =	rddreg [dreg:$0x7];
	[tilespmem:$0x15838] =	vst v8;
	(pc) =	sbr.rel @p0 .LBB2_6-.Ltmp2, $4  }
0x410: {  	[hbm4b:s16+s4] =	stream.linear.scatter [tilespmem:s25], [sflag:$0x2], $0x180, $0x38;
	[tilespmem:$0x1BA48] =	vst v63  }
0x411: {  	_ =	swait.ge [sflag:s17], $0x180  }
0x412: {  	s0 =	sadd.s32 $0x180, s0;
	s2 =	sadd.s32 $0x80, s2;
	[sflag:s17] =	ssyncset.done $0x0  }
0x413: {  	s21 =	sadd.s32 $0x80, s21;
	s16 =	sadd.s32 $0x30, s16;
	[sflag:s17] =	ssyncadd.s32 $0xFFFFFE80  }
0x414: {  	s1 =	sadd.s32 $0x1, s1  }
0x415: {  	p0 =	sne.s32 s1, s15  }
.Ltmp3:
0x416: {  	_ = 	snop;
	(pc) =	sbr.rel @p0 .LBB2_1-.Ltmp3, $1  }
0x417: {  	_ =	sdelay $0x3  }
0x418: {  	_ =	sfence.sel $0x180000  }
0x419: {  	[bflag:$0x0] =	sbarrier.arrive $0xFFFF  }
0x41a: {  	_ =	strace $0x90000047  }
0x41b: {  	s0 =	stileid.u32;
	[bflag:$0x2] =	sbarrier.arrive $0xFFFF  }
0x41c: {  	p0 =	sne.s32 s0, $0x0;
	s0 =	rddreg [dreg:$0x4]  }
0x41d: {  	s0 =	sadd.s32 @!p0 $0x100000, s0  }
0x41e: {  	[sflag:s0] =	ssyncadd.tile.s32 @!p0 $0x1;
	_ =	shalt  }
.Lfunc_end2:
_tile_overlayer_lowered:
.L_overlay_start_2:
0x41f: {  	(tag) =	ssettag $0x2  }
0x420: {  	s0 =	rddreg [dreg:$0x0];
	s2 =	stileid.u32  }
0x421: {  	s1 =	rddreg [dreg:$0x1];
	p0 =	sne.s32 s2, $0x0  }
0x422: {  	s3 =	rddreg [dreg:$0x2];
	[bflag:$0x3] =	sbarrier.arrive $0xFFFF;
	s2 =	simm.s32 @!p0 $0x1C02  }
0x423: {  	[timem:s3], [sflag:s2] =	dma.local @!p0 [hbm:s0], s1  }
0x424: {  	s0 =	simm.s32 @!p0 $0x2  }
0x425: {  	_ =	swait.ge @!p0 [sflag:s0], s1  }
0x426: {  	s1 =	ssub.s32 @!p0 $0x0, s1;
	[sflag:s0] =	ssyncset.done @!p0 $0x0  }
0x427: {  	[sflag:s0] =	ssyncadd.s32 @!p0 s1  }
0x428: {  	[bflag:$0x3] =	sbarrier.arrive $0xFFFF  }
0x429: {  	_ =	shalt  }

</sc_bundles>
